<compile_context>
chip_gen: v7x
topology: tpu7x:2x2x1
jax: 0.10.2.dev20260603
libtpu: 0.0.44.dev20260713+nightly
codegen_flags: <defaults>
</compile_context>

<pallas_src>
import functools

import jax
import jax.numpy as jnp
from jax import lax
from jax.experimental import pallas as pl
from jax.experimental.pallas import tpu as pltpu
from jax.experimental.pallas import tpu_sc as plsc

K_TOP = 100
METRIC_NS = (1, 5, 10, 50, 100)

N_Q = 1024
D = 128
N_CAND = 100000
GS = 128
CHUNK = 2048
N_PAD = 100352
NG = N_PAD // GS
NG_REAL = (N_CAND + GS - 1) // GS
CAP = 192
NEG = -3.0e38

NW = 32
ROWS_PER_W = N_Q // NW
BISECT_ITERS = 40


def _scores_body(q_ref, c_ref, s_ref, g_ref):
    s = lax.dot_general(
        q_ref[...], c_ref[...],
        dimension_numbers=(((1,), (1,)), ((), ())),
        preferred_element_type=jnp.float32,
    )
    i = pl.program_id(0)
    col = i * CHUNK + lax.broadcasted_iota(jnp.int32, s.shape, 1)
    s = jnp.where(col < N_CAND, s, NEG)
    s_ref[...] = s
    g_ref[...] = jnp.max(s.reshape(N_Q, CHUNK // GS, GS), axis=2).T


def _compute_scores(q, cands):
    return pl.pallas_call(
        _scores_body,
        grid=(N_PAD // CHUNK,),
        in_specs=[
            pl.BlockSpec((N_Q, D), lambda i: (0, 0)),
            pl.BlockSpec((CHUNK, D), lambda i: (i, 0)),
        ],
        out_specs=[
            pl.BlockSpec((N_Q, CHUNK), lambda i: (0, i)),
            pl.BlockSpec((CHUNK // GS, N_Q), lambda i: (i, 0)),
        ],
        out_shape=[
            jax.ShapeDtypeStruct((N_Q, N_PAD), jnp.float32),
            jax.ShapeDtypeStruct((NG, N_Q), jnp.float32),
        ],
    )(q, cands)


def _thresh_body(g_ref, t_ref):
    g = g_ref[...][:NG_REAL, :]
    hi = jnp.max(g, axis=0, keepdims=True)
    lo = jnp.min(g, axis=0, keepdims=True)

    def it(_, carry):
        lo, hi = carry
        mid = 0.5 * lo + 0.5 * hi
        cnt = jnp.sum((g >= mid).astype(jnp.int32), axis=0, keepdims=True)
        take = cnt >= K_TOP
        return jnp.where(take, mid, lo), jnp.where(take, hi, mid)

    lo, hi = lax.fori_loop(0, BISECT_ITERS, it, (lo, hi))
    t_ref[...] = lo


def _compute_thresholds(gmax):
    return pl.pallas_call(
        _thresh_body,
        out_shape=jax.ShapeDtypeStruct((1, N_Q), jnp.float32),
    )(gmax)


NCHK = 7
CHKF = N_PAD // NCHK
CHKG = NG // NCHK


def _sc_filter_body(scores_hbm, g128_hbm, t_hbm, out_hbm,
                    bufa, bufb, gbuf, trow, outbuf, cnt_smem, sema, semb):
    cid = lax.axis_index("c")
    sid = lax.axis_index("s")
    wid = sid * 2 + cid
    row0 = wid * ROWS_PER_W
    pltpu.sync_copy(t_hbm.at[pl.ds(row0, ROWS_PER_W)], trow)
    lane16 = lax.iota(jnp.int32, 16)
    bufs = (bufa, bufb)
    sems = (sema, semb)

    def _start(row, c, b):
        pltpu.make_async_copy(
            scores_hbm.at[row, pl.ds(c * CHKF, CHKF)], bufs[b], sems[b]
        ).start()

    def _wait(row, c, b):
        pltpu.make_async_copy(
            scores_hbm.at[row, pl.ds(c * CHKF, CHKF)], bufs[b], sems[b]
        ).wait()

    def _reset_cnt():
        cur = plsc.fetch_and_add(cnt_smem.at[0], 0, subcore_id=sid)
        plsc.fetch_and_add(cnt_smem.at[0], -cur, subcore_id=sid)

    def _scan_chunk(rloc, gbase, buf, tvec):
        def scang(j, zz):
            gm = gbuf[rloc, pl.ds(gbase + j * 16, 16)]
            msk = gm >= tvec
            pc = plsc.all_reduce_population_count(msk)

            def rare():
                def cond_fn(m):
                    return plsc.all_reduce_population_count(m)[0] > 0

                def body_fn(m):
                    lane = plsc.all_reduce_ffs(m)[0]
                    goff = (j * 16 + lane) * GS
                    vs = [buf[pl.ds(goff + k * 16, 16)]
                          for k in range(GS // 16)]
                    msks = [v >= tvec for v in vs]
                    pcs = [plsc.all_reduce_population_count(mk)[0]
                           for mk in msks]
                    total = pcs[0]
                    for k in range(1, GS // 16):
                        total = total + pcs[k]
                    base = plsc.fetch_and_add(cnt_smem.at[0], total,
                                              subcore_id=sid)
                    run = base
                    for k in range(GS // 16):
                        mi = msks[k].astype(jnp.int32)
                        pos = jnp.minimum(run + plsc.cumsum(mi) - 1, CAP - 1)
                        plsc.store_scatter(outbuf, [pos], vs[k], mask=msks[k])
                        run = run + pcs[k]
                    return m & (lane16 != lane)

                lax.while_loop(cond_fn, body_fn, msk)

            lax.cond(pc[0] > 0, rare, lambda: None)
            return zz

        lax.fori_loop(0, CHKG // 16, scang, 0)

    def initout(i, zz):
        outbuf[pl.ds(i * 16, 16)] = jnp.full((16,), NEG, dtype=jnp.float32)
        return zz

    _start(row0, 0, 0)

    def do_pair(p, z):
        rowa = row0 + 2 * p
        pltpu.sync_copy(g128_hbm.at[pl.ds(rowa, 2)], gbuf)
        for rloc in range(2):
            row = rowa + rloc
            tvec = trow[2 * p + rloc]
            _reset_cnt()
            lax.fori_loop(0, CAP // 16, initout, 0)
            for c in range(NCHK):
                gc = rloc * NCHK + c
                _wait(row, c, gc % 2)
                if gc < 2 * NCHK - 1:
                    nc = gc + 1
                    _start(rowa + (1 if nc >= NCHK else 0), nc % NCHK,
                           nc % 2)
                else:
                    nrowa = jnp.minimum(rowa + 2, row0 + ROWS_PER_W - 2)
                    _start(nrowa, 0, 0)
                _scan_chunk(rloc, c * CHKG, bufs[gc % 2], tvec)
            pltpu.sync_copy(outbuf, out_hbm.at[row])
        return z

    lax.fori_loop(0, ROWS_PER_W // 2, do_pair, 0)
    _wait(row0, 0, 0)


def _sc_filter(scores, g128, thresholds):
    mesh = plsc.VectorSubcoreMesh(core_axis_name="c", subcore_axis_name="s")
    k = pl.kernel(
        _sc_filter_body,
        out_type=jax.ShapeDtypeStruct((N_Q, CAP), jnp.float32),
        mesh=mesh,
        scratch_types=[
            pltpu.VMEM((CHKF,), jnp.float32),
            pltpu.VMEM((CHKF,), jnp.float32),
            pltpu.VMEM((2, NG), jnp.float32),
            pltpu.VMEM((ROWS_PER_W, 16), jnp.float32),
            pltpu.VMEM((CAP,), jnp.float32),
            pltpu.SMEM((1,), jnp.int32),
            pltpu.SemaphoreType.DMA,
            pltpu.SemaphoreType.DMA,
        ],
        compiler_params=pltpu.CompilerParams(needs_layout_passes=False),
    )
    return k(scores, g128, thresholds)


def _final_body(comp_ref, q_ref, tc_ref, y_ref, m_ref):
    x = comp_ref[...]
    lane_cap = lax.broadcasted_iota(jnp.int32, (N_Q, CAP), 1)
    lane_out = lax.broadcasted_iota(jnp.int32, (N_Q, K_TOP), 1)
    res = jnp.full((N_Q, K_TOP), NEG, dtype=jnp.float32)

    def step(k, carry):
        x, res = carry
        m = jnp.max(x, axis=1, keepdims=True)
        first = jnp.min(
            jnp.where(x == m, lane_cap, jnp.int32(1 << 30)),
            axis=1, keepdims=True)
        x = jnp.where(lane_cap == first, NEG, x)
        res = jnp.where(lane_out == k, m, res)
        return x, res

    _, res = lax.fori_loop(0, K_TOP, step, (x, res))

    p = jnp.sum(q_ref[...] * tc_ref[...], axis=1, keepdims=True)
    y_ref[...] = jnp.concatenate([p, res], axis=1)

    c = jnp.sum((res > p).astype(jnp.float32), axis=1)
    acc = jnp.zeros((8, 128), dtype=jnp.float32)
    lane_m = lax.broadcasted_iota(jnp.int32, (8, 128), 1)
    row_m = lax.broadcasted_iota(jnp.int32, (8, 128), 0)
    for j, n in enumerate(METRIC_NS):
        hit = jnp.mean((c < n).astype(jnp.float32))
        acc = jnp.where((lane_m == j) & (row_m == 0), hit, acc)
    m_ref[...] = acc


def _final(comp, q, t_true):
    return pl.pallas_call(
        _final_body,
        out_shape=[
            jax.ShapeDtypeStruct((N_Q, K_TOP + 1), jnp.float32),
            jax.ShapeDtypeStruct((8, 128), jnp.float32),
        ],
    )(comp, q, t_true)


def kernel(query_embeddings, true_candidate_embeddings, candidates):
    scores, gmax = _compute_scores(query_embeddings, candidates)
    thr = _compute_thresholds(gmax)
    thr16 = jnp.broadcast_to(thr.reshape(N_Q, 1), (N_Q, 16))
    g128 = gmax.T
    comp = _sc_filter(scores, g128, thr16)
    y_pred, mpad = _final(comp, query_embeddings, true_candidate_embeddings)
    return y_pred, mpad[0, :5]

# --- scband reference (transcript-rebuilt; emitter-appended) ---
"""Pipeline reference for scband-factorized-top-k-57260503990506 (READ-ONLY COPY).

The authoritative reference and input builder live on the scoring server;
editing this copy changes nothing except your own understanding.
"""

import jax, jax.numpy as jnp
import numpy as np

K_TOP = 100
METRIC_NS = [1, 5, 10, 50, 100]


def setup_inputs(seed: int = 0) -> dict:
    key = jax.random.key(seed)
    k1, k2, k3 = jax.random.split(key, 3)
    query_embeddings = jax.random.normal(k1, (1024, 128), dtype=jnp.float32)
    true_candidate_embeddings = jax.random.normal(k2, (1024, 128), dtype=jnp.float32)
    candidates = jax.random.normal(k3, (100000, 128), dtype=jnp.float32)
    return {
        "query_embeddings": query_embeddings,
        "true_candidate_embeddings": true_candidate_embeddings,
        "candidates": candidates,
    }


def reference(query_embeddings, true_candidate_embeddings, candidates):
    # positive score: dot(query, true candidate) per row, keepdims
    positive_scores = jnp.sum(
        query_embeddings * true_candidate_embeddings, axis=1, keepdims=True
    )
    # brute-force retrieval over the full candidate corpus (TopK index equivalent)
    scores = jnp.dot(query_embeddings, candidates.T)
    top_k_predictions, _ = jax.lax.top_k(scores, K_TOP)
    # y_true = [1, 0, 0, ..., 0]; y_pred = [positive, top-k retrieved]
    y_pred = jnp.concatenate([positive_scores, top_k_predictions], axis=1)
    # TopKCategoricalAccuracy for n in {1,5,10,50,100}: true label is column 0
    metric_results = []
    for n in METRIC_NS:
        kth_largest = jax.lax.top_k(y_pred, n)[0][:, -1]
        hits = (y_pred[:, 0] >= kth_largest).astype(jnp.float32)
        metric_results.append(jnp.mean(hits))
    return y_pred, jnp.stack(metric_results)

if __name__ == "__main__":
    import jax
    _d = setup_inputs()
    print(jax.jit(kernel)(*tuple(_d.values())))

</pallas_src>

<mosaic_0001>
#map = affine_map<(d0, d1) -> (0, 0)>
module attributes {stable_mosaic.version = 14 : i64} {
  func.func @_sc_filter_body(%arg0: i32, %arg1: i32, %arg2: memref<1024x100352xf32, #tpu.memory_space<hbm>>, %arg3: memref<1024x784xf32, #tpu.memory_space<hbm>>, %arg4: memref<1024x16xf32, #tpu.memory_space<hbm>>, %arg5: memref<1024x192xf32, #tpu.memory_space<hbm>>, %arg6: memref<14336xf32, #tpu.memory_space<vmem>>, %arg7: memref<14336xf32, #tpu.memory_space<vmem>>, %arg8: memref<2x784xf32, #tpu.memory_space<vmem>>, %arg9: memref<32x16xf32, #tpu.memory_space<vmem>>, %arg10: memref<192xf32, #tpu.memory_space<vmem>>, %arg11: memref<1xi32, #tpu.memory_space<smem>>, %arg12: memref<!tpu.dma_semaphore, #tpu.memory_space<semaphore_mem>>, %arg13: memref<!tpu.dma_semaphore, #tpu.memory_space<semaphore_mem>>) attributes {dimension_semantics = [#tpu.dimension_semantics<core_parallel>, #tpu.dimension_semantics<subcore_parallel>], iteration_bounds = array<i64: 2, 16>, scalar_prefetch = 0 : i64, scratch_operands = 8 : i64, tpu.core_type = #tpu.core_type<sc_vector_subcore>, window_params = [{transform_indices = #map}, {transform_indices = #map}, {transform_indices = #map}, {transform_indices = #map}]} {
    %mul3A = arith.constant 2 : i32
    %mul3A_0 = arith.muli %arg1, %mul3A : i32
    %add3A = arith.addi %mul3A_0, %arg0 : i32
    %mul3A_1 = arith.constant 32 : i32
    %mul3A_2 = arith.muli %add3A, %mul3A_1 : i32
    "tpu.region"() ({
      %run_scoped3A = tpu.sem_alloc : memref<!tpu.dma_semaphore, #tpu.memory_space<semaphore_mem>>
      %dma_start3A_18 = arith.constant 0 : i32
      %dma_start3A_19 = tpu.memref_slice %arg4[%mul3A_2, %dma_start3A_18] : memref<1024x16xf32, #tpu.memory_space<hbm>> -> memref<32x16xf32, #tpu.memory_space<hbm>>
      %dma_start3A_20 = arith.constant 0 : i32
      %dma_start3A_21 = tpu.memref_slice %arg4[%mul3A_2, %dma_start3A_20] : memref<1024x16xf32, #tpu.memory_space<hbm>> -> memref<32x16xf32, #tpu.memory_space<hbm>>
      tpu.enqueue_dma source(%dma_start3A_21 : memref<32x16xf32, #tpu.memory_space<hbm>>) target(%arg9 : memref<32x16xf32, #tpu.memory_space<vmem>>) target_semaphore(%run_scoped3A : memref<!tpu.dma_semaphore, #tpu.memory_space<semaphore_mem>>)
      %dma_wait3A_22 = arith.constant 0 : i32
      %dma_wait3A_23 = tpu.memref_slice %arg4[%mul3A_2, %dma_wait3A_22] : memref<1024x16xf32, #tpu.memory_space<hbm>> -> memref<32x16xf32, #tpu.memory_space<hbm>>
      %dma_wait3A_24 = arith.constant 0 : i32
      %dma_wait3A_25 = tpu.memref_slice %arg4[%mul3A_2, %dma_wait3A_24] : memref<1024x16xf32, #tpu.memory_space<hbm>> -> memref<32x16xf32, #tpu.memory_space<hbm>>
      tpu.wait_dma2 semaphore(%run_scoped3A : memref<!tpu.dma_semaphore, #tpu.memory_space<semaphore_mem>>) src(%dma_wait3A_25 : memref<32x16xf32, #tpu.memory_space<hbm>>) dst(%arg9 : memref<32x16xf32, #tpu.memory_space<vmem>>)
      tpu.yield
    }) : () -> ()
    %iota3A = tpu.iota {dimensions = array<i32: 0>} : vector<16xi32>
    %dma_start3A = arith.constant 0 : i32
    %dma_start3A_3 = tpu.memref_slice %arg2[%mul3A_2, %dma_start3A] : memref<1024x100352xf32, #tpu.memory_space<hbm>> -> memref<1x14336xf32, #tpu.memory_space<hbm>>
    %dma_start3A_4 = tpu.memref_squeeze %dma_start3A_3 : memref<1x14336xf32, #tpu.memory_space<hbm>> -> memref<14336xf32, #tpu.memory_space<hbm>>
    %dma_start3A_5 = arith.constant 0 : i32
    %dma_start3A_6 = tpu.memref_slice %arg2[%mul3A_2, %dma_start3A_5] : memref<1024x100352xf32, #tpu.memory_space<hbm>> -> memref<1x14336xf32, #tpu.memory_space<hbm>>
    %dma_start3A_7 = tpu.memref_squeeze %dma_start3A_6 : memref<1x14336xf32, #tpu.memory_space<hbm>> -> memref<14336xf32, #tpu.memory_space<hbm>>
    tpu.enqueue_dma source(%dma_start3A_7 : memref<14336xf32, #tpu.memory_space<hbm>>) target(%arg6 : memref<14336xf32, #tpu.memory_space<vmem>>) target_semaphore(%arg12 : memref<!tpu.dma_semaphore, #tpu.memory_space<semaphore_mem>>)
    %scan3A = arith.constant 0 : i32
    %scan3A_8 = arith.constant 0 : i32
    %scan3A_9 = arith.constant 16 : i32
    %scan3A_10 = arith.addi %scan3A_8, %scan3A_9 : i32
    %scan3A_11 = arith.constant 1 : i32
    scf.for %scan3A_18 = %scan3A_8 to %scan3A_10 step %scan3A_11  : i32 {
      %mul3A_19 = arith.constant 2 : i32
      %mul3A_20 = arith.muli %mul3A_19, %scan3A_18 : i32
      %add3A_21 = arith.addi %mul3A_2, %mul3A_20 : i32
      "tpu.region"() ({
        %run_scoped3A = tpu.sem_alloc : memref<!tpu.dma_semaphore, #tpu.memory_space<semaphore_mem>>
        %dma_start3A_346 = arith.constant 0 : i32
        %dma_start3A_347 = tpu.memref_slice %arg3[%add3A_21, %dma_start3A_346] : memref<1024x784xf32, #tpu.memory_space<hbm>> -> memref<2x784xf32, #tpu.memory_space<hbm>>
        %dma_start3A_348 = arith.constant 0 : i32
        %dma_start3A_349 = tpu.memref_slice %arg3[%add3A_21, %dma_start3A_348] : memref<1024x784xf32, #tpu.memory_space<hbm>> -> memref<2x784xf32, #tpu.memory_space<hbm>>
        tpu.enqueue_dma source(%dma_start3A_349 : memref<2x784xf32, #tpu.memory_space<hbm>>) target(%arg8 : memref<2x784xf32, #tpu.memory_space<vmem>>) target_semaphore(%run_scoped3A : memref<!tpu.dma_semaphore, #tpu.memory_space<semaphore_mem>>)
        %dma_wait3A_350 = arith.constant 0 : i32
        %dma_wait3A_351 = tpu.memref_slice %arg3[%add3A_21, %dma_wait3A_350] : memref<1024x784xf32, #tpu.memory_space<hbm>> -> memref<2x784xf32, #tpu.memory_space<hbm>>
        %dma_wait3A_352 = arith.constant 0 : i32
        %dma_wait3A_353 = tpu.memref_slice %arg3[%add3A_21, %dma_wait3A_352] : memref<1024x784xf32, #tpu.memory_space<hbm>> -> memref<2x784xf32, #tpu.memory_space<hbm>>
        tpu.wait_dma2 semaphore(%run_scoped3A : memref<!tpu.dma_semaphore, #tpu.memory_space<semaphore_mem>>) src(%dma_wait3A_353 : memref<2x784xf32, #tpu.memory_space<hbm>>) dst(%arg8 : memref<2x784xf32, #tpu.memory_space<vmem>>)
        tpu.yield
      }) : () -> ()
      %add3A_22 = arith.constant 0 : i32
      %add3A_23 = arith.addi %add3A_21, %add3A_22 : i32
      %mul3A_24 = arith.constant 2 : i32
      %mul3A_25 = arith.muli %mul3A_24, %scan3A_18 : i32
      %add3A_26 = arith.constant 0 : i32
      %add3A_27 = arith.addi %mul3A_25, %add3A_26 : i32
      %get3A = arith.index_cast %add3A_27 : i32 to index
      %get3A_28 = arith.constant 0 : index
      %get3A_29 = tpu.vector_load %arg9[%get3A, %get3A_28] {strides = array<i32>} : memref<32x16xf32, #tpu.memory_space<vmem>>, vector<16xf32>,
      %sc_fetch_and_add3A = arith.constant 0 : i32
      %sc_fetch_and_add3A_30 = arith.constant 0 : i32
      %sc_fetch_and_add3A_31 = tpu.fetch_and_add_sync %arg11[%sc_fetch_and_add3A_30], %sc_fetch_and_add3A, %arg1 : memref<1xi32, #tpu.memory_space<smem>>, i32 -> i32
      %neg3A = arith.constant 0 : i32
      %neg3A_32 = arith.subi %neg3A, %sc_fetch_and_add3A_31 : i32
      %sc_fetch_and_add3A_33 = arith.constant 0 : i32
      %sc_fetch_and_add3A_34 = tpu.fetch_and_add_sync %arg11[%sc_fetch_and_add3A_33], %neg3A_32, %arg1 : memref<1xi32, #tpu.memory_space<smem>>, i32 -> i32
      %scan3A_35 = arith.constant 0 : i32
      %scan3A_36 = arith.constant 0 : i32
      %scan3A_37 = arith.constant 12 : i32
      %scan3A_38 = arith.addi %scan3A_36, %scan3A_37 : i32
      %scan3A_39 = arith.constant 1 : i32
      scf.for %scan3A_346 = %scan3A_36 to %scan3A_38 step %scan3A_39  : i32 {
        %broadcast_in_dim3A = arith.constant -3.000000e+38 : f32
        %broadcast_in_dim3A_347 = vector.broadcast %broadcast_in_dim3A : f32 to vector<16xf32>
        %mul3A_348 = arith.constant 16 : i32
        %mul3A_349 = arith.muli %scan3A_346, %mul3A_348 : i32
        %swap3A = arith.index_cast %mul3A_349 : i32 to index
        %swap3A_350 = tpu.vector_load %arg10[%swap3A] {strides = array<i32>} : memref<192xf32, #tpu.memory_space<vmem>>, vector<16xf32>,
        tpu.vector_store %arg10[%swap3A], %broadcast_in_dim3A_347 {strides = array<i32>} : memref<192xf32, #tpu.memory_space<vmem>>, vector<16xf32>,
      }
      %scan3A_40 = arith.constant 12 : i32
      %dma_wait3A_41 = arith.constant 0 : i32
      %dma_wait3A_42 = tpu.memref_slice %arg2[%add3A_23, %dma_wait3A_41] : memref<1024x100352xf32, #tpu.memory_space<hbm>> -> memref<1x14336xf32, #tpu.memory_space<hbm>>
      %dma_wait3A_43 = tpu.memref_squeeze %dma_wait3A_42 : memref<1x14336xf32, #tpu.memory_space<hbm>> -> memref<14336xf32, #tpu.memory_space<hbm>>
      %dma_wait3A_44 = arith.constant 0 : i32
      %dma_wait3A_45 = tpu.memref_slice %arg2[%add3A_23, %dma_wait3A_44] : memref<1024x100352xf32, #tpu.memory_space<hbm>> -> memref<1x14336xf32, #tpu.memory_space<hbm>>
      %dma_wait3A_46 = tpu.memref_squeeze %dma_wait3A_45 : memref<1x14336xf32, #tpu.memory_space<hbm>> -> memref<14336xf32, #tpu.memory_space<hbm>>
      tpu.wait_dma2 semaphore(%arg12 : memref<!tpu.dma_semaphore, #tpu.memory_space<semaphore_mem>>) src(%dma_wait3A_46 : memref<14336xf32, #tpu.memory_space<hbm>>) dst(%arg6 : memref<14336xf32, #tpu.memory_space<vmem>>)
      %add3A_47 = arith.constant 0 : i32
      %add3A_48 = arith.addi %add3A_21, %add3A_47 : i32
      %dma_start3A_49 = arith.constant 14336 : i32
      %dma_start3A_50 = tpu.memref_slice %arg2[%add3A_48, %dma_start3A_49] : memref<1024x100352xf32, #tpu.memory_space<hbm>> -> memref<1x14336xf32, #tpu.memory_space<hbm>>
      %dma_start3A_51 = tpu.memref_squeeze %dma_start3A_50 : memref<1x14336xf32, #tpu.memory_space<hbm>> -> memref<14336xf32, #tpu.memory_space<hbm>>
      %dma_start3A_52 = arith.constant 14336 : i32
      %dma_start3A_53 = tpu.memref_slice %arg2[%add3A_48, %dma_start3A_52] : memref<1024x100352xf32, #tpu.memory_space<hbm>> -> memref<1x14336xf32, #tpu.memory_space<hbm>>
      %dma_start3A_54 = tpu.memref_squeeze %dma_start3A_53 : memref<1x14336xf32, #tpu.memory_space<hbm>> -> memref<14336xf32, #tpu.memory_space<hbm>>
      tpu.enqueue_dma source(%dma_start3A_54 : memref<14336xf32, #tpu.memory_space<hbm>>) target(%arg7 : memref<14336xf32, #tpu.memory_space<vmem>>) target_semaphore(%arg13 : memref<!tpu.dma_semaphore, #tpu.memory_space<semaphore_mem>>)
      %scan3A_55 = arith.constant 0 : i32
      %scan3A_56 = arith.constant 0 : i32
      %scan3A_57 = arith.constant 7 : i32
      %scan3A_58 = arith.addi %scan3A_56, %scan3A_57 : i32
      %scan3A_59 = arith.constant 1 : i32
      scf.for %scan3A_346 = %scan3A_56 to %scan3A_58 step %scan3A_59  : i32 {
        %mul3A_347 = arith.constant 16 : i32
        %mul3A_348 = arith.muli %scan3A_346, %mul3A_347 : i32
        %add3A_349 = arith.constant 0 : i32
        %add3A_350 = arith.addi %add3A_349, %mul3A_348 : i32
        %get3A_351 = arith.constant 0 : i32
        %get3A_352 = arith.index_cast %get3A_351 : i32 to index
        %get3A_353 = arith.index_cast %add3A_350 : i32 to index
        %get3A_354 = tpu.vector_load %arg8[%get3A_352, %get3A_353] {strides = array<i32>} : memref<2x784xf32, #tpu.memory_space<vmem>>, vector<16xf32>,
        %ge3A = arith.cmpf oge, %get3A_354, %get3A_29 : vector<16xf32>
        %all_reduce_population_count3A = tpu.all_reduce %ge3A {dim = 0 : i64, kind = #tpu.reduction_kind<sum>} : vector<16xi1> -> vector<16xi32>
        %slice3A = vector.extract_strided_slice %all_reduce_population_count3A {offsets = [0], sizes = [1], strides = [1]} : vector<16xi32> to vector<1xi32>
        %squeeze3A = vector.extract %slice3A[0] : i32 from vector<1xi32>
        %gt3A = arith.constant 0 : i32
        %gt3A_355 = arith.cmpi sgt, %squeeze3A, %gt3A : i32
        %convert_element_type3A = arith.extui %gt3A_355 : i1 to i32
        %cond3A = arith.constant 0 : i32
        %cond3A_356 = arith.cmpi ne, %convert_element_type3A, %cond3A : i32
        scf.if %cond3A_356 {
          %while3A = scf.while (%while3A_357 = %ge3A) : (vector<16xi1>) -> vector<16xi1> {
            %all_reduce_population_count3A_358 = tpu.all_reduce %while3A_357 {dim = 0 : i64, kind = #tpu.reduction_kind<sum>} : vector<16xi1> -> vector<16xi32>
            %slice3A_359 = vector.extract_strided_slice %all_reduce_population_count3A_358 {offsets = [0], sizes = [1], strides = [1]} : vector<16xi32> to vector<1xi32>
            %squeeze3A_360 = vector.extract %slice3A_359[0] : i32 from vector<1xi32>
            %gt3A_361 = arith.constant 0 : i32
            %gt3A_362 = arith.cmpi sgt, %squeeze3A_360, %gt3A_361 : i32
            scf.condition(%gt3A_362) %while3A_357 : vector<16xi1>
          } do {
          ^bb0(%while3A_357: vector<16xi1>):
            %all_reduce_ffs3A = tpu.all_reduce %while3A_357 {dim = 0 : i64, kind = #tpu.reduction_kind<find_first_set>} : vector<16xi1> -> vector<16xi32>
            %slice3A_358 = vector.extract_strided_slice %all_reduce_ffs3A {offsets = [0], sizes = [1], strides = [1]} : vector<16xi32> to vector<1xi32>
            %squeeze3A_359 = vector.extract %slice3A_358[0] : i32 from vector<1xi32>
            %mul3A_360 = arith.constant 16 : i32
            %mul3A_361 = arith.muli %scan3A_346, %mul3A_360 : i32
            %add3A_362 = arith.addi %mul3A_361, %squeeze3A_359 : i32
            %mul3A_363 = arith.constant 128 : i32
            %mul3A_364 = arith.muli %add3A_362, %mul3A_363 : i32
            %add3A_365 = arith.constant 0 : i32
            %add3A_366 = arith.addi %mul3A_364, %add3A_365 : i32
            %get3A_367 = arith.index_cast %add3A_366 : i32 to index
            %get3A_368 = tpu.vector_load %arg6[%get3A_367] {strides = array<i32>} : memref<14336xf32, #tpu.memory_space<vmem>>, vector<16xf32>,
            %add3A_369 = arith.constant 16 : i32
            %add3A_370 = arith.addi %mul3A_364, %add3A_369 : i32
            %get3A_371 = arith.index_cast %add3A_370 : i32 to index
            %get3A_372 = tpu.vector_load %arg6[%get3A_371] {strides = array<i32>} : memref<14336xf32, #tpu.memory_space<vmem>>, vector<16xf32>,
            %add3A_373 = arith.constant 32 : i32
            %add3A_374 = arith.addi %mul3A_364, %add3A_373 : i32
            %get3A_375 = arith.index_cast %add3A_374 : i32 to index
            %get3A_376 = tpu.vector_load %arg6[%get3A_375] {strides = array<i32>} : memref<14336xf32, #tpu.memory_space<vmem>>, vector<16xf32>,
            %add3A_377 = arith.constant 48 : i32
            %add3A_378 = arith.addi %mul3A_364, %add3A_377 : i32
            %get3A_379 = arith.index_cast %add3A_378 : i32 to index
            %get3A_380 = tpu.vector_load %arg6[%get3A_379] {strides = array<i32>} : memref<14336xf32, #tpu.memory_space<vmem>>, vector<16xf32>,
            %add3A_381 = arith.constant 64 : i32
            %add3A_382 = arith.addi %mul3A_364, %add3A_381 : i32
            %get3A_383 = arith.index_cast %add3A_382 : i32 to index
            %get3A_384 = tpu.vector_load %arg6[%get3A_383] {strides = array<i32>} : memref<14336xf32, #tpu.memory_space<vmem>>, vector<16xf32>,
            %add3A_385 = arith.constant 80 : i32
            %add3A_386 = arith.addi %mul3A_364, %add3A_385 : i32
            %get3A_387 = arith.index_cast %add3A_386 : i32 to index
            %get3A_388 = tpu.vector_load %arg6[%get3A_387] {strides = array<i32>} : memref<14336xf32, #tpu.memory_space<vmem>>, vector<16xf32>,
            %add3A_389 = arith.constant 96 : i32
            %add3A_390 = arith.addi %mul3A_364, %add3A_389 : i32
            %get3A_391 = arith.index_cast %add3A_390 : i32 to index
            %get3A_392 = tpu.vector_load %arg6[%get3A_391] {strides = array<i32>} : memref<14336xf32, #tpu.memory_space<vmem>>, vector<16xf32>,
            %add3A_393 = arith.constant 112 : i32
            %add3A_394 = arith.addi %mul3A_364, %add3A_393 : i32
            %get3A_395 = arith.index_cast %add3A_394 : i32 to index
            %get3A_396 = tpu.vector_load %arg6[%get3A_395] {strides = array<i32>} : memref<14336xf32, #tpu.memory_space<vmem>>, vector<16xf32>,
            %ge3A_397 = arith.cmpf oge, %get3A_368, %get3A_29 : vector<16xf32>
            %ge3A_398 = arith.cmpf oge, %get3A_372, %get3A_29 : vector<16xf32>
            %ge3A_399 = arith.cmpf oge, %get3A_376, %get3A_29 : vector<16xf32>
            %ge3A_400 = arith.cmpf oge, %get3A_380, %get3A_29 : vector<16xf32>
            %ge3A_401 = arith.cmpf oge, %get3A_384, %get3A_29 : vector<16xf32>
            %ge3A_402 = arith.cmpf oge, %get3A_388, %get3A_29 : vector<16xf32>
            %ge3A_403 = arith.cmpf oge, %get3A_392, %get3A_29 : vector<16xf32>
            %ge3A_404 = arith.cmpf oge, %get3A_396, %get3A_29 : vector<16xf32>
            %all_reduce_population_count3A_405 = tpu.all_reduce %ge3A_397 {dim = 0 : i64, kind = #tpu.reduction_kind<sum>} : vector<16xi1> -> vector<16xi32>
            %slice3A_406 = vector.extract_strided_slice %all_reduce_population_count3A_405 {offsets = [0], sizes = [1], strides = [1]} : vector<16xi32> to vector<1xi32>
            %squeeze3A_407 = vector.extract %slice3A_406[0] : i32 from vector<1xi32>
            %all_reduce_population_count3A_408 = tpu.all_reduce %ge3A_398 {dim = 0 : i64, kind = #tpu.reduction_kind<sum>} : vector<16xi1> -> vector<16xi32>
            %slice3A_409 = vector.extract_strided_slice %all_reduce_population_count3A_408 {offsets = [0], sizes = [1], strides = [1]} : vector<16xi32> to vector<1xi32>
            %squeeze3A_410 = vector.extract %slice3A_409[0] : i32 from vector<1xi32>
            %all_reduce_population_count3A_411 = tpu.all_reduce %ge3A_399 {dim = 0 : i64, kind = #tpu.reduction_kind<sum>} : vector<16xi1> -> vector<16xi32>
            %slice3A_412 = vector.extract_strided_slice %all_reduce_population_count3A_411 {offsets = [0], sizes = [1], strides = [1]} : vector<16xi32> to vector<1xi32>
            %squeeze3A_413 = vector.extract %slice3A_412[0] : i32 from vector<1xi32>
            %all_reduce_population_count3A_414 = tpu.all_reduce %ge3A_400 {dim = 0 : i64, kind = #tpu.reduction_kind<sum>} : vector<16xi1> -> vector<16xi32>
            %slice3A_415 = vector.extract_strided_slice %all_reduce_population_count3A_414 {offsets = [0], sizes = [1], strides = [1]} : vector<16xi32> to vector<1xi32>
            %squeeze3A_416 = vector.extract %slice3A_415[0] : i32 from vector<1xi32>
            %all_reduce_population_count3A_417 = tpu.all_reduce %ge3A_401 {dim = 0 : i64, kind = #tpu.reduction_kind<sum>} : vector<16xi1> -> vector<16xi32>
            %slice3A_418 = vector.extract_strided_slice %all_reduce_population_count3A_417 {offsets = [0], sizes = [1], strides = [1]} : vector<16xi32> to vector<1xi32>
            %squeeze3A_419 = vector.extract %slice3A_418[0] : i32 from vector<1xi32>
            %all_reduce_population_count3A_420 = tpu.all_reduce %ge3A_402 {dim = 0 : i64, kind = #tpu.reduction_kind<sum>} : vector<16xi1> -> vector<16xi32>
            %slice3A_421 = vector.extract_strided_slice %all_reduce_population_count3A_420 {offsets = [0], sizes = [1], strides = [1]} : vector<16xi32> to vector<1xi32>
            %squeeze3A_422 = vector.extract %slice3A_421[0] : i32 from vector<1xi32>
            %all_reduce_population_count3A_423 = tpu.all_reduce %ge3A_403 {dim = 0 : i64, kind = #tpu.reduction_kind<sum>} : vector<16xi1> -> vector<16xi32>
            %slice3A_424 = vector.extract_strided_slice %all_reduce_population_count3A_423 {offsets = [0], sizes = [1], strides = [1]} : vector<16xi32> to vector<1xi32>
            %squeeze3A_425 = vector.extract %slice3A_424[0] : i32 from vector<1xi32>
            %all_reduce_population_count3A_426 = tpu.all_reduce %ge3A_404 {dim = 0 : i64, kind = #tpu.reduction_kind<sum>} : vector<16xi1> -> vector<16xi32>
            %slice3A_427 = vector.extract_strided_slice %all_reduce_population_count3A_426 {offsets = [0], sizes = [1], strides = [1]} : vector<16xi32> to vector<1xi32>
            %squeeze3A_428 = vector.extract %slice3A_427[0] : i32 from vector<1xi32>
            %add3A_429 = arith.addi %squeeze3A_407, %squeeze3A_410 : i32
            %add3A_430 = arith.addi %add3A_429, %squeeze3A_413 : i32
            %add3A_431 = arith.addi %add3A_430, %squeeze3A_416 : i32
            %add3A_432 = arith.addi %add3A_431, %squeeze3A_419 : i32
            %add3A_433 = arith.addi %add3A_432, %squeeze3A_422 : i32
            %add3A_434 = arith.addi %add3A_433, %squeeze3A_425 : i32
            %add3A_435 = arith.addi %add3A_434, %squeeze3A_428 : i32
            %sc_fetch_and_add3A_436 = arith.constant 0 : i32
            %sc_fetch_and_add3A_437 = tpu.fetch_and_add_sync %arg11[%sc_fetch_and_add3A_436], %add3A_435, %arg1 : memref<1xi32, #tpu.memory_space<smem>>, i32 -> i32
            %convert_element_type3A_438 = arith.extui %ge3A_397 : vector<16xi1> to vector<16xi32>
            %broadcast_in_dim3A = arith.constant true
            %broadcast_in_dim3A_439 = vector.broadcast %broadcast_in_dim3A : i1 to vector<16xi1>
            %masked_cumsum3A = tpu.scan <sum>, %convert_element_type3A_438 masked %broadcast_in_dim3A_439 : vector<16xi32>, vector<16xi1> -> vector<16xi32>
            %add3A_440 = vector.broadcast %sc_fetch_and_add3A_437 : i32 to vector<16xi32>
            %add3A_441 = arith.addi %add3A_440, %masked_cumsum3A : vector<16xi32>
            %sub3A_442 = arith.constant 1 : i32
            %sub3A_443 = vector.broadcast %sub3A_442 : i32 to vector<16xi32>
            %sub3A_444 = arith.subi %add3A_441, %sub3A_443 : vector<16xi32>
            %min3A_445 = arith.constant 191 : i32
            %min3A_446 = vector.broadcast %min3A_445 : i32 to vector<16xi32>
            %min3A_447 = arith.minsi %sub3A_444, %min3A_446 : vector<16xi32>
            tpu.vector_store_idx %arg10[%min3A_447], %get3A_368 masked %ge3A_397 : memref<192xf32, #tpu.memory_space<vmem>>[vector<16xi32>], vector<16xf32>, vector<16xi1>
            %add3A_448 = arith.addi %sc_fetch_and_add3A_437, %squeeze3A_407 : i32
            %convert_element_type3A_449 = arith.extui %ge3A_398 : vector<16xi1> to vector<16xi32>
            %broadcast_in_dim3A_450 = arith.constant true
            %broadcast_in_dim3A_451 = vector.broadcast %broadcast_in_dim3A_450 : i1 to vector<16xi1>
            %masked_cumsum3A_452 = tpu.scan <sum>, %convert_element_type3A_449 masked %broadcast_in_dim3A_451 : vector<16xi32>, vector<16xi1> -> vector<16xi32>
            %add3A_453 = vector.broadcast %add3A_448 : i32 to vector<16xi32>
            %add3A_454 = arith.addi %add3A_453, %masked_cumsum3A_452 : vector<16xi32>
            %sub3A_455 = arith.constant 1 : i32
            %sub3A_456 = vector.broadcast %sub3A_455 : i32 to vector<16xi32>
            %sub3A_457 = arith.subi %add3A_454, %sub3A_456 : vector<16xi32>
            %min3A_458 = arith.constant 191 : i32
            %min3A_459 = vector.broadcast %min3A_458 : i32 to vector<16xi32>
            %min3A_460 = arith.minsi %sub3A_457, %min3A_459 : vector<16xi32>
            tpu.vector_store_idx %arg10[%min3A_460], %get3A_372 masked %ge3A_398 : memref<192xf32, #tpu.memory_space<vmem>>[vector<16xi32>], vector<16xf32>, vector<16xi1>
            %add3A_461 = arith.addi %add3A_448, %squeeze3A_410 : i32
            %convert_element_type3A_462 = arith.extui %ge3A_399 : vector<16xi1> to vector<16xi32>
            %broadcast_in_dim3A_463 = arith.constant true
            %broadcast_in_dim3A_464 = vector.broadcast %broadcast_in_dim3A_463 : i1 to vector<16xi1>
            %masked_cumsum3A_465 = tpu.scan <sum>, %convert_element_type3A_462 masked %broadcast_in_dim3A_464 : vector<16xi32>, vector<16xi1> -> vector<16xi32>
            %add3A_466 = vector.broadcast %add3A_461 : i32 to vector<16xi32>
            %add3A_467 = arith.addi %add3A_466, %masked_cumsum3A_465 : vector<16xi32>
            %sub3A_468 = arith.constant 1 : i32
            %sub3A_469 = vector.broadcast %sub3A_468 : i32 to vector<16xi32>
            %sub3A_470 = arith.subi %add3A_467, %sub3A_469 : vector<16xi32>
            %min3A_471 = arith.constant 191 : i32
            %min3A_472 = vector.broadcast %min3A_471 : i32 to vector<16xi32>
            %min3A_473 = arith.minsi %sub3A_470, %min3A_472 : vector<16xi32>
            tpu.vector_store_idx %arg10[%min3A_473], %get3A_376 masked %ge3A_399 : memref<192xf32, #tpu.memory_space<vmem>>[vector<16xi32>], vector<16xf32>, vector<16xi1>
            %add3A_474 = arith.addi %add3A_461, %squeeze3A_413 : i32
            %convert_element_type3A_475 = arith.extui %ge3A_400 : vector<16xi1> to vector<16xi32>
            %broadcast_in_dim3A_476 = arith.constant true
            %broadcast_in_dim3A_477 = vector.broadcast %broadcast_in_dim3A_476 : i1 to vector<16xi1>
            %masked_cumsum3A_478 = tpu.scan <sum>, %convert_element_type3A_475 masked %broadcast_in_dim3A_477 : vector<16xi32>, vector<16xi1> -> vector<16xi32>
            %add3A_479 = vector.broadcast %add3A_474 : i32 to vector<16xi32>
            %add3A_480 = arith.addi %add3A_479, %masked_cumsum3A_478 : vector<16xi32>
            %sub3A_481 = arith.constant 1 : i32
            %sub3A_482 = vector.broadcast %sub3A_481 : i32 to vector<16xi32>
            %sub3A_483 = arith.subi %add3A_480, %sub3A_482 : vector<16xi32>
            %min3A_484 = arith.constant 191 : i32
            %min3A_485 = vector.broadcast %min3A_484 : i32 to vector<16xi32>
            %min3A_486 = arith.minsi %sub3A_483, %min3A_485 : vector<16xi32>
            tpu.vector_store_idx %arg10[%min3A_486], %get3A_380 masked %ge3A_400 : memref<192xf32, #tpu.memory_space<vmem>>[vector<16xi32>], vector<16xf32>, vector<16xi1>
            %add3A_487 = arith.addi %add3A_474, %squeeze3A_416 : i32
            %convert_element_type3A_488 = arith.extui %ge3A_401 : vector<16xi1> to vector<16xi32>
            %broadcast_in_dim3A_489 = arith.constant true
            %broadcast_in_dim3A_490 = vector.broadcast %broadcast_in_dim3A_489 : i1 to vector<16xi1>
            %masked_cumsum3A_491 = tpu.scan <sum>, %convert_element_type3A_488 masked %broadcast_in_dim3A_490 : vector<16xi32>, vector<16xi1> -> vector<16xi32>
            %add3A_492 = vector.broadcast %add3A_487 : i32 to vector<16xi32>
            %add3A_493 = arith.addi %add3A_492, %masked_cumsum3A_491 : vector<16xi32>
            %sub3A_494 = arith.constant 1 : i32
            %sub3A_495 = vector.broadcast %sub3A_494 : i32 to vector<16xi32>
            %sub3A_496 = arith.subi %add3A_493, %sub3A_495 : vector<16xi32>
            %min3A_497 = arith.constant 191 : i32
            %min3A_498 = vector.broadcast %min3A_497 : i32 to vector<16xi32>
            %min3A_499 = arith.minsi %sub3A_496, %min3A_498 : vector<16xi32>
            tpu.vector_store_idx %arg10[%min3A_499], %get3A_384 masked %ge3A_401 : memref<192xf32, #tpu.memory_space<vmem>>[vector<16xi32>], vector<16xf32>, vector<16xi1>
            %add3A_500 = arith.addi %add3A_487, %squeeze3A_419 : i32
            %convert_element_type3A_501 = arith.extui %ge3A_402 : vector<16xi1> to vector<16xi32>
            %broadcast_in_dim3A_502 = arith.constant true
            %broadcast_in_dim3A_503 = vector.broadcast %broadcast_in_dim3A_502 : i1 to vector<16xi1>
            %masked_cumsum3A_504 = tpu.scan <sum>, %convert_element_type3A_501 masked %broadcast_in_dim3A_503 : vector<16xi32>, vector<16xi1> -> vector<16xi32>
            %add3A_505 = vector.broadcast %add3A_500 : i32 to vector<16xi32>
            %add3A_506 = arith.addi %add3A_505, %masked_cumsum3A_504 : vector<16xi32>
            %sub3A_507 = arith.constant 1 : i32
            %sub3A_508 = vector.broadcast %sub3A_507 : i32 to vector<16xi32>
            %sub3A_509 = arith.subi %add3A_506, %sub3A_508 : vector<16xi32>
            %min3A_510 = arith.constant 191 : i32
            %min3A_511 = vector.broadcast %min3A_510 : i32 to vector<16xi32>
            %min3A_512 = arith.minsi %sub3A_509, %min3A_511 : vector<16xi32>
            tpu.vector_store_idx %arg10[%min3A_512], %get3A_388 masked %ge3A_402 : memref<192xf32, #tpu.memory_space<vmem>>[vector<16xi32>], vector<16xf32>, vector<16xi1>
            %add3A_513 = arith.addi %add3A_500, %squeeze3A_422 : i32
            %convert_element_type3A_514 = arith.extui %ge3A_403 : vector<16xi1> to vector<16xi32>
            %broadcast_in_dim3A_515 = arith.constant true
            %broadcast_in_dim3A_516 = vector.broadcast %broadcast_in_dim3A_515 : i1 to vector<16xi1>
            %masked_cumsum3A_517 = tpu.scan <sum>, %convert_element_type3A_514 masked %broadcast_in_dim3A_516 : vector<16xi32>, vector<16xi1> -> vector<16xi32>
            %add3A_518 = vector.broadcast %add3A_513 : i32 to vector<16xi32>
            %add3A_519 = arith.addi %add3A_518, %masked_cumsum3A_517 : vector<16xi32>
            %sub3A_520 = arith.constant 1 : i32
            %sub3A_521 = vector.broadcast %sub3A_520 : i32 to vector<16xi32>
            %sub3A_522 = arith.subi %add3A_519, %sub3A_521 : vector<16xi32>
            %min3A_523 = arith.constant 191 : i32
            %min3A_524 = vector.broadcast %min3A_523 : i32 to vector<16xi32>
            %min3A_525 = arith.minsi %sub3A_522, %min3A_524 : vector<16xi32>
            tpu.vector_store_idx %arg10[%min3A_525], %get3A_392 masked %ge3A_403 : memref<192xf32, #tpu.memory_space<vmem>>[vector<16xi32>], vector<16xf32>, vector<16xi1>
            %add3A_526 = arith.addi %add3A_513, %squeeze3A_425 : i32
            %convert_element_type3A_527 = arith.extui %ge3A_404 : vector<16xi1> to vector<16xi32>
            %broadcast_in_dim3A_528 = arith.constant true
            %broadcast_in_dim3A_529 = vector.broadcast %broadcast_in_dim3A_528 : i1 to vector<16xi1>
            %masked_cumsum3A_530 = tpu.scan <sum>, %convert_element_type3A_527 masked %broadcast_in_dim3A_529 : vector<16xi32>, vector<16xi1> -> vector<16xi32>
            %add3A_531 = vector.broadcast %add3A_526 : i32 to vector<16xi32>
            %add3A_532 = arith.addi %add3A_531, %masked_cumsum3A_530 : vector<16xi32>
            %sub3A_533 = arith.constant 1 : i32
            %sub3A_534 = vector.broadcast %sub3A_533 : i32 to vector<16xi32>
            %sub3A_535 = arith.subi %add3A_532, %sub3A_534 : vector<16xi32>
            %min3A_536 = arith.constant 191 : i32
            %min3A_537 = vector.broadcast %min3A_536 : i32 to vector<16xi32>
            %min3A_538 = arith.minsi %sub3A_535, %min3A_537 : vector<16xi32>
            tpu.vector_store_idx %arg10[%min3A_538], %get3A_396 masked %ge3A_404 : memref<192xf32, #tpu.memory_space<vmem>>[vector<16xi32>], vector<16xf32>, vector<16xi1>
            %add3A_539 = arith.addi %add3A_526, %squeeze3A_428 : i32
            %ne3A = vector.broadcast %squeeze3A_359 : i32 to vector<16xi32>
            %ne3A_540 = arith.cmpi ne, %iota3A, %ne3A : vector<16xi32>
            %and3A = arith.andi %while3A_357, %ne3A_540 : vector<16xi1>
            scf.yield %and3A : vector<16xi1>
          }
        } else {
        }
      }
      %scan3A_60 = arith.constant 7 : i32
      %dma_wait3A_61 = arith.constant 14336 : i32
      %dma_wait3A_62 = tpu.memref_slice %arg2[%add3A_23, %dma_wait3A_61] : memref<1024x100352xf32, #tpu.memory_space<hbm>> -> memref<1x14336xf32, #tpu.memory_space<hbm>>
      %dma_wait3A_63 = tpu.memref_squeeze %dma_wait3A_62 : memref<1x14336xf32, #tpu.memory_space<hbm>> -> memref<14336xf32, #tpu.memory_space<hbm>>
      %dma_wait3A_64 = arith.constant 14336 : i32
      %dma_wait3A_65 = tpu.memref_slice %arg2[%add3A_23, %dma_wait3A_64] : memref<1024x100352xf32, #tpu.memory_space<hbm>> -> memref<1x14336xf32, #tpu.memory_space<hbm>>
      %dma_wait3A_66 = tpu.memref_squeeze %dma_wait3A_65 : memref<1x14336xf32, #tpu.memory_space<hbm>> -> memref<14336xf32, #tpu.memory_space<hbm>>
      tpu.wait_dma2 semaphore(%arg13 : memref<!tpu.dma_semaphore, #tpu.memory_space<semaphore_mem>>) src(%dma_wait3A_66 : memref<14336xf32, #tpu.memory_space<hbm>>) dst(%arg7 : memref<14336xf32, #tpu.memory_space<vmem>>)
      %add3A_67 = arith.constant 0 : i32
      %add3A_68 = arith.addi %add3A_21, %add3A_67 : i32
      %dma_start3A_69 = arith.constant 28672 : i32
      %dma_start3A_70 = tpu.memref_slice %arg2[%add3A_68, %dma_start3A_69] : memref<1024x100352xf32, #tpu.memory_space<hbm>> -> memref<1x14336xf32, #tpu.memory_space<hbm>>
      %dma_start3A_71 = tpu.memref_squeeze %dma_start3A_70 : memref<1x14336xf32, #tpu.memory_space<hbm>> -> memref<14336xf32, #tpu.memory_space<hbm>>
      %dma_start3A_72 = arith.constant 28672 : i32
      %dma_start3A_73 = tpu.memref_slice %arg2[%add3A_68, %dma_start3A_72] : memref<1024x100352xf32, #tpu.memory_space<hbm>> -> memref<1x14336xf32, #tpu.memory_space<hbm>>
      %dma_start3A_74 = tpu.memref_squeeze %dma_start3A_73 : memref<1x14336xf32, #tpu.memory_space<hbm>> -> memref<14336xf32, #tpu.memory_space<hbm>>
      tpu.enqueue_dma source(%dma_start3A_74 : memref<14336xf32, #tpu.memory_space<hbm>>) target(%arg6 : memref<14336xf32, #tpu.memory_space<vmem>>) target_semaphore(%arg12 : memref<!tpu.dma_semaphore, #tpu.memory_space<semaphore_mem>>)
      %scan3A_75 = arith.constant 0 : i32
      %scan3A_76 = arith.constant 0 : i32
      %scan3A_77 = arith.constant 7 : i32
      %scan3A_78 = arith.addi %scan3A_76, %scan3A_77 : i32
      %scan3A_79 = arith.constant 1 : i32
      scf.for %scan3A_346 = %scan3A_76 to %scan3A_78 step %scan3A_79  : i32 {
        %mul3A_347 = arith.constant 16 : i32
        %mul3A_348 = arith.muli %scan3A_346, %mul3A_347 : i32
        %add3A_349 = arith.constant 112 : i32
        %add3A_350 = arith.addi %add3A_349, %mul3A_348 : i32
        %get3A_351 = arith.constant 0 : i32
        %get3A_352 = arith.index_cast %get3A_351 : i32 to index
        %get3A_353 = arith.index_cast %add3A_350 : i32 to index
        %get3A_354 = tpu.vector_load %arg8[%get3A_352, %get3A_353] {strides = array<i32>} : memref<2x784xf32, #tpu.memory_space<vmem>>, vector<16xf32>,
        %ge3A = arith.cmpf oge, %get3A_354, %get3A_29 : vector<16xf32>
        %all_reduce_population_count3A = tpu.all_reduce %ge3A {dim = 0 : i64, kind = #tpu.reduction_kind<sum>} : vector<16xi1> -> vector<16xi32>
        %slice3A = vector.extract_strided_slice %all_reduce_population_count3A {offsets = [0], sizes = [1], strides = [1]} : vector<16xi32> to vector<1xi32>
        %squeeze3A = vector.extract %slice3A[0] : i32 from vector<1xi32>
        %gt3A = arith.constant 0 : i32
        %gt3A_355 = arith.cmpi sgt, %squeeze3A, %gt3A : i32
        %convert_element_type3A = arith.extui %gt3A_355 : i1 to i32
        %cond3A = arith.constant 0 : i32
        %cond3A_356 = arith.cmpi ne, %convert_element_type3A, %cond3A : i32
        scf.if %cond3A_356 {
          %while3A = scf.while (%while3A_357 = %ge3A) : (vector<16xi1>) -> vector<16xi1> {
            %all_reduce_population_count3A_358 = tpu.all_reduce %while3A_357 {dim = 0 : i64, kind = #tpu.reduction_kind<sum>} : vector<16xi1> -> vector<16xi32>
            %slice3A_359 = vector.extract_strided_slice %all_reduce_population_count3A_358 {offsets = [0], sizes = [1], strides = [1]} : vector<16xi32> to vector<1xi32>
            %squeeze3A_360 = vector.extract %slice3A_359[0] : i32 from vector<1xi32>
            %gt3A_361 = arith.constant 0 : i32
            %gt3A_362 = arith.cmpi sgt, %squeeze3A_360, %gt3A_361 : i32
            scf.condition(%gt3A_362) %while3A_357 : vector<16xi1>
          } do {
          ^bb0(%while3A_357: vector<16xi1>):
            %all_reduce_ffs3A = tpu.all_reduce %while3A_357 {dim = 0 : i64, kind = #tpu.reduction_kind<find_first_set>} : vector<16xi1> -> vector<16xi32>
            %slice3A_358 = vector.extract_strided_slice %all_reduce_ffs3A {offsets = [0], sizes = [1], strides = [1]} : vector<16xi32> to vector<1xi32>
            %squeeze3A_359 = vector.extract %slice3A_358[0] : i32 from vector<1xi32>
            %mul3A_360 = arith.constant 16 : i32
            %mul3A_361 = arith.muli %scan3A_346, %mul3A_360 : i32
            %add3A_362 = arith.addi %mul3A_361, %squeeze3A_359 : i32
            %mul3A_363 = arith.constant 128 : i32
            %mul3A_364 = arith.muli %add3A_362, %mul3A_363 : i32
            %add3A_365 = arith.constant 0 : i32
            %add3A_366 = arith.addi %mul3A_364, %add3A_365 : i32
            %get3A_367 = arith.index_cast %add3A_366 : i32 to index
            %get3A_368 = tpu.vector_load %arg7[%get3A_367] {strides = array<i32>} : memref<14336xf32, #tpu.memory_space<vmem>>, vector<16xf32>,
            %add3A_369 = arith.constant 16 : i32
            %add3A_370 = arith.addi %mul3A_364, %add3A_369 : i32
            %get3A_371 = arith.index_cast %add3A_370 : i32 to index
            %get3A_372 = tpu.vector_load %arg7[%get3A_371] {strides = array<i32>} : memref<14336xf32, #tpu.memory_space<vmem>>, vector<16xf32>,
            %add3A_373 = arith.constant 32 : i32
            %add3A_374 = arith.addi %mul3A_364, %add3A_373 : i32
            %get3A_375 = arith.index_cast %add3A_374 : i32 to index
            %get3A_376 = tpu.vector_load %arg7[%get3A_375] {strides = array<i32>} : memref<14336xf32, #tpu.memory_space<vmem>>, vector<16xf32>,
            %add3A_377 = arith.constant 48 : i32
            %add3A_378 = arith.addi %mul3A_364, %add3A_377 : i32
            %get3A_379 = arith.index_cast %add3A_378 : i32 to index
            %get3A_380 = tpu.vector_load %arg7[%get3A_379] {strides = array<i32>} : memref<14336xf32, #tpu.memory_space<vmem>>, vector<16xf32>,
            %add3A_381 = arith.constant 64 : i32
            %add3A_382 = arith.addi %mul3A_364, %add3A_381 : i32
            %get3A_383 = arith.index_cast %add3A_382 : i32 to index
            %get3A_384 = tpu.vector_load %arg7[%get3A_383] {strides = array<i32>} : memref<14336xf32, #tpu.memory_space<vmem>>, vector<16xf32>,
            %add3A_385 = arith.constant 80 : i32
            %add3A_386 = arith.addi %mul3A_364, %add3A_385 : i32
            %get3A_387 = arith.index_cast %add3A_386 : i32 to index
            %get3A_388 = tpu.vector_load %arg7[%get3A_387] {strides = array<i32>} : memref<14336xf32, #tpu.memory_space<vmem>>, vector<16xf32>,
            %add3A_389 = arith.constant 96 : i32
            %add3A_390 = arith.addi %mul3A_364, %add3A_389 : i32
            %get3A_391 = arith.index_cast %add3A_390 : i32 to index
            %get3A_392 = tpu.vector_load %arg7[%get3A_391] {strides = array<i32>} : memref<14336xf32, #tpu.memory_space<vmem>>, vector<16xf32>,
            %add3A_393 = arith.constant 112 : i32
            %add3A_394 = arith.addi %mul3A_364, %add3A_393 : i32
            %get3A_395 = arith.index_cast %add3A_394 : i32 to index
            %get3A_396 = tpu.vector_load %arg7[%get3A_395] {strides = array<i32>} : memref<14336xf32, #tpu.memory_space<vmem>>, vector<16xf32>,
            %ge3A_397 = arith.cmpf oge, %get3A_368, %get3A_29 : vector<16xf32>
            %ge3A_398 = arith.cmpf oge, %get3A_372, %get3A_29 : vector<16xf32>
            %ge3A_399 = arith.cmpf oge, %get3A_376, %get3A_29 : vector<16xf32>
            %ge3A_400 = arith.cmpf oge, %get3A_380, %get3A_29 : vector<16xf32>
            %ge3A_401 = arith.cmpf oge, %get3A_384, %get3A_29 : vector<16xf32>
            %ge3A_402 = arith.cmpf oge, %get3A_388, %get3A_29 : vector<16xf32>
            %ge3A_403 = arith.cmpf oge, %get3A_392, %get3A_29 : vector<16xf32>
            %ge3A_404 = arith.cmpf oge, %get3A_396, %get3A_29 : vector<16xf32>
            %all_reduce_population_count3A_405 = tpu.all_reduce %ge3A_397 {dim = 0 : i64, kind = #tpu.reduction_kind<sum>} : vector<16xi1> -> vector<16xi32>
            %slice3A_406 = vector.extract_strided_slice %all_reduce_population_count3A_405 {offsets = [0], sizes = [1], strides = [1]} : vector<16xi32> to vector<1xi32>
            %squeeze3A_407 = vector.extract %slice3A_406[0] : i32 from vector<1xi32>
            %all_reduce_population_count3A_408 = tpu.all_reduce %ge3A_398 {dim = 0 : i64, kind = #tpu.reduction_kind<sum>} : vector<16xi1> -> vector<16xi32>
            %slice3A_409 = vector.extract_strided_slice %all_reduce_population_count3A_408 {offsets = [0], sizes = [1], strides = [1]} : vector<16xi32> to vector<1xi32>
            %squeeze3A_410 = vector.extract %slice3A_409[0] : i32 from vector<1xi32>
            %all_reduce_population_count3A_411 = tpu.all_reduce %ge3A_399 {dim = 0 : i64, kind = #tpu.reduction_kind<sum>} : vector<16xi1> -> vector<16xi32>
            %slice3A_412 = vector.extract_strided_slice %all_reduce_population_count3A_411 {offsets = [0], sizes = [1], strides = [1]} : vector<16xi32> to vector<1xi32>
            %squeeze3A_413 = vector.extract %slice3A_412[0] : i32 from vector<1xi32>
            %all_reduce_population_count3A_414 = tpu.all_reduce %ge3A_400 {dim = 0 : i64, kind = #tpu.reduction_kind<sum>} : vector<16xi1> -> vector<16xi32>
            %slice3A_415 = vector.extract_strided_slice %all_reduce_population_count3A_414 {offsets = [0], sizes = [1], strides = [1]} : vector<16xi32> to vector<1xi32>
            %squeeze3A_416 = vector.extract %slice3A_415[0] : i32 from vector<1xi32>
            %all_reduce_population_count3A_417 = tpu.all_reduce %ge3A_401 {dim = 0 : i64, kind = #tpu.reduction_kind<sum>} : vector<16xi1> -> vector<16xi32>
            %slice3A_418 = vector.extract_strided_slice %all_reduce_population_count3A_417 {offsets = [0], sizes = [1], strides = [1]} : vector<16xi32> to vector<1xi32>
            %squeeze3A_419 = vector.extract %slice3A_418[0] : i32 from vector<1xi32>
            %all_reduce_population_count3A_420 = tpu.all_reduce %ge3A_402 {dim = 0 : i64, kind = #tpu.reduction_kind<sum>} : vector<16xi1> -> vector<16xi32>
            %slice3A_421 = vector.extract_strided_slice %all_reduce_population_count3A_420 {offsets = [0], sizes = [1], strides = [1]} : vector<16xi32> to vector<1xi32>
            %squeeze3A_422 = vector.extract %slice3A_421[0] : i32 from vector<1xi32>
            %all_reduce_population_count3A_423 = tpu.all_reduce %ge3A_403 {dim = 0 : i64, kind = #tpu.reduction_kind<sum>} : vector<16xi1> -> vector<16xi32>
            %slice3A_424 = vector.extract_strided_slice %all_reduce_population_count3A_423 {offsets = [0], sizes = [1], strides = [1]} : vector<16xi32> to vector<1xi32>
            %squeeze3A_425 = vector.extract %slice3A_424[0] : i32 from vector<1xi32>
            %all_reduce_population_count3A_426 = tpu.all_reduce %ge3A_404 {dim = 0 : i64, kind = #tpu.reduction_kind<sum>} : vector<16xi1> -> vector<16xi32>
            %slice3A_427 = vector.extract_strided_slice %all_reduce_population_count3A_426 {offsets = [0], sizes = [1], strides = [1]} : vector<16xi32> to vector<1xi32>
            %squeeze3A_428 = vector.extract %slice3A_427[0] : i32 from vector<1xi32>
            %add3A_429 = arith.addi %squeeze3A_407, %squeeze3A_410 : i32
            %add3A_430 = arith.addi %add3A_429, %squeeze3A_413 : i32
            %add3A_431 = arith.addi %add3A_430, %squeeze3A_416 : i32
            %add3A_432 = arith.addi %add3A_431, %squeeze3A_419 : i32
            %add3A_433 = arith.addi %add3A_432, %squeeze3A_422 : i32
            %add3A_434 = arith.addi %add3A_433, %squeeze3A_425 : i32
            %add3A_435 = arith.addi %add3A_434, %squeeze3A_428 : i32
            %sc_fetch_and_add3A_436 = arith.constant 0 : i32
            %sc_fetch_and_add3A_437 = tpu.fetch_and_add_sync %arg11[%sc_fetch_and_add3A_436], %add3A_435, %arg1 : memref<1xi32, #tpu.memory_space<smem>>, i32 -> i32
            %convert_element_type3A_438 = arith.extui %ge3A_397 : vector<16xi1> to vector<16xi32>
            %broadcast_in_dim3A = arith.constant true
            %broadcast_in_dim3A_439 = vector.broadcast %broadcast_in_dim3A : i1 to vector<16xi1>
            %masked_cumsum3A = tpu.scan <sum>, %convert_element_type3A_438 masked %broadcast_in_dim3A_439 : vector<16xi32>, vector<16xi1> -> vector<16xi32>
            %add3A_440 = vector.broadcast %sc_fetch_and_add3A_437 : i32 to vector<16xi32>
            %add3A_441 = arith.addi %add3A_440, %masked_cumsum3A : vector<16xi32>
            %sub3A_442 = arith.constant 1 : i32
            %sub3A_443 = vector.broadcast %sub3A_442 : i32 to vector<16xi32>
            %sub3A_444 = arith.subi %add3A_441, %sub3A_443 : vector<16xi32>
            %min3A_445 = arith.constant 191 : i32
            %min3A_446 = vector.broadcast %min3A_445 : i32 to vector<16xi32>
            %min3A_447 = arith.minsi %sub3A_444, %min3A_446 : vector<16xi32>
            tpu.vector_store_idx %arg10[%min3A_447], %get3A_368 masked %ge3A_397 : memref<192xf32, #tpu.memory_space<vmem>>[vector<16xi32>], vector<16xf32>, vector<16xi1>
            %add3A_448 = arith.addi %sc_fetch_and_add3A_437, %squeeze3A_407 : i32
            %convert_element_type3A_449 = arith.extui %ge3A_398 : vector<16xi1> to vector<16xi32>
            %broadcast_in_dim3A_450 = arith.constant true
            %broadcast_in_dim3A_451 = vector.broadcast %broadcast_in_dim3A_450 : i1 to vector<16xi1>
            %masked_cumsum3A_452 = tpu.scan <sum>, %convert_element_type3A_449 masked %broadcast_in_dim3A_451 : vector<16xi32>, vector<16xi1> -> vector<16xi32>
            %add3A_453 = vector.broadcast %add3A_448 : i32 to vector<16xi32>
            %add3A_454 = arith.addi %add3A_453, %masked_cumsum3A_452 : vector<16xi32>
            %sub3A_455 = arith.constant 1 : i32
            %sub3A_456 = vector.broadcast %sub3A_455 : i32 to vector<16xi32>
            %sub3A_457 = arith.subi %add3A_454, %sub3A_456 : vector<16xi32>
            %min3A_458 = arith.constant 191 : i32
            %min3A_459 = vector.broadcast %min3A_458 : i32 to vector<16xi32>
            %min3A_460 = arith.minsi %sub3A_457, %min3A_459 : vector<16xi32>
            tpu.vector_store_idx %arg10[%min3A_460], %get3A_372 masked %ge3A_398 : memref<192xf32, #tpu.memory_space<vmem>>[vector<16xi32>], vector<16xf32>, vector<16xi1>
            %add3A_461 = arith.addi %add3A_448, %squeeze3A_410 : i32
            %convert_element_type3A_462 = arith.extui %ge3A_399 : vector<16xi1> to vector<16xi32>
            %broadcast_in_dim3A_463 = arith.constant true
            %broadcast_in_dim3A_464 = vector.broadcast %broadcast_in_dim3A_463 : i1 to vector<16xi1>
            %masked_cumsum3A_465 = tpu.scan <sum>, %convert_element_type3A_462 masked %broadcast_in_dim3A_464 : vector<16xi32>, vector<16xi1> -> vector<16xi32>
            %add3A_466 = vector.broadcast %add3A_461 : i32 to vector<16xi32>
            %add3A_467 = arith.addi %add3A_466, %masked_cumsum3A_465 : vector<16xi32>
            %sub3A_468 = arith.constant 1 : i32
            %sub3A_469 = vector.broadcast %sub3A_468 : i32 to vector<16xi32>
            %sub3A_470 = arith.subi %add3A_467, %sub3A_469 : vector<16xi32>
            %min3A_471 = arith.constant 191 : i32
            %min3A_472 = vector.broadcast %min3A_471 : i32 to vector<16xi32>
            %min3A_473 = arith.minsi %sub3A_470, %min3A_472 : vector<16xi32>
            tpu.vector_store_idx %arg10[%min3A_473], %get3A_376 masked %ge3A_399 : memref<192xf32, #tpu.memory_space<vmem>>[vector<16xi32>], vector<16xf32>, vector<16xi1>
            %add3A_474 = arith.addi %add3A_461, %squeeze3A_413 : i32
            %convert_element_type3A_475 = arith.extui %ge3A_400 : vector<16xi1> to vector<16xi32>
            %broadcast_in_dim3A_476 = arith.constant true
            %broadcast_in_dim3A_477 = vector.broadcast %broadcast_in_dim3A_476 : i1 to vector<16xi1>
            %masked_cumsum3A_478 = tpu.scan <sum>, %convert_element_type3A_475 masked %broadcast_in_dim3A_477 : vector<16xi32>, vector<16xi1> -> vector<16xi32>
            %add3A_479 = vector.broadcast %add3A_474 : i32 to vector<16xi32>
            %add3A_480 = arith.addi %add3A_479, %masked_cumsum3A_478 : vector<16xi32>
            %sub3A_481 = arith.constant 1 : i32
            %sub3A_482 = vector.broadcast %sub3A_481 : i32 to vector<16xi32>
            %sub3A_483 = arith.subi %add3A_480, %sub3A_482 : vector<16xi32>
            %min3A_484 = arith.constant 191 : i32
            %min3A_485 = vector.broadcast %min3A_484 : i32 to vector<16xi32>
            %min3A_486 = arith.minsi %sub3A_483, %min3A_485 : vector<16xi32>
            tpu.vector_store_idx %arg10[%min3A_486], %get3A_380 masked %ge3A_400 : memref<192xf32, #tpu.memory_space<vmem>>[vector<16xi32>], vector<16xf32>, vector<16xi1>
            %add3A_487 = arith.addi %add3A_474, %squeeze3A_416 : i32
            %convert_element_type3A_488 = arith.extui %ge3A_401 : vector<16xi1> to vector<16xi32>
            %broadcast_in_dim3A_489 = arith.constant true
            %broadcast_in_dim3A_490 = vector.broadcast %broadcast_in_dim3A_489 : i1 to vector<16xi1>
            %masked_cumsum3A_491 = tpu.scan <sum>, %convert_element_type3A_488 masked %broadcast_in_dim3A_490 : vector<16xi32>, vector<16xi1> -> vector<16xi32>
            %add3A_492 = vector.broadcast %add3A_487 : i32 to vector<16xi32>
            %add3A_493 = arith.addi %add3A_492, %masked_cumsum3A_491 : vector<16xi32>
            %sub3A_494 = arith.constant 1 : i32
            %sub3A_495 = vector.broadcast %sub3A_494 : i32 to vector<16xi32>
            %sub3A_496 = arith.subi %add3A_493, %sub3A_495 : vector<16xi32>
            %min3A_497 = arith.constant 191 : i32
            %min3A_498 = vector.broadcast %min3A_497 : i32 to vector<16xi32>
            %min3A_499 = arith.minsi %sub3A_496, %min3A_498 : vector<16xi32>
            tpu.vector_store_idx %arg10[%min3A_499], %get3A_384 masked %ge3A_401 : memref<192xf32, #tpu.memory_space<vmem>>[vector<16xi32>], vector<16xf32>, vector<16xi1>
            %add3A_500 = arith.addi %add3A_487, %squeeze3A_419 : i32
            %convert_element_type3A_501 = arith.extui %ge3A_402 : vector<16xi1> to vector<16xi32>
            %broadcast_in_dim3A_502 = arith.constant true
            %broadcast_in_dim3A_503 = vector.broadcast %broadcast_in_dim3A_502 : i1 to vector<16xi1>
            %masked_cumsum3A_504 = tpu.scan <sum>, %convert_element_type3A_501 masked %broadcast_in_dim3A_503 : vector<16xi32>, vector<16xi1> -> vector<16xi32>
            %add3A_505 = vector.broadcast %add3A_500 : i32 to vector<16xi32>
            %add3A_506 = arith.addi %add3A_505, %masked_cumsum3A_504 : vector<16xi32>
            %sub3A_507 = arith.constant 1 : i32
            %sub3A_508 = vector.broadcast %sub3A_507 : i32 to vector<16xi32>
            %sub3A_509 = arith.subi %add3A_506, %sub3A_508 : vector<16xi32>
            %min3A_510 = arith.constant 191 : i32
            %min3A_511 = vector.broadcast %min3A_510 : i32 to vector<16xi32>
            %min3A_512 = arith.minsi %sub3A_509, %min3A_511 : vector<16xi32>
            tpu.vector_store_idx %arg10[%min3A_512], %get3A_388 masked %ge3A_402 : memref<192xf32, #tpu.memory_space<vmem>>[vector<16xi32>], vector<16xf32>, vector<16xi1>
            %add3A_513 = arith.addi %add3A_500, %squeeze3A_422 : i32
            %convert_element_type3A_514 = arith.extui %ge3A_403 : vector<16xi1> to vector<16xi32>
            %broadcast_in_dim3A_515 = arith.constant true
            %broadcast_in_dim3A_516 = vector.broadcast %broadcast_in_dim3A_515 : i1 to vector<16xi1>
            %masked_cumsum3A_517 = tpu.scan <sum>, %convert_element_type3A_514 masked %broadcast_in_dim3A_516 : vector<16xi32>, vector<16xi1> -> vector<16xi32>
            %add3A_518 = vector.broadcast %add3A_513 : i32 to vector<16xi32>
            %add3A_519 = arith.addi %add3A_518, %masked_cumsum3A_517 : vector<16xi32>
            %sub3A_520 = arith.constant 1 : i32
            %sub3A_521 = vector.broadcast %sub3A_520 : i32 to vector<16xi32>
            %sub3A_522 = arith.subi %add3A_519, %sub3A_521 : vector<16xi32>
            %min3A_523 = arith.constant 191 : i32
            %min3A_524 = vector.broadcast %min3A_523 : i32 to vector<16xi32>
            %min3A_525 = arith.minsi %sub3A_522, %min3A_524 : vector<16xi32>
            tpu.vector_store_idx %arg10[%min3A_525], %get3A_392 masked %ge3A_403 : memref<192xf32, #tpu.memory_space<vmem>>[vector<16xi32>], vector<16xf32>, vector<16xi1>
            %add3A_526 = arith.addi %add3A_513, %squeeze3A_425 : i32
            %convert_element_type3A_527 = arith.extui %ge3A_404 : vector<16xi1> to vector<16xi32>
            %broadcast_in_dim3A_528 = arith.constant true
            %broadcast_in_dim3A_529 = vector.broadcast %broadcast_in_dim3A_528 : i1 to vector<16xi1>
            %masked_cumsum3A_530 = tpu.scan <sum>, %convert_element_type3A_527 masked %broadcast_in_dim3A_529 : vector<16xi32>, vector<16xi1> -> vector<16xi32>
            %add3A_531 = vector.broadcast %add3A_526 : i32 to vector<16xi32>
            %add3A_532 = arith.addi %add3A_531, %masked_cumsum3A_530 : vector<16xi32>
            %sub3A_533 = arith.constant 1 : i32
            %sub3A_534 = vector.broadcast %sub3A_533 : i32 to vector<16xi32>
            %sub3A_535 = arith.subi %add3A_532, %sub3A_534 : vector<16xi32>
            %min3A_536 = arith.constant 191 : i32
            %min3A_537 = vector.broadcast %min3A_536 : i32 to vector<16xi32>
            %min3A_538 = arith.minsi %sub3A_535, %min3A_537 : vector<16xi32>
            tpu.vector_store_idx %arg10[%min3A_538], %get3A_396 masked %ge3A_404 : memref<192xf32, #tpu.memory_space<vmem>>[vector<16xi32>], vector<16xf32>, vector<16xi1>
            %add3A_539 = arith.addi %add3A_526, %squeeze3A_428 : i32
            %ne3A = vector.broadcast %squeeze3A_359 : i32 to vector<16xi32>
            %ne3A_540 = arith.cmpi ne, %iota3A, %ne3A : vector<16xi32>
            %and3A = arith.andi %while3A_357, %ne3A_540 : vector<16xi1>
            scf.yield %and3A : vector<16xi1>
          }
        } else {
        }
      }
      %scan3A_80 = arith.constant 7 : i32
      %dma_wait3A_81 = arith.constant 28672 : i32
      %dma_wait3A_82 = tpu.memref_slice %arg2[%add3A_23, %dma_wait3A_81] : memref<1024x100352xf32, #tpu.memory_space<hbm>> -> memref<1x14336xf32, #tpu.memory_space<hbm>>
      %dma_wait3A_83 = tpu.memref_squeeze %dma_wait3A_82 : memref<1x14336xf32, #tpu.memory_space<hbm>> -> memref<14336xf32, #tpu.memory_space<hbm>>
      %dma_wait3A_84 = arith.constant 28672 : i32
      %dma_wait3A_85 = tpu.memref_slice %arg2[%add3A_23, %dma_wait3A_84] : memref<1024x100352xf32, #tpu.memory_space<hbm>> -> memref<1x14336xf32, #tpu.memory_space<hbm>>
      %dma_wait3A_86 = tpu.memref_squeeze %dma_wait3A_85 : memref<1x14336xf32, #tpu.memory_space<hbm>> -> memref<14336xf32, #tpu.memory_space<hbm>>
      tpu.wait_dma2 semaphore(%arg12 : memref<!tpu.dma_semaphore, #tpu.memory_space<semaphore_mem>>) src(%dma_wait3A_86 : memref<14336xf32, #tpu.memory_space<hbm>>) dst(%arg6 : memref<14336xf32, #tpu.memory_space<vmem>>)
      %add3A_87 = arith.constant 0 : i32
      %add3A_88 = arith.addi %add3A_21, %add3A_87 : i32
      %dma_start3A_89 = arith.constant 43008 : i32
      %dma_start3A_90 = tpu.memref_slice %arg2[%add3A_88, %dma_start3A_89] : memref<1024x100352xf32, #tpu.memory_space<hbm>> -> memref<1x14336xf32, #tpu.memory_space<hbm>>
      %dma_start3A_91 = tpu.memref_squeeze %dma_start3A_90 : memref<1x14336xf32, #tpu.memory_space<hbm>> -> memref<14336xf32, #tpu.memory_space<hbm>>
      %dma_start3A_92 = arith.constant 43008 : i32
      %dma_start3A_93 = tpu.memref_slice %arg2[%add3A_88, %dma_start3A_92] : memref<1024x100352xf32, #tpu.memory_space<hbm>> -> memref<1x14336xf32, #tpu.memory_space<hbm>>
      %dma_start3A_94 = tpu.memref_squeeze %dma_start3A_93 : memref<1x14336xf32, #tpu.memory_space<hbm>> -> memref<14336xf32, #tpu.memory_space<hbm>>
      tpu.enqueue_dma source(%dma_start3A_94 : memref<14336xf32, #tpu.memory_space<hbm>>) target(%arg7 : memref<14336xf32, #tpu.memory_space<vmem>>) target_semaphore(%arg13 : memref<!tpu.dma_semaphore, #tpu.memory_space<semaphore_mem>>)
      %scan3A_95 = arith.constant 0 : i32
      %scan3A_96 = arith.constant 0 : i32
      %scan3A_97 = arith.constant 7 : i32
      %scan3A_98 = arith.addi %scan3A_96, %scan3A_97 : i32
      %scan3A_99 = arith.constant 1 : i32
      scf.for %scan3A_346 = %scan3A_96 to %scan3A_98 step %scan3A_99  : i32 {
        %mul3A_347 = arith.constant 16 : i32
        %mul3A_348 = arith.muli %scan3A_346, %mul3A_347 : i32
        %add3A_349 = arith.constant 224 : i32
        %add3A_350 = arith.addi %add3A_349, %mul3A_348 : i32
        %get3A_351 = arith.constant 0 : i32
        %get3A_352 = arith.index_cast %get3A_351 : i32 to index
        %get3A_353 = arith.index_cast %add3A_350 : i32 to index
        %get3A_354 = tpu.vector_load %arg8[%get3A_352, %get3A_353] {strides = array<i32>} : memref<2x784xf32, #tpu.memory_space<vmem>>, vector<16xf32>,
        %ge3A = arith.cmpf oge, %get3A_354, %get3A_29 : vector<16xf32>
        %all_reduce_population_count3A = tpu.all_reduce %ge3A {dim = 0 : i64, kind = #tpu.reduction_kind<sum>} : vector<16xi1> -> vector<16xi32>
        %slice3A = vector.extract_strided_slice %all_reduce_population_count3A {offsets = [0], sizes = [1], strides = [1]} : vector<16xi32> to vector<1xi32>
        %squeeze3A = vector.extract %slice3A[0] : i32 from vector<1xi32>
        %gt3A = arith.constant 0 : i32
        %gt3A_355 = arith.cmpi sgt, %squeeze3A, %gt3A : i32
        %convert_element_type3A = arith.extui %gt3A_355 : i1 to i32
        %cond3A = arith.constant 0 : i32
        %cond3A_356 = arith.cmpi ne, %convert_element_type3A, %cond3A : i32
        scf.if %cond3A_356 {
          %while3A = scf.while (%while3A_357 = %ge3A) : (vector<16xi1>) -> vector<16xi1> {
            %all_reduce_population_count3A_358 = tpu.all_reduce %while3A_357 {dim = 0 : i64, kind = #tpu.reduction_kind<sum>} : vector<16xi1> -> vector<16xi32>
            %slice3A_359 = vector.extract_strided_slice %all_reduce_population_count3A_358 {offsets = [0], sizes = [1], strides = [1]} : vector<16xi32> to vector<1xi32>
            %squeeze3A_360 = vector.extract %slice3A_359[0] : i32 from vector<1xi32>
            %gt3A_361 = arith.constant 0 : i32
            %gt3A_362 = arith.cmpi sgt, %squeeze3A_360, %gt3A_361 : i32
            scf.condition(%gt3A_362) %while3A_357 : vector<16xi1>
          } do {
          ^bb0(%while3A_357: vector<16xi1>):
            %all_reduce_ffs3A = tpu.all_reduce %while3A_357 {dim = 0 : i64, kind = #tpu.reduction_kind<find_first_set>} : vector<16xi1> -> vector<16xi32>
            %slice3A_358 = vector.extract_strided_slice %all_reduce_ffs3A {offsets = [0], sizes = [1], strides = [1]} : vector<16xi32> to vector<1xi32>
            %squeeze3A_359 = vector.extract %slice3A_358[0] : i32 from vector<1xi32>
            %mul3A_360 = arith.constant 16 : i32
            %mul3A_361 = arith.muli %scan3A_346, %mul3A_360 : i32
            %add3A_362 = arith.addi %mul3A_361, %squeeze3A_359 : i32
            %mul3A_363 = arith.constant 128 : i32
            %mul3A_364 = arith.muli %add3A_362, %mul3A_363 : i32
            %add3A_365 = arith.constant 0 : i32
            %add3A_366 = arith.addi %mul3A_364, %add3A_365 : i32
            %get3A_367 = arith.index_cast %add3A_366 : i32 to index
            %get3A_368 = tpu.vector_load %arg6[%get3A_367] {strides = array<i32>} : memref<14336xf32, #tpu.memory_space<vmem>>, vector<16xf32>,
            %add3A_369 = arith.constant 16 : i32
            %add3A_370 = arith.addi %mul3A_364, %add3A_369 : i32
            %get3A_371 = arith.index_cast %add3A_370 : i32 to index
            %get3A_372 = tpu.vector_load %arg6[%get3A_371] {strides = array<i32>} : memref<14336xf32, #tpu.memory_space<vmem>>, vector<16xf32>,
            %add3A_373 = arith.constant 32 : i32
            %add3A_374 = arith.addi %mul3A_364, %add3A_373 : i32
            %get3A_375 = arith.index_cast %add3A_374 : i32 to index
            %get3A_376 = tpu.vector_load %arg6[%get3A_375] {strides = array<i32>} : memref<14336xf32, #tpu.memory_space<vmem>>, vector<16xf32>,
            %add3A_377 = arith.constant 48 : i32
            %add3A_378 = arith.addi %mul3A_364, %add3A_377 : i32
            %get3A_379 = arith.index_cast %add3A_378 : i32 to index
            %get3A_380 = tpu.vector_load %arg6[%get3A_379] {strides = array<i32>} : memref<14336xf32, #tpu.memory_space<vmem>>, vector<16xf32>,
            %add3A_381 = arith.constant 64 : i32
            %add3A_382 = arith.addi %mul3A_364, %add3A_381 : i32
            %get3A_383 = arith.index_cast %add3A_382 : i32 to index
            %get3A_384 = tpu.vector_load %arg6[%get3A_383] {strides = array<i32>} : memref<14336xf32, #tpu.memory_space<vmem>>, vector<16xf32>,
            %add3A_385 = arith.constant 80 : i32
            %add3A_386 = arith.addi %mul3A_364, %add3A_385 : i32
            %get3A_387 = arith.index_cast %add3A_386 : i32 to index
            %get3A_388 = tpu.vector_load %arg6[%get3A_387] {strides = array<i32>} : memref<14336xf32, #tpu.memory_space<vmem>>, vector<16xf32>,
            %add3A_389 = arith.constant 96 : i32
            %add3A_390 = arith.addi %mul3A_364, %add3A_389 : i32
            %get3A_391 = arith.index_cast %add3A_390 : i32 to index
            %get3A_392 = tpu.vector_load %arg6[%get3A_391] {strides = array<i32>} : memref<14336xf32, #tpu.memory_space<vmem>>, vector<16xf32>,
            %add3A_393 = arith.constant 112 : i32
            %add3A_394 = arith.addi %mul3A_364, %add3A_393 : i32
            %get3A_395 = arith.index_cast %add3A_394 : i32 to index
            %get3A_396 = tpu.vector_load %arg6[%get3A_395] {strides = array<i32>} : memref<14336xf32, #tpu.memory_space<vmem>>, vector<16xf32>,
            %ge3A_397 = arith.cmpf oge, %get3A_368, %get3A_29 : vector<16xf32>
            %ge3A_398 = arith.cmpf oge, %get3A_372, %get3A_29 : vector<16xf32>
            %ge3A_399 = arith.cmpf oge, %get3A_376, %get3A_29 : vector<16xf32>
            %ge3A_400 = arith.cmpf oge, %get3A_380, %get3A_29 : vector<16xf32>
            %ge3A_401 = arith.cmpf oge, %get3A_384, %get3A_29 : vector<16xf32>
            %ge3A_402 = arith.cmpf oge, %get3A_388, %get3A_29 : vector<16xf32>
            %ge3A_403 = arith.cmpf oge, %get3A_392, %get3A_29 : vector<16xf32>
            %ge3A_404 = arith.cmpf oge, %get3A_396, %get3A_29 : vector<16xf32>
            %all_reduce_population_count3A_405 = tpu.all_reduce %ge3A_397 {dim = 0 : i64, kind = #tpu.reduction_kind<sum>} : vector<16xi1> -> vector<16xi32>
            %slice3A_406 = vector.extract_strided_slice %all_reduce_population_count3A_405 {offsets = [0], sizes = [1], strides = [1]} : vector<16xi32> to vector<1xi32>
            %squeeze3A_407 = vector.extract %slice3A_406[0] : i32 from vector<1xi32>
            %all_reduce_population_count3A_408 = tpu.all_reduce %ge3A_398 {dim = 0 : i64, kind = #tpu.reduction_kind<sum>} : vector<16xi1> -> vector<16xi32>
            %slice3A_409 = vector.extract_strided_slice %all_reduce_population_count3A_408 {offsets = [0], sizes = [1], strides = [1]} : vector<16xi32> to vector<1xi32>
            %squeeze3A_410 = vector.extract %slice3A_409[0] : i32 from vector<1xi32>
            %all_reduce_population_count3A_411 = tpu.all_reduce %ge3A_399 {dim = 0 : i64, kind = #tpu.reduction_kind<sum>} : vector<16xi1> -> vector<16xi32>
            %slice3A_412 = vector.extract_strided_slice %all_reduce_population_count3A_411 {offsets = [0], sizes = [1], strides = [1]} : vector<16xi32> to vector<1xi32>
            %squeeze3A_413 = vector.extract %slice3A_412[0] : i32 from vector<1xi32>
            %all_reduce_population_count3A_414 = tpu.all_reduce %ge3A_400 {dim = 0 : i64, kind = #tpu.reduction_kind<sum>} : vector<16xi1> -> vector<16xi32>
            %slice3A_415 = vector.extract_strided_slice %all_reduce_population_count3A_414 {offsets = [0], sizes = [1], strides = [1]} : vector<16xi32> to vector<1xi32>
            %squeeze3A_416 = vector.extract %slice3A_415[0] : i32 from vector<1xi32>
            %all_reduce_population_count3A_417 = tpu.all_reduce %ge3A_401 {dim = 0 : i64, kind = #tpu.reduction_kind<sum>} : vector<16xi1> -> vector<16xi32>
            %slice3A_418 = vector.extract_strided_slice %all_reduce_population_count3A_417 {offsets = [0], sizes = [1], strides = [1]} : vector<16xi32> to vector<1xi32>
            %squeeze3A_419 = vector.extract %slice3A_418[0] : i32 from vector<1xi32>
            %all_reduce_population_count3A_420 = tpu.all_reduce %ge3A_402 {dim = 0 : i64, kind = #tpu.reduction_kind<sum>} : vector<16xi1> -> vector<16xi32>
            %slice3A_421 = vector.extract_strided_slice %all_reduce_population_count3A_420 {offsets = [0], sizes = [1], strides = [1]} : vector<16xi32> to vector<1xi32>
            %squeeze3A_422 = vector.extract %slice3A_421[0] : i32 from vector<1xi32>
            %all_reduce_population_count3A_423 = tpu.all_reduce %ge3A_403 {dim = 0 : i64, kind = #tpu.reduction_kind<sum>} : vector<16xi1> -> vector<16xi32>
            %slice3A_424 = vector.extract_strided_slice %all_reduce_population_count3A_423 {offsets = [0], sizes = [1], strides = [1]} : vector<16xi32> to vector<1xi32>
            %squeeze3A_425 = vector.extract %slice3A_424[0] : i32 from vector<1xi32>
            %all_reduce_population_count3A_426 = tpu.all_reduce %ge3A_404 {dim = 0 : i64, kind = #tpu.reduction_kind<sum>} : vector<16xi1> -> vector<16xi32>
            %slice3A_427 = vector.extract_strided_slice %all_reduce_population_count3A_426 {offsets = [0], sizes = [1], strides = [1]} : vector<16xi32> to vector<1xi32>
            %squeeze3A_428 = vector.extract %slice3A_427[0] : i32 from vector<1xi32>
            %add3A_429 = arith.addi %squeeze3A_407, %squeeze3A_410 : i32
            %add3A_430 = arith.addi %add3A_429, %squeeze3A_413 : i32
            %add3A_431 = arith.addi %add3A_430, %squeeze3A_416 : i32
            %add3A_432 = arith.addi %add3A_431, %squeeze3A_419 : i32
            %add3A_433 = arith.addi %add3A_432, %squeeze3A_422 : i32
            %add3A_434 = arith.addi %add3A_433, %squeeze3A_425 : i32
            %add3A_435 = arith.addi %add3A_434, %squeeze3A_428 : i32
            %sc_fetch_and_add3A_436 = arith.constant 0 : i32
            %sc_fetch_and_add3A_437 = tpu.fetch_and_add_sync %arg11[%sc_fetch_and_add3A_436], %add3A_435, %arg1 : memref<1xi32, #tpu.memory_space<smem>>, i32 -> i32
            %convert_element_type3A_438 = arith.extui %ge3A_397 : vector<16xi1> to vector<16xi32>
            %broadcast_in_dim3A = arith.constant true
            %broadcast_in_dim3A_439 = vector.broadcast %broadcast_in_dim3A : i1 to vector<16xi1>
            %masked_cumsum3A = tpu.scan <sum>, %convert_element_type3A_438 masked %broadcast_in_dim3A_439 : vector<16xi32>, vector<16xi1> -> vector<16xi32>
            %add3A_440 = vector.broadcast %sc_fetch_and_add3A_437 : i32 to vector<16xi32>
            %add3A_441 = arith.addi %add3A_440, %masked_cumsum3A : vector<16xi32>
            %sub3A_442 = arith.constant 1 : i32
            %sub3A_443 = vector.broadcast %sub3A_442 : i32 to vector<16xi32>
            %sub3A_444 = arith.subi %add3A_441, %sub3A_443 : vector<16xi32>
            %min3A_445 = arith.constant 191 : i32
            %min3A_446 = vector.broadcast %min3A_445 : i32 to vector<16xi32>
            %min3A_447 = arith.minsi %sub3A_444, %min3A_446 : vector<16xi32>
            tpu.vector_store_idx %arg10[%min3A_447], %get3A_368 masked %ge3A_397 : memref<192xf32, #tpu.memory_space<vmem>>[vector<16xi32>], vector<16xf32>, vector<16xi1>
            %add3A_448 = arith.addi %sc_fetch_and_add3A_437, %squeeze3A_407 : i32
            %convert_element_type3A_449 = arith.extui %ge3A_398 : vector<16xi1> to vector<16xi32>
            %broadcast_in_dim3A_450 = arith.constant true
            %broadcast_in_dim3A_451 = vector.broadcast %broadcast_in_dim3A_450 : i1 to vector<16xi1>
            %masked_cumsum3A_452 = tpu.scan <sum>, %convert_element_type3A_449 masked %broadcast_in_dim3A_451 : vector<16xi32>, vector<16xi1> -> vector<16xi32>
            %add3A_453 = vector.broadcast %add3A_448 : i32 to vector<16xi32>
            %add3A_454 = arith.addi %add3A_453, %masked_cumsum3A_452 : vector<16xi32>
            %sub3A_455 = arith.constant 1 : i32
            %sub3A_456 = vector.broadcast %sub3A_455 : i32 to vector<16xi32>
            %sub3A_457 = arith.subi %add3A_454, %sub3A_456 : vector<16xi32>
            %min3A_458 = arith.constant 191 : i32
            %min3A_459 = vector.broadcast %min3A_458 : i32 to vector<16xi32>
            %min3A_460 = arith.minsi %sub3A_457, %min3A_459 : vector<16xi32>
            tpu.vector_store_idx %arg10[%min3A_460], %get3A_372 masked %ge3A_398 : memref<192xf32, #tpu.memory_space<vmem>>[vector<16xi32>], vector<16xf32>, vector<16xi1>
            %add3A_461 = arith.addi %add3A_448, %squeeze3A_410 : i32
            %convert_element_type3A_462 = arith.extui %ge3A_399 : vector<16xi1> to vector<16xi32>
            %broadcast_in_dim3A_463 = arith.constant true
            %broadcast_in_dim3A_464 = vector.broadcast %broadcast_in_dim3A_463 : i1 to vector<16xi1>
            %masked_cumsum3A_465 = tpu.scan <sum>, %convert_element_type3A_462 masked %broadcast_in_dim3A_464 : vector<16xi32>, vector<16xi1> -> vector<16xi32>
            %add3A_466 = vector.broadcast %add3A_461 : i32 to vector<16xi32>
            %add3A_467 = arith.addi %add3A_466, %masked_cumsum3A_465 : vector<16xi32>
            %sub3A_468 = arith.constant 1 : i32
            %sub3A_469 = vector.broadcast %sub3A_468 : i32 to vector<16xi32>
            %sub3A_470 = arith.subi %add3A_467, %sub3A_469 : vector<16xi32>
            %min3A_471 = arith.constant 191 : i32
            %min3A_472 = vector.broadcast %min3A_471 : i32 to vector<16xi32>
            %min3A_473 = arith.minsi %sub3A_470, %min3A_472 : vector<16xi32>
            tpu.vector_store_idx %arg10[%min3A_473], %get3A_376 masked %ge3A_399 : memref<192xf32, #tpu.memory_space<vmem>>[vector<16xi32>], vector<16xf32>, vector<16xi1>
            %add3A_474 = arith.addi %add3A_461, %squeeze3A_413 : i32
            %convert_element_type3A_475 = arith.extui %ge3A_400 : vector<16xi1> to vector<16xi32>
            %broadcast_in_dim3A_476 = arith.constant true
            %broadcast_in_dim3A_477 = vector.broadcast %broadcast_in_dim3A_476 : i1 to vector<16xi1>
            %masked_cumsum3A_478 = tpu.scan <sum>, %convert_element_type3A_475 masked %broadcast_in_dim3A_477 : vector<16xi32>, vector<16xi1> -> vector<16xi32>
            %add3A_479 = vector.broadcast %add3A_474 : i32 to vector<16xi32>
            %add3A_480 = arith.addi %add3A_479, %masked_cumsum3A_478 : vector<16xi32>
            %sub3A_481 = arith.constant 1 : i32
            %sub3A_482 = vector.broadcast %sub3A_481 : i32 to vector<16xi32>
            %sub3A_483 = arith.subi %add3A_480, %sub3A_482 : vector<16xi32>
            %min3A_484 = arith.constant 191 : i32
            %min3A_485 = vector.broadcast %min3A_484 : i32 to vector<16xi32>
            %min3A_486 = arith.minsi %sub3A_483, %min3A_485 : vector<16xi32>
            tpu.vector_store_idx %arg10[%min3A_486], %get3A_380 masked %ge3A_400 : memref<192xf32, #tpu.memory_space<vmem>>[vector<16xi32>], vector<16xf32>, vector<16xi1>
            %add3A_487 = arith.addi %add3A_474, %squeeze3A_416 : i32
            %convert_element_type3A_488 = arith.extui %ge3A_401 : vector<16xi1> to vector<16xi32>
            %broadcast_in_dim3A_489 = arith.constant true
            %broadcast_in_dim3A_490 = vector.broadcast %broadcast_in_dim3A_489 : i1 to vector<16xi1>
            %masked_cumsum3A_491 = tpu.scan <sum>, %convert_element_type3A_488 masked %broadcast_in_dim3A_490 : vector<16xi32>, vector<16xi1> -> vector<16xi32>
            %add3A_492 = vector.broadcast %add3A_487 : i32 to vector<16xi32>
            %add3A_493 = arith.addi %add3A_492, %masked_cumsum3A_491 : vector<16xi32>
            %sub3A_494 = arith.constant 1 : i32
            %sub3A_495 = vector.broadcast %sub3A_494 : i32 to vector<16xi32>
            %sub3A_496 = arith.subi %add3A_493, %sub3A_495 : vector<16xi32>
            %min3A_497 = arith.constant 191 : i32
            %min3A_498 = vector.broadcast %min3A_497 : i32 to vector<16xi32>
            %min3A_499 = arith.minsi %sub3A_496, %min3A_498 : vector<16xi32>
            tpu.vector_store_idx %arg10[%min3A_499], %get3A_384 masked %ge3A_401 : memref<192xf32, #tpu.memory_space<vmem>>[vector<16xi32>], vector<16xf32>, vector<16xi1>
            %add3A_500 = arith.addi %add3A_487, %squeeze3A_419 : i32
            %convert_element_type3A_501 = arith.extui %ge3A_402 : vector<16xi1> to vector<16xi32>
            %broadcast_in_dim3A_502 = arith.constant true
            %broadcast_in_dim3A_503 = vector.broadcast %broadcast_in_dim3A_502 : i1 to vector<16xi1>
            %masked_cumsum3A_504 = tpu.scan <sum>, %convert_element_type3A_501 masked %broadcast_in_dim3A_503 : vector<16xi32>, vector<16xi1> -> vector<16xi32>
            %add3A_505 = vector.broadcast %add3A_500 : i32 to vector<16xi32>
            %add3A_506 = arith.addi %add3A_505, %masked_cumsum3A_504 : vector<16xi32>
            %sub3A_507 = arith.constant 1 : i32
            %sub3A_508 = vector.broadcast %sub3A_507 : i32 to vector<16xi32>
            %sub3A_509 = arith.subi %add3A_506, %sub3A_508 : vector<16xi32>
            %min3A_510 = arith.constant 191 : i32
            %min3A_511 = vector.broadcast %min3A_510 : i32 to vector<16xi32>
            %min3A_512 = arith.minsi %sub3A_509, %min3A_511 : vector<16xi32>
            tpu.vector_store_idx %arg10[%min3A_512], %get3A_388 masked %ge3A_402 : memref<192xf32, #tpu.memory_space<vmem>>[vector<16xi32>], vector<16xf32>, vector<16xi1>
            %add3A_513 = arith.addi %add3A_500, %squeeze3A_422 : i32
            %convert_element_type3A_514 = arith.extui %ge3A_403 : vector<16xi1> to vector<16xi32>
            %broadcast_in_dim3A_515 = arith.constant true
            %broadcast_in_dim3A_516 = vector.broadcast %broadcast_in_dim3A_515 : i1 to vector<16xi1>
            %masked_cumsum3A_517 = tpu.scan <sum>, %convert_element_type3A_514 masked %broadcast_in_dim3A_516 : vector<16xi32>, vector<16xi1> -> vector<16xi32>
            %add3A_518 = vector.broadcast %add3A_513 : i32 to vector<16xi32>
            %add3A_519 = arith.addi %add3A_518, %masked_cumsum3A_517 : vector<16xi32>
            %sub3A_520 = arith.constant 1 : i32
            %sub3A_521 = vector.broadcast %sub3A_520 : i32 to vector<16xi32>
            %sub3A_522 = arith.subi %add3A_519, %sub3A_521 : vector<16xi32>
            %min3A_523 = arith.constant 191 : i32
            %min3A_524 = vector.broadcast %min3A_523 : i32 to vector<16xi32>
            %min3A_525 = arith.minsi %sub3A_522, %min3A_524 : vector<16xi32>
            tpu.vector_store_idx %arg10[%min3A_525], %get3A_392 masked %ge3A_403 : memref<192xf32, #tpu.memory_space<vmem>>[vector<16xi32>], vector<16xf32>, vector<16xi1>
            %add3A_526 = arith.addi %add3A_513, %squeeze3A_425 : i32
            %convert_element_type3A_527 = arith.extui %ge3A_404 : vector<16xi1> to vector<16xi32>
            %broadcast_in_dim3A_528 = arith.constant true
            %broadcast_in_dim3A_529 = vector.broadcast %broadcast_in_dim3A_528 : i1 to vector<16xi1>
            %masked_cumsum3A_530 = tpu.scan <sum>, %convert_element_type3A_527 masked %broadcast_in_dim3A_529 : vector<16xi32>, vector<16xi1> -> vector<16xi32>
            %add3A_531 = vector.broadcast %add3A_526 : i32 to vector<16xi32>
            %add3A_532 = arith.addi %add3A_531, %masked_cumsum3A_530 : vector<16xi32>
            %sub3A_533 = arith.constant 1 : i32
            %sub3A_534 = vector.broadcast %sub3A_533 : i32 to vector<16xi32>
            %sub3A_535 = arith.subi %add3A_532, %sub3A_534 : vector<16xi32>
            %min3A_536 = arith.constant 191 : i32
            %min3A_537 = vector.broadcast %min3A_536 : i32 to vector<16xi32>
            %min3A_538 = arith.minsi %sub3A_535, %min3A_537 : vector<16xi32>
            tpu.vector_store_idx %arg10[%min3A_538], %get3A_396 masked %ge3A_404 : memref<192xf32, #tpu.memory_space<vmem>>[vector<16xi32>], vector<16xf32>, vector<16xi1>
            %add3A_539 = arith.addi %add3A_526, %squeeze3A_428 : i32
            %ne3A = vector.broadcast %squeeze3A_359 : i32 to vector<16xi32>
            %ne3A_540 = arith.cmpi ne, %iota3A, %ne3A : vector<16xi32>
            %and3A = arith.andi %while3A_357, %ne3A_540 : vector<16xi1>
            scf.yield %and3A : vector<16xi1>
          }
        } else {
        }
      }
      %scan3A_100 = arith.constant 7 : i32
      %dma_wait3A_101 = arith.constant 43008 : i32
      %dma_wait3A_102 = tpu.memref_slice %arg2[%add3A_23, %dma_wait3A_101] : memref<1024x100352xf32, #tpu.memory_space<hbm>> -> memref<1x14336xf32, #tpu.memory_space<hbm>>
      %dma_wait3A_103 = tpu.memref_squeeze %dma_wait3A_102 : memref<1x14336xf32, #tpu.memory_space<hbm>> -> memref<14336xf32, #tpu.memory_space<hbm>>
      %dma_wait3A_104 = arith.constant 43008 : i32
      %dma_wait3A_105 = tpu.memref_slice %arg2[%add3A_23, %dma_wait3A_104] : memref<1024x100352xf32, #tpu.memory_space<hbm>> -> memref<1x14336xf32, #tpu.memory_space<hbm>>
      %dma_wait3A_106 = tpu.memref_squeeze %dma_wait3A_105 : memref<1x14336xf32, #tpu.memory_space<hbm>> -> memref<14336xf32, #tpu.memory_space<hbm>>
      tpu.wait_dma2 semaphore(%arg13 : memref<!tpu.dma_semaphore, #tpu.memory_space<semaphore_mem>>) src(%dma_wait3A_106 : memref<14336xf32, #tpu.memory_space<hbm>>) dst(%arg7 : memref<14336xf32, #tpu.memory_space<vmem>>)
      %add3A_107 = arith.constant 0 : i32
      %add3A_108 = arith.addi %add3A_21, %add3A_107 : i32
      %dma_start3A_109 = arith.constant 57344 : i32
      %dma_start3A_110 = tpu.memref_slice %arg2[%add3A_108, %dma_start3A_109] : memref<1024x100352xf32, #tpu.memory_space<hbm>> -> memref<1x14336xf32, #tpu.memory_space<hbm>>
      %dma_start3A_111 = tpu.memref_squeeze %dma_start3A_110 : memref<1x14336xf32, #tpu.memory_space<hbm>> -> memref<14336xf32, #tpu.memory_space<hbm>>
      %dma_start3A_112 = arith.constant 57344 : i32
      %dma_start3A_113 = tpu.memref_slice %arg2[%add3A_108, %dma_start3A_112] : memref<1024x100352xf32, #tpu.memory_space<hbm>> -> memref<1x14336xf32, #tpu.memory_space<hbm>>
      %dma_start3A_114 = tpu.memref_squeeze %dma_start3A_113 : memref<1x14336xf32, #tpu.memory_space<hbm>> -> memref<14336xf32, #tpu.memory_space<hbm>>
      tpu.enqueue_dma source(%dma_start3A_114 : memref<14336xf32, #tpu.memory_space<hbm>>) target(%arg6 : memref<14336xf32, #tpu.memory_space<vmem>>) target_semaphore(%arg12 : memref<!tpu.dma_semaphore, #tpu.memory_space<semaphore_mem>>)
      %scan3A_115 = arith.constant 0 : i32
      %scan3A_116 = arith.constant 0 : i32
      %scan3A_117 = arith.constant 7 : i32
      %scan3A_118 = arith.addi %scan3A_116, %scan3A_117 : i32
      %scan3A_119 = arith.constant 1 : i32
      scf.for %scan3A_346 = %scan3A_116 to %scan3A_118 step %scan3A_119  : i32 {
        %mul3A_347 = arith.constant 16 : i32
        %mul3A_348 = arith.muli %scan3A_346, %mul3A_347 : i32
        %add3A_349 = arith.constant 336 : i32
        %add3A_350 = arith.addi %add3A_349, %mul3A_348 : i32
        %get3A_351 = arith.constant 0 : i32
        %get3A_352 = arith.index_cast %get3A_351 : i32 to index
        %get3A_353 = arith.index_cast %add3A_350 : i32 to index
        %get3A_354 = tpu.vector_load %arg8[%get3A_352, %get3A_353] {strides = array<i32>} : memref<2x784xf32, #tpu.memory_space<vmem>>, vector<16xf32>,
        %ge3A = arith.cmpf oge, %get3A_354, %get3A_29 : vector<16xf32>
        %all_reduce_population_count3A = tpu.all_reduce %ge3A {dim = 0 : i64, kind = #tpu.reduction_kind<sum>} : vector<16xi1> -> vector<16xi32>
        %slice3A = vector.extract_strided_slice %all_reduce_population_count3A {offsets = [0], sizes = [1], strides = [1]} : vector<16xi32> to vector<1xi32>
        %squeeze3A = vector.extract %slice3A[0] : i32 from vector<1xi32>
        %gt3A = arith.constant 0 : i32
        %gt3A_355 = arith.cmpi sgt, %squeeze3A, %gt3A : i32
        %convert_element_type3A = arith.extui %gt3A_355 : i1 to i32
        %cond3A = arith.constant 0 : i32
        %cond3A_356 = arith.cmpi ne, %convert_element_type3A, %cond3A : i32
        scf.if %cond3A_356 {
          %while3A = scf.while (%while3A_357 = %ge3A) : (vector<16xi1>) -> vector<16xi1> {
            %all_reduce_population_count3A_358 = tpu.all_reduce %while3A_357 {dim = 0 : i64, kind = #tpu.reduction_kind<sum>} : vector<16xi1> -> vector<16xi32>
            %slice3A_359 = vector.extract_strided_slice %all_reduce_population_count3A_358 {offsets = [0], sizes = [1], strides = [1]} : vector<16xi32> to vector<1xi32>
            %squeeze3A_360 = vector.extract %slice3A_359[0] : i32 from vector<1xi32>
            %gt3A_361 = arith.constant 0 : i32
            %gt3A_362 = arith.cmpi sgt, %squeeze3A_360, %gt3A_361 : i32
            scf.condition(%gt3A_362) %while3A_357 : vector<16xi1>
          } do {
          ^bb0(%while3A_357: vector<16xi1>):
            %all_reduce_ffs3A = tpu.all_reduce %while3A_357 {dim = 0 : i64, kind = #tpu.reduction_kind<find_first_set>} : vector<16xi1> -> vector<16xi32>
            %slice3A_358 = vector.extract_strided_slice %all_reduce_ffs3A {offsets = [0], sizes = [1], strides = [1]} : vector<16xi32> to vector<1xi32>
            %squeeze3A_359 = vector.extract %slice3A_358[0] : i32 from vector<1xi32>
            %mul3A_360 = arith.constant 16 : i32
            %mul3A_361 = arith.muli %scan3A_346, %mul3A_360 : i32
            %add3A_362 = arith.addi %mul3A_361, %squeeze3A_359 : i32
            %mul3A_363 = arith.constant 128 : i32
            %mul3A_364 = arith.muli %add3A_362, %mul3A_363 : i32
            %add3A_365 = arith.constant 0 : i32
            %add3A_366 = arith.addi %mul3A_364, %add3A_365 : i32
            %get3A_367 = arith.index_cast %add3A_366 : i32 to index
            %get3A_368 = tpu.vector_load %arg7[%get3A_367] {strides = array<i32>} : memref<14336xf32, #tpu.memory_space<vmem>>, vector<16xf32>,
            %add3A_369 = arith.constant 16 : i32
            %add3A_370 = arith.addi %mul3A_364, %add3A_369 : i32
            %get3A_371 = arith.index_cast %add3A_370 : i32 to index
            %get3A_372 = tpu.vector_load %arg7[%get3A_371] {strides = array<i32>} : memref<14336xf32, #tpu.memory_space<vmem>>, vector<16xf32>,
            %add3A_373 = arith.constant 32 : i32
            %add3A_374 = arith.addi %mul3A_364, %add3A_373 : i32
            %get3A_375 = arith.index_cast %add3A_374 : i32 to index
            %get3A_376 = tpu.vector_load %arg7[%get3A_375] {strides = array<i32>} : memref<14336xf32, #tpu.memory_space<vmem>>, vector<16xf32>,
            %add3A_377 = arith.constant 48 : i32
            %add3A_378 = arith.addi %mul3A_364, %add3A_377 : i32
            %get3A_379 = arith.index_cast %add3A_378 : i32 to index
            %get3A_380 = tpu.vector_load %arg7[%get3A_379] {strides = array<i32>} : memref<14336xf32, #tpu.memory_space<vmem>>, vector<16xf32>,
            %add3A_381 = arith.constant 64 : i32
            %add3A_382 = arith.addi %mul3A_364, %add3A_381 : i32
            %get3A_383 = arith.index_cast %add3A_382 : i32 to index
            %get3A_384 = tpu.vector_load %arg7[%get3A_383] {strides = array<i32>} : memref<14336xf32, #tpu.memory_space<vmem>>, vector<16xf32>,
            %add3A_385 = arith.constant 80 : i32
            %add3A_386 = arith.addi %mul3A_364, %add3A_385 : i32
            %get3A_387 = arith.index_cast %add3A_386 : i32 to index
            %get3A_388 = tpu.vector_load %arg7[%get3A_387] {strides = array<i32>} : memref<14336xf32, #tpu.memory_space<vmem>>, vector<16xf32>,
            %add3A_389 = arith.constant 96 : i32
            %add3A_390 = arith.addi %mul3A_364, %add3A_389 : i32
            %get3A_391 = arith.index_cast %add3A_390 : i32 to index
            %get3A_392 = tpu.vector_load %arg7[%get3A_391] {strides = array<i32>} : memref<14336xf32, #tpu.memory_space<vmem>>, vector<16xf32>,
            %add3A_393 = arith.constant 112 : i32
            %add3A_394 = arith.addi %mul3A_364, %add3A_393 : i32
            %get3A_395 = arith.index_cast %add3A_394 : i32 to index
            %get3A_396 = tpu.vector_load %arg7[%get3A_395] {strides = array<i32>} : memref<14336xf32, #tpu.memory_space<vmem>>, vector<16xf32>,
            %ge3A_397 = arith.cmpf oge, %get3A_368, %get3A_29 : vector<16xf32>
            %ge3A_398 = arith.cmpf oge, %get3A_372, %get3A_29 : vector<16xf32>
            %ge3A_399 = arith.cmpf oge, %get3A_376, %get3A_29 : vector<16xf32>
            %ge3A_400 = arith.cmpf oge, %get3A_380, %get3A_29 : vector<16xf32>
            %ge3A_401 = arith.cmpf oge, %get3A_384, %get3A_29 : vector<16xf32>
            %ge3A_402 = arith.cmpf oge, %get3A_388, %get3A_29 : vector<16xf32>
            %ge3A_403 = arith.cmpf oge, %get3A_392, %get3A_29 : vector<16xf32>
            %ge3A_404 = arith.cmpf oge, %get3A_396, %get3A_29 : vector<16xf32>
            %all_reduce_population_count3A_405 = tpu.all_reduce %ge3A_397 {dim = 0 : i64, kind = #tpu.reduction_kind<sum>} : vector<16xi1> -> vector<16xi32>
            %slice3A_406 = vector.extract_strided_slice %all_reduce_population_count3A_405 {offsets = [0], sizes = [1], strides = [1]} : vector<16xi32> to vector<1xi32>
            %squeeze3A_407 = vector.extract %slice3A_406[0] : i32 from vector<1xi32>
            %all_reduce_population_count3A_408 = tpu.all_reduce %ge3A_398 {dim = 0 : i64, kind = #tpu.reduction_kind<sum>} : vector<16xi1> -> vector<16xi32>
            %slice3A_409 = vector.extract_strided_slice %all_reduce_population_count3A_408 {offsets = [0], sizes = [1], strides = [1]} : vector<16xi32> to vector<1xi32>
            %squeeze3A_410 = vector.extract %slice3A_409[0] : i32 from vector<1xi32>
            %all_reduce_population_count3A_411 = tpu.all_reduce %ge3A_399 {dim = 0 : i64, kind = #tpu.reduction_kind<sum>} : vector<16xi1> -> vector<16xi32>
            %slice3A_412 = vector.extract_strided_slice %all_reduce_population_count3A_411 {offsets = [0], sizes = [1], strides = [1]} : vector<16xi32> to vector<1xi32>
            %squeeze3A_413 = vector.extract %slice3A_412[0] : i32 from vector<1xi32>
            %all_reduce_population_count3A_414 = tpu.all_reduce %ge3A_400 {dim = 0 : i64, kind = #tpu.reduction_kind<sum>} : vector<16xi1> -> vector<16xi32>
            %slice3A_415 = vector.extract_strided_slice %all_reduce_population_count3A_414 {offsets = [0], sizes = [1], strides = [1]} : vector<16xi32> to vector<1xi32>
            %squeeze3A_416 = vector.extract %slice3A_415[0] : i32 from vector<1xi32>
            %all_reduce_population_count3A_417 = tpu.all_reduce %ge3A_401 {dim = 0 : i64, kind = #tpu.reduction_kind<sum>} : vector<16xi1> -> vector<16xi32>
            %slice3A_418 = vector.extract_strided_slice %all_reduce_population_count3A_417 {offsets = [0], sizes = [1], strides = [1]} : vector<16xi32> to vector<1xi32>
            %squeeze3A_419 = vector.extract %slice3A_418[0] : i32 from vector<1xi32>
            %all_reduce_population_count3A_420 = tpu.all_reduce %ge3A_402 {dim = 0 : i64, kind = #tpu.reduction_kind<sum>} : vector<16xi1> -> vector<16xi32>
            %slice3A_421 = vector.extract_strided_slice %all_reduce_population_count3A_420 {offsets = [0], sizes = [1], strides = [1]} : vector<16xi32> to vector<1xi32>
            %squeeze3A_422 = vector.extract %slice3A_421[0] : i32 from vector<1xi32>
            %all_reduce_population_count3A_423 = tpu.all_reduce %ge3A_403 {dim = 0 : i64, kind = #tpu.reduction_kind<sum>} : vector<16xi1> -> vector<16xi32>
            %slice3A_424 = vector.extract_strided_slice %all_reduce_population_count3A_423 {offsets = [0], sizes = [1], strides = [1]} : vector<16xi32> to vector<1xi32>
            %squeeze3A_425 = vector.extract %slice3A_424[0] : i32 from vector<1xi32>
            %all_reduce_population_count3A_426 = tpu.all_reduce %ge3A_404 {dim = 0 : i64, kind = #tpu.reduction_kind<sum>} : vector<16xi1> -> vector<16xi32>
            %slice3A_427 = vector.extract_strided_slice %all_reduce_population_count3A_426 {offsets = [0], sizes = [1], strides = [1]} : vector<16xi32> to vector<1xi32>
            %squeeze3A_428 = vector.extract %slice3A_427[0] : i32 from vector<1xi32>
            %add3A_429 = arith.addi %squeeze3A_407, %squeeze3A_410 : i32
            %add3A_430 = arith.addi %add3A_429, %squeeze3A_413 : i32
            %add3A_431 = arith.addi %add3A_430, %squeeze3A_416 : i32
            %add3A_432 = arith.addi %add3A_431, %squeeze3A_419 : i32
            %add3A_433 = arith.addi %add3A_432, %squeeze3A_422 : i32
            %add3A_434 = arith.addi %add3A_433, %squeeze3A_425 : i32
            %add3A_435 = arith.addi %add3A_434, %squeeze3A_428 : i32
            %sc_fetch_and_add3A_436 = arith.constant 0 : i32
            %sc_fetch_and_add3A_437 = tpu.fetch_and_add_sync %arg11[%sc_fetch_and_add3A_436], %add3A_435, %arg1 : memref<1xi32, #tpu.memory_space<smem>>, i32 -> i32
            %convert_element_type3A_438 = arith.extui %ge3A_397 : vector<16xi1> to vector<16xi32>
            %broadcast_in_dim3A = arith.constant true
            %broadcast_in_dim3A_439 = vector.broadcast %broadcast_in_dim3A : i1 to vector<16xi1>
            %masked_cumsum3A = tpu.scan <sum>, %convert_element_type3A_438 masked %broadcast_in_dim3A_439 : vector<16xi32>, vector<16xi1> -> vector<16xi32>
            %add3A_440 = vector.broadcast %sc_fetch_and_add3A_437 : i32 to vector<16xi32>
            %add3A_441 = arith.addi %add3A_440, %masked_cumsum3A : vector<16xi32>
            %sub3A_442 = arith.constant 1 : i32
            %sub3A_443 = vector.broadcast %sub3A_442 : i32 to vector<16xi32>
            %sub3A_444 = arith.subi %add3A_441, %sub3A_443 : vector<16xi32>
            %min3A_445 = arith.constant 191 : i32
            %min3A_446 = vector.broadcast %min3A_445 : i32 to vector<16xi32>
            %min3A_447 = arith.minsi %sub3A_444, %min3A_446 : vector<16xi32>
            tpu.vector_store_idx %arg10[%min3A_447], %get3A_368 masked %ge3A_397 : memref<192xf32, #tpu.memory_space<vmem>>[vector<16xi32>], vector<16xf32>, vector<16xi1>
            %add3A_448 = arith.addi %sc_fetch_and_add3A_437, %squeeze3A_407 : i32
            %convert_element_type3A_449 = arith.extui %ge3A_398 : vector<16xi1> to vector<16xi32>
            %broadcast_in_dim3A_450 = arith.constant true
            %broadcast_in_dim3A_451 = vector.broadcast %broadcast_in_dim3A_450 : i1 to vector<16xi1>
            %masked_cumsum3A_452 = tpu.scan <sum>, %convert_element_type3A_449 masked %broadcast_in_dim3A_451 : vector<16xi32>, vector<16xi1> -> vector<16xi32>
            %add3A_453 = vector.broadcast %add3A_448 : i32 to vector<16xi32>
            %add3A_454 = arith.addi %add3A_453, %masked_cumsum3A_452 : vector<16xi32>
            %sub3A_455 = arith.constant 1 : i32
            %sub3A_456 = vector.broadcast %sub3A_455 : i32 to vector<16xi32>
            %sub3A_457 = arith.subi %add3A_454, %sub3A_456 : vector<16xi32>
            %min3A_458 = arith.constant 191 : i32
            %min3A_459 = vector.broadcast %min3A_458 : i32 to vector<16xi32>
            %min3A_460 = arith.minsi %sub3A_457, %min3A_459 : vector<16xi32>
            tpu.vector_store_idx %arg10[%min3A_460], %get3A_372 masked %ge3A_398 : memref<192xf32, #tpu.memory_space<vmem>>[vector<16xi32>], vector<16xf32>, vector<16xi1>
            %add3A_461 = arith.addi %add3A_448, %squeeze3A_410 : i32
            %convert_element_type3A_462 = arith.extui %ge3A_399 : vector<16xi1> to vector<16xi32>
            %broadcast_in_dim3A_463 = arith.constant true
            %broadcast_in_dim3A_464 = vector.broadcast %broadcast_in_dim3A_463 : i1 to vector<16xi1>
            %masked_cumsum3A_465 = tpu.scan <sum>, %convert_element_type3A_462 masked %broadcast_in_dim3A_464 : vector<16xi32>, vector<16xi1> -> vector<16xi32>
            %add3A_466 = vector.broadcast %add3A_461 : i32 to vector<16xi32>
            %add3A_467 = arith.addi %add3A_466, %masked_cumsum3A_465 : vector<16xi32>
            %sub3A_468 = arith.constant 1 : i32
            %sub3A_469 = vector.broadcast %sub3A_468 : i32 to vector<16xi32>
            %sub3A_470 = arith.subi %add3A_467, %sub3A_469 : vector<16xi32>
            %min3A_471 = arith.constant 191 : i32
            %min3A_472 = vector.broadcast %min3A_471 : i32 to vector<16xi32>
            %min3A_473 = arith.minsi %sub3A_470, %min3A_472 : vector<16xi32>
            tpu.vector_store_idx %arg10[%min3A_473], %get3A_376 masked %ge3A_399 : memref<192xf32, #tpu.memory_space<vmem>>[vector<16xi32>], vector<16xf32>, vector<16xi1>
            %add3A_474 = arith.addi %add3A_461, %squeeze3A_413 : i32
            %convert_element_type3A_475 = arith.extui %ge3A_400 : vector<16xi1> to vector<16xi32>
            %broadcast_in_dim3A_476 = arith.constant true
            %broadcast_in_dim3A_477 = vector.broadcast %broadcast_in_dim3A_476 : i1 to vector<16xi1>
            %masked_cumsum3A_478 = tpu.scan <sum>, %convert_element_type3A_475 masked %broadcast_in_dim3A_477 : vector<16xi32>, vector<16xi1> -> vector<16xi32>
            %add3A_479 = vector.broadcast %add3A_474 : i32 to vector<16xi32>
            %add3A_480 = arith.addi %add3A_479, %masked_cumsum3A_478 : vector<16xi32>
            %sub3A_481 = arith.constant 1 : i32
            %sub3A_482 = vector.broadcast %sub3A_481 : i32 to vector<16xi32>
            %sub3A_483 = arith.subi %add3A_480, %sub3A_482 : vector<16xi32>
            %min3A_484 = arith.constant 191 : i32
            %min3A_485 = vector.broadcast %min3A_484 : i32 to vector<16xi32>
            %min3A_486 = arith.minsi %sub3A_483, %min3A_485 : vector<16xi32>
            tpu.vector_store_idx %arg10[%min3A_486], %get3A_380 masked %ge3A_400 : memref<192xf32, #tpu.memory_space<vmem>>[vector<16xi32>], vector<16xf32>, vector<16xi1>
            %add3A_487 = arith.addi %add3A_474, %squeeze3A_416 : i32
            %convert_element_type3A_488 = arith.extui %ge3A_401 : vector<16xi1> to vector<16xi32>
            %broadcast_in_dim3A_489 = arith.constant true
            %broadcast_in_dim3A_490 = vector.broadcast %broadcast_in_dim3A_489 : i1 to vector<16xi1>
            %masked_cumsum3A_491 = tpu.scan <sum>, %convert_element_type3A_488 masked %broadcast_in_dim3A_490 : vector<16xi32>, vector<16xi1> -> vector<16xi32>
            %add3A_492 = vector.broadcast %add3A_487 : i32 to vector<16xi32>
            %add3A_493 = arith.addi %add3A_492, %masked_cumsum3A_491 : vector<16xi32>
            %sub3A_494 = arith.constant 1 : i32
            %sub3A_495 = vector.broadcast %sub3A_494 : i32 to vector<16xi32>
            %sub3A_496 = arith.subi %add3A_493, %sub3A_495 : vector<16xi32>
            %min3A_497 = arith.constant 191 : i32
            %min3A_498 = vector.broadcast %min3A_497 : i32 to vector<16xi32>
            %min3A_499 = arith.minsi %sub3A_496, %min3A_498 : vector<16xi32>
            tpu.vector_store_idx %arg10[%min3A_499], %get3A_384 masked %ge3A_401 : memref<192xf32, #tpu.memory_space<vmem>>[vector<16xi32>], vector<16xf32>, vector<16xi1>
            %add3A_500 = arith.addi %add3A_487, %squeeze3A_419 : i32
            %convert_element_type3A_501 = arith.extui %ge3A_402 : vector<16xi1> to vector<16xi32>
            %broadcast_in_dim3A_502 = arith.constant true
            %broadcast_in_dim3A_503 = vector.broadcast %broadcast_in_dim3A_502 : i1 to vector<16xi1>
            %masked_cumsum3A_504 = tpu.scan <sum>, %convert_element_type3A_501 masked %broadcast_in_dim3A_503 : vector<16xi32>, vector<16xi1> -> vector<16xi32>
            %add3A_505 = vector.broadcast %add3A_500 : i32 to vector<16xi32>
            %add3A_506 = arith.addi %add3A_505, %masked_cumsum3A_504 : vector<16xi32>
            %sub3A_507 = arith.constant 1 : i32
            %sub3A_508 = vector.broadcast %sub3A_507 : i32 to vector<16xi32>
            %sub3A_509 = arith.subi %add3A_506, %sub3A_508 : vector<16xi32>
            %min3A_510 = arith.constant 191 : i32
            %min3A_511 = vector.broadcast %min3A_510 : i32 to vector<16xi32>
            %min3A_512 = arith.minsi %sub3A_509, %min3A_511 : vector<16xi32>
            tpu.vector_store_idx %arg10[%min3A_512], %get3A_388 masked %ge3A_402 : memref<192xf32, #tpu.memory_space<vmem>>[vector<16xi32>], vector<16xf32>, vector<16xi1>
            %add3A_513 = arith.addi %add3A_500, %squeeze3A_422 : i32
            %convert_element_type3A_514 = arith.extui %ge3A_403 : vector<16xi1> to vector<16xi32>
            %broadcast_in_dim3A_515 = arith.constant true
            %broadcast_in_dim3A_516 = vector.broadcast %broadcast_in_dim3A_515 : i1 to vector<16xi1>
            %masked_cumsum3A_517 = tpu.scan <sum>, %convert_element_type3A_514 masked %broadcast_in_dim3A_516 : vector<16xi32>, vector<16xi1> -> vector<16xi32>
            %add3A_518 = vector.broadcast %add3A_513 : i32 to vector<16xi32>
            %add3A_519 = arith.addi %add3A_518, %masked_cumsum3A_517 : vector<16xi32>
            %sub3A_520 = arith.constant 1 : i32
            %sub3A_521 = vector.broadcast %sub3A_520 : i32 to vector<16xi32>
            %sub3A_522 = arith.subi %add3A_519, %sub3A_521 : vector<16xi32>
            %min3A_523 = arith.constant 191 : i32
            %min3A_524 = vector.broadcast %min3A_523 : i32 to vector<16xi32>
            %min3A_525 = arith.minsi %sub3A_522, %min3A_524 : vector<16xi32>
            tpu.vector_store_idx %arg10[%min3A_525], %get3A_392 masked %ge3A_403 : memref<192xf32, #tpu.memory_space<vmem>>[vector<16xi32>], vector<16xf32>, vector<16xi1>
            %add3A_526 = arith.addi %add3A_513, %squeeze3A_425 : i32
            %convert_element_type3A_527 = arith.extui %ge3A_404 : vector<16xi1> to vector<16xi32>
            %broadcast_in_dim3A_528 = arith.constant true
            %broadcast_in_dim3A_529 = vector.broadcast %broadcast_in_dim3A_528 : i1 to vector<16xi1>
            %masked_cumsum3A_530 = tpu.scan <sum>, %convert_element_type3A_527 masked %broadcast_in_dim3A_529 : vector<16xi32>, vector<16xi1> -> vector<16xi32>
            %add3A_531 = vector.broadcast %add3A_526 : i32 to vector<16xi32>
            %add3A_532 = arith.addi %add3A_531, %masked_cumsum3A_530 : vector<16xi32>
            %sub3A_533 = arith.constant 1 : i32
            %sub3A_534 = vector.broadcast %sub3A_533 : i32 to vector<16xi32>
            %sub3A_535 = arith.subi %add3A_532, %sub3A_534 : vector<16xi32>
            %min3A_536 = arith.constant 191 : i32
            %min3A_537 = vector.broadcast %min3A_536 : i32 to vector<16xi32>
            %min3A_538 = arith.minsi %sub3A_535, %min3A_537 : vector<16xi32>
            tpu.vector_store_idx %arg10[%min3A_538], %get3A_396 masked %ge3A_404 : memref<192xf32, #tpu.memory_space<vmem>>[vector<16xi32>], vector<16xf32>, vector<16xi1>
            %add3A_539 = arith.addi %add3A_526, %squeeze3A_428 : i32
            %ne3A = vector.broadcast %squeeze3A_359 : i32 to vector<16xi32>
            %ne3A_540 = arith.cmpi ne, %iota3A, %ne3A : vector<16xi32>
            %and3A = arith.andi %while3A_357, %ne3A_540 : vector<16xi1>
            scf.yield %and3A : vector<16xi1>
          }
        } else {
        }
      }
      %scan3A_120 = arith.constant 7 : i32
      %dma_wait3A_121 = arith.constant 57344 : i32
      %dma_wait3A_122 = tpu.memref_slice %arg2[%add3A_23, %dma_wait3A_121] : memref<1024x100352xf32, #tpu.memory_space<hbm>> -> memref<1x14336xf32, #tpu.memory_space<hbm>>
      %dma_wait3A_123 = tpu.memref_squeeze %dma_wait3A_122 : memref<1x14336xf32, #tpu.memory_space<hbm>> -> memref<14336xf32, #tpu.memory_space<hbm>>
      %dma_wait3A_124 = arith.constant 57344 : i32
      %dma_wait3A_125 = tpu.memref_slice %arg2[%add3A_23, %dma_wait3A_124] : memref<1024x100352xf32, #tpu.memory_space<hbm>> -> memref<1x14336xf32, #tpu.memory_space<hbm>>
      %dma_wait3A_126 = tpu.memref_squeeze %dma_wait3A_125 : memref<1x14336xf32, #tpu.memory_space<hbm>> -> memref<14336xf32, #tpu.memory_space<hbm>>
      tpu.wait_dma2 semaphore(%arg12 : memref<!tpu.dma_semaphore, #tpu.memory_space<semaphore_mem>>) src(%dma_wait3A_126 : memref<14336xf32, #tpu.memory_space<hbm>>) dst(%arg6 : memref<14336xf32, #tpu.memory_space<vmem>>)
      %add3A_127 = arith.constant 0 : i32
      %add3A_128 = arith.addi %add3A_21, %add3A_127 : i32
      %dma_start3A_129 = arith.constant 71680 : i32
      %dma_start3A_130 = tpu.memref_slice %arg2[%add3A_128, %dma_start3A_129] : memref<1024x100352xf32, #tpu.memory_space<hbm>> -> memref<1x14336xf32, #tpu.memory_space<hbm>>
      %dma_start3A_131 = tpu.memref_squeeze %dma_start3A_130 : memref<1x14336xf32, #tpu.memory_space<hbm>> -> memref<14336xf32, #tpu.memory_space<hbm>>
      %dma_start3A_132 = arith.constant 71680 : i32
      %dma_start3A_133 = tpu.memref_slice %arg2[%add3A_128, %dma_start3A_132] : memref<1024x100352xf32, #tpu.memory_space<hbm>> -> memref<1x14336xf32, #tpu.memory_space<hbm>>
      %dma_start3A_134 = tpu.memref_squeeze %dma_start3A_133 : memref<1x14336xf32, #tpu.memory_space<hbm>> -> memref<14336xf32, #tpu.memory_space<hbm>>
      tpu.enqueue_dma source(%dma_start3A_134 : memref<14336xf32, #tpu.memory_space<hbm>>) target(%arg7 : memref<14336xf32, #tpu.memory_space<vmem>>) target_semaphore(%arg13 : memref<!tpu.dma_semaphore, #tpu.memory_space<semaphore_mem>>)
      %scan3A_135 = arith.constant 0 : i32
      %scan3A_136 = arith.constant 0 : i32
      %scan3A_137 = arith.constant 7 : i32
      %scan3A_138 = arith.addi %scan3A_136, %scan3A_137 : i32
      %scan3A_139 = arith.constant 1 : i32
      scf.for %scan3A_346 = %scan3A_136 to %scan3A_138 step %scan3A_139  : i32 {
        %mul3A_347 = arith.constant 16 : i32
        %mul3A_348 = arith.muli %scan3A_346, %mul3A_347 : i32
        %add3A_349 = arith.constant 448 : i32
        %add3A_350 = arith.addi %add3A_349, %mul3A_348 : i32
        %get3A_351 = arith.constant 0 : i32
        %get3A_352 = arith.index_cast %get3A_351 : i32 to index
        %get3A_353 = arith.index_cast %add3A_350 : i32 to index
        %get3A_354 = tpu.vector_load %arg8[%get3A_352, %get3A_353] {strides = array<i32>} : memref<2x784xf32, #tpu.memory_space<vmem>>, vector<16xf32>,
        %ge3A = arith.cmpf oge, %get3A_354, %get3A_29 : vector<16xf32>
        %all_reduce_population_count3A = tpu.all_reduce %ge3A {dim = 0 : i64, kind = #tpu.reduction_kind<sum>} : vector<16xi1> -> vector<16xi32>
        %slice3A = vector.extract_strided_slice %all_reduce_population_count3A {offsets = [0], sizes = [1], strides = [1]} : vector<16xi32> to vector<1xi32>
        %squeeze3A = vector.extract %slice3A[0] : i32 from vector<1xi32>
        %gt3A = arith.constant 0 : i32
        %gt3A_355 = arith.cmpi sgt, %squeeze3A, %gt3A : i32
        %convert_element_type3A = arith.extui %gt3A_355 : i1 to i32
        %cond3A = arith.constant 0 : i32
        %cond3A_356 = arith.cmpi ne, %convert_element_type3A, %cond3A : i32
        scf.if %cond3A_356 {
          %while3A = scf.while (%while3A_357 = %ge3A) : (vector<16xi1>) -> vector<16xi1> {
            %all_reduce_population_count3A_358 = tpu.all_reduce %while3A_357 {dim = 0 : i64, kind = #tpu.reduction_kind<sum>} : vector<16xi1> -> vector<16xi32>
            %slice3A_359 = vector.extract_strided_slice %all_reduce_population_count3A_358 {offsets = [0], sizes = [1], strides = [1]} : vector<16xi32> to vector<1xi32>
            %squeeze3A_360 = vector.extract %slice3A_359[0] : i32 from vector<1xi32>
            %gt3A_361 = arith.constant 0 : i32
            %gt3A_362 = arith.cmpi sgt, %squeeze3A_360, %gt3A_361 : i32
            scf.condition(%gt3A_362) %while3A_357 : vector<16xi1>
          } do {
          ^bb0(%while3A_357: vector<16xi1>):
            %all_reduce_ffs3A = tpu.all_reduce %while3A_357 {dim = 0 : i64, kind = #tpu.reduction_kind<find_first_set>} : vector<16xi1> -> vector<16xi32>
            %slice3A_358 = vector.extract_strided_slice %all_reduce_ffs3A {offsets = [0], sizes = [1], strides = [1]} : vector<16xi32> to vector<1xi32>
            %squeeze3A_359 = vector.extract %slice3A_358[0] : i32 from vector<1xi32>
            %mul3A_360 = arith.constant 16 : i32
            %mul3A_361 = arith.muli %scan3A_346, %mul3A_360 : i32
            %add3A_362 = arith.addi %mul3A_361, %squeeze3A_359 : i32
            %mul3A_363 = arith.constant 128 : i32
            %mul3A_364 = arith.muli %add3A_362, %mul3A_363 : i32
            %add3A_365 = arith.constant 0 : i32
            %add3A_366 = arith.addi %mul3A_364, %add3A_365 : i32
            %get3A_367 = arith.index_cast %add3A_366 : i32 to index
            %get3A_368 = tpu.vector_load %arg6[%get3A_367] {strides = array<i32>} : memref<14336xf32, #tpu.memory_space<vmem>>, vector<16xf32>,
            %add3A_369 = arith.constant 16 : i32
            %add3A_370 = arith.addi %mul3A_364, %add3A_369 : i32
            %get3A_371 = arith.index_cast %add3A_370 : i32 to index
            %get3A_372 = tpu.vector_load %arg6[%get3A_371] {strides = array<i32>} : memref<14336xf32, #tpu.memory_space<vmem>>, vector<16xf32>,
            %add3A_373 = arith.constant 32 : i32
            %add3A_374 = arith.addi %mul3A_364, %add3A_373 : i32
            %get3A_375 = arith.index_cast %add3A_374 : i32 to index
            %get3A_376 = tpu.vector_load %arg6[%get3A_375] {strides = array<i32>} : memref<14336xf32, #tpu.memory_space<vmem>>, vector<16xf32>,
            %add3A_377 = arith.constant 48 : i32
            %add3A_378 = arith.addi %mul3A_364, %add3A_377 : i32
            %get3A_379 = arith.index_cast %add3A_378 : i32 to index
            %get3A_380 = tpu.vector_load %arg6[%get3A_379] {strides = array<i32>} : memref<14336xf32, #tpu.memory_space<vmem>>, vector<16xf32>,
            %add3A_381 = arith.constant 64 : i32
            %add3A_382 = arith.addi %mul3A_364, %add3A_381 : i32
            %get3A_383 = arith.index_cast %add3A_382 : i32 to index
            %get3A_384 = tpu.vector_load %arg6[%get3A_383] {strides = array<i32>} : memref<14336xf32, #tpu.memory_space<vmem>>, vector<16xf32>,
            %add3A_385 = arith.constant 80 : i32
            %add3A_386 = arith.addi %mul3A_364, %add3A_385 : i32
            %get3A_387 = arith.index_cast %add3A_386 : i32 to index
            %get3A_388 = tpu.vector_load %arg6[%get3A_387] {strides = array<i32>} : memref<14336xf32, #tpu.memory_space<vmem>>, vector<16xf32>,
            %add3A_389 = arith.constant 96 : i32
            %add3A_390 = arith.addi %mul3A_364, %add3A_389 : i32
            %get3A_391 = arith.index_cast %add3A_390 : i32 to index
            %get3A_392 = tpu.vector_load %arg6[%get3A_391] {strides = array<i32>} : memref<14336xf32, #tpu.memory_space<vmem>>, vector<16xf32>,
            %add3A_393 = arith.constant 112 : i32
            %add3A_394 = arith.addi %mul3A_364, %add3A_393 : i32
            %get3A_395 = arith.index_cast %add3A_394 : i32 to index
            %get3A_396 = tpu.vector_load %arg6[%get3A_395] {strides = array<i32>} : memref<14336xf32, #tpu.memory_space<vmem>>, vector<16xf32>,
            %ge3A_397 = arith.cmpf oge, %get3A_368, %get3A_29 : vector<16xf32>
            %ge3A_398 = arith.cmpf oge, %get3A_372, %get3A_29 : vector<16xf32>
            %ge3A_399 = arith.cmpf oge, %get3A_376, %get3A_29 : vector<16xf32>
            %ge3A_400 = arith.cmpf oge, %get3A_380, %get3A_29 : vector<16xf32>
            %ge3A_401 = arith.cmpf oge, %get3A_384, %get3A_29 : vector<16xf32>
            %ge3A_402 = arith.cmpf oge, %get3A_388, %get3A_29 : vector<16xf32>
            %ge3A_403 = arith.cmpf oge, %get3A_392, %get3A_29 : vector<16xf32>
            %ge3A_404 = arith.cmpf oge, %get3A_396, %get3A_29 : vector<16xf32>
            %all_reduce_population_count3A_405 = tpu.all_reduce %ge3A_397 {dim = 0 : i64, kind = #tpu.reduction_kind<sum>} : vector<16xi1> -> vector<16xi32>
            %slice3A_406 = vector.extract_strided_slice %all_reduce_population_count3A_405 {offsets = [0], sizes = [1], strides = [1]} : vector<16xi32> to vector<1xi32>
            %squeeze3A_407 = vector.extract %slice3A_406[0] : i32 from vector<1xi32>
            %all_reduce_population_count3A_408 = tpu.all_reduce %ge3A_398 {dim = 0 : i64, kind = #tpu.reduction_kind<sum>} : vector<16xi1> -> vector<16xi32>
            %slice3A_409 = vector.extract_strided_slice %all_reduce_population_count3A_408 {offsets = [0], sizes = [1], strides = [1]} : vector<16xi32> to vector<1xi32>
            %squeeze3A_410 = vector.extract %slice3A_409[0] : i32 from vector<1xi32>
            %all_reduce_population_count3A_411 = tpu.all_reduce %ge3A_399 {dim = 0 : i64, kind = #tpu.reduction_kind<sum>} : vector<16xi1> -> vector<16xi32>
            %slice3A_412 = vector.extract_strided_slice %all_reduce_population_count3A_411 {offsets = [0], sizes = [1], strides = [1]} : vector<16xi32> to vector<1xi32>
            %squeeze3A_413 = vector.extract %slice3A_412[0] : i32 from vector<1xi32>
            %all_reduce_population_count3A_414 = tpu.all_reduce %ge3A_400 {dim = 0 : i64, kind = #tpu.reduction_kind<sum>} : vector<16xi1> -> vector<16xi32>
            %slice3A_415 = vector.extract_strided_slice %all_reduce_population_count3A_414 {offsets = [0], sizes = [1], strides = [1]} : vector<16xi32> to vector<1xi32>
            %squeeze3A_416 = vector.extract %slice3A_415[0] : i32 from vector<1xi32>
            %all_reduce_population_count3A_417 = tpu.all_reduce %ge3A_401 {dim = 0 : i64, kind = #tpu.reduction_kind<sum>} : vector<16xi1> -> vector<16xi32>
            %slice3A_418 = vector.extract_strided_slice %all_reduce_population_count3A_417 {offsets = [0], sizes = [1], strides = [1]} : vector<16xi32> to vector<1xi32>
            %squeeze3A_419 = vector.extract %slice3A_418[0] : i32 from vector<1xi32>
            %all_reduce_population_count3A_420 = tpu.all_reduce %ge3A_402 {dim = 0 : i64, kind = #tpu.reduction_kind<sum>} : vector<16xi1> -> vector<16xi32>
            %slice3A_421 = vector.extract_strided_slice %all_reduce_population_count3A_420 {offsets = [0], sizes = [1], strides = [1]} : vector<16xi32> to vector<1xi32>
            %squeeze3A_422 = vector.extract %slice3A_421[0] : i32 from vector<1xi32>
            %all_reduce_population_count3A_423 = tpu.all_reduce %ge3A_403 {dim = 0 : i64, kind = #tpu.reduction_kind<sum>} : vector<16xi1> -> vector<16xi32>
            %slice3A_424 = vector.extract_strided_slice %all_reduce_population_count3A_423 {offsets = [0], sizes = [1], strides = [1]} : vector<16xi32> to vector<1xi32>
            %squeeze3A_425 = vector.extract %slice3A_424[0] : i32 from vector<1xi32>
            %all_reduce_population_count3A_426 = tpu.all_reduce %ge3A_404 {dim = 0 : i64, kind = #tpu.reduction_kind<sum>} : vector<16xi1> -> vector<16xi32>
            %slice3A_427 = vector.extract_strided_slice %all_reduce_population_count3A_426 {offsets = [0], sizes = [1], strides = [1]} : vector<16xi32> to vector<1xi32>
            %squeeze3A_428 = vector.extract %slice3A_427[0] : i32 from vector<1xi32>
            %add3A_429 = arith.addi %squeeze3A_407, %squeeze3A_410 : i32
            %add3A_430 = arith.addi %add3A_429, %squeeze3A_413 : i32
            %add3A_431 = arith.addi %add3A_430, %squeeze3A_416 : i32
            %add3A_432 = arith.addi %add3A_431, %squeeze3A_419 : i32
            %add3A_433 = arith.addi %add3A_432, %squeeze3A_422 : i32
            %add3A_434 = arith.addi %add3A_433, %squeeze3A_425 : i32
            %add3A_435 = arith.addi %add3A_434, %squeeze3A_428 : i32
            %sc_fetch_and_add3A_436 = arith.constant 0 : i32
            %sc_fetch_and_add3A_437 = tpu.fetch_and_add_sync %arg11[%sc_fetch_and_add3A_436], %add3A_435, %arg1 : memref<1xi32, #tpu.memory_space<smem>>, i32 -> i32
            %convert_element_type3A_438 = arith.extui %ge3A_397 : vector<16xi1> to vector<16xi32>
            %broadcast_in_dim3A = arith.constant true
            %broadcast_in_dim3A_439 = vector.broadcast %broadcast_in_dim3A : i1 to vector<16xi1>
            %masked_cumsum3A = tpu.scan <sum>, %convert_element_type3A_438 masked %broadcast_in_dim3A_439 : vector<16xi32>, vector<16xi1> -> vector<16xi32>
            %add3A_440 = vector.broadcast %sc_fetch_and_add3A_437 : i32 to vector<16xi32>
            %add3A_441 = arith.addi %add3A_440, %masked_cumsum3A : vector<16xi32>
            %sub3A_442 = arith.constant 1 : i32
            %sub3A_443 = vector.broadcast %sub3A_442 : i32 to vector<16xi32>
            %sub3A_444 = arith.subi %add3A_441, %sub3A_443 : vector<16xi32>
            %min3A_445 = arith.constant 191 : i32
            %min3A_446 = vector.broadcast %min3A_445 : i32 to vector<16xi32>
            %min3A_447 = arith.minsi %sub3A_444, %min3A_446 : vector<16xi32>
            tpu.vector_store_idx %arg10[%min3A_447], %get3A_368 masked %ge3A_397 : memref<192xf32, #tpu.memory_space<vmem>>[vector<16xi32>], vector<16xf32>, vector<16xi1>
            %add3A_448 = arith.addi %sc_fetch_and_add3A_437, %squeeze3A_407 : i32
            %convert_element_type3A_449 = arith.extui %ge3A_398 : vector<16xi1> to vector<16xi32>
            %broadcast_in_dim3A_450 = arith.constant true
            %broadcast_in_dim3A_451 = vector.broadcast %broadcast_in_dim3A_450 : i1 to vector<16xi1>
            %masked_cumsum3A_452 = tpu.scan <sum>, %convert_element_type3A_449 masked %broadcast_in_dim3A_451 : vector<16xi32>, vector<16xi1> -> vector<16xi32>
            %add3A_453 = vector.broadcast %add3A_448 : i32 to vector<16xi32>
            %add3A_454 = arith.addi %add3A_453, %masked_cumsum3A_452 : vector<16xi32>
            %sub3A_455 = arith.constant 1 : i32
            %sub3A_456 = vector.broadcast %sub3A_455 : i32 to vector<16xi32>
            %sub3A_457 = arith.subi %add3A_454, %sub3A_456 : vector<16xi32>
            %min3A_458 = arith.constant 191 : i32
            %min3A_459 = vector.broadcast %min3A_458 : i32 to vector<16xi32>
            %min3A_460 = arith.minsi %sub3A_457, %min3A_459 : vector<16xi32>
            tpu.vector_store_idx %arg10[%min3A_460], %get3A_372 masked %ge3A_398 : memref<192xf32, #tpu.memory_space<vmem>>[vector<16xi32>], vector<16xf32>, vector<16xi1>
            %add3A_461 = arith.addi %add3A_448, %squeeze3A_410 : i32
            %convert_element_type3A_462 = arith.extui %ge3A_399 : vector<16xi1> to vector<16xi32>
            %broadcast_in_dim3A_463 = arith.constant true
            %broadcast_in_dim3A_464 = vector.broadcast %broadcast_in_dim3A_463 : i1 to vector<16xi1>
            %masked_cumsum3A_465 = tpu.scan <sum>, %convert_element_type3A_462 masked %broadcast_in_dim3A_464 : vector<16xi32>, vector<16xi1> -> vector<16xi32>
            %add3A_466 = vector.broadcast %add3A_461 : i32 to vector<16xi32>
            %add3A_467 = arith.addi %add3A_466, %masked_cumsum3A_465 : vector<16xi32>
            %sub3A_468 = arith.constant 1 : i32
            %sub3A_469 = vector.broadcast %sub3A_468 : i32 to vector<16xi32>
            %sub3A_470 = arith.subi %add3A_467, %sub3A_469 : vector<16xi32>
            %min3A_471 = arith.constant 191 : i32
            %min3A_472 = vector.broadcast %min3A_471 : i32 to vector<16xi32>
            %min3A_473 = arith.minsi %sub3A_470, %min3A_472 : vector<16xi32>
            tpu.vector_store_idx %arg10[%min3A_473], %get3A_376 masked %ge3A_399 : memref<192xf32, #tpu.memory_space<vmem>>[vector<16xi32>], vector<16xf32>, vector<16xi1>
            %add3A_474 = arith.addi %add3A_461, %squeeze3A_413 : i32
            %convert_element_type3A_475 = arith.extui %ge3A_400 : vector<16xi1> to vector<16xi32>
            %broadcast_in_dim3A_476 = arith.constant true
            %broadcast_in_dim3A_477 = vector.broadcast %broadcast_in_dim3A_476 : i1 to vector<16xi1>
            %masked_cumsum3A_478 = tpu.scan <sum>, %convert_element_type3A_475 masked %broadcast_in_dim3A_477 : vector<16xi32>, vector<16xi1> -> vector<16xi32>
            %add3A_479 = vector.broadcast %add3A_474 : i32 to vector<16xi32>
            %add3A_480 = arith.addi %add3A_479, %masked_cumsum3A_478 : vector<16xi32>
            %sub3A_481 = arith.constant 1 : i32
            %sub3A_482 = vector.broadcast %sub3A_481 : i32 to vector<16xi32>
            %sub3A_483 = arith.subi %add3A_480, %sub3A_482 : vector<16xi32>
            %min3A_484 = arith.constant 191 : i32
            %min3A_485 = vector.broadcast %min3A_484 : i32 to vector<16xi32>
            %min3A_486 = arith.minsi %sub3A_483, %min3A_485 : vector<16xi32>
            tpu.vector_store_idx %arg10[%min3A_486], %get3A_380 masked %ge3A_400 : memref<192xf32, #tpu.memory_space<vmem>>[vector<16xi32>], vector<16xf32>, vector<16xi1>
            %add3A_487 = arith.addi %add3A_474, %squeeze3A_416 : i32
            %convert_element_type3A_488 = arith.extui %ge3A_401 : vector<16xi1> to vector<16xi32>
            %broadcast_in_dim3A_489 = arith.constant true
            %broadcast_in_dim3A_490 = vector.broadcast %broadcast_in_dim3A_489 : i1 to vector<16xi1>
            %masked_cumsum3A_491 = tpu.scan <sum>, %convert_element_type3A_488 masked %broadcast_in_dim3A_490 : vector<16xi32>, vector<16xi1> -> vector<16xi32>
            %add3A_492 = vector.broadcast %add3A_487 : i32 to vector<16xi32>
            %add3A_493 = arith.addi %add3A_492, %masked_cumsum3A_491 : vector<16xi32>
            %sub3A_494 = arith.constant 1 : i32
            %sub3A_495 = vector.broadcast %sub3A_494 : i32 to vector<16xi32>
            %sub3A_496 = arith.subi %add3A_493, %sub3A_495 : vector<16xi32>
            %min3A_497 = arith.constant 191 : i32
            %min3A_498 = vector.broadcast %min3A_497 : i32 to vector<16xi32>
            %min3A_499 = arith.minsi %sub3A_496, %min3A_498 : vector<16xi32>
            tpu.vector_store_idx %arg10[%min3A_499], %get3A_384 masked %ge3A_401 : memref<192xf32, #tpu.memory_space<vmem>>[vector<16xi32>], vector<16xf32>, vector<16xi1>
            %add3A_500 = arith.addi %add3A_487, %squeeze3A_419 : i32
            %convert_element_type3A_501 = arith.extui %ge3A_402 : vector<16xi1> to vector<16xi32>
            %broadcast_in_dim3A_502 = arith.constant true
            %broadcast_in_dim3A_503 = vector.broadcast %broadcast_in_dim3A_502 : i1 to vector<16xi1>
            %masked_cumsum3A_504 = tpu.scan <sum>, %convert_element_type3A_501 masked %broadcast_in_dim3A_503 : vector<16xi32>, vector<16xi1> -> vector<16xi32>
            %add3A_505 = vector.broadcast %add3A_500 : i32 to vector<16xi32>
            %add3A_506 = arith.addi %add3A_505, %masked_cumsum3A_504 : vector<16xi32>
            %sub3A_507 = arith.constant 1 : i32
            %sub3A_508 = vector.broadcast %sub3A_507 : i32 to vector<16xi32>
            %sub3A_509 = arith.subi %add3A_506, %sub3A_508 : vector<16xi32>
            %min3A_510 = arith.constant 191 : i32
            %min3A_511 = vector.broadcast %min3A_510 : i32 to vector<16xi32>
            %min3A_512 = arith.minsi %sub3A_509, %min3A_511 : vector<16xi32>
            tpu.vector_store_idx %arg10[%min3A_512], %get3A_388 masked %ge3A_402 : memref<192xf32, #tpu.memory_space<vmem>>[vector<16xi32>], vector<16xf32>, vector<16xi1>
            %add3A_513 = arith.addi %add3A_500, %squeeze3A_422 : i32
            %convert_element_type3A_514 = arith.extui %ge3A_403 : vector<16xi1> to vector<16xi32>
            %broadcast_in_dim3A_515 = arith.constant true
            %broadcast_in_dim3A_516 = vector.broadcast %broadcast_in_dim3A_515 : i1 to vector<16xi1>
            %masked_cumsum3A_517 = tpu.scan <sum>, %convert_element_type3A_514 masked %broadcast_in_dim3A_516 : vector<16xi32>, vector<16xi1> -> vector<16xi32>
            %add3A_518 = vector.broadcast %add3A_513 : i32 to vector<16xi32>
            %add3A_519 = arith.addi %add3A_518, %masked_cumsum3A_517 : vector<16xi32>
            %sub3A_520 = arith.constant 1 : i32
            %sub3A_521 = vector.broadcast %sub3A_520 : i32 to vector<16xi32>
            %sub3A_522 = arith.subi %add3A_519, %sub3A_521 : vector<16xi32>
            %min3A_523 = arith.constant 191 : i32
            %min3A_524 = vector.broadcast %min3A_523 : i32 to vector<16xi32>
            %min3A_525 = arith.minsi %sub3A_522, %min3A_524 : vector<16xi32>
            tpu.vector_store_idx %arg10[%min3A_525], %get3A_392 masked %ge3A_403 : memref<192xf32, #tpu.memory_space<vmem>>[vector<16xi32>], vector<16xf32>, vector<16xi1>
            %add3A_526 = arith.addi %add3A_513, %squeeze3A_425 : i32
            %convert_element_type3A_527 = arith.extui %ge3A_404 : vector<16xi1> to vector<16xi32>
            %broadcast_in_dim3A_528 = arith.constant true
            %broadcast_in_dim3A_529 = vector.broadcast %broadcast_in_dim3A_528 : i1 to vector<16xi1>
            %masked_cumsum3A_530 = tpu.scan <sum>, %convert_element_type3A_527 masked %broadcast_in_dim3A_529 : vector<16xi32>, vector<16xi1> -> vector<16xi32>
            %add3A_531 = vector.broadcast %add3A_526 : i32 to vector<16xi32>
            %add3A_532 = arith.addi %add3A_531, %masked_cumsum3A_530 : vector<16xi32>
            %sub3A_533 = arith.constant 1 : i32
            %sub3A_534 = vector.broadcast %sub3A_533 : i32 to vector<16xi32>
            %sub3A_535 = arith.subi %add3A_532, %sub3A_534 : vector<16xi32>
            %min3A_536 = arith.constant 191 : i32
            %min3A_537 = vector.broadcast %min3A_536 : i32 to vector<16xi32>
            %min3A_538 = arith.minsi %sub3A_535, %min3A_537 : vector<16xi32>
            tpu.vector_store_idx %arg10[%min3A_538], %get3A_396 masked %ge3A_404 : memref<192xf32, #tpu.memory_space<vmem>>[vector<16xi32>], vector<16xf32>, vector<16xi1>
            %add3A_539 = arith.addi %add3A_526, %squeeze3A_428 : i32
            %ne3A = vector.broadcast %squeeze3A_359 : i32 to vector<16xi32>
            %ne3A_540 = arith.cmpi ne, %iota3A, %ne3A : vector<16xi32>
            %and3A = arith.andi %while3A_357, %ne3A_540 : vector<16xi1>
            scf.yield %and3A : vector<16xi1>
          }
        } else {
        }
      }
      %scan3A_140 = arith.constant 7 : i32
      %dma_wait3A_141 = arith.constant 71680 : i32
      %dma_wait3A_142 = tpu.memref_slice %arg2[%add3A_23, %dma_wait3A_141] : memref<1024x100352xf32, #tpu.memory_space<hbm>> -> memref<1x14336xf32, #tpu.memory_space<hbm>>
      %dma_wait3A_143 = tpu.memref_squeeze %dma_wait3A_142 : memref<1x14336xf32, #tpu.memory_space<hbm>> -> memref<14336xf32, #tpu.memory_space<hbm>>
      %dma_wait3A_144 = arith.constant 71680 : i32
      %dma_wait3A_145 = tpu.memref_slice %arg2[%add3A_23, %dma_wait3A_144] : memref<1024x100352xf32, #tpu.memory_space<hbm>> -> memref<1x14336xf32, #tpu.memory_space<hbm>>
      %dma_wait3A_146 = tpu.memref_squeeze %dma_wait3A_145 : memref<1x14336xf32, #tpu.memory_space<hbm>> -> memref<14336xf32, #tpu.memory_space<hbm>>
      tpu.wait_dma2 semaphore(%arg13 : memref<!tpu.dma_semaphore, #tpu.memory_space<semaphore_mem>>) src(%dma_wait3A_146 : memref<14336xf32, #tpu.memory_space<hbm>>) dst(%arg7 : memref<14336xf32, #tpu.memory_space<vmem>>)
      %add3A_147 = arith.constant 0 : i32
      %add3A_148 = arith.addi %add3A_21, %add3A_147 : i32
      %dma_start3A_149 = arith.constant 86016 : i32
      %dma_start3A_150 = tpu.memref_slice %arg2[%add3A_148, %dma_start3A_149] : memref<1024x100352xf32, #tpu.memory_space<hbm>> -> memref<1x14336xf32, #tpu.memory_space<hbm>>
      %dma_start3A_151 = tpu.memref_squeeze %dma_start3A_150 : memref<1x14336xf32, #tpu.memory_space<hbm>> -> memref<14336xf32, #tpu.memory_space<hbm>>
      %dma_start3A_152 = arith.constant 86016 : i32
      %dma_start3A_153 = tpu.memref_slice %arg2[%add3A_148, %dma_start3A_152] : memref<1024x100352xf32, #tpu.memory_space<hbm>> -> memref<1x14336xf32, #tpu.memory_space<hbm>>
      %dma_start3A_154 = tpu.memref_squeeze %dma_start3A_153 : memref<1x14336xf32, #tpu.memory_space<hbm>> -> memref<14336xf32, #tpu.memory_space<hbm>>
      tpu.enqueue_dma source(%dma_start3A_154 : memref<14336xf32, #tpu.memory_space<hbm>>) target(%arg6 : memref<14336xf32, #tpu.memory_space<vmem>>) target_semaphore(%arg12 : memref<!tpu.dma_semaphore, #tpu.memory_space<semaphore_mem>>)
      %scan3A_155 = arith.constant 0 : i32
      %scan3A_156 = arith.constant 0 : i32
      %scan3A_157 = arith.constant 7 : i32
      %scan3A_158 = arith.addi %scan3A_156, %scan3A_157 : i32
      %scan3A_159 = arith.constant 1 : i32
      scf.for %scan3A_346 = %scan3A_156 to %scan3A_158 step %scan3A_159  : i32 {
        %mul3A_347 = arith.constant 16 : i32
        %mul3A_348 = arith.muli %scan3A_346, %mul3A_347 : i32
        %add3A_349 = arith.constant 560 : i32
        %add3A_350 = arith.addi %add3A_349, %mul3A_348 : i32
        %get3A_351 = arith.constant 0 : i32
        %get3A_352 = arith.index_cast %get3A_351 : i32 to index
        %get3A_353 = arith.index_cast %add3A_350 : i32 to index
        %get3A_354 = tpu.vector_load %arg8[%get3A_352, %get3A_353] {strides = array<i32>} : memref<2x784xf32, #tpu.memory_space<vmem>>, vector<16xf32>,
        %ge3A = arith.cmpf oge, %get3A_354, %get3A_29 : vector<16xf32>
        %all_reduce_population_count3A = tpu.all_reduce %ge3A {dim = 0 : i64, kind = #tpu.reduction_kind<sum>} : vector<16xi1> -> vector<16xi32>
        %slice3A = vector.extract_strided_slice %all_reduce_population_count3A {offsets = [0], sizes = [1], strides = [1]} : vector<16xi32> to vector<1xi32>
        %squeeze3A = vector.extract %slice3A[0] : i32 from vector<1xi32>
        %gt3A = arith.constant 0 : i32
        %gt3A_355 = arith.cmpi sgt, %squeeze3A, %gt3A : i32
        %convert_element_type3A = arith.extui %gt3A_355 : i1 to i32
        %cond3A = arith.constant 0 : i32
        %cond3A_356 = arith.cmpi ne, %convert_element_type3A, %cond3A : i32
        scf.if %cond3A_356 {
          %while3A = scf.while (%while3A_357 = %ge3A) : (vector<16xi1>) -> vector<16xi1> {
            %all_reduce_population_count3A_358 = tpu.all_reduce %while3A_357 {dim = 0 : i64, kind = #tpu.reduction_kind<sum>} : vector<16xi1> -> vector<16xi32>
            %slice3A_359 = vector.extract_strided_slice %all_reduce_population_count3A_358 {offsets = [0], sizes = [1], strides = [1]} : vector<16xi32> to vector<1xi32>
            %squeeze3A_360 = vector.extract %slice3A_359[0] : i32 from vector<1xi32>
            %gt3A_361 = arith.constant 0 : i32
            %gt3A_362 = arith.cmpi sgt, %squeeze3A_360, %gt3A_361 : i32
            scf.condition(%gt3A_362) %while3A_357 : vector<16xi1>
          } do {
          ^bb0(%while3A_357: vector<16xi1>):
            %all_reduce_ffs3A = tpu.all_reduce %while3A_357 {dim = 0 : i64, kind = #tpu.reduction_kind<find_first_set>} : vector<16xi1> -> vector<16xi32>
            %slice3A_358 = vector.extract_strided_slice %all_reduce_ffs3A {offsets = [0], sizes = [1], strides = [1]} : vector<16xi32> to vector<1xi32>
            %squeeze3A_359 = vector.extract %slice3A_358[0] : i32 from vector<1xi32>
            %mul3A_360 = arith.constant 16 : i32
            %mul3A_361 = arith.muli %scan3A_346, %mul3A_360 : i32
            %add3A_362 = arith.addi %mul3A_361, %squeeze3A_359 : i32
            %mul3A_363 = arith.constant 128 : i32
            %mul3A_364 = arith.muli %add3A_362, %mul3A_363 : i32
            %add3A_365 = arith.constant 0 : i32
            %add3A_366 = arith.addi %mul3A_364, %add3A_365 : i32
            %get3A_367 = arith.index_cast %add3A_366 : i32 to index
            %get3A_368 = tpu.vector_load %arg7[%get3A_367] {strides = array<i32>} : memref<14336xf32, #tpu.memory_space<vmem>>, vector<16xf32>,
            %add3A_369 = arith.constant 16 : i32
            %add3A_370 = arith.addi %mul3A_364, %add3A_369 : i32
            %get3A_371 = arith.index_cast %add3A_370 : i32 to index
            %get3A_372 = tpu.vector_load %arg7[%get3A_371] {strides = array<i32>} : memref<14336xf32, #tpu.memory_space<vmem>>, vector<16xf32>,
            %add3A_373 = arith.constant 32 : i32
            %add3A_374 = arith.addi %mul3A_364, %add3A_373 : i32
            %get3A_375 = arith.index_cast %add3A_374 : i32 to index
            %get3A_376 = tpu.vector_load %arg7[%get3A_375] {strides = array<i32>} : memref<14336xf32, #tpu.memory_space<vmem>>, vector<16xf32>,
            %add3A_377 = arith.constant 48 : i32
            %add3A_378 = arith.addi %mul3A_364, %add3A_377 : i32
            %get3A_379 = arith.index_cast %add3A_378 : i32 to index
            %get3A_380 = tpu.vector_load %arg7[%get3A_379] {strides = array<i32>} : memref<14336xf32, #tpu.memory_space<vmem>>, vector<16xf32>,
            %add3A_381 = arith.constant 64 : i32
            %add3A_382 = arith.addi %mul3A_364, %add3A_381 : i32
            %get3A_383 = arith.index_cast %add3A_382 : i32 to index
            %get3A_384 = tpu.vector_load %arg7[%get3A_383] {strides = array<i32>} : memref<14336xf32, #tpu.memory_space<vmem>>, vector<16xf32>,
            %add3A_385 = arith.constant 80 : i32
            %add3A_386 = arith.addi %mul3A_364, %add3A_385 : i32
            %get3A_387 = arith.index_cast %add3A_386 : i32 to index
            %get3A_388 = tpu.vector_load %arg7[%get3A_387] {strides = array<i32>} : memref<14336xf32, #tpu.memory_space<vmem>>, vector<16xf32>,
            %add3A_389 = arith.constant 96 : i32
            %add3A_390 = arith.addi %mul3A_364, %add3A_389 : i32
            %get3A_391 = arith.index_cast %add3A_390 : i32 to index
            %get3A_392 = tpu.vector_load %arg7[%get3A_391] {strides = array<i32>} : memref<14336xf32, #tpu.memory_space<vmem>>, vector<16xf32>,
            %add3A_393 = arith.constant 112 : i32
            %add3A_394 = arith.addi %mul3A_364, %add3A_393 : i32
            %get3A_395 = arith.index_cast %add3A_394 : i32 to index
            %get3A_396 = tpu.vector_load %arg7[%get3A_395] {strides = array<i32>} : memref<14336xf32, #tpu.memory_space<vmem>>, vector<16xf32>,
            %ge3A_397 = arith.cmpf oge, %get3A_368, %get3A_29 : vector<16xf32>
            %ge3A_398 = arith.cmpf oge, %get3A_372, %get3A_29 : vector<16xf32>
            %ge3A_399 = arith.cmpf oge, %get3A_376, %get3A_29 : vector<16xf32>
            %ge3A_400 = arith.cmpf oge, %get3A_380, %get3A_29 : vector<16xf32>
            %ge3A_401 = arith.cmpf oge, %get3A_384, %get3A_29 : vector<16xf32>
            %ge3A_402 = arith.cmpf oge, %get3A_388, %get3A_29 : vector<16xf32>
            %ge3A_403 = arith.cmpf oge, %get3A_392, %get3A_29 : vector<16xf32>
            %ge3A_404 = arith.cmpf oge, %get3A_396, %get3A_29 : vector<16xf32>
            %all_reduce_population_count3A_405 = tpu.all_reduce %ge3A_397 {dim = 0 : i64, kind = #tpu.reduction_kind<sum>} : vector<16xi1> -> vector<16xi32>
            %slice3A_406 = vector.extract_strided_slice %all_reduce_population_count3A_405 {offsets = [0], sizes = [1], strides = [1]} : vector<16xi32> to vector<1xi32>
            %squeeze3A_407 = vector.extract %slice3A_406[0] : i32 from vector<1xi32>
            %all_reduce_population_count3A_408 = tpu.all_reduce %ge3A_398 {dim = 0 : i64, kind = #tpu.reduction_kind<sum>} : vector<16xi1> -> vector<16xi32>
            %slice3A_409 = vector.extract_strided_slice %all_reduce_population_count3A_408 {offsets = [0], sizes = [1], strides = [1]} : vector<16xi32> to vector<1xi32>
            %squeeze3A_410 = vector.extract %slice3A_409[0] : i32 from vector<1xi32>
            %all_reduce_population_count3A_411 = tpu.all_reduce %ge3A_399 {dim = 0 : i64, kind = #tpu.reduction_kind<sum>} : vector<16xi1> -> vector<16xi32>
            %slice3A_412 = vector.extract_strided_slice %all_reduce_population_count3A_411 {offsets = [0], sizes = [1], strides = [1]} : vector<16xi32> to vector<1xi32>
            %squeeze3A_413 = vector.extract %slice3A_412[0] : i32 from vector<1xi32>
            %all_reduce_population_count3A_414 = tpu.all_reduce %ge3A_400 {dim = 0 : i64, kind = #tpu.reduction_kind<sum>} : vector<16xi1> -> vector<16xi32>
            %slice3A_415 = vector.extract_strided_slice %all_reduce_population_count3A_414 {offsets = [0], sizes = [1], strides = [1]} : vector<16xi32> to vector<1xi32>
            %squeeze3A_416 = vector.extract %slice3A_415[0] : i32 from vector<1xi32>
            %all_reduce_population_count3A_417 = tpu.all_reduce %ge3A_401 {dim = 0 : i64, kind = #tpu.reduction_kind<sum>} : vector<16xi1> -> vector<16xi32>
            %slice3A_418 = vector.extract_strided_slice %all_reduce_population_count3A_417 {offsets = [0], sizes = [1], strides = [1]} : vector<16xi32> to vector<1xi32>
            %squeeze3A_419 = vector.extract %slice3A_418[0] : i32 from vector<1xi32>
            %all_reduce_population_count3A_420 = tpu.all_reduce %ge3A_402 {dim = 0 : i64, kind = #tpu.reduction_kind<sum>} : vector<16xi1> -> vector<16xi32>
            %slice3A_421 = vector.extract_strided_slice %all_reduce_population_count3A_420 {offsets = [0], sizes = [1], strides = [1]} : vector<16xi32> to vector<1xi32>
            %squeeze3A_422 = vector.extract %slice3A_421[0] : i32 from vector<1xi32>
            %all_reduce_population_count3A_423 = tpu.all_reduce %ge3A_403 {dim = 0 : i64, kind = #tpu.reduction_kind<sum>} : vector<16xi1> -> vector<16xi32>
            %slice3A_424 = vector.extract_strided_slice %all_reduce_population_count3A_423 {offsets = [0], sizes = [1], strides = [1]} : vector<16xi32> to vector<1xi32>
            %squeeze3A_425 = vector.extract %slice3A_424[0] : i32 from vector<1xi32>
            %all_reduce_population_count3A_426 = tpu.all_reduce %ge3A_404 {dim = 0 : i64, kind = #tpu.reduction_kind<sum>} : vector<16xi1> -> vector<16xi32>
            %slice3A_427 = vector.extract_strided_slice %all_reduce_population_count3A_426 {offsets = [0], sizes = [1], strides = [1]} : vector<16xi32> to vector<1xi32>
            %squeeze3A_428 = vector.extract %slice3A_427[0] : i32 from vector<1xi32>
            %add3A_429 = arith.addi %squeeze3A_407, %squeeze3A_410 : i32
            %add3A_430 = arith.addi %add3A_429, %squeeze3A_413 : i32
            %add3A_431 = arith.addi %add3A_430, %squeeze3A_416 : i32
            %add3A_432 = arith.addi %add3A_431, %squeeze3A_419 : i32
            %add3A_433 = arith.addi %add3A_432, %squeeze3A_422 : i32
            %add3A_434 = arith.addi %add3A_433, %squeeze3A_425 : i32
            %add3A_435 = arith.addi %add3A_434, %squeeze3A_428 : i32
            %sc_fetch_and_add3A_436 = arith.constant 0 : i32
            %sc_fetch_and_add3A_437 = tpu.fetch_and_add_sync %arg11[%sc_fetch_and_add3A_436], %add3A_435, %arg1 : memref<1xi32, #tpu.memory_space<smem>>, i32 -> i32
            %convert_element_type3A_438 = arith.extui %ge3A_397 : vector<16xi1> to vector<16xi32>
            %broadcast_in_dim3A = arith.constant true
            %broadcast_in_dim3A_439 = vector.broadcast %broadcast_in_dim3A : i1 to vector<16xi1>
            %masked_cumsum3A = tpu.scan <sum>, %convert_element_type3A_438 masked %broadcast_in_dim3A_439 : vector<16xi32>, vector<16xi1> -> vector<16xi32>
            %add3A_440 = vector.broadcast %sc_fetch_and_add3A_437 : i32 to vector<16xi32>
            %add3A_441 = arith.addi %add3A_440, %masked_cumsum3A : vector<16xi32>
            %sub3A_442 = arith.constant 1 : i32
            %sub3A_443 = vector.broadcast %sub3A_442 : i32 to vector<16xi32>
            %sub3A_444 = arith.subi %add3A_441, %sub3A_443 : vector<16xi32>
            %min3A_445 = arith.constant 191 : i32
            %min3A_446 = vector.broadcast %min3A_445 : i32 to vector<16xi32>
            %min3A_447 = arith.minsi %sub3A_444, %min3A_446 : vector<16xi32>
            tpu.vector_store_idx %arg10[%min3A_447], %get3A_368 masked %ge3A_397 : memref<192xf32, #tpu.memory_space<vmem>>[vector<16xi32>], vector<16xf32>, vector<16xi1>
            %add3A_448 = arith.addi %sc_fetch_and_add3A_437, %squeeze3A_407 : i32
            %convert_element_type3A_449 = arith.extui %ge3A_398 : vector<16xi1> to vector<16xi32>
            %broadcast_in_dim3A_450 = arith.constant true
            %broadcast_in_dim3A_451 = vector.broadcast %broadcast_in_dim3A_450 : i1 to vector<16xi1>
            %masked_cumsum3A_452 = tpu.scan <sum>, %convert_element_type3A_449 masked %broadcast_in_dim3A_451 : vector<16xi32>, vector<16xi1> -> vector<16xi32>
            %add3A_453 = vector.broadcast %add3A_448 : i32 to vector<16xi32>
            %add3A_454 = arith.addi %add3A_453, %masked_cumsum3A_452 : vector<16xi32>
            %sub3A_455 = arith.constant 1 : i32
            %sub3A_456 = vector.broadcast %sub3A_455 : i32 to vector<16xi32>
            %sub3A_457 = arith.subi %add3A_454, %sub3A_456 : vector<16xi32>
            %min3A_458 = arith.constant 191 : i32
            %min3A_459 = vector.broadcast %min3A_458 : i32 to vector<16xi32>
            %min3A_460 = arith.minsi %sub3A_457, %min3A_459 : vector<16xi32>
            tpu.vector_store_idx %arg10[%min3A_460], %get3A_372 masked %ge3A_398 : memref<192xf32, #tpu.memory_space<vmem>>[vector<16xi32>], vector<16xf32>, vector<16xi1>
            %add3A_461 = arith.addi %add3A_448, %squeeze3A_410 : i32
            %convert_element_type3A_462 = arith.extui %ge3A_399 : vector<16xi1> to vector<16xi32>
            %broadcast_in_dim3A_463 = arith.constant true
            %broadcast_in_dim3A_464 = vector.broadcast %broadcast_in_dim3A_463 : i1 to vector<16xi1>
            %masked_cumsum3A_465 = tpu.scan <sum>, %convert_element_type3A_462 masked %broadcast_in_dim3A_464 : vector<16xi32>, vector<16xi1> -> vector<16xi32>
            %add3A_466 = vector.broadcast %add3A_461 : i32 to vector<16xi32>
            %add3A_467 = arith.addi %add3A_466, %masked_cumsum3A_465 : vector<16xi32>
            %sub3A_468 = arith.constant 1 : i32
            %sub3A_469 = vector.broadcast %sub3A_468 : i32 to vector<16xi32>
            %sub3A_470 = arith.subi %add3A_467, %sub3A_469 : vector<16xi32>
            %min3A_471 = arith.constant 191 : i32
            %min3A_472 = vector.broadcast %min3A_471 : i32 to vector<16xi32>
            %min3A_473 = arith.minsi %sub3A_470, %min3A_472 : vector<16xi32>
            tpu.vector_store_idx %arg10[%min3A_473], %get3A_376 masked %ge3A_399 : memref<192xf32, #tpu.memory_space<vmem>>[vector<16xi32>], vector<16xf32>, vector<16xi1>
            %add3A_474 = arith.addi %add3A_461, %squeeze3A_413 : i32
            %convert_element_type3A_475 = arith.extui %ge3A_400 : vector<16xi1> to vector<16xi32>
            %broadcast_in_dim3A_476 = arith.constant true
            %broadcast_in_dim3A_477 = vector.broadcast %broadcast_in_dim3A_476 : i1 to vector<16xi1>
            %masked_cumsum3A_478 = tpu.scan <sum>, %convert_element_type3A_475 masked %broadcast_in_dim3A_477 : vector<16xi32>, vector<16xi1> -> vector<16xi32>
            %add3A_479 = vector.broadcast %add3A_474 : i32 to vector<16xi32>
            %add3A_480 = arith.addi %add3A_479, %masked_cumsum3A_478 : vector<16xi32>
            %sub3A_481 = arith.constant 1 : i32
            %sub3A_482 = vector.broadcast %sub3A_481 : i32 to vector<16xi32>
            %sub3A_483 = arith.subi %add3A_480, %sub3A_482 : vector<16xi32>
            %min3A_484 = arith.constant 191 : i32
            %min3A_485 = vector.broadcast %min3A_484 : i32 to vector<16xi32>
            %min3A_486 = arith.minsi %sub3A_483, %min3A_485 : vector<16xi32>
            tpu.vector_store_idx %arg10[%min3A_486], %get3A_380 masked %ge3A_400 : memref<192xf32, #tpu.memory_space<vmem>>[vector<16xi32>], vector<16xf32>, vector<16xi1>
            %add3A_487 = arith.addi %add3A_474, %squeeze3A_416 : i32
            %convert_element_type3A_488 = arith.extui %ge3A_401 : vector<16xi1> to vector<16xi32>
            %broadcast_in_dim3A_489 = arith.constant true
            %broadcast_in_dim3A_490 = vector.broadcast %broadcast_in_dim3A_489 : i1 to vector<16xi1>
            %masked_cumsum3A_491 = tpu.scan <sum>, %convert_element_type3A_488 masked %broadcast_in_dim3A_490 : vector<16xi32>, vector<16xi1> -> vector<16xi32>
            %add3A_492 = vector.broadcast %add3A_487 : i32 to vector<16xi32>
            %add3A_493 = arith.addi %add3A_492, %masked_cumsum3A_491 : vector<16xi32>
            %sub3A_494 = arith.constant 1 : i32
            %sub3A_495 = vector.broadcast %sub3A_494 : i32 to vector<16xi32>
            %sub3A_496 = arith.subi %add3A_493, %sub3A_495 : vector<16xi32>
            %min3A_497 = arith.constant 191 : i32
            %min3A_498 = vector.broadcast %min3A_497 : i32 to vector<16xi32>
            %min3A_499 = arith.minsi %sub3A_496, %min3A_498 : vector<16xi32>
            tpu.vector_store_idx %arg10[%min3A_499], %get3A_384 masked %ge3A_401 : memref<192xf32, #tpu.memory_space<vmem>>[vector<16xi32>], vector<16xf32>, vector<16xi1>
            %add3A_500 = arith.addi %add3A_487, %squeeze3A_419 : i32
            %convert_element_type3A_501 = arith.extui %ge3A_402 : vector<16xi1> to vector<16xi32>
            %broadcast_in_dim3A_502 = arith.constant true
            %broadcast_in_dim3A_503 = vector.broadcast %broadcast_in_dim3A_502 : i1 to vector<16xi1>
            %masked_cumsum3A_504 = tpu.scan <sum>, %convert_element_type3A_501 masked %broadcast_in_dim3A_503 : vector<16xi32>, vector<16xi1> -> vector<16xi32>
            %add3A_505 = vector.broadcast %add3A_500 : i32 to vector<16xi32>
            %add3A_506 = arith.addi %add3A_505, %masked_cumsum3A_504 : vector<16xi32>
            %sub3A_507 = arith.constant 1 : i32
            %sub3A_508 = vector.broadcast %sub3A_507 : i32 to vector<16xi32>
            %sub3A_509 = arith.subi %add3A_506, %sub3A_508 : vector<16xi32>
            %min3A_510 = arith.constant 191 : i32
            %min3A_511 = vector.broadcast %min3A_510 : i32 to vector<16xi32>
            %min3A_512 = arith.minsi %sub3A_509, %min3A_511 : vector<16xi32>
            tpu.vector_store_idx %arg10[%min3A_512], %get3A_388 masked %ge3A_402 : memref<192xf32, #tpu.memory_space<vmem>>[vector<16xi32>], vector<16xf32>, vector<16xi1>
            %add3A_513 = arith.addi %add3A_500, %squeeze3A_422 : i32
            %convert_element_type3A_514 = arith.extui %ge3A_403 : vector<16xi1> to vector<16xi32>
            %broadcast_in_dim3A_515 = arith.constant true
            %broadcast_in_dim3A_516 = vector.broadcast %broadcast_in_dim3A_515 : i1 to vector<16xi1>
            %masked_cumsum3A_517 = tpu.scan <sum>, %convert_element_type3A_514 masked %broadcast_in_dim3A_516 : vector<16xi32>, vector<16xi1> -> vector<16xi32>
            %add3A_518 = vector.broadcast %add3A_513 : i32 to vector<16xi32>
            %add3A_519 = arith.addi %add3A_518, %masked_cumsum3A_517 : vector<16xi32>
            %sub3A_520 = arith.constant 1 : i32
            %sub3A_521 = vector.broadcast %sub3A_520 : i32 to vector<16xi32>
            %sub3A_522 = arith.subi %add3A_519, %sub3A_521 : vector<16xi32>
            %min3A_523 = arith.constant 191 : i32
            %min3A_524 = vector.broadcast %min3A_523 : i32 to vector<16xi32>
            %min3A_525 = arith.minsi %sub3A_522, %min3A_524 : vector<16xi32>
            tpu.vector_store_idx %arg10[%min3A_525], %get3A_392 masked %ge3A_403 : memref<192xf32, #tpu.memory_space<vmem>>[vector<16xi32>], vector<16xf32>, vector<16xi1>
            %add3A_526 = arith.addi %add3A_513, %squeeze3A_425 : i32
            %convert_element_type3A_527 = arith.extui %ge3A_404 : vector<16xi1> to vector<16xi32>
            %broadcast_in_dim3A_528 = arith.constant true
            %broadcast_in_dim3A_529 = vector.broadcast %broadcast_in_dim3A_528 : i1 to vector<16xi1>
            %masked_cumsum3A_530 = tpu.scan <sum>, %convert_element_type3A_527 masked %broadcast_in_dim3A_529 : vector<16xi32>, vector<16xi1> -> vector<16xi32>
            %add3A_531 = vector.broadcast %add3A_526 : i32 to vector<16xi32>
            %add3A_532 = arith.addi %add3A_531, %masked_cumsum3A_530 : vector<16xi32>
            %sub3A_533 = arith.constant 1 : i32
            %sub3A_534 = vector.broadcast %sub3A_533 : i32 to vector<16xi32>
            %sub3A_535 = arith.subi %add3A_532, %sub3A_534 : vector<16xi32>
            %min3A_536 = arith.constant 191 : i32
            %min3A_537 = vector.broadcast %min3A_536 : i32 to vector<16xi32>
            %min3A_538 = arith.minsi %sub3A_535, %min3A_537 : vector<16xi32>
            tpu.vector_store_idx %arg10[%min3A_538], %get3A_396 masked %ge3A_404 : memref<192xf32, #tpu.memory_space<vmem>>[vector<16xi32>], vector<16xf32>, vector<16xi1>
            %add3A_539 = arith.addi %add3A_526, %squeeze3A_428 : i32
            %ne3A = vector.broadcast %squeeze3A_359 : i32 to vector<16xi32>
            %ne3A_540 = arith.cmpi ne, %iota3A, %ne3A : vector<16xi32>
            %and3A = arith.andi %while3A_357, %ne3A_540 : vector<16xi1>
            scf.yield %and3A : vector<16xi1>
          }
        } else {
        }
      }
      %scan3A_160 = arith.constant 7 : i32
      %dma_wait3A_161 = arith.constant 86016 : i32
      %dma_wait3A_162 = tpu.memref_slice %arg2[%add3A_23, %dma_wait3A_161] : memref<1024x100352xf32, #tpu.memory_space<hbm>> -> memref<1x14336xf32, #tpu.memory_space<hbm>>
      %dma_wait3A_163 = tpu.memref_squeeze %dma_wait3A_162 : memref<1x14336xf32, #tpu.memory_space<hbm>> -> memref<14336xf32, #tpu.memory_space<hbm>>
      %dma_wait3A_164 = arith.constant 86016 : i32
      %dma_wait3A_165 = tpu.memref_slice %arg2[%add3A_23, %dma_wait3A_164] : memref<1024x100352xf32, #tpu.memory_space<hbm>> -> memref<1x14336xf32, #tpu.memory_space<hbm>>
      %dma_wait3A_166 = tpu.memref_squeeze %dma_wait3A_165 : memref<1x14336xf32, #tpu.memory_space<hbm>> -> memref<14336xf32, #tpu.memory_space<hbm>>
      tpu.wait_dma2 semaphore(%arg12 : memref<!tpu.dma_semaphore, #tpu.memory_space<semaphore_mem>>) src(%dma_wait3A_166 : memref<14336xf32, #tpu.memory_space<hbm>>) dst(%arg6 : memref<14336xf32, #tpu.memory_space<vmem>>)
      %add3A_167 = arith.constant 1 : i32
      %add3A_168 = arith.addi %add3A_21, %add3A_167 : i32
      %dma_start3A_169 = arith.constant 0 : i32
      %dma_start3A_170 = tpu.memref_slice %arg2[%add3A_168, %dma_start3A_169] : memref<1024x100352xf32, #tpu.memory_space<hbm>> -> memref<1x14336xf32, #tpu.memory_space<hbm>>
      %dma_start3A_171 = tpu.memref_squeeze %dma_start3A_170 : memref<1x14336xf32, #tpu.memory_space<hbm>> -> memref<14336xf32, #tpu.memory_space<hbm>>
      %dma_start3A_172 = arith.constant 0 : i32
      %dma_start3A_173 = tpu.memref_slice %arg2[%add3A_168, %dma_start3A_172] : memref<1024x100352xf32, #tpu.memory_space<hbm>> -> memref<1x14336xf32, #tpu.memory_space<hbm>>
      %dma_start3A_174 = tpu.memref_squeeze %dma_start3A_173 : memref<1x14336xf32, #tpu.memory_space<hbm>> -> memref<14336xf32, #tpu.memory_space<hbm>>
      tpu.enqueue_dma source(%dma_start3A_174 : memref<14336xf32, #tpu.memory_space<hbm>>) target(%arg7 : memref<14336xf32, #tpu.memory_space<vmem>>) target_semaphore(%arg13 : memref<!tpu.dma_semaphore, #tpu.memory_space<semaphore_mem>>)
      %scan3A_175 = arith.constant 0 : i32
      %scan3A_176 = arith.constant 0 : i32
      %scan3A_177 = arith.constant 7 : i32
      %scan3A_178 = arith.addi %scan3A_176, %scan3A_177 : i32
      %scan3A_179 = arith.constant 1 : i32
      scf.for %scan3A_346 = %scan3A_176 to %scan3A_178 step %scan3A_179  : i32 {
        %mul3A_347 = arith.constant 16 : i32
        %mul3A_348 = arith.muli %scan3A_346, %mul3A_347 : i32
        %add3A_349 = arith.constant 672 : i32
        %add3A_350 = arith.addi %add3A_349, %mul3A_348 : i32
        %get3A_351 = arith.constant 0 : i32
        %get3A_352 = arith.index_cast %get3A_351 : i32 to index
        %get3A_353 = arith.index_cast %add3A_350 : i32 to index
        %get3A_354 = tpu.vector_load %arg8[%get3A_352, %get3A_353] {strides = array<i32>} : memref<2x784xf32, #tpu.memory_space<vmem>>, vector<16xf32>,
        %ge3A = arith.cmpf oge, %get3A_354, %get3A_29 : vector<16xf32>
        %all_reduce_population_count3A = tpu.all_reduce %ge3A {dim = 0 : i64, kind = #tpu.reduction_kind<sum>} : vector<16xi1> -> vector<16xi32>
        %slice3A = vector.extract_strided_slice %all_reduce_population_count3A {offsets = [0], sizes = [1], strides = [1]} : vector<16xi32> to vector<1xi32>
        %squeeze3A = vector.extract %slice3A[0] : i32 from vector<1xi32>
        %gt3A = arith.constant 0 : i32
        %gt3A_355 = arith.cmpi sgt, %squeeze3A, %gt3A : i32
        %convert_element_type3A = arith.extui %gt3A_355 : i1 to i32
        %cond3A = arith.constant 0 : i32
        %cond3A_356 = arith.cmpi ne, %convert_element_type3A, %cond3A : i32
        scf.if %cond3A_356 {
          %while3A = scf.while (%while3A_357 = %ge3A) : (vector<16xi1>) -> vector<16xi1> {
            %all_reduce_population_count3A_358 = tpu.all_reduce %while3A_357 {dim = 0 : i64, kind = #tpu.reduction_kind<sum>} : vector<16xi1> -> vector<16xi32>
            %slice3A_359 = vector.extract_strided_slice %all_reduce_population_count3A_358 {offsets = [0], sizes = [1], strides = [1]} : vector<16xi32> to vector<1xi32>
            %squeeze3A_360 = vector.extract %slice3A_359[0] : i32 from vector<1xi32>
            %gt3A_361 = arith.constant 0 : i32
            %gt3A_362 = arith.cmpi sgt, %squeeze3A_360, %gt3A_361 : i32
            scf.condition(%gt3A_362) %while3A_357 : vector<16xi1>
          } do {
          ^bb0(%while3A_357: vector<16xi1>):
            %all_reduce_ffs3A = tpu.all_reduce %while3A_357 {dim = 0 : i64, kind = #tpu.reduction_kind<find_first_set>} : vector<16xi1> -> vector<16xi32>
            %slice3A_358 = vector.extract_strided_slice %all_reduce_ffs3A {offsets = [0], sizes = [1], strides = [1]} : vector<16xi32> to vector<1xi32>
            %squeeze3A_359 = vector.extract %slice3A_358[0] : i32 from vector<1xi32>
            %mul3A_360 = arith.constant 16 : i32
            %mul3A_361 = arith.muli %scan3A_346, %mul3A_360 : i32
            %add3A_362 = arith.addi %mul3A_361, %squeeze3A_359 : i32
            %mul3A_363 = arith.constant 128 : i32
            %mul3A_364 = arith.muli %add3A_362, %mul3A_363 : i32
            %add3A_365 = arith.constant 0 : i32
            %add3A_366 = arith.addi %mul3A_364, %add3A_365 : i32
            %get3A_367 = arith.index_cast %add3A_366 : i32 to index
            %get3A_368 = tpu.vector_load %arg6[%get3A_367] {strides = array<i32>} : memref<14336xf32, #tpu.memory_space<vmem>>, vector<16xf32>,
            %add3A_369 = arith.constant 16 : i32
            %add3A_370 = arith.addi %mul3A_364, %add3A_369 : i32
            %get3A_371 = arith.index_cast %add3A_370 : i32 to index
            %get3A_372 = tpu.vector_load %arg6[%get3A_371] {strides = array<i32>} : memref<14336xf32, #tpu.memory_space<vmem>>, vector<16xf32>,
            %add3A_373 = arith.constant 32 : i32
            %add3A_374 = arith.addi %mul3A_364, %add3A_373 : i32
            %get3A_375 = arith.index_cast %add3A_374 : i32 to index
            %get3A_376 = tpu.vector_load %arg6[%get3A_375] {strides = array<i32>} : memref<14336xf32, #tpu.memory_space<vmem>>, vector<16xf32>,
            %add3A_377 = arith.constant 48 : i32
            %add3A_378 = arith.addi %mul3A_364, %add3A_377 : i32
            %get3A_379 = arith.index_cast %add3A_378 : i32 to index
            %get3A_380 = tpu.vector_load %arg6[%get3A_379] {strides = array<i32>} : memref<14336xf32, #tpu.memory_space<vmem>>, vector<16xf32>,
            %add3A_381 = arith.constant 64 : i32
            %add3A_382 = arith.addi %mul3A_364, %add3A_381 : i32
            %get3A_383 = arith.index_cast %add3A_382 : i32 to index
            %get3A_384 = tpu.vector_load %arg6[%get3A_383] {strides = array<i32>} : memref<14336xf32, #tpu.memory_space<vmem>>, vector<16xf32>,
            %add3A_385 = arith.constant 80 : i32
            %add3A_386 = arith.addi %mul3A_364, %add3A_385 : i32
            %get3A_387 = arith.index_cast %add3A_386 : i32 to index
            %get3A_388 = tpu.vector_load %arg6[%get3A_387] {strides = array<i32>} : memref<14336xf32, #tpu.memory_space<vmem>>, vector<16xf32>,
            %add3A_389 = arith.constant 96 : i32
            %add3A_390 = arith.addi %mul3A_364, %add3A_389 : i32
            %get3A_391 = arith.index_cast %add3A_390 : i32 to index
            %get3A_392 = tpu.vector_load %arg6[%get3A_391] {strides = array<i32>} : memref<14336xf32, #tpu.memory_space<vmem>>, vector<16xf32>,
            %add3A_393 = arith.constant 112 : i32
            %add3A_394 = arith.addi %mul3A_364, %add3A_393 : i32
            %get3A_395 = arith.index_cast %add3A_394 : i32 to index
            %get3A_396 = tpu.vector_load %arg6[%get3A_395] {strides = array<i32>} : memref<14336xf32, #tpu.memory_space<vmem>>, vector<16xf32>,
            %ge3A_397 = arith.cmpf oge, %get3A_368, %get3A_29 : vector<16xf32>
            %ge3A_398 = arith.cmpf oge, %get3A_372, %get3A_29 : vector<16xf32>
            %ge3A_399 = arith.cmpf oge, %get3A_376, %get3A_29 : vector<16xf32>
            %ge3A_400 = arith.cmpf oge, %get3A_380, %get3A_29 : vector<16xf32>
            %ge3A_401 = arith.cmpf oge, %get3A_384, %get3A_29 : vector<16xf32>
            %ge3A_402 = arith.cmpf oge, %get3A_388, %get3A_29 : vector<16xf32>
            %ge3A_403 = arith.cmpf oge, %get3A_392, %get3A_29 : vector<16xf32>
            %ge3A_404 = arith.cmpf oge, %get3A_396, %get3A_29 : vector<16xf32>
            %all_reduce_population_count3A_405 = tpu.all_reduce %ge3A_397 {dim = 0 : i64, kind = #tpu.reduction_kind<sum>} : vector<16xi1> -> vector<16xi32>
            %slice3A_406 = vector.extract_strided_slice %all_reduce_population_count3A_405 {offsets = [0], sizes = [1], strides = [1]} : vector<16xi32> to vector<1xi32>
            %squeeze3A_407 = vector.extract %slice3A_406[0] : i32 from vector<1xi32>
            %all_reduce_population_count3A_408 = tpu.all_reduce %ge3A_398 {dim = 0 : i64, kind = #tpu.reduction_kind<sum>} : vector<16xi1> -> vector<16xi32>
            %slice3A_409 = vector.extract_strided_slice %all_reduce_population_count3A_408 {offsets = [0], sizes = [1], strides = [1]} : vector<16xi32> to vector<1xi32>
            %squeeze3A_410 = vector.extract %slice3A_409[0] : i32 from vector<1xi32>
            %all_reduce_population_count3A_411 = tpu.all_reduce %ge3A_399 {dim = 0 : i64, kind = #tpu.reduction_kind<sum>} : vector<16xi1> -> vector<16xi32>
            %slice3A_412 = vector.extract_strided_slice %all_reduce_population_count3A_411 {offsets = [0], sizes = [1], strides = [1]} : vector<16xi32> to vector<1xi32>
            %squeeze3A_413 = vector.extract %slice3A_412[0] : i32 from vector<1xi32>
            %all_reduce_population_count3A_414 = tpu.all_reduce %ge3A_400 {dim = 0 : i64, kind = #tpu.reduction_kind<sum>} : vector<16xi1> -> vector<16xi32>
            %slice3A_415 = vector.extract_strided_slice %all_reduce_population_count3A_414 {offsets = [0], sizes = [1], strides = [1]} : vector<16xi32> to vector<1xi32>
            %squeeze3A_416 = vector.extract %slice3A_415[0] : i32 from vector<1xi32>
            %all_reduce_population_count3A_417 = tpu.all_reduce %ge3A_401 {dim = 0 : i64, kind = #tpu.reduction_kind<sum>} : vector<16xi1> -> vector<16xi32>
            %slice3A_418 = vector.extract_strided_slice %all_reduce_population_count3A_417 {offsets = [0], sizes = [1], strides = [1]} : vector<16xi32> to vector<1xi32>
            %squeeze3A_419 = vector.extract %slice3A_418[0] : i32 from vector<1xi32>
            %all_reduce_population_count3A_420 = tpu.all_reduce %ge3A_402 {dim = 0 : i64, kind = #tpu.reduction_kind<sum>} : vector<16xi1> -> vector<16xi32>
            %slice3A_421 = vector.extract_strided_slice %all_reduce_population_count3A_420 {offsets = [0], sizes = [1], strides = [1]} : vector<16xi32> to vector<1xi32>
            %squeeze3A_422 = vector.extract %slice3A_421[0] : i32 from vector<1xi32>
            %all_reduce_population_count3A_423 = tpu.all_reduce %ge3A_403 {dim = 0 : i64, kind = #tpu.reduction_kind<sum>} : vector<16xi1> -> vector<16xi32>
            %slice3A_424 = vector.extract_strided_slice %all_reduce_population_count3A_423 {offsets = [0], sizes = [1], strides = [1]} : vector<16xi32> to vector<1xi32>
            %squeeze3A_425 = vector.extract %slice3A_424[0] : i32 from vector<1xi32>
            %all_reduce_population_count3A_426 = tpu.all_reduce %ge3A_404 {dim = 0 : i64, kind = #tpu.reduction_kind<sum>} : vector<16xi1> -> vector<16xi32>
            %slice3A_427 = vector.extract_strided_slice %all_reduce_population_count3A_426 {offsets = [0], sizes = [1], strides = [1]} : vector<16xi32> to vector<1xi32>
            %squeeze3A_428 = vector.extract %slice3A_427[0] : i32 from vector<1xi32>
            %add3A_429 = arith.addi %squeeze3A_407, %squeeze3A_410 : i32
            %add3A_430 = arith.addi %add3A_429, %squeeze3A_413 : i32
            %add3A_431 = arith.addi %add3A_430, %squeeze3A_416 : i32
            %add3A_432 = arith.addi %add3A_431, %squeeze3A_419 : i32
            %add3A_433 = arith.addi %add3A_432, %squeeze3A_422 : i32
            %add3A_434 = arith.addi %add3A_433, %squeeze3A_425 : i32
            %add3A_435 = arith.addi %add3A_434, %squeeze3A_428 : i32
            %sc_fetch_and_add3A_436 = arith.constant 0 : i32
            %sc_fetch_and_add3A_437 = tpu.fetch_and_add_sync %arg11[%sc_fetch_and_add3A_436], %add3A_435, %arg1 : memref<1xi32, #tpu.memory_space<smem>>, i32 -> i32
            %convert_element_type3A_438 = arith.extui %ge3A_397 : vector<16xi1> to vector<16xi32>
            %broadcast_in_dim3A = arith.constant true
            %broadcast_in_dim3A_439 = vector.broadcast %broadcast_in_dim3A : i1 to vector<16xi1>
            %masked_cumsum3A = tpu.scan <sum>, %convert_element_type3A_438 masked %broadcast_in_dim3A_439 : vector<16xi32>, vector<16xi1> -> vector<16xi32>
            %add3A_440 = vector.broadcast %sc_fetch_and_add3A_437 : i32 to vector<16xi32>
            %add3A_441 = arith.addi %add3A_440, %masked_cumsum3A : vector<16xi32>
            %sub3A_442 = arith.constant 1 : i32
            %sub3A_443 = vector.broadcast %sub3A_442 : i32 to vector<16xi32>
            %sub3A_444 = arith.subi %add3A_441, %sub3A_443 : vector<16xi32>
            %min3A_445 = arith.constant 191 : i32
            %min3A_446 = vector.broadcast %min3A_445 : i32 to vector<16xi32>
            %min3A_447 = arith.minsi %sub3A_444, %min3A_446 : vector<16xi32>
            tpu.vector_store_idx %arg10[%min3A_447], %get3A_368 masked %ge3A_397 : memref<192xf32, #tpu.memory_space<vmem>>[vector<16xi32>], vector<16xf32>, vector<16xi1>
            %add3A_448 = arith.addi %sc_fetch_and_add3A_437, %squeeze3A_407 : i32
            %convert_element_type3A_449 = arith.extui %ge3A_398 : vector<16xi1> to vector<16xi32>
            %broadcast_in_dim3A_450 = arith.constant true
            %broadcast_in_dim3A_451 = vector.broadcast %broadcast_in_dim3A_450 : i1 to vector<16xi1>
            %masked_cumsum3A_452 = tpu.scan <sum>, %convert_element_type3A_449 masked %broadcast_in_dim3A_451 : vector<16xi32>, vector<16xi1> -> vector<16xi32>
            %add3A_453 = vector.broadcast %add3A_448 : i32 to vector<16xi32>
            %add3A_454 = arith.addi %add3A_453, %masked_cumsum3A_452 : vector<16xi32>
            %sub3A_455 = arith.constant 1 : i32
            %sub3A_456 = vector.broadcast %sub3A_455 : i32 to vector<16xi32>
            %sub3A_457 = arith.subi %add3A_454, %sub3A_456 : vector<16xi32>
            %min3A_458 = arith.constant 191 : i32
            %min3A_459 = vector.broadcast %min3A_458 : i32 to vector<16xi32>
            %min3A_460 = arith.minsi %sub3A_457, %min3A_459 : vector<16xi32>
            tpu.vector_store_idx %arg10[%min3A_460], %get3A_372 masked %ge3A_398 : memref<192xf32, #tpu.memory_space<vmem>>[vector<16xi32>], vector<16xf32>, vector<16xi1>
            %add3A_461 = arith.addi %add3A_448, %squeeze3A_410 : i32
            %convert_element_type3A_462 = arith.extui %ge3A_399 : vector<16xi1> to vector<16xi32>
            %broadcast_in_dim3A_463 = arith.constant true
            %broadcast_in_dim3A_464 = vector.broadcast %broadcast_in_dim3A_463 : i1 to vector<16xi1>
            %masked_cumsum3A_465 = tpu.scan <sum>, %convert_element_type3A_462 masked %broadcast_in_dim3A_464 : vector<16xi32>, vector<16xi1> -> vector<16xi32>
            %add3A_466 = vector.broadcast %add3A_461 : i32 to vector<16xi32>
            %add3A_467 = arith.addi %add3A_466, %masked_cumsum3A_465 : vector<16xi32>
            %sub3A_468 = arith.constant 1 : i32
            %sub3A_469 = vector.broadcast %sub3A_468 : i32 to vector<16xi32>
            %sub3A_470 = arith.subi %add3A_467, %sub3A_469 : vector<16xi32>
            %min3A_471 = arith.constant 191 : i32
            %min3A_472 = vector.broadcast %min3A_471 : i32 to vector<16xi32>
            %min3A_473 = arith.minsi %sub3A_470, %min3A_472 : vector<16xi32>
            tpu.vector_store_idx %arg10[%min3A_473], %get3A_376 masked %ge3A_399 : memref<192xf32, #tpu.memory_space<vmem>>[vector<16xi32>], vector<16xf32>, vector<16xi1>
            %add3A_474 = arith.addi %add3A_461, %squeeze3A_413 : i32
            %convert_element_type3A_475 = arith.extui %ge3A_400 : vector<16xi1> to vector<16xi32>
            %broadcast_in_dim3A_476 = arith.constant true
            %broadcast_in_dim3A_477 = vector.broadcast %broadcast_in_dim3A_476 : i1 to vector<16xi1>
            %masked_cumsum3A_478 = tpu.scan <sum>, %convert_element_type3A_475 masked %broadcast_in_dim3A_477 : vector<16xi32>, vector<16xi1> -> vector<16xi32>
            %add3A_479 = vector.broadcast %add3A_474 : i32 to vector<16xi32>
            %add3A_480 = arith.addi %add3A_479, %masked_cumsum3A_478 : vector<16xi32>
            %sub3A_481 = arith.constant 1 : i32
            %sub3A_482 = vector.broadcast %sub3A_481 : i32 to vector<16xi32>
            %sub3A_483 = arith.subi %add3A_480, %sub3A_482 : vector<16xi32>
            %min3A_484 = arith.constant 191 : i32
            %min3A_485 = vector.broadcast %min3A_484 : i32 to vector<16xi32>
            %min3A_486 = arith.minsi %sub3A_483, %min3A_485 : vector<16xi32>
            tpu.vector_store_idx %arg10[%min3A_486], %get3A_380 masked %ge3A_400 : memref<192xf32, #tpu.memory_space<vmem>>[vector<16xi32>], vector<16xf32>, vector<16xi1>
            %add3A_487 = arith.addi %add3A_474, %squeeze3A_416 : i32
            %convert_element_type3A_488 = arith.extui %ge3A_401 : vector<16xi1> to vector<16xi32>
            %broadcast_in_dim3A_489 = arith.constant true
            %broadcast_in_dim3A_490 = vector.broadcast %broadcast_in_dim3A_489 : i1 to vector<16xi1>
            %masked_cumsum3A_491 = tpu.scan <sum>, %convert_element_type3A_488 masked %broadcast_in_dim3A_490 : vector<16xi32>, vector<16xi1> -> vector<16xi32>
            %add3A_492 = vector.broadcast %add3A_487 : i32 to vector<16xi32>
            %add3A_493 = arith.addi %add3A_492, %masked_cumsum3A_491 : vector<16xi32>
            %sub3A_494 = arith.constant 1 : i32
            %sub3A_495 = vector.broadcast %sub3A_494 : i32 to vector<16xi32>
            %sub3A_496 = arith.subi %add3A_493, %sub3A_495 : vector<16xi32>
            %min3A_497 = arith.constant 191 : i32
            %min3A_498 = vector.broadcast %min3A_497 : i32 to vector<16xi32>
            %min3A_499 = arith.minsi %sub3A_496, %min3A_498 : vector<16xi32>
            tpu.vector_store_idx %arg10[%min3A_499], %get3A_384 masked %ge3A_401 : memref<192xf32, #tpu.memory_space<vmem>>[vector<16xi32>], vector<16xf32>, vector<16xi1>
            %add3A_500 = arith.addi %add3A_487, %squeeze3A_419 : i32
            %convert_element_type3A_501 = arith.extui %ge3A_402 : vector<16xi1> to vector<16xi32>
            %broadcast_in_dim3A_502 = arith.constant true
            %broadcast_in_dim3A_503 = vector.broadcast %broadcast_in_dim3A_502 : i1 to vector<16xi1>
            %masked_cumsum3A_504 = tpu.scan <sum>, %convert_element_type3A_501 masked %broadcast_in_dim3A_503 : vector<16xi32>, vector<16xi1> -> vector<16xi32>
            %add3A_505 = vector.broadcast %add3A_500 : i32 to vector<16xi32>
            %add3A_506 = arith.addi %add3A_505, %masked_cumsum3A_504 : vector<16xi32>
            %sub3A_507 = arith.constant 1 : i32
            %sub3A_508 = vector.broadcast %sub3A_507 : i32 to vector<16xi32>
            %sub3A_509 = arith.subi %add3A_506, %sub3A_508 : vector<16xi32>
            %min3A_510 = arith.constant 191 : i32
            %min3A_511 = vector.broadcast %min3A_510 : i32 to vector<16xi32>
            %min3A_512 = arith.minsi %sub3A_509, %min3A_511 : vector<16xi32>
            tpu.vector_store_idx %arg10[%min3A_512], %get3A_388 masked %ge3A_402 : memref<192xf32, #tpu.memory_space<vmem>>[vector<16xi32>], vector<16xf32>, vector<16xi1>
            %add3A_513 = arith.addi %add3A_500, %squeeze3A_422 : i32
            %convert_element_type3A_514 = arith.extui %ge3A_403 : vector<16xi1> to vector<16xi32>
            %broadcast_in_dim3A_515 = arith.constant true
            %broadcast_in_dim3A_516 = vector.broadcast %broadcast_in_dim3A_515 : i1 to vector<16xi1>
            %masked_cumsum3A_517 = tpu.scan <sum>, %convert_element_type3A_514 masked %broadcast_in_dim3A_516 : vector<16xi32>, vector<16xi1> -> vector<16xi32>
            %add3A_518 = vector.broadcast %add3A_513 : i32 to vector<16xi32>
            %add3A_519 = arith.addi %add3A_518, %masked_cumsum3A_517 : vector<16xi32>
            %sub3A_520 = arith.constant 1 : i32
            %sub3A_521 = vector.broadcast %sub3A_520 : i32 to vector<16xi32>
            %sub3A_522 = arith.subi %add3A_519, %sub3A_521 : vector<16xi32>
            %min3A_523 = arith.constant 191 : i32
            %min3A_524 = vector.broadcast %min3A_523 : i32 to vector<16xi32>
            %min3A_525 = arith.minsi %sub3A_522, %min3A_524 : vector<16xi32>
            tpu.vector_store_idx %arg10[%min3A_525], %get3A_392 masked %ge3A_403 : memref<192xf32, #tpu.memory_space<vmem>>[vector<16xi32>], vector<16xf32>, vector<16xi1>
            %add3A_526 = arith.addi %add3A_513, %squeeze3A_425 : i32
            %convert_element_type3A_527 = arith.extui %ge3A_404 : vector<16xi1> to vector<16xi32>
            %broadcast_in_dim3A_528 = arith.constant true
            %broadcast_in_dim3A_529 = vector.broadcast %broadcast_in_dim3A_528 : i1 to vector<16xi1>
            %masked_cumsum3A_530 = tpu.scan <sum>, %convert_element_type3A_527 masked %broadcast_in_dim3A_529 : vector<16xi32>, vector<16xi1> -> vector<16xi32>
            %add3A_531 = vector.broadcast %add3A_526 : i32 to vector<16xi32>
            %add3A_532 = arith.addi %add3A_531, %masked_cumsum3A_530 : vector<16xi32>
            %sub3A_533 = arith.constant 1 : i32
            %sub3A_534 = vector.broadcast %sub3A_533 : i32 to vector<16xi32>
            %sub3A_535 = arith.subi %add3A_532, %sub3A_534 : vector<16xi32>
            %min3A_536 = arith.constant 191 : i32
            %min3A_537 = vector.broadcast %min3A_536 : i32 to vector<16xi32>
            %min3A_538 = arith.minsi %sub3A_535, %min3A_537 : vector<16xi32>
            tpu.vector_store_idx %arg10[%min3A_538], %get3A_396 masked %ge3A_404 : memref<192xf32, #tpu.memory_space<vmem>>[vector<16xi32>], vector<16xf32>, vector<16xi1>
            %add3A_539 = arith.addi %add3A_526, %squeeze3A_428 : i32
            %ne3A = vector.broadcast %squeeze3A_359 : i32 to vector<16xi32>
            %ne3A_540 = arith.cmpi ne, %iota3A, %ne3A : vector<16xi32>
            %and3A = arith.andi %while3A_357, %ne3A_540 : vector<16xi1>
            scf.yield %and3A : vector<16xi1>
          }
        } else {
        }
      }
      %scan3A_180 = arith.constant 7 : i32
      "tpu.region"() ({
        %run_scoped3A = tpu.sem_alloc : memref<!tpu.dma_semaphore, #tpu.memory_space<semaphore_mem>>
        %dma_start3A_346 = arith.constant 0 : i32
        %dma_start3A_347 = tpu.memref_slice %arg5[%add3A_23, %dma_start3A_346] : memref<1024x192xf32, #tpu.memory_space<hbm>> -> memref<1x192xf32, #tpu.memory_space<hbm>>
        %dma_start3A_348 = tpu.memref_squeeze %dma_start3A_347 : memref<1x192xf32, #tpu.memory_space<hbm>> -> memref<192xf32, #tpu.memory_space<hbm>>
        %dma_start3A_349 = arith.constant 0 : i32
        %dma_start3A_350 = tpu.memref_slice %arg5[%add3A_23, %dma_start3A_349] : memref<1024x192xf32, #tpu.memory_space<hbm>> -> memref<1x192xf32, #tpu.memory_space<hbm>>
        %dma_start3A_351 = tpu.memref_squeeze %dma_start3A_350 : memref<1x192xf32, #tpu.memory_space<hbm>> -> memref<192xf32, #tpu.memory_space<hbm>>
        tpu.enqueue_dma source(%arg10 : memref<192xf32, #tpu.memory_space<vmem>>) target(%dma_start3A_351 : memref<192xf32, #tpu.memory_space<hbm>>) target_semaphore(%run_scoped3A : memref<!tpu.dma_semaphore, #tpu.memory_space<semaphore_mem>>)
        %dma_wait3A_352 = arith.constant 0 : i32
        %dma_wait3A_353 = tpu.memref_slice %arg5[%add3A_23, %dma_wait3A_352] : memref<1024x192xf32, #tpu.memory_space<hbm>> -> memref<1x192xf32, #tpu.memory_space<hbm>>
        %dma_wait3A_354 = tpu.memref_squeeze %dma_wait3A_353 : memref<1x192xf32, #tpu.memory_space<hbm>> -> memref<192xf32, #tpu.memory_space<hbm>>
        %dma_wait3A_355 = arith.constant 0 : i32
        %dma_wait3A_356 = tpu.memref_slice %arg5[%add3A_23, %dma_wait3A_355] : memref<1024x192xf32, #tpu.memory_space<hbm>> -> memref<1x192xf32, #tpu.memory_space<hbm>>
        %dma_wait3A_357 = tpu.memref_squeeze %dma_wait3A_356 : memref<1x192xf32, #tpu.memory_space<hbm>> -> memref<192xf32, #tpu.memory_space<hbm>>
        tpu.wait_dma2 semaphore(%run_scoped3A : memref<!tpu.dma_semaphore, #tpu.memory_space<semaphore_mem>>) src(%arg10 : memref<192xf32, #tpu.memory_space<vmem>>) dst(%dma_wait3A_357 : memref<192xf32, #tpu.memory_space<hbm>>)
        tpu.yield
      }) : () -> ()
      %add3A_181 = arith.constant 1 : i32
      %add3A_182 = arith.addi %add3A_21, %add3A_181 : i32
      %mul3A_183 = arith.constant 2 : i32
      %mul3A_184 = arith.muli %mul3A_183, %scan3A_18 : i32
      %add3A_185 = arith.constant 1 : i32
      %add3A_186 = arith.addi %mul3A_184, %add3A_185 : i32
      %get3A_187 = arith.index_cast %add3A_186 : i32 to index
      %get3A_188 = arith.constant 0 : index
      %get3A_189 = tpu.vector_load %arg9[%get3A_187, %get3A_188] {strides = array<i32>} : memref<32x16xf32, #tpu.memory_space<vmem>>, vector<16xf32>,
      %sc_fetch_and_add3A_190 = arith.constant 0 : i32
      %sc_fetch_and_add3A_191 = arith.constant 0 : i32
      %sc_fetch_and_add3A_192 = tpu.fetch_and_add_sync %arg11[%sc_fetch_and_add3A_191], %sc_fetch_and_add3A_190, %arg1 : memref<1xi32, #tpu.memory_space<smem>>, i32 -> i32
      %neg3A_193 = arith.constant 0 : i32
      %neg3A_194 = arith.subi %neg3A_193, %sc_fetch_and_add3A_192 : i32
      %sc_fetch_and_add3A_195 = arith.constant 0 : i32
      %sc_fetch_and_add3A_196 = tpu.fetch_and_add_sync %arg11[%sc_fetch_and_add3A_195], %neg3A_194, %arg1 : memref<1xi32, #tpu.memory_space<smem>>, i32 -> i32
      %scan3A_197 = arith.constant 0 : i32
      %scan3A_198 = arith.constant 0 : i32
      %scan3A_199 = arith.constant 12 : i32
      %scan3A_200 = arith.addi %scan3A_198, %scan3A_199 : i32
      %scan3A_201 = arith.constant 1 : i32
      scf.for %scan3A_346 = %scan3A_198 to %scan3A_200 step %scan3A_201  : i32 {
        %broadcast_in_dim3A = arith.constant -3.000000e+38 : f32
        %broadcast_in_dim3A_347 = vector.broadcast %broadcast_in_dim3A : f32 to vector<16xf32>
        %mul3A_348 = arith.constant 16 : i32
        %mul3A_349 = arith.muli %scan3A_346, %mul3A_348 : i32
        %swap3A = arith.index_cast %mul3A_349 : i32 to index
        %swap3A_350 = tpu.vector_load %arg10[%swap3A] {strides = array<i32>} : memref<192xf32, #tpu.memory_space<vmem>>, vector<16xf32>,
        tpu.vector_store %arg10[%swap3A], %broadcast_in_dim3A_347 {strides = array<i32>} : memref<192xf32, #tpu.memory_space<vmem>>, vector<16xf32>,
      }
      %scan3A_202 = arith.constant 12 : i32
      %dma_wait3A_203 = arith.constant 0 : i32
      %dma_wait3A_204 = tpu.memref_slice %arg2[%add3A_182, %dma_wait3A_203] : memref<1024x100352xf32, #tpu.memory_space<hbm>> -> memref<1x14336xf32, #tpu.memory_space<hbm>>
      %dma_wait3A_205 = tpu.memref_squeeze %dma_wait3A_204 : memref<1x14336xf32, #tpu.memory_space<hbm>> -> memref<14336xf32, #tpu.memory_space<hbm>>
      %dma_wait3A_206 = arith.constant 0 : i32
      %dma_wait3A_207 = tpu.memref_slice %arg2[%add3A_182, %dma_wait3A_206] : memref<1024x100352xf32, #tpu.memory_space<hbm>> -> memref<1x14336xf32, #tpu.memory_space<hbm>>
      %dma_wait3A_208 = tpu.memref_squeeze %dma_wait3A_207 : memref<1x14336xf32, #tpu.memory_space<hbm>> -> memref<14336xf32, #tpu.memory_space<hbm>>
      tpu.wait_dma2 semaphore(%arg13 : memref<!tpu.dma_semaphore, #tpu.memory_space<semaphore_mem>>) src(%dma_wait3A_208 : memref<14336xf32, #tpu.memory_space<hbm>>) dst(%arg7 : memref<14336xf32, #tpu.memory_space<vmem>>)
      %add3A_209 = arith.constant 1 : i32
      %add3A_210 = arith.addi %add3A_21, %add3A_209 : i32
      %dma_start3A_211 = arith.constant 14336 : i32
      %dma_start3A_212 = tpu.memref_slice %arg2[%add3A_210, %dma_start3A_211] : memref<1024x100352xf32, #tpu.memory_space<hbm>> -> memref<1x14336xf32, #tpu.memory_space<hbm>>
      %dma_start3A_213 = tpu.memref_squeeze %dma_start3A_212 : memref<1x14336xf32, #tpu.memory_space<hbm>> -> memref<14336xf32, #tpu.memory_space<hbm>>
      %dma_start3A_214 = arith.constant 14336 : i32
      %dma_start3A_215 = tpu.memref_slice %arg2[%add3A_210, %dma_start3A_214] : memref<1024x100352xf32, #tpu.memory_space<hbm>> -> memref<1x14336xf32, #tpu.memory_space<hbm>>
      %dma_start3A_216 = tpu.memref_squeeze %dma_start3A_215 : memref<1x14336xf32, #tpu.memory_space<hbm>> -> memref<14336xf32, #tpu.memory_space<hbm>>
      tpu.enqueue_dma source(%dma_start3A_216 : memref<14336xf32, #tpu.memory_space<hbm>>) target(%arg6 : memref<14336xf32, #tpu.memory_space<vmem>>) target_semaphore(%arg12 : memref<!tpu.dma_semaphore, #tpu.memory_space<semaphore_mem>>)
      %scan3A_217 = arith.constant 0 : i32
      %scan3A_218 = arith.constant 0 : i32
      %scan3A_219 = arith.constant 7 : i32
      %scan3A_220 = arith.addi %scan3A_218, %scan3A_219 : i32
      %scan3A_221 = arith.constant 1 : i32
      scf.for %scan3A_346 = %scan3A_218 to %scan3A_220 step %scan3A_221  : i32 {
        %mul3A_347 = arith.constant 16 : i32
        %mul3A_348 = arith.muli %scan3A_346, %mul3A_347 : i32
        %add3A_349 = arith.constant 0 : i32
        %add3A_350 = arith.addi %add3A_349, %mul3A_348 : i32
        %get3A_351 = arith.constant 1 : i32
        %get3A_352 = arith.index_cast %get3A_351 : i32 to index
        %get3A_353 = arith.index_cast %add3A_350 : i32 to index
        %get3A_354 = tpu.vector_load %arg8[%get3A_352, %get3A_353] {strides = array<i32>} : memref<2x784xf32, #tpu.memory_space<vmem>>, vector<16xf32>,
        %ge3A = arith.cmpf oge, %get3A_354, %get3A_189 : vector<16xf32>
        %all_reduce_population_count3A = tpu.all_reduce %ge3A {dim = 0 : i64, kind = #tpu.reduction_kind<sum>} : vector<16xi1> -> vector<16xi32>
        %slice3A = vector.extract_strided_slice %all_reduce_population_count3A {offsets = [0], sizes = [1], strides = [1]} : vector<16xi32> to vector<1xi32>
        %squeeze3A = vector.extract %slice3A[0] : i32 from vector<1xi32>
        %gt3A = arith.constant 0 : i32
        %gt3A_355 = arith.cmpi sgt, %squeeze3A, %gt3A : i32
        %convert_element_type3A = arith.extui %gt3A_355 : i1 to i32
        %cond3A = arith.constant 0 : i32
        %cond3A_356 = arith.cmpi ne, %convert_element_type3A, %cond3A : i32
        scf.if %cond3A_356 {
          %while3A = scf.while (%while3A_357 = %ge3A) : (vector<16xi1>) -> vector<16xi1> {
            %all_reduce_population_count3A_358 = tpu.all_reduce %while3A_357 {dim = 0 : i64, kind = #tpu.reduction_kind<sum>} : vector<16xi1> -> vector<16xi32>
            %slice3A_359 = vector.extract_strided_slice %all_reduce_population_count3A_358 {offsets = [0], sizes = [1], strides = [1]} : vector<16xi32> to vector<1xi32>
            %squeeze3A_360 = vector.extract %slice3A_359[0] : i32 from vector<1xi32>
            %gt3A_361 = arith.constant 0 : i32
            %gt3A_362 = arith.cmpi sgt, %squeeze3A_360, %gt3A_361 : i32
            scf.condition(%gt3A_362) %while3A_357 : vector<16xi1>
          } do {
          ^bb0(%while3A_357: vector<16xi1>):
            %all_reduce_ffs3A = tpu.all_reduce %while3A_357 {dim = 0 : i64, kind = #tpu.reduction_kind<find_first_set>} : vector<16xi1> -> vector<16xi32>
            %slice3A_358 = vector.extract_strided_slice %all_reduce_ffs3A {offsets = [0], sizes = [1], strides = [1]} : vector<16xi32> to vector<1xi32>
            %squeeze3A_359 = vector.extract %slice3A_358[0] : i32 from vector<1xi32>
            %mul3A_360 = arith.constant 16 : i32
            %mul3A_361 = arith.muli %scan3A_346, %mul3A_360 : i32
            %add3A_362 = arith.addi %mul3A_361, %squeeze3A_359 : i32
            %mul3A_363 = arith.constant 128 : i32
            %mul3A_364 = arith.muli %add3A_362, %mul3A_363 : i32
            %add3A_365 = arith.constant 0 : i32
            %add3A_366 = arith.addi %mul3A_364, %add3A_365 : i32
            %get3A_367 = arith.index_cast %add3A_366 : i32 to index
            %get3A_368 = tpu.vector_load %arg7[%get3A_367] {strides = array<i32>} : memref<14336xf32, #tpu.memory_space<vmem>>, vector<16xf32>,
            %add3A_369 = arith.constant 16 : i32
            %add3A_370 = arith.addi %mul3A_364, %add3A_369 : i32
            %get3A_371 = arith.index_cast %add3A_370 : i32 to index
            %get3A_372 = tpu.vector_load %arg7[%get3A_371] {strides = array<i32>} : memref<14336xf32, #tpu.memory_space<vmem>>, vector<16xf32>,
            %add3A_373 = arith.constant 32 : i32
            %add3A_374 = arith.addi %mul3A_364, %add3A_373 : i32
            %get3A_375 = arith.index_cast %add3A_374 : i32 to index
            %get3A_376 = tpu.vector_load %arg7[%get3A_375] {strides = array<i32>} : memref<14336xf32, #tpu.memory_space<vmem>>, vector<16xf32>,
            %add3A_377 = arith.constant 48 : i32
            %add3A_378 = arith.addi %mul3A_364, %add3A_377 : i32
            %get3A_379 = arith.index_cast %add3A_378 : i32 to index
            %get3A_380 = tpu.vector_load %arg7[%get3A_379] {strides = array<i32>} : memref<14336xf32, #tpu.memory_space<vmem>>, vector<16xf32>,
            %add3A_381 = arith.constant 64 : i32
            %add3A_382 = arith.addi %mul3A_364, %add3A_381 : i32
            %get3A_383 = arith.index_cast %add3A_382 : i32 to index
            %get3A_384 = tpu.vector_load %arg7[%get3A_383] {strides = array<i32>} : memref<14336xf32, #tpu.memory_space<vmem>>, vector<16xf32>,
            %add3A_385 = arith.constant 80 : i32
            %add3A_386 = arith.addi %mul3A_364, %add3A_385 : i32
            %get3A_387 = arith.index_cast %add3A_386 : i32 to index
            %get3A_388 = tpu.vector_load %arg7[%get3A_387] {strides = array<i32>} : memref<14336xf32, #tpu.memory_space<vmem>>, vector<16xf32>,
            %add3A_389 = arith.constant 96 : i32
            %add3A_390 = arith.addi %mul3A_364, %add3A_389 : i32
            %get3A_391 = arith.index_cast %add3A_390 : i32 to index
            %get3A_392 = tpu.vector_load %arg7[%get3A_391] {strides = array<i32>} : memref<14336xf32, #tpu.memory_space<vmem>>, vector<16xf32>,
            %add3A_393 = arith.constant 112 : i32
            %add3A_394 = arith.addi %mul3A_364, %add3A_393 : i32
            %get3A_395 = arith.index_cast %add3A_394 : i32 to index
            %get3A_396 = tpu.vector_load %arg7[%get3A_395] {strides = array<i32>} : memref<14336xf32, #tpu.memory_space<vmem>>, vector<16xf32>,
            %ge3A_397 = arith.cmpf oge, %get3A_368, %get3A_189 : vector<16xf32>
            %ge3A_398 = arith.cmpf oge, %get3A_372, %get3A_189 : vector<16xf32>
            %ge3A_399 = arith.cmpf oge, %get3A_376, %get3A_189 : vector<16xf32>
            %ge3A_400 = arith.cmpf oge, %get3A_380, %get3A_189 : vector<16xf32>
            %ge3A_401 = arith.cmpf oge, %get3A_384, %get3A_189 : vector<16xf32>
            %ge3A_402 = arith.cmpf oge, %get3A_388, %get3A_189 : vector<16xf32>
            %ge3A_403 = arith.cmpf oge, %get3A_392, %get3A_189 : vector<16xf32>
            %ge3A_404 = arith.cmpf oge, %get3A_396, %get3A_189 : vector<16xf32>
            %all_reduce_population_count3A_405 = tpu.all_reduce %ge3A_397 {dim = 0 : i64, kind = #tpu.reduction_kind<sum>} : vector<16xi1> -> vector<16xi32>
            %slice3A_406 = vector.extract_strided_slice %all_reduce_population_count3A_405 {offsets = [0], sizes = [1], strides = [1]} : vector<16xi32> to vector<1xi32>
            %squeeze3A_407 = vector.extract %slice3A_406[0] : i32 from vector<1xi32>
            %all_reduce_population_count3A_408 = tpu.all_reduce %ge3A_398 {dim = 0 : i64, kind = #tpu.reduction_kind<sum>} : vector<16xi1> -> vector<16xi32>
            %slice3A_409 = vector.extract_strided_slice %all_reduce_population_count3A_408 {offsets = [0], sizes = [1], strides = [1]} : vector<16xi32> to vector<1xi32>
            %squeeze3A_410 = vector.extract %slice3A_409[0] : i32 from vector<1xi32>
            %all_reduce_population_count3A_411 = tpu.all_reduce %ge3A_399 {dim = 0 : i64, kind = #tpu.reduction_kind<sum>} : vector<16xi1> -> vector<16xi32>
            %slice3A_412 = vector.extract_strided_slice %all_reduce_population_count3A_411 {offsets = [0], sizes = [1], strides = [1]} : vector<16xi32> to vector<1xi32>
            %squeeze3A_413 = vector.extract %slice3A_412[0] : i32 from vector<1xi32>
            %all_reduce_population_count3A_414 = tpu.all_reduce %ge3A_400 {dim = 0 : i64, kind = #tpu.reduction_kind<sum>} : vector<16xi1> -> vector<16xi32>
            %slice3A_415 = vector.extract_strided_slice %all_reduce_population_count3A_414 {offsets = [0], sizes = [1], strides = [1]} : vector<16xi32> to vector<1xi32>
            %squeeze3A_416 = vector.extract %slice3A_415[0] : i32 from vector<1xi32>
            %all_reduce_population_count3A_417 = tpu.all_reduce %ge3A_401 {dim = 0 : i64, kind = #tpu.reduction_kind<sum>} : vector<16xi1> -> vector<16xi32>
            %slice3A_418 = vector.extract_strided_slice %all_reduce_population_count3A_417 {offsets = [0], sizes = [1], strides = [1]} : vector<16xi32> to vector<1xi32>
            %squeeze3A_419 = vector.extract %slice3A_418[0] : i32 from vector<1xi32>
            %all_reduce_population_count3A_420 = tpu.all_reduce %ge3A_402 {dim = 0 : i64, kind = #tpu.reduction_kind<sum>} : vector<16xi1> -> vector<16xi32>
            %slice3A_421 = vector.extract_strided_slice %all_reduce_population_count3A_420 {offsets = [0], sizes = [1], strides = [1]} : vector<16xi32> to vector<1xi32>
            %squeeze3A_422 = vector.extract %slice3A_421[0] : i32 from vector<1xi32>
            %all_reduce_population_count3A_423 = tpu.all_reduce %ge3A_403 {dim = 0 : i64, kind = #tpu.reduction_kind<sum>} : vector<16xi1> -> vector<16xi32>
            %slice3A_424 = vector.extract_strided_slice %all_reduce_population_count3A_423 {offsets = [0], sizes = [1], strides = [1]} : vector<16xi32> to vector<1xi32>
            %squeeze3A_425 = vector.extract %slice3A_424[0] : i32 from vector<1xi32>
            %all_reduce_population_count3A_426 = tpu.all_reduce %ge3A_404 {dim = 0 : i64, kind = #tpu.reduction_kind<sum>} : vector<16xi1> -> vector<16xi32>
            %slice3A_427 = vector.extract_strided_slice %all_reduce_population_count3A_426 {offsets = [0], sizes = [1], strides = [1]} : vector<16xi32> to vector<1xi32>
            %squeeze3A_428 = vector.extract %slice3A_427[0] : i32 from vector<1xi32>
            %add3A_429 = arith.addi %squeeze3A_407, %squeeze3A_410 : i32
            %add3A_430 = arith.addi %add3A_429, %squeeze3A_413 : i32
            %add3A_431 = arith.addi %add3A_430, %squeeze3A_416 : i32
            %add3A_432 = arith.addi %add3A_431, %squeeze3A_419 : i32
            %add3A_433 = arith.addi %add3A_432, %squeeze3A_422 : i32
            %add3A_434 = arith.addi %add3A_433, %squeeze3A_425 : i32
            %add3A_435 = arith.addi %add3A_434, %squeeze3A_428 : i32
            %sc_fetch_and_add3A_436 = arith.constant 0 : i32
            %sc_fetch_and_add3A_437 = tpu.fetch_and_add_sync %arg11[%sc_fetch_and_add3A_436], %add3A_435, %arg1 : memref<1xi32, #tpu.memory_space<smem>>, i32 -> i32
            %convert_element_type3A_438 = arith.extui %ge3A_397 : vector<16xi1> to vector<16xi32>
            %broadcast_in_dim3A = arith.constant true
            %broadcast_in_dim3A_439 = vector.broadcast %broadcast_in_dim3A : i1 to vector<16xi1>
            %masked_cumsum3A = tpu.scan <sum>, %convert_element_type3A_438 masked %broadcast_in_dim3A_439 : vector<16xi32>, vector<16xi1> -> vector<16xi32>
            %add3A_440 = vector.broadcast %sc_fetch_and_add3A_437 : i32 to vector<16xi32>
            %add3A_441 = arith.addi %add3A_440, %masked_cumsum3A : vector<16xi32>
            %sub3A_442 = arith.constant 1 : i32
            %sub3A_443 = vector.broadcast %sub3A_442 : i32 to vector<16xi32>
            %sub3A_444 = arith.subi %add3A_441, %sub3A_443 : vector<16xi32>
            %min3A_445 = arith.constant 191 : i32
            %min3A_446 = vector.broadcast %min3A_445 : i32 to vector<16xi32>
            %min3A_447 = arith.minsi %sub3A_444, %min3A_446 : vector<16xi32>
            tpu.vector_store_idx %arg10[%min3A_447], %get3A_368 masked %ge3A_397 : memref<192xf32, #tpu.memory_space<vmem>>[vector<16xi32>], vector<16xf32>, vector<16xi1>
            %add3A_448 = arith.addi %sc_fetch_and_add3A_437, %squeeze3A_407 : i32
            %convert_element_type3A_449 = arith.extui %ge3A_398 : vector<16xi1> to vector<16xi32>
            %broadcast_in_dim3A_450 = arith.constant true
            %broadcast_in_dim3A_451 = vector.broadcast %broadcast_in_dim3A_450 : i1 to vector<16xi1>
            %masked_cumsum3A_452 = tpu.scan <sum>, %convert_element_type3A_449 masked %broadcast_in_dim3A_451 : vector<16xi32>, vector<16xi1> -> vector<16xi32>
            %add3A_453 = vector.broadcast %add3A_448 : i32 to vector<16xi32>
            %add3A_454 = arith.addi %add3A_453, %masked_cumsum3A_452 : vector<16xi32>
            %sub3A_455 = arith.constant 1 : i32
            %sub3A_456 = vector.broadcast %sub3A_455 : i32 to vector<16xi32>
            %sub3A_457 = arith.subi %add3A_454, %sub3A_456 : vector<16xi32>
            %min3A_458 = arith.constant 191 : i32
            %min3A_459 = vector.broadcast %min3A_458 : i32 to vector<16xi32>
            %min3A_460 = arith.minsi %sub3A_457, %min3A_459 : vector<16xi32>
            tpu.vector_store_idx %arg10[%min3A_460], %get3A_372 masked %ge3A_398 : memref<192xf32, #tpu.memory_space<vmem>>[vector<16xi32>], vector<16xf32>, vector<16xi1>
            %add3A_461 = arith.addi %add3A_448, %squeeze3A_410 : i32
            %convert_element_type3A_462 = arith.extui %ge3A_399 : vector<16xi1> to vector<16xi32>
            %broadcast_in_dim3A_463 = arith.constant true
            %broadcast_in_dim3A_464 = vector.broadcast %broadcast_in_dim3A_463 : i1 to vector<16xi1>
            %masked_cumsum3A_465 = tpu.scan <sum>, %convert_element_type3A_462 masked %broadcast_in_dim3A_464 : vector<16xi32>, vector<16xi1> -> vector<16xi32>
            %add3A_466 = vector.broadcast %add3A_461 : i32 to vector<16xi32>
            %add3A_467 = arith.addi %add3A_466, %masked_cumsum3A_465 : vector<16xi32>
            %sub3A_468 = arith.constant 1 : i32
            %sub3A_469 = vector.broadcast %sub3A_468 : i32 to vector<16xi32>
            %sub3A_470 = arith.subi %add3A_467, %sub3A_469 : vector<16xi32>
            %min3A_471 = arith.constant 191 : i32
            %min3A_472 = vector.broadcast %min3A_471 : i32 to vector<16xi32>
            %min3A_473 = arith.minsi %sub3A_470, %min3A_472 : vector<16xi32>
            tpu.vector_store_idx %arg10[%min3A_473], %get3A_376 masked %ge3A_399 : memref<192xf32, #tpu.memory_space<vmem>>[vector<16xi32>], vector<16xf32>, vector<16xi1>
            %add3A_474 = arith.addi %add3A_461, %squeeze3A_413 : i32
            %convert_element_type3A_475 = arith.extui %ge3A_400 : vector<16xi1> to vector<16xi32>
            %broadcast_in_dim3A_476 = arith.constant true
            %broadcast_in_dim3A_477 = vector.broadcast %broadcast_in_dim3A_476 : i1 to vector<16xi1>
            %masked_cumsum3A_478 = tpu.scan <sum>, %convert_element_type3A_475 masked %broadcast_in_dim3A_477 : vector<16xi32>, vector<16xi1> -> vector<16xi32>
            %add3A_479 = vector.broadcast %add3A_474 : i32 to vector<16xi32>
            %add3A_480 = arith.addi %add3A_479, %masked_cumsum3A_478 : vector<16xi32>
            %sub3A_481 = arith.constant 1 : i32
            %sub3A_482 = vector.broadcast %sub3A_481 : i32 to vector<16xi32>
            %sub3A_483 = arith.subi %add3A_480, %sub3A_482 : vector<16xi32>
            %min3A_484 = arith.constant 191 : i32
            %min3A_485 = vector.broadcast %min3A_484 : i32 to vector<16xi32>
            %min3A_486 = arith.minsi %sub3A_483, %min3A_485 : vector<16xi32>
            tpu.vector_store_idx %arg10[%min3A_486], %get3A_380 masked %ge3A_400 : memref<192xf32, #tpu.memory_space<vmem>>[vector<16xi32>], vector<16xf32>, vector<16xi1>
            %add3A_487 = arith.addi %add3A_474, %squeeze3A_416 : i32
            %convert_element_type3A_488 = arith.extui %ge3A_401 : vector<16xi1> to vector<16xi32>
            %broadcast_in_dim3A_489 = arith.constant true
            %broadcast_in_dim3A_490 = vector.broadcast %broadcast_in_dim3A_489 : i1 to vector<16xi1>
            %masked_cumsum3A_491 = tpu.scan <sum>, %convert_element_type3A_488 masked %broadcast_in_dim3A_490 : vector<16xi32>, vector<16xi1> -> vector<16xi32>
            %add3A_492 = vector.broadcast %add3A_487 : i32 to vector<16xi32>
            %add3A_493 = arith.addi %add3A_492, %masked_cumsum3A_491 : vector<16xi32>
            %sub3A_494 = arith.constant 1 : i32
            %sub3A_495 = vector.broadcast %sub3A_494 : i32 to vector<16xi32>
            %sub3A_496 = arith.subi %add3A_493, %sub3A_495 : vector<16xi32>
            %min3A_497 = arith.constant 191 : i32
            %min3A_498 = vector.broadcast %min3A_497 : i32 to vector<16xi32>
            %min3A_499 = arith.minsi %sub3A_496, %min3A_498 : vector<16xi32>
            tpu.vector_store_idx %arg10[%min3A_499], %get3A_384 masked %ge3A_401 : memref<192xf32, #tpu.memory_space<vmem>>[vector<16xi32>], vector<16xf32>, vector<16xi1>
            %add3A_500 = arith.addi %add3A_487, %squeeze3A_419 : i32
            %convert_element_type3A_501 = arith.extui %ge3A_402 : vector<16xi1> to vector<16xi32>
            %broadcast_in_dim3A_502 = arith.constant true
            %broadcast_in_dim3A_503 = vector.broadcast %broadcast_in_dim3A_502 : i1 to vector<16xi1>
            %masked_cumsum3A_504 = tpu.scan <sum>, %convert_element_type3A_501 masked %broadcast_in_dim3A_503 : vector<16xi32>, vector<16xi1> -> vector<16xi32>
            %add3A_505 = vector.broadcast %add3A_500 : i32 to vector<16xi32>
            %add3A_506 = arith.addi %add3A_505, %masked_cumsum3A_504 : vector<16xi32>
            %sub3A_507 = arith.constant 1 : i32
            %sub3A_508 = vector.broadcast %sub3A_507 : i32 to vector<16xi32>
            %sub3A_509 = arith.subi %add3A_506, %sub3A_508 : vector<16xi32>
            %min3A_510 = arith.constant 191 : i32
            %min3A_511 = vector.broadcast %min3A_510 : i32 to vector<16xi32>
            %min3A_512 = arith.minsi %sub3A_509, %min3A_511 : vector<16xi32>
            tpu.vector_store_idx %arg10[%min3A_512], %get3A_388 masked %ge3A_402 : memref<192xf32, #tpu.memory_space<vmem>>[vector<16xi32>], vector<16xf32>, vector<16xi1>
            %add3A_513 = arith.addi %add3A_500, %squeeze3A_422 : i32
            %convert_element_type3A_514 = arith.extui %ge3A_403 : vector<16xi1> to vector<16xi32>
            %broadcast_in_dim3A_515 = arith.constant true
            %broadcast_in_dim3A_516 = vector.broadcast %broadcast_in_dim3A_515 : i1 to vector<16xi1>
            %masked_cumsum3A_517 = tpu.scan <sum>, %convert_element_type3A_514 masked %broadcast_in_dim3A_516 : vector<16xi32>, vector<16xi1> -> vector<16xi32>
            %add3A_518 = vector.broadcast %add3A_513 : i32 to vector<16xi32>
            %add3A_519 = arith.addi %add3A_518, %masked_cumsum3A_517 : vector<16xi32>
            %sub3A_520 = arith.constant 1 : i32
            %sub3A_521 = vector.broadcast %sub3A_520 : i32 to vector<16xi32>
            %sub3A_522 = arith.subi %add3A_519, %sub3A_521 : vector<16xi32>
            %min3A_523 = arith.constant 191 : i32
            %min3A_524 = vector.broadcast %min3A_523 : i32 to vector<16xi32>
            %min3A_525 = arith.minsi %sub3A_522, %min3A_524 : vector<16xi32>
            tpu.vector_store_idx %arg10[%min3A_525], %get3A_392 masked %ge3A_403 : memref<192xf32, #tpu.memory_space<vmem>>[vector<16xi32>], vector<16xf32>, vector<16xi1>
            %add3A_526 = arith.addi %add3A_513, %squeeze3A_425 : i32
            %convert_element_type3A_527 = arith.extui %ge3A_404 : vector<16xi1> to vector<16xi32>
            %broadcast_in_dim3A_528 = arith.constant true
            %broadcast_in_dim3A_529 = vector.broadcast %broadcast_in_dim3A_528 : i1 to vector<16xi1>
            %masked_cumsum3A_530 = tpu.scan <sum>, %convert_element_type3A_527 masked %broadcast_in_dim3A_529 : vector<16xi32>, vector<16xi1> -> vector<16xi32>
            %add3A_531 = vector.broadcast %add3A_526 : i32 to vector<16xi32>
            %add3A_532 = arith.addi %add3A_531, %masked_cumsum3A_530 : vector<16xi32>
            %sub3A_533 = arith.constant 1 : i32
            %sub3A_534 = vector.broadcast %sub3A_533 : i32 to vector<16xi32>
            %sub3A_535 = arith.subi %add3A_532, %sub3A_534 : vector<16xi32>
            %min3A_536 = arith.constant 191 : i32
            %min3A_537 = vector.broadcast %min3A_536 : i32 to vector<16xi32>
            %min3A_538 = arith.minsi %sub3A_535, %min3A_537 : vector<16xi32>
            tpu.vector_store_idx %arg10[%min3A_538], %get3A_396 masked %ge3A_404 : memref<192xf32, #tpu.memory_space<vmem>>[vector<16xi32>], vector<16xf32>, vector<16xi1>
            %add3A_539 = arith.addi %add3A_526, %squeeze3A_428 : i32
            %ne3A = vector.broadcast %squeeze3A_359 : i32 to vector<16xi32>
            %ne3A_540 = arith.cmpi ne, %iota3A, %ne3A : vector<16xi32>
            %and3A = arith.andi %while3A_357, %ne3A_540 : vector<16xi1>
            scf.yield %and3A : vector<16xi1>
          }
        } else {
        }
      }
      %scan3A_222 = arith.constant 7 : i32
      %dma_wait3A_223 = arith.constant 14336 : i32
      %dma_wait3A_224 = tpu.memref_slice %arg2[%add3A_182, %dma_wait3A_223] : memref<1024x100352xf32, #tpu.memory_space<hbm>> -> memref<1x14336xf32, #tpu.memory_space<hbm>>
      %dma_wait3A_225 = tpu.memref_squeeze %dma_wait3A_224 : memref<1x14336xf32, #tpu.memory_space<hbm>> -> memref<14336xf32, #tpu.memory_space<hbm>>
      %dma_wait3A_226 = arith.constant 14336 : i32
      %dma_wait3A_227 = tpu.memref_slice %arg2[%add3A_182, %dma_wait3A_226] : memref<1024x100352xf32, #tpu.memory_space<hbm>> -> memref<1x14336xf32, #tpu.memory_space<hbm>>
      %dma_wait3A_228 = tpu.memref_squeeze %dma_wait3A_227 : memref<1x14336xf32, #tpu.memory_space<hbm>> -> memref<14336xf32, #tpu.memory_space<hbm>>
      tpu.wait_dma2 semaphore(%arg12 : memref<!tpu.dma_semaphore, #tpu.memory_space<semaphore_mem>>) src(%dma_wait3A_228 : memref<14336xf32, #tpu.memory_space<hbm>>) dst(%arg6 : memref<14336xf32, #tpu.memory_space<vmem>>)
      %add3A_229 = arith.constant 1 : i32
      %add3A_230 = arith.addi %add3A_21, %add3A_229 : i32
      %dma_start3A_231 = arith.constant 28672 : i32
      %dma_start3A_232 = tpu.memref_slice %arg2[%add3A_230, %dma_start3A_231] : memref<1024x100352xf32, #tpu.memory_space<hbm>> -> memref<1x14336xf32, #tpu.memory_space<hbm>>
      %dma_start3A_233 = tpu.memref_squeeze %dma_start3A_232 : memref<1x14336xf32, #tpu.memory_space<hbm>> -> memref<14336xf32, #tpu.memory_space<hbm>>
      %dma_start3A_234 = arith.constant 28672 : i32
      %dma_start3A_235 = tpu.memref_slice %arg2[%add3A_230, %dma_start3A_234] : memref<1024x100352xf32, #tpu.memory_space<hbm>> -> memref<1x14336xf32, #tpu.memory_space<hbm>>
      %dma_start3A_236 = tpu.memref_squeeze %dma_start3A_235 : memref<1x14336xf32, #tpu.memory_space<hbm>> -> memref<14336xf32, #tpu.memory_space<hbm>>
      tpu.enqueue_dma source(%dma_start3A_236 : memref<14336xf32, #tpu.memory_space<hbm>>) target(%arg7 : memref<14336xf32, #tpu.memory_space<vmem>>) target_semaphore(%arg13 : memref<!tpu.dma_semaphore, #tpu.memory_space<semaphore_mem>>)
      %scan3A_237 = arith.constant 0 : i32
      %scan3A_238 = arith.constant 0 : i32
      %scan3A_239 = arith.constant 7 : i32
      %scan3A_240 = arith.addi %scan3A_238, %scan3A_239 : i32
      %scan3A_241 = arith.constant 1 : i32
      scf.for %scan3A_346 = %scan3A_238 to %scan3A_240 step %scan3A_241  : i32 {
        %mul3A_347 = arith.constant 16 : i32
        %mul3A_348 = arith.muli %scan3A_346, %mul3A_347 : i32
        %add3A_349 = arith.constant 112 : i32
        %add3A_350 = arith.addi %add3A_349, %mul3A_348 : i32
        %get3A_351 = arith.constant 1 : i32
        %get3A_352 = arith.index_cast %get3A_351 : i32 to index
        %get3A_353 = arith.index_cast %add3A_350 : i32 to index
        %get3A_354 = tpu.vector_load %arg8[%get3A_352, %get3A_353] {strides = array<i32>} : memref<2x784xf32, #tpu.memory_space<vmem>>, vector<16xf32>,
        %ge3A = arith.cmpf oge, %get3A_354, %get3A_189 : vector<16xf32>
        %all_reduce_population_count3A = tpu.all_reduce %ge3A {dim = 0 : i64, kind = #tpu.reduction_kind<sum>} : vector<16xi1> -> vector<16xi32>
        %slice3A = vector.extract_strided_slice %all_reduce_population_count3A {offsets = [0], sizes = [1], strides = [1]} : vector<16xi32> to vector<1xi32>
        %squeeze3A = vector.extract %slice3A[0] : i32 from vector<1xi32>
        %gt3A = arith.constant 0 : i32
        %gt3A_355 = arith.cmpi sgt, %squeeze3A, %gt3A : i32
        %convert_element_type3A = arith.extui %gt3A_355 : i1 to i32
        %cond3A = arith.constant 0 : i32
        %cond3A_356 = arith.cmpi ne, %convert_element_type3A, %cond3A : i32
        scf.if %cond3A_356 {
          %while3A = scf.while (%while3A_357 = %ge3A) : (vector<16xi1>) -> vector<16xi1> {
            %all_reduce_population_count3A_358 = tpu.all_reduce %while3A_357 {dim = 0 : i64, kind = #tpu.reduction_kind<sum>} : vector<16xi1> -> vector<16xi32>
            %slice3A_359 = vector.extract_strided_slice %all_reduce_population_count3A_358 {offsets = [0], sizes = [1], strides = [1]} : vector<16xi32> to vector<1xi32>
            %squeeze3A_360 = vector.extract %slice3A_359[0] : i32 from vector<1xi32>
            %gt3A_361 = arith.constant 0 : i32
            %gt3A_362 = arith.cmpi sgt, %squeeze3A_360, %gt3A_361 : i32
            scf.condition(%gt3A_362) %while3A_357 : vector<16xi1>
          } do {
          ^bb0(%while3A_357: vector<16xi1>):
            %all_reduce_ffs3A = tpu.all_reduce %while3A_357 {dim = 0 : i64, kind = #tpu.reduction_kind<find_first_set>} : vector<16xi1> -> vector<16xi32>
            %slice3A_358 = vector.extract_strided_slice %all_reduce_ffs3A {offsets = [0], sizes = [1], strides = [1]} : vector<16xi32> to vector<1xi32>
            %squeeze3A_359 = vector.extract %slice3A_358[0] : i32 from vector<1xi32>
            %mul3A_360 = arith.constant 16 : i32
            %mul3A_361 = arith.muli %scan3A_346, %mul3A_360 : i32
            %add3A_362 = arith.addi %mul3A_361, %squeeze3A_359 : i32
            %mul3A_363 = arith.constant 128 : i32
            %mul3A_364 = arith.muli %add3A_362, %mul3A_363 : i32
            %add3A_365 = arith.constant 0 : i32
            %add3A_366 = arith.addi %mul3A_364, %add3A_365 : i32
            %get3A_367 = arith.index_cast %add3A_366 : i32 to index
            %get3A_368 = tpu.vector_load %arg6[%get3A_367] {strides = array<i32>} : memref<14336xf32, #tpu.memory_space<vmem>>, vector<16xf32>,
            %add3A_369 = arith.constant 16 : i32
            %add3A_370 = arith.addi %mul3A_364, %add3A_369 : i32
            %get3A_371 = arith.index_cast %add3A_370 : i32 to index
            %get3A_372 = tpu.vector_load %arg6[%get3A_371] {strides = array<i32>} : memref<14336xf32, #tpu.memory_space<vmem>>, vector<16xf32>,
            %add3A_373 = arith.constant 32 : i32
            %add3A_374 = arith.addi %mul3A_364, %add3A_373 : i32
            %get3A_375 = arith.index_cast %add3A_374 : i32 to index
            %get3A_376 = tpu.vector_load %arg6[%get3A_375] {strides = array<i32>} : memref<14336xf32, #tpu.memory_space<vmem>>, vector<16xf32>,
            %add3A_377 = arith.constant 48 : i32
            %add3A_378 = arith.addi %mul3A_364, %add3A_377 : i32
            %get3A_379 = arith.index_cast %add3A_378 : i32 to index
            %get3A_380 = tpu.vector_load %arg6[%get3A_379] {strides = array<i32>} : memref<14336xf32, #tpu.memory_space<vmem>>, vector<16xf32>,
            %add3A_381 = arith.constant 64 : i32
            %add3A_382 = arith.addi %mul3A_364, %add3A_381 : i32
            %get3A_383 = arith.index_cast %add3A_382 : i32 to index
            %get3A_384 = tpu.vector_load %arg6[%get3A_383] {strides = array<i32>} : memref<14336xf32, #tpu.memory_space<vmem>>, vector<16xf32>,
            %add3A_385 = arith.constant 80 : i32
            %add3A_386 = arith.addi %mul3A_364, %add3A_385 : i32
            %get3A_387 = arith.index_cast %add3A_386 : i32 to index
            %get3A_388 = tpu.vector_load %arg6[%get3A_387] {strides = array<i32>} : memref<14336xf32, #tpu.memory_space<vmem>>, vector<16xf32>,
            %add3A_389 = arith.constant 96 : i32
            %add3A_390 = arith.addi %mul3A_364, %add3A_389 : i32
            %get3A_391 = arith.index_cast %add3A_390 : i32 to index
            %get3A_392 = tpu.vector_load %arg6[%get3A_391] {strides = array<i32>} : memref<14336xf32, #tpu.memory_space<vmem>>, vector<16xf32>,
            %add3A_393 = arith.constant 112 : i32
            %add3A_394 = arith.addi %mul3A_364, %add3A_393 : i32
            %get3A_395 = arith.index_cast %add3A_394 : i32 to index
            %get3A_396 = tpu.vector_load %arg6[%get3A_395] {strides = array<i32>} : memref<14336xf32, #tpu.memory_space<vmem>>, vector<16xf32>,
            %ge3A_397 = arith.cmpf oge, %get3A_368, %get3A_189 : vector<16xf32>
            %ge3A_398 = arith.cmpf oge, %get3A_372, %get3A_189 : vector<16xf32>
            %ge3A_399 = arith.cmpf oge, %get3A_376, %get3A_189 : vector<16xf32>
            %ge3A_400 = arith.cmpf oge, %get3A_380, %get3A_189 : vector<16xf32>
            %ge3A_401 = arith.cmpf oge, %get3A_384, %get3A_189 : vector<16xf32>
            %ge3A_402 = arith.cmpf oge, %get3A_388, %get3A_189 : vector<16xf32>
            %ge3A_403 = arith.cmpf oge, %get3A_392, %get3A_189 : vector<16xf32>
            %ge3A_404 = arith.cmpf oge, %get3A_396, %get3A_189 : vector<16xf32>
            %all_reduce_population_count3A_405 = tpu.all_reduce %ge3A_397 {dim = 0 : i64, kind = #tpu.reduction_kind<sum>} : vector<16xi1> -> vector<16xi32>
            %slice3A_406 = vector.extract_strided_slice %all_reduce_population_count3A_405 {offsets = [0], sizes = [1], strides = [1]} : vector<16xi32> to vector<1xi32>
            %squeeze3A_407 = vector.extract %slice3A_406[0] : i32 from vector<1xi32>
            %all_reduce_population_count3A_408 = tpu.all_reduce %ge3A_398 {dim = 0 : i64, kind = #tpu.reduction_kind<sum>} : vector<16xi1> -> vector<16xi32>
            %slice3A_409 = vector.extract_strided_slice %all_reduce_population_count3A_408 {offsets = [0], sizes = [1], strides = [1]} : vector<16xi32> to vector<1xi32>
            %squeeze3A_410 = vector.extract %slice3A_409[0] : i32 from vector<1xi32>
            %all_reduce_population_count3A_411 = tpu.all_reduce %ge3A_399 {dim = 0 : i64, kind = #tpu.reduction_kind<sum>} : vector<16xi1> -> vector<16xi32>
            %slice3A_412 = vector.extract_strided_slice %all_reduce_population_count3A_411 {offsets = [0], sizes = [1], strides = [1]} : vector<16xi32> to vector<1xi32>
            %squeeze3A_413 = vector.extract %slice3A_412[0] : i32 from vector<1xi32>
            %all_reduce_population_count3A_414 = tpu.all_reduce %ge3A_400 {dim = 0 : i64, kind = #tpu.reduction_kind<sum>} : vector<16xi1> -> vector<16xi32>
            %slice3A_415 = vector.extract_strided_slice %all_reduce_population_count3A_414 {offsets = [0], sizes = [1], strides = [1]} : vector<16xi32> to vector<1xi32>
            %squeeze3A_416 = vector.extract %slice3A_415[0] : i32 from vector<1xi32>
            %all_reduce_population_count3A_417 = tpu.all_reduce %ge3A_401 {dim = 0 : i64, kind = #tpu.reduction_kind<sum>} : vector<16xi1> -> vector<16xi32>
            %slice3A_418 = vector.extract_strided_slice %all_reduce_population_count3A_417 {offsets = [0], sizes = [1], strides = [1]} : vector<16xi32> to vector<1xi32>
            %squeeze3A_419 = vector.extract %slice3A_418[0] : i32 from vector<1xi32>
            %all_reduce_population_count3A_420 = tpu.all_reduce %ge3A_402 {dim = 0 : i64, kind = #tpu.reduction_kind<sum>} : vector<16xi1> -> vector<16xi32>
            %slice3A_421 = vector.extract_strided_slice %all_reduce_population_count3A_420 {offsets = [0], sizes = [1], strides = [1]} : vector<16xi32> to vector<1xi32>
            %squeeze3A_422 = vector.extract %slice3A_421[0] : i32 from vector<1xi32>
            %all_reduce_population_count3A_423 = tpu.all_reduce %ge3A_403 {dim = 0 : i64, kind = #tpu.reduction_kind<sum>} : vector<16xi1> -> vector<16xi32>
            %slice3A_424 = vector.extract_strided_slice %all_reduce_population_count3A_423 {offsets = [0], sizes = [1], strides = [1]} : vector<16xi32> to vector<1xi32>
            %squeeze3A_425 = vector.extract %slice3A_424[0] : i32 from vector<1xi32>
            %all_reduce_population_count3A_426 = tpu.all_reduce %ge3A_404 {dim = 0 : i64, kind = #tpu.reduction_kind<sum>} : vector<16xi1> -> vector<16xi32>
            %slice3A_427 = vector.extract_strided_slice %all_reduce_population_count3A_426 {offsets = [0], sizes = [1], strides = [1]} : vector<16xi32> to vector<1xi32>
            %squeeze3A_428 = vector.extract %slice3A_427[0] : i32 from vector<1xi32>
            %add3A_429 = arith.addi %squeeze3A_407, %squeeze3A_410 : i32
            %add3A_430 = arith.addi %add3A_429, %squeeze3A_413 : i32
            %add3A_431 = arith.addi %add3A_430, %squeeze3A_416 : i32
            %add3A_432 = arith.addi %add3A_431, %squeeze3A_419 : i32
            %add3A_433 = arith.addi %add3A_432, %squeeze3A_422 : i32
            %add3A_434 = arith.addi %add3A_433, %squeeze3A_425 : i32
            %add3A_435 = arith.addi %add3A_434, %squeeze3A_428 : i32
            %sc_fetch_and_add3A_436 = arith.constant 0 : i32
            %sc_fetch_and_add3A_437 = tpu.fetch_and_add_sync %arg11[%sc_fetch_and_add3A_436], %add3A_435, %arg1 : memref<1xi32, #tpu.memory_space<smem>>, i32 -> i32
            %convert_element_type3A_438 = arith.extui %ge3A_397 : vector<16xi1> to vector<16xi32>
            %broadcast_in_dim3A = arith.constant true
            %broadcast_in_dim3A_439 = vector.broadcast %broadcast_in_dim3A : i1 to vector<16xi1>
            %masked_cumsum3A = tpu.scan <sum>, %convert_element_type3A_438 masked %broadcast_in_dim3A_439 : vector<16xi32>, vector<16xi1> -> vector<16xi32>
            %add3A_440 = vector.broadcast %sc_fetch_and_add3A_437 : i32 to vector<16xi32>
            %add3A_441 = arith.addi %add3A_440, %masked_cumsum3A : vector<16xi32>
            %sub3A_442 = arith.constant 1 : i32
            %sub3A_443 = vector.broadcast %sub3A_442 : i32 to vector<16xi32>
            %sub3A_444 = arith.subi %add3A_441, %sub3A_443 : vector<16xi32>
            %min3A_445 = arith.constant 191 : i32
            %min3A_446 = vector.broadcast %min3A_445 : i32 to vector<16xi32>
            %min3A_447 = arith.minsi %sub3A_444, %min3A_446 : vector<16xi32>
            tpu.vector_store_idx %arg10[%min3A_447], %get3A_368 masked %ge3A_397 : memref<192xf32, #tpu.memory_space<vmem>>[vector<16xi32>], vector<16xf32>, vector<16xi1>
            %add3A_448 = arith.addi %sc_fetch_and_add3A_437, %squeeze3A_407 : i32
            %convert_element_type3A_449 = arith.extui %ge3A_398 : vector<16xi1> to vector<16xi32>
            %broadcast_in_dim3A_450 = arith.constant true
            %broadcast_in_dim3A_451 = vector.broadcast %broadcast_in_dim3A_450 : i1 to vector<16xi1>
            %masked_cumsum3A_452 = tpu.scan <sum>, %convert_element_type3A_449 masked %broadcast_in_dim3A_451 : vector<16xi32>, vector<16xi1> -> vector<16xi32>
            %add3A_453 = vector.broadcast %add3A_448 : i32 to vector<16xi32>
            %add3A_454 = arith.addi %add3A_453, %masked_cumsum3A_452 : vector<16xi32>
            %sub3A_455 = arith.constant 1 : i32
            %sub3A_456 = vector.broadcast %sub3A_455 : i32 to vector<16xi32>
            %sub3A_457 = arith.subi %add3A_454, %sub3A_456 : vector<16xi32>
            %min3A_458 = arith.constant 191 : i32
            %min3A_459 = vector.broadcast %min3A_458 : i32 to vector<16xi32>
            %min3A_460 = arith.minsi %sub3A_457, %min3A_459 : vector<16xi32>
            tpu.vector_store_idx %arg10[%min3A_460], %get3A_372 masked %ge3A_398 : memref<192xf32, #tpu.memory_space<vmem>>[vector<16xi32>], vector<16xf32>, vector<16xi1>
            %add3A_461 = arith.addi %add3A_448, %squeeze3A_410 : i32
            %convert_element_type3A_462 = arith.extui %ge3A_399 : vector<16xi1> to vector<16xi32>
            %broadcast_in_dim3A_463 = arith.constant true
            %broadcast_in_dim3A_464 = vector.broadcast %broadcast_in_dim3A_463 : i1 to vector<16xi1>
            %masked_cumsum3A_465 = tpu.scan <sum>, %convert_element_type3A_462 masked %broadcast_in_dim3A_464 : vector<16xi32>, vector<16xi1> -> vector<16xi32>
            %add3A_466 = vector.broadcast %add3A_461 : i32 to vector<16xi32>
            %add3A_467 = arith.addi %add3A_466, %masked_cumsum3A_465 : vector<16xi32>
            %sub3A_468 = arith.constant 1 : i32
            %sub3A_469 = vector.broadcast %sub3A_468 : i32 to vector<16xi32>
            %sub3A_470 = arith.subi %add3A_467, %sub3A_469 : vector<16xi32>
            %min3A_471 = arith.constant 191 : i32
            %min3A_472 = vector.broadcast %min3A_471 : i32 to vector<16xi32>
            %min3A_473 = arith.minsi %sub3A_470, %min3A_472 : vector<16xi32>
            tpu.vector_store_idx %arg10[%min3A_473], %get3A_376 masked %ge3A_399 : memref<192xf32, #tpu.memory_space<vmem>>[vector<16xi32>], vector<16xf32>, vector<16xi1>
            %add3A_474 = arith.addi %add3A_461, %squeeze3A_413 : i32
            %convert_element_type3A_475 = arith.extui %ge3A_400 : vector<16xi1> to vector<16xi32>
            %broadcast_in_dim3A_476 = arith.constant true
            %broadcast_in_dim3A_477 = vector.broadcast %broadcast_in_dim3A_476 : i1 to vector<16xi1>
            %masked_cumsum3A_478 = tpu.scan <sum>, %convert_element_type3A_475 masked %broadcast_in_dim3A_477 : vector<16xi32>, vector<16xi1> -> vector<16xi32>
            %add3A_479 = vector.broadcast %add3A_474 : i32 to vector<16xi32>
            %add3A_480 = arith.addi %add3A_479, %masked_cumsum3A_478 : vector<16xi32>
            %sub3A_481 = arith.constant 1 : i32
            %sub3A_482 = vector.broadcast %sub3A_481 : i32 to vector<16xi32>
            %sub3A_483 = arith.subi %add3A_480, %sub3A_482 : vector<16xi32>
            %min3A_484 = arith.constant 191 : i32
            %min3A_485 = vector.broadcast %min3A_484 : i32 to vector<16xi32>
            %min3A_486 = arith.minsi %sub3A_483, %min3A_485 : vector<16xi32>
            tpu.vector_store_idx %arg10[%min3A_486], %get3A_380 masked %ge3A_400 : memref<192xf32, #tpu.memory_space<vmem>>[vector<16xi32>], vector<16xf32>, vector<16xi1>
            %add3A_487 = arith.addi %add3A_474, %squeeze3A_416 : i32
            %convert_element_type3A_488 = arith.extui %ge3A_401 : vector<16xi1> to vector<16xi32>
            %broadcast_in_dim3A_489 = arith.constant true
            %broadcast_in_dim3A_490 = vector.broadcast %broadcast_in_dim3A_489 : i1 to vector<16xi1>
            %masked_cumsum3A_491 = tpu.scan <sum>, %convert_element_type3A_488 masked %broadcast_in_dim3A_490 : vector<16xi32>, vector<16xi1> -> vector<16xi32>
            %add3A_492 = vector.broadcast %add3A_487 : i32 to vector<16xi32>
            %add3A_493 = arith.addi %add3A_492, %masked_cumsum3A_491 : vector<16xi32>
            %sub3A_494 = arith.constant 1 : i32
            %sub3A_495 = vector.broadcast %sub3A_494 : i32 to vector<16xi32>
            %sub3A_496 = arith.subi %add3A_493, %sub3A_495 : vector<16xi32>
            %min3A_497 = arith.constant 191 : i32
            %min3A_498 = vector.broadcast %min3A_497 : i32 to vector<16xi32>
            %min3A_499 = arith.minsi %sub3A_496, %min3A_498 : vector<16xi32>
            tpu.vector_store_idx %arg10[%min3A_499], %get3A_384 masked %ge3A_401 : memref<192xf32, #tpu.memory_space<vmem>>[vector<16xi32>], vector<16xf32>, vector<16xi1>
            %add3A_500 = arith.addi %add3A_487, %squeeze3A_419 : i32
            %convert_element_type3A_501 = arith.extui %ge3A_402 : vector<16xi1> to vector<16xi32>
            %broadcast_in_dim3A_502 = arith.constant true
            %broadcast_in_dim3A_503 = vector.broadcast %broadcast_in_dim3A_502 : i1 to vector<16xi1>
            %masked_cumsum3A_504 = tpu.scan <sum>, %convert_element_type3A_501 masked %broadcast_in_dim3A_503 : vector<16xi32>, vector<16xi1> -> vector<16xi32>
            %add3A_505 = vector.broadcast %add3A_500 : i32 to vector<16xi32>
            %add3A_506 = arith.addi %add3A_505, %masked_cumsum3A_504 : vector<16xi32>
            %sub3A_507 = arith.constant 1 : i32
            %sub3A_508 = vector.broadcast %sub3A_507 : i32 to vector<16xi32>
            %sub3A_509 = arith.subi %add3A_506, %sub3A_508 : vector<16xi32>
            %min3A_510 = arith.constant 191 : i32
            %min3A_511 = vector.broadcast %min3A_510 : i32 to vector<16xi32>
            %min3A_512 = arith.minsi %sub3A_509, %min3A_511 : vector<16xi32>
            tpu.vector_store_idx %arg10[%min3A_512], %get3A_388 masked %ge3A_402 : memref<192xf32, #tpu.memory_space<vmem>>[vector<16xi32>], vector<16xf32>, vector<16xi1>
            %add3A_513 = arith.addi %add3A_500, %squeeze3A_422 : i32
            %convert_element_type3A_514 = arith.extui %ge3A_403 : vector<16xi1> to vector<16xi32>
            %broadcast_in_dim3A_515 = arith.constant true
            %broadcast_in_dim3A_516 = vector.broadcast %broadcast_in_dim3A_515 : i1 to vector<16xi1>
            %masked_cumsum3A_517 = tpu.scan <sum>, %convert_element_type3A_514 masked %broadcast_in_dim3A_516 : vector<16xi32>, vector<16xi1> -> vector<16xi32>
            %add3A_518 = vector.broadcast %add3A_513 : i32 to vector<16xi32>
            %add3A_519 = arith.addi %add3A_518, %masked_cumsum3A_517 : vector<16xi32>
            %sub3A_520 = arith.constant 1 : i32
            %sub3A_521 = vector.broadcast %sub3A_520 : i32 to vector<16xi32>
            %sub3A_522 = arith.subi %add3A_519, %sub3A_521 : vector<16xi32>
            %min3A_523 = arith.constant 191 : i32
            %min3A_524 = vector.broadcast %min3A_523 : i32 to vector<16xi32>
            %min3A_525 = arith.minsi %sub3A_522, %min3A_524 : vector<16xi32>
            tpu.vector_store_idx %arg10[%min3A_525], %get3A_392 masked %ge3A_403 : memref<192xf32, #tpu.memory_space<vmem>>[vector<16xi32>], vector<16xf32>, vector<16xi1>
            %add3A_526 = arith.addi %add3A_513, %squeeze3A_425 : i32
            %convert_element_type3A_527 = arith.extui %ge3A_404 : vector<16xi1> to vector<16xi32>
            %broadcast_in_dim3A_528 = arith.constant true
            %broadcast_in_dim3A_529 = vector.broadcast %broadcast_in_dim3A_528 : i1 to vector<16xi1>
            %masked_cumsum3A_530 = tpu.scan <sum>, %convert_element_type3A_527 masked %broadcast_in_dim3A_529 : vector<16xi32>, vector<16xi1> -> vector<16xi32>
            %add3A_531 = vector.broadcast %add3A_526 : i32 to vector<16xi32>
            %add3A_532 = arith.addi %add3A_531, %masked_cumsum3A_530 : vector<16xi32>
            %sub3A_533 = arith.constant 1 : i32
            %sub3A_534 = vector.broadcast %sub3A_533 : i32 to vector<16xi32>
            %sub3A_535 = arith.subi %add3A_532, %sub3A_534 : vector<16xi32>
            %min3A_536 = arith.constant 191 : i32
            %min3A_537 = vector.broadcast %min3A_536 : i32 to vector<16xi32>
            %min3A_538 = arith.minsi %sub3A_535, %min3A_537 : vector<16xi32>
            tpu.vector_store_idx %arg10[%min3A_538], %get3A_396 masked %ge3A_404 : memref<192xf32, #tpu.memory_space<vmem>>[vector<16xi32>], vector<16xf32>, vector<16xi1>
            %add3A_539 = arith.addi %add3A_526, %squeeze3A_428 : i32
            %ne3A = vector.broadcast %squeeze3A_359 : i32 to vector<16xi32>
            %ne3A_540 = arith.cmpi ne, %iota3A, %ne3A : vector<16xi32>
            %and3A = arith.andi %while3A_357, %ne3A_540 : vector<16xi1>
            scf.yield %and3A : vector<16xi1>
          }
        } else {
        }
      }
      %scan3A_242 = arith.constant 7 : i32
      %dma_wait3A_243 = arith.constant 28672 : i32
      %dma_wait3A_244 = tpu.memref_slice %arg2[%add3A_182, %dma_wait3A_243] : memref<1024x100352xf32, #tpu.memory_space<hbm>> -> memref<1x14336xf32, #tpu.memory_space<hbm>>
      %dma_wait3A_245 = tpu.memref_squeeze %dma_wait3A_244 : memref<1x14336xf32, #tpu.memory_space<hbm>> -> memref<14336xf32, #tpu.memory_space<hbm>>
      %dma_wait3A_246 = arith.constant 28672 : i32
      %dma_wait3A_247 = tpu.memref_slice %arg2[%add3A_182, %dma_wait3A_246] : memref<1024x100352xf32, #tpu.memory_space<hbm>> -> memref<1x14336xf32, #tpu.memory_space<hbm>>
      %dma_wait3A_248 = tpu.memref_squeeze %dma_wait3A_247 : memref<1x14336xf32, #tpu.memory_space<hbm>> -> memref<14336xf32, #tpu.memory_space<hbm>>
      tpu.wait_dma2 semaphore(%arg13 : memref<!tpu.dma_semaphore, #tpu.memory_space<semaphore_mem>>) src(%dma_wait3A_248 : memref<14336xf32, #tpu.memory_space<hbm>>) dst(%arg7 : memref<14336xf32, #tpu.memory_space<vmem>>)
      %add3A_249 = arith.constant 1 : i32
      %add3A_250 = arith.addi %add3A_21, %add3A_249 : i32
      %dma_start3A_251 = arith.constant 43008 : i32
      %dma_start3A_252 = tpu.memref_slice %arg2[%add3A_250, %dma_start3A_251] : memref<1024x100352xf32, #tpu.memory_space<hbm>> -> memref<1x14336xf32, #tpu.memory_space<hbm>>
      %dma_start3A_253 = tpu.memref_squeeze %dma_start3A_252 : memref<1x14336xf32, #tpu.memory_space<hbm>> -> memref<14336xf32, #tpu.memory_space<hbm>>
      %dma_start3A_254 = arith.constant 43008 : i32
      %dma_start3A_255 = tpu.memref_slice %arg2[%add3A_250, %dma_start3A_254] : memref<1024x100352xf32, #tpu.memory_space<hbm>> -> memref<1x14336xf32, #tpu.memory_space<hbm>>
      %dma_start3A_256 = tpu.memref_squeeze %dma_start3A_255 : memref<1x14336xf32, #tpu.memory_space<hbm>> -> memref<14336xf32, #tpu.memory_space<hbm>>
      tpu.enqueue_dma source(%dma_start3A_256 : memref<14336xf32, #tpu.memory_space<hbm>>) target(%arg6 : memref<14336xf32, #tpu.memory_space<vmem>>) target_semaphore(%arg12 : memref<!tpu.dma_semaphore, #tpu.memory_space<semaphore_mem>>)
      %scan3A_257 = arith.constant 0 : i32
      %scan3A_258 = arith.constant 0 : i32
      %scan3A_259 = arith.constant 7 : i32
      %scan3A_260 = arith.addi %scan3A_258, %scan3A_259 : i32
      %scan3A_261 = arith.constant 1 : i32
      scf.for %scan3A_346 = %scan3A_258 to %scan3A_260 step %scan3A_261  : i32 {
        %mul3A_347 = arith.constant 16 : i32
        %mul3A_348 = arith.muli %scan3A_346, %mul3A_347 : i32
        %add3A_349 = arith.constant 224 : i32
        %add3A_350 = arith.addi %add3A_349, %mul3A_348 : i32
        %get3A_351 = arith.constant 1 : i32
        %get3A_352 = arith.index_cast %get3A_351 : i32 to index
        %get3A_353 = arith.index_cast %add3A_350 : i32 to index
        %get3A_354 = tpu.vector_load %arg8[%get3A_352, %get3A_353] {strides = array<i32>} : memref<2x784xf32, #tpu.memory_space<vmem>>, vector<16xf32>,
        %ge3A = arith.cmpf oge, %get3A_354, %get3A_189 : vector<16xf32>
        %all_reduce_population_count3A = tpu.all_reduce %ge3A {dim = 0 : i64, kind = #tpu.reduction_kind<sum>} : vector<16xi1> -> vector<16xi32>
        %slice3A = vector.extract_strided_slice %all_reduce_population_count3A {offsets = [0], sizes = [1], strides = [1]} : vector<16xi32> to vector<1xi32>
        %squeeze3A = vector.extract %slice3A[0] : i32 from vector<1xi32>
        %gt3A = arith.constant 0 : i32
        %gt3A_355 = arith.cmpi sgt, %squeeze3A, %gt3A : i32
        %convert_element_type3A = arith.extui %gt3A_355 : i1 to i32
        %cond3A = arith.constant 0 : i32
        %cond3A_356 = arith.cmpi ne, %convert_element_type3A, %cond3A : i32
        scf.if %cond3A_356 {
          %while3A = scf.while (%while3A_357 = %ge3A) : (vector<16xi1>) -> vector<16xi1> {
            %all_reduce_population_count3A_358 = tpu.all_reduce %while3A_357 {dim = 0 : i64, kind = #tpu.reduction_kind<sum>} : vector<16xi1> -> vector<16xi32>
            %slice3A_359 = vector.extract_strided_slice %all_reduce_population_count3A_358 {offsets = [0], sizes = [1], strides = [1]} : vector<16xi32> to vector<1xi32>
            %squeeze3A_360 = vector.extract %slice3A_359[0] : i32 from vector<1xi32>
            %gt3A_361 = arith.constant 0 : i32
            %gt3A_362 = arith.cmpi sgt, %squeeze3A_360, %gt3A_361 : i32
            scf.condition(%gt3A_362) %while3A_357 : vector<16xi1>
          } do {
          ^bb0(%while3A_357: vector<16xi1>):
            %all_reduce_ffs3A = tpu.all_reduce %while3A_357 {dim = 0 : i64, kind = #tpu.reduction_kind<find_first_set>} : vector<16xi1> -> vector<16xi32>
            %slice3A_358 = vector.extract_strided_slice %all_reduce_ffs3A {offsets = [0], sizes = [1], strides = [1]} : vector<16xi32> to vector<1xi32>
            %squeeze3A_359 = vector.extract %slice3A_358[0] : i32 from vector<1xi32>
            %mul3A_360 = arith.constant 16 : i32
            %mul3A_361 = arith.muli %scan3A_346, %mul3A_360 : i32
            %add3A_362 = arith.addi %mul3A_361, %squeeze3A_359 : i32
            %mul3A_363 = arith.constant 128 : i32
            %mul3A_364 = arith.muli %add3A_362, %mul3A_363 : i32
            %add3A_365 = arith.constant 0 : i32
            %add3A_366 = arith.addi %mul3A_364, %add3A_365 : i32
            %get3A_367 = arith.index_cast %add3A_366 : i32 to index
            %get3A_368 = tpu.vector_load %arg7[%get3A_367] {strides = array<i32>} : memref<14336xf32, #tpu.memory_space<vmem>>, vector<16xf32>,
            %add3A_369 = arith.constant 16 : i32
            %add3A_370 = arith.addi %mul3A_364, %add3A_369 : i32
            %get3A_371 = arith.index_cast %add3A_370 : i32 to index
            %get3A_372 = tpu.vector_load %arg7[%get3A_371] {strides = array<i32>} : memref<14336xf32, #tpu.memory_space<vmem>>, vector<16xf32>,
            %add3A_373 = arith.constant 32 : i32
            %add3A_374 = arith.addi %mul3A_364, %add3A_373 : i32
            %get3A_375 = arith.index_cast %add3A_374 : i32 to index
            %get3A_376 = tpu.vector_load %arg7[%get3A_375] {strides = array<i32>} : memref<14336xf32, #tpu.memory_space<vmem>>, vector<16xf32>,
            %add3A_377 = arith.constant 48 : i32
            %add3A_378 = arith.addi %mul3A_364, %add3A_377 : i32
            %get3A_379 = arith.index_cast %add3A_378 : i32 to index
            %get3A_380 = tpu.vector_load %arg7[%get3A_379] {strides = array<i32>} : memref<14336xf32, #tpu.memory_space<vmem>>, vector<16xf32>,
            %add3A_381 = arith.constant 64 : i32
            %add3A_382 = arith.addi %mul3A_364, %add3A_381 : i32
            %get3A_383 = arith.index_cast %add3A_382 : i32 to index
            %get3A_384 = tpu.vector_load %arg7[%get3A_383] {strides = array<i32>} : memref<14336xf32, #tpu.memory_space<vmem>>, vector<16xf32>,
            %add3A_385 = arith.constant 80 : i32
            %add3A_386 = arith.addi %mul3A_364, %add3A_385 : i32
            %get3A_387 = arith.index_cast %add3A_386 : i32 to index
            %get3A_388 = tpu.vector_load %arg7[%get3A_387] {strides = array<i32>} : memref<14336xf32, #tpu.memory_space<vmem>>, vector<16xf32>,
            %add3A_389 = arith.constant 96 : i32
            %add3A_390 = arith.addi %mul3A_364, %add3A_389 : i32
            %get3A_391 = arith.index_cast %add3A_390 : i32 to index
            %get3A_392 = tpu.vector_load %arg7[%get3A_391] {strides = array<i32>} : memref<14336xf32, #tpu.memory_space<vmem>>, vector<16xf32>,
            %add3A_393 = arith.constant 112 : i32
            %add3A_394 = arith.addi %mul3A_364, %add3A_393 : i32
            %get3A_395 = arith.index_cast %add3A_394 : i32 to index
            %get3A_396 = tpu.vector_load %arg7[%get3A_395] {strides = array<i32>} : memref<14336xf32, #tpu.memory_space<vmem>>, vector<16xf32>,
            %ge3A_397 = arith.cmpf oge, %get3A_368, %get3A_189 : vector<16xf32>
            %ge3A_398 = arith.cmpf oge, %get3A_372, %get3A_189 : vector<16xf32>
            %ge3A_399 = arith.cmpf oge, %get3A_376, %get3A_189 : vector<16xf32>
            %ge3A_400 = arith.cmpf oge, %get3A_380, %get3A_189 : vector<16xf32>
            %ge3A_401 = arith.cmpf oge, %get3A_384, %get3A_189 : vector<16xf32>
            %ge3A_402 = arith.cmpf oge, %get3A_388, %get3A_189 : vector<16xf32>
            %ge3A_403 = arith.cmpf oge, %get3A_392, %get3A_189 : vector<16xf32>
            %ge3A_404 = arith.cmpf oge, %get3A_396, %get3A_189 : vector<16xf32>
            %all_reduce_population_count3A_405 = tpu.all_reduce %ge3A_397 {dim = 0 : i64, kind = #tpu.reduction_kind<sum>} : vector<16xi1> -> vector<16xi32>
            %slice3A_406 = vector.extract_strided_slice %all_reduce_population_count3A_405 {offsets = [0], sizes = [1], strides = [1]} : vector<16xi32> to vector<1xi32>
            %squeeze3A_407 = vector.extract %slice3A_406[0] : i32 from vector<1xi32>
            %all_reduce_population_count3A_408 = tpu.all_reduce %ge3A_398 {dim = 0 : i64, kind = #tpu.reduction_kind<sum>} : vector<16xi1> -> vector<16xi32>
            %slice3A_409 = vector.extract_strided_slice %all_reduce_population_count3A_408 {offsets = [0], sizes = [1], strides = [1]} : vector<16xi32> to vector<1xi32>
            %squeeze3A_410 = vector.extract %slice3A_409[0] : i32 from vector<1xi32>
            %all_reduce_population_count3A_411 = tpu.all_reduce %ge3A_399 {dim = 0 : i64, kind = #tpu.reduction_kind<sum>} : vector<16xi1> -> vector<16xi32>
            %slice3A_412 = vector.extract_strided_slice %all_reduce_population_count3A_411 {offsets = [0], sizes = [1], strides = [1]} : vector<16xi32> to vector<1xi32>
            %squeeze3A_413 = vector.extract %slice3A_412[0] : i32 from vector<1xi32>
            %all_reduce_population_count3A_414 = tpu.all_reduce %ge3A_400 {dim = 0 : i64, kind = #tpu.reduction_kind<sum>} : vector<16xi1> -> vector<16xi32>
            %slice3A_415 = vector.extract_strided_slice %all_reduce_population_count3A_414 {offsets = [0], sizes = [1], strides = [1]} : vector<16xi32> to vector<1xi32>
            %squeeze3A_416 = vector.extract %slice3A_415[0] : i32 from vector<1xi32>
            %all_reduce_population_count3A_417 = tpu.all_reduce %ge3A_401 {dim = 0 : i64, kind = #tpu.reduction_kind<sum>} : vector<16xi1> -> vector<16xi32>
            %slice3A_418 = vector.extract_strided_slice %all_reduce_population_count3A_417 {offsets = [0], sizes = [1], strides = [1]} : vector<16xi32> to vector<1xi32>
            %squeeze3A_419 = vector.extract %slice3A_418[0] : i32 from vector<1xi32>
            %all_reduce_population_count3A_420 = tpu.all_reduce %ge3A_402 {dim = 0 : i64, kind = #tpu.reduction_kind<sum>} : vector<16xi1> -> vector<16xi32>
            %slice3A_421 = vector.extract_strided_slice %all_reduce_population_count3A_420 {offsets = [0], sizes = [1], strides = [1]} : vector<16xi32> to vector<1xi32>
            %squeeze3A_422 = vector.extract %slice3A_421[0] : i32 from vector<1xi32>
            %all_reduce_population_count3A_423 = tpu.all_reduce %ge3A_403 {dim = 0 : i64, kind = #tpu.reduction_kind<sum>} : vector<16xi1> -> vector<16xi32>
            %slice3A_424 = vector.extract_strided_slice %all_reduce_population_count3A_423 {offsets = [0], sizes = [1], strides = [1]} : vector<16xi32> to vector<1xi32>
            %squeeze3A_425 = vector.extract %slice3A_424[0] : i32 from vector<1xi32>
            %all_reduce_population_count3A_426 = tpu.all_reduce %ge3A_404 {dim = 0 : i64, kind = #tpu.reduction_kind<sum>} : vector<16xi1> -> vector<16xi32>
            %slice3A_427 = vector.extract_strided_slice %all_reduce_population_count3A_426 {offsets = [0], sizes = [1], strides = [1]} : vector<16xi32> to vector<1xi32>
            %squeeze3A_428 = vector.extract %slice3A_427[0] : i32 from vector<1xi32>
            %add3A_429 = arith.addi %squeeze3A_407, %squeeze3A_410 : i32
            %add3A_430 = arith.addi %add3A_429, %squeeze3A_413 : i32
            %add3A_431 = arith.addi %add3A_430, %squeeze3A_416 : i32
            %add3A_432 = arith.addi %add3A_431, %squeeze3A_419 : i32
            %add3A_433 = arith.addi %add3A_432, %squeeze3A_422 : i32
            %add3A_434 = arith.addi %add3A_433, %squeeze3A_425 : i32
            %add3A_435 = arith.addi %add3A_434, %squeeze3A_428 : i32
            %sc_fetch_and_add3A_436 = arith.constant 0 : i32
            %sc_fetch_and_add3A_437 = tpu.fetch_and_add_sync %arg11[%sc_fetch_and_add3A_436], %add3A_435, %arg1 : memref<1xi32, #tpu.memory_space<smem>>, i32 -> i32
            %convert_element_type3A_438 = arith.extui %ge3A_397 : vector<16xi1> to vector<16xi32>
            %broadcast_in_dim3A = arith.constant true
            %broadcast_in_dim3A_439 = vector.broadcast %broadcast_in_dim3A : i1 to vector<16xi1>
            %masked_cumsum3A = tpu.scan <sum>, %convert_element_type3A_438 masked %broadcast_in_dim3A_439 : vector<16xi32>, vector<16xi1> -> vector<16xi32>
            %add3A_440 = vector.broadcast %sc_fetch_and_add3A_437 : i32 to vector<16xi32>
            %add3A_441 = arith.addi %add3A_440, %masked_cumsum3A : vector<16xi32>
            %sub3A_442 = arith.constant 1 : i32
            %sub3A_443 = vector.broadcast %sub3A_442 : i32 to vector<16xi32>
            %sub3A_444 = arith.subi %add3A_441, %sub3A_443 : vector<16xi32>
            %min3A_445 = arith.constant 191 : i32
            %min3A_446 = vector.broadcast %min3A_445 : i32 to vector<16xi32>
            %min3A_447 = arith.minsi %sub3A_444, %min3A_446 : vector<16xi32>
            tpu.vector_store_idx %arg10[%min3A_447], %get3A_368 masked %ge3A_397 : memref<192xf32, #tpu.memory_space<vmem>>[vector<16xi32>], vector<16xf32>, vector<16xi1>
            %add3A_448 = arith.addi %sc_fetch_and_add3A_437, %squeeze3A_407 : i32
            %convert_element_type3A_449 = arith.extui %ge3A_398 : vector<16xi1> to vector<16xi32>
            %broadcast_in_dim3A_450 = arith.constant true
            %broadcast_in_dim3A_451 = vector.broadcast %broadcast_in_dim3A_450 : i1 to vector<16xi1>
            %masked_cumsum3A_452 = tpu.scan <sum>, %convert_element_type3A_449 masked %broadcast_in_dim3A_451 : vector<16xi32>, vector<16xi1> -> vector<16xi32>
            %add3A_453 = vector.broadcast %add3A_448 : i32 to vector<16xi32>
            %add3A_454 = arith.addi %add3A_453, %masked_cumsum3A_452 : vector<16xi32>
            %sub3A_455 = arith.constant 1 : i32
            %sub3A_456 = vector.broadcast %sub3A_455 : i32 to vector<16xi32>
            %sub3A_457 = arith.subi %add3A_454, %sub3A_456 : vector<16xi32>
            %min3A_458 = arith.constant 191 : i32
            %min3A_459 = vector.broadcast %min3A_458 : i32 to vector<16xi32>
            %min3A_460 = arith.minsi %sub3A_457, %min3A_459 : vector<16xi32>
            tpu.vector_store_idx %arg10[%min3A_460], %get3A_372 masked %ge3A_398 : memref<192xf32, #tpu.memory_space<vmem>>[vector<16xi32>], vector<16xf32>, vector<16xi1>
            %add3A_461 = arith.addi %add3A_448, %squeeze3A_410 : i32
            %convert_element_type3A_462 = arith.extui %ge3A_399 : vector<16xi1> to vector<16xi32>
            %broadcast_in_dim3A_463 = arith.constant true
            %broadcast_in_dim3A_464 = vector.broadcast %broadcast_in_dim3A_463 : i1 to vector<16xi1>
            %masked_cumsum3A_465 = tpu.scan <sum>, %convert_element_type3A_462 masked %broadcast_in_dim3A_464 : vector<16xi32>, vector<16xi1> -> vector<16xi32>
            %add3A_466 = vector.broadcast %add3A_461 : i32 to vector<16xi32>
            %add3A_467 = arith.addi %add3A_466, %masked_cumsum3A_465 : vector<16xi32>
            %sub3A_468 = arith.constant 1 : i32
            %sub3A_469 = vector.broadcast %sub3A_468 : i32 to vector<16xi32>
            %sub3A_470 = arith.subi %add3A_467, %sub3A_469 : vector<16xi32>
            %min3A_471 = arith.constant 191 : i32
            %min3A_472 = vector.broadcast %min3A_471 : i32 to vector<16xi32>
            %min3A_473 = arith.minsi %sub3A_470, %min3A_472 : vector<16xi32>
            tpu.vector_store_idx %arg10[%min3A_473], %get3A_376 masked %ge3A_399 : memref<192xf32, #tpu.memory_space<vmem>>[vector<16xi32>], vector<16xf32>, vector<16xi1>
            %add3A_474 = arith.addi %add3A_461, %squeeze3A_413 : i32
            %convert_element_type3A_475 = arith.extui %ge3A_400 : vector<16xi1> to vector<16xi32>
            %broadcast_in_dim3A_476 = arith.constant true
            %broadcast_in_dim3A_477 = vector.broadcast %broadcast_in_dim3A_476 : i1 to vector<16xi1>
            %masked_cumsum3A_478 = tpu.scan <sum>, %convert_element_type3A_475 masked %broadcast_in_dim3A_477 : vector<16xi32>, vector<16xi1> -> vector<16xi32>
            %add3A_479 = vector.broadcast %add3A_474 : i32 to vector<16xi32>
            %add3A_480 = arith.addi %add3A_479, %masked_cumsum3A_478 : vector<16xi32>
            %sub3A_481 = arith.constant 1 : i32
            %sub3A_482 = vector.broadcast %sub3A_481 : i32 to vector<16xi32>
            %sub3A_483 = arith.subi %add3A_480, %sub3A_482 : vector<16xi32>
            %min3A_484 = arith.constant 191 : i32
            %min3A_485 = vector.broadcast %min3A_484 : i32 to vector<16xi32>
            %min3A_486 = arith.minsi %sub3A_483, %min3A_485 : vector<16xi32>
            tpu.vector_store_idx %arg10[%min3A_486], %get3A_380 masked %ge3A_400 : memref<192xf32, #tpu.memory_space<vmem>>[vector<16xi32>], vector<16xf32>, vector<16xi1>
            %add3A_487 = arith.addi %add3A_474, %squeeze3A_416 : i32
            %convert_element_type3A_488 = arith.extui %ge3A_401 : vector<16xi1> to vector<16xi32>
            %broadcast_in_dim3A_489 = arith.constant true
            %broadcast_in_dim3A_490 = vector.broadcast %broadcast_in_dim3A_489 : i1 to vector<16xi1>
            %masked_cumsum3A_491 = tpu.scan <sum>, %convert_element_type3A_488 masked %broadcast_in_dim3A_490 : vector<16xi32>, vector<16xi1> -> vector<16xi32>
            %add3A_492 = vector.broadcast %add3A_487 : i32 to vector<16xi32>
            %add3A_493 = arith.addi %add3A_492, %masked_cumsum3A_491 : vector<16xi32>
            %sub3A_494 = arith.constant 1 : i32
            %sub3A_495 = vector.broadcast %sub3A_494 : i32 to vector<16xi32>
            %sub3A_496 = arith.subi %add3A_493, %sub3A_495 : vector<16xi32>
            %min3A_497 = arith.constant 191 : i32
            %min3A_498 = vector.broadcast %min3A_497 : i32 to vector<16xi32>
            %min3A_499 = arith.minsi %sub3A_496, %min3A_498 : vector<16xi32>
            tpu.vector_store_idx %arg10[%min3A_499], %get3A_384 masked %ge3A_401 : memref<192xf32, #tpu.memory_space<vmem>>[vector<16xi32>], vector<16xf32>, vector<16xi1>
            %add3A_500 = arith.addi %add3A_487, %squeeze3A_419 : i32
            %convert_element_type3A_501 = arith.extui %ge3A_402 : vector<16xi1> to vector<16xi32>
            %broadcast_in_dim3A_502 = arith.constant true
            %broadcast_in_dim3A_503 = vector.broadcast %broadcast_in_dim3A_502 : i1 to vector<16xi1>
            %masked_cumsum3A_504 = tpu.scan <sum>, %convert_element_type3A_501 masked %broadcast_in_dim3A_503 : vector<16xi32>, vector<16xi1> -> vector<16xi32>
            %add3A_505 = vector.broadcast %add3A_500 : i32 to vector<16xi32>
            %add3A_506 = arith.addi %add3A_505, %masked_cumsum3A_504 : vector<16xi32>
            %sub3A_507 = arith.constant 1 : i32
            %sub3A_508 = vector.broadcast %sub3A_507 : i32 to vector<16xi32>
            %sub3A_509 = arith.subi %add3A_506, %sub3A_508 : vector<16xi32>
            %min3A_510 = arith.constant 191 : i32
            %min3A_511 = vector.broadcast %min3A_510 : i32 to vector<16xi32>
            %min3A_512 = arith.minsi %sub3A_509, %min3A_511 : vector<16xi32>
            tpu.vector_store_idx %arg10[%min3A_512], %get3A_388 masked %ge3A_402 : memref<192xf32, #tpu.memory_space<vmem>>[vector<16xi32>], vector<16xf32>, vector<16xi1>
            %add3A_513 = arith.addi %add3A_500, %squeeze3A_422 : i32
            %convert_element_type3A_514 = arith.extui %ge3A_403 : vector<16xi1> to vector<16xi32>
            %broadcast_in_dim3A_515 = arith.constant true
            %broadcast_in_dim3A_516 = vector.broadcast %broadcast_in_dim3A_515 : i1 to vector<16xi1>
            %masked_cumsum3A_517 = tpu.scan <sum>, %convert_element_type3A_514 masked %broadcast_in_dim3A_516 : vector<16xi32>, vector<16xi1> -> vector<16xi32>
            %add3A_518 = vector.broadcast %add3A_513 : i32 to vector<16xi32>
            %add3A_519 = arith.addi %add3A_518, %masked_cumsum3A_517 : vector<16xi32>
            %sub3A_520 = arith.constant 1 : i32
            %sub3A_521 = vector.broadcast %sub3A_520 : i32 to vector<16xi32>
            %sub3A_522 = arith.subi %add3A_519, %sub3A_521 : vector<16xi32>
            %min3A_523 = arith.constant 191 : i32
            %min3A_524 = vector.broadcast %min3A_523 : i32 to vector<16xi32>
            %min3A_525 = arith.minsi %sub3A_522, %min3A_524 : vector<16xi32>
            tpu.vector_store_idx %arg10[%min3A_525], %get3A_392 masked %ge3A_403 : memref<192xf32, #tpu.memory_space<vmem>>[vector<16xi32>], vector<16xf32>, vector<16xi1>
            %add3A_526 = arith.addi %add3A_513, %squeeze3A_425 : i32
            %convert_element_type3A_527 = arith.extui %ge3A_404 : vector<16xi1> to vector<16xi32>
            %broadcast_in_dim3A_528 = arith.constant true
            %broadcast_in_dim3A_529 = vector.broadcast %broadcast_in_dim3A_528 : i1 to vector<16xi1>
            %masked_cumsum3A_530 = tpu.scan <sum>, %convert_element_type3A_527 masked %broadcast_in_dim3A_529 : vector<16xi32>, vector<16xi1> -> vector<16xi32>
            %add3A_531 = vector.broadcast %add3A_526 : i32 to vector<16xi32>
            %add3A_532 = arith.addi %add3A_531, %masked_cumsum3A_530 : vector<16xi32>
            %sub3A_533 = arith.constant 1 : i32
            %sub3A_534 = vector.broadcast %sub3A_533 : i32 to vector<16xi32>
            %sub3A_535 = arith.subi %add3A_532, %sub3A_534 : vector<16xi32>
            %min3A_536 = arith.constant 191 : i32
            %min3A_537 = vector.broadcast %min3A_536 : i32 to vector<16xi32>
            %min3A_538 = arith.minsi %sub3A_535, %min3A_537 : vector<16xi32>
            tpu.vector_store_idx %arg10[%min3A_538], %get3A_396 masked %ge3A_404 : memref<192xf32, #tpu.memory_space<vmem>>[vector<16xi32>], vector<16xf32>, vector<16xi1>
            %add3A_539 = arith.addi %add3A_526, %squeeze3A_428 : i32
            %ne3A = vector.broadcast %squeeze3A_359 : i32 to vector<16xi32>
            %ne3A_540 = arith.cmpi ne, %iota3A, %ne3A : vector<16xi32>
            %and3A = arith.andi %while3A_357, %ne3A_540 : vector<16xi1>
            scf.yield %and3A : vector<16xi1>
          }
        } else {
        }
      }
      %scan3A_262 = arith.constant 7 : i32
      %dma_wait3A_263 = arith.constant 43008 : i32
      %dma_wait3A_264 = tpu.memref_slice %arg2[%add3A_182, %dma_wait3A_263] : memref<1024x100352xf32, #tpu.memory_space<hbm>> -> memref<1x14336xf32, #tpu.memory_space<hbm>>
      %dma_wait3A_265 = tpu.memref_squeeze %dma_wait3A_264 : memref<1x14336xf32, #tpu.memory_space<hbm>> -> memref<14336xf32, #tpu.memory_space<hbm>>
      %dma_wait3A_266 = arith.constant 43008 : i32
      %dma_wait3A_267 = tpu.memref_slice %arg2[%add3A_182, %dma_wait3A_266] : memref<1024x100352xf32, #tpu.memory_space<hbm>> -> memref<1x14336xf32, #tpu.memory_space<hbm>>
      %dma_wait3A_268 = tpu.memref_squeeze %dma_wait3A_267 : memref<1x14336xf32, #tpu.memory_space<hbm>> -> memref<14336xf32, #tpu.memory_space<hbm>>
      tpu.wait_dma2 semaphore(%arg12 : memref<!tpu.dma_semaphore, #tpu.memory_space<semaphore_mem>>) src(%dma_wait3A_268 : memref<14336xf32, #tpu.memory_space<hbm>>) dst(%arg6 : memref<14336xf32, #tpu.memory_space<vmem>>)
      %add3A_269 = arith.constant 1 : i32
      %add3A_270 = arith.addi %add3A_21, %add3A_269 : i32
      %dma_start3A_271 = arith.constant 57344 : i32
      %dma_start3A_272 = tpu.memref_slice %arg2[%add3A_270, %dma_start3A_271] : memref<1024x100352xf32, #tpu.memory_space<hbm>> -> memref<1x14336xf32, #tpu.memory_space<hbm>>
      %dma_start3A_273 = tpu.memref_squeeze %dma_start3A_272 : memref<1x14336xf32, #tpu.memory_space<hbm>> -> memref<14336xf32, #tpu.memory_space<hbm>>
      %dma_start3A_274 = arith.constant 57344 : i32
      %dma_start3A_275 = tpu.memref_slice %arg2[%add3A_270, %dma_start3A_274] : memref<1024x100352xf32, #tpu.memory_space<hbm>> -> memref<1x14336xf32, #tpu.memory_space<hbm>>
      %dma_start3A_276 = tpu.memref_squeeze %dma_start3A_275 : memref<1x14336xf32, #tpu.memory_space<hbm>> -> memref<14336xf32, #tpu.memory_space<hbm>>
      tpu.enqueue_dma source(%dma_start3A_276 : memref<14336xf32, #tpu.memory_space<hbm>>) target(%arg7 : memref<14336xf32, #tpu.memory_space<vmem>>) target_semaphore(%arg13 : memref<!tpu.dma_semaphore, #tpu.memory_space<semaphore_mem>>)
      %scan3A_277 = arith.constant 0 : i32
      %scan3A_278 = arith.constant 0 : i32
      %scan3A_279 = arith.constant 7 : i32
      %scan3A_280 = arith.addi %scan3A_278, %scan3A_279 : i32
      %scan3A_281 = arith.constant 1 : i32
      scf.for %scan3A_346 = %scan3A_278 to %scan3A_280 step %scan3A_281  : i32 {
        %mul3A_347 = arith.constant 16 : i32
        %mul3A_348 = arith.muli %scan3A_346, %mul3A_347 : i32
        %add3A_349 = arith.constant 336 : i32
        %add3A_350 = arith.addi %add3A_349, %mul3A_348 : i32
        %get3A_351 = arith.constant 1 : i32
        %get3A_352 = arith.index_cast %get3A_351 : i32 to index
        %get3A_353 = arith.index_cast %add3A_350 : i32 to index
        %get3A_354 = tpu.vector_load %arg8[%get3A_352, %get3A_353] {strides = array<i32>} : memref<2x784xf32, #tpu.memory_space<vmem>>, vector<16xf32>,
        %ge3A = arith.cmpf oge, %get3A_354, %get3A_189 : vector<16xf32>
        %all_reduce_population_count3A = tpu.all_reduce %ge3A {dim = 0 : i64, kind = #tpu.reduction_kind<sum>} : vector<16xi1> -> vector<16xi32>
        %slice3A = vector.extract_strided_slice %all_reduce_population_count3A {offsets = [0], sizes = [1], strides = [1]} : vector<16xi32> to vector<1xi32>
        %squeeze3A = vector.extract %slice3A[0] : i32 from vector<1xi32>
        %gt3A = arith.constant 0 : i32
        %gt3A_355 = arith.cmpi sgt, %squeeze3A, %gt3A : i32
        %convert_element_type3A = arith.extui %gt3A_355 : i1 to i32
        %cond3A = arith.constant 0 : i32
        %cond3A_356 = arith.cmpi ne, %convert_element_type3A, %cond3A : i32
        scf.if %cond3A_356 {
          %while3A = scf.while (%while3A_357 = %ge3A) : (vector<16xi1>) -> vector<16xi1> {
            %all_reduce_population_count3A_358 = tpu.all_reduce %while3A_357 {dim = 0 : i64, kind = #tpu.reduction_kind<sum>} : vector<16xi1> -> vector<16xi32>
            %slice3A_359 = vector.extract_strided_slice %all_reduce_population_count3A_358 {offsets = [0], sizes = [1], strides = [1]} : vector<16xi32> to vector<1xi32>
            %squeeze3A_360 = vector.extract %slice3A_359[0] : i32 from vector<1xi32>
            %gt3A_361 = arith.constant 0 : i32
            %gt3A_362 = arith.cmpi sgt, %squeeze3A_360, %gt3A_361 : i32
            scf.condition(%gt3A_362) %while3A_357 : vector<16xi1>
          } do {
          ^bb0(%while3A_357: vector<16xi1>):
            %all_reduce_ffs3A = tpu.all_reduce %while3A_357 {dim = 0 : i64, kind = #tpu.reduction_kind<find_first_set>} : vector<16xi1> -> vector<16xi32>
            %slice3A_358 = vector.extract_strided_slice %all_reduce_ffs3A {offsets = [0], sizes = [1], strides = [1]} : vector<16xi32> to vector<1xi32>
            %squeeze3A_359 = vector.extract %slice3A_358[0] : i32 from vector<1xi32>
            %mul3A_360 = arith.constant 16 : i32
            %mul3A_361 = arith.muli %scan3A_346, %mul3A_360 : i32
            %add3A_362 = arith.addi %mul3A_361, %squeeze3A_359 : i32
            %mul3A_363 = arith.constant 128 : i32
            %mul3A_364 = arith.muli %add3A_362, %mul3A_363 : i32
            %add3A_365 = arith.constant 0 : i32
            %add3A_366 = arith.addi %mul3A_364, %add3A_365 : i32
            %get3A_367 = arith.index_cast %add3A_366 : i32 to index
            %get3A_368 = tpu.vector_load %arg6[%get3A_367] {strides = array<i32>} : memref<14336xf32, #tpu.memory_space<vmem>>, vector<16xf32>,
            %add3A_369 = arith.constant 16 : i32
            %add3A_370 = arith.addi %mul3A_364, %add3A_369 : i32
            %get3A_371 = arith.index_cast %add3A_370 : i32 to index
            %get3A_372 = tpu.vector_load %arg6[%get3A_371] {strides = array<i32>} : memref<14336xf32, #tpu.memory_space<vmem>>, vector<16xf32>,
            %add3A_373 = arith.constant 32 : i32
            %add3A_374 = arith.addi %mul3A_364, %add3A_373 : i32
            %get3A_375 = arith.index_cast %add3A_374 : i32 to index
            %get3A_376 = tpu.vector_load %arg6[%get3A_375] {strides = array<i32>} : memref<14336xf32, #tpu.memory_space<vmem>>, vector<16xf32>,
            %add3A_377 = arith.constant 48 : i32
            %add3A_378 = arith.addi %mul3A_364, %add3A_377 : i32
            %get3A_379 = arith.index_cast %add3A_378 : i32 to index
            %get3A_380 = tpu.vector_load %arg6[%get3A_379] {strides = array<i32>} : memref<14336xf32, #tpu.memory_space<vmem>>, vector<16xf32>,
            %add3A_381 = arith.constant 64 : i32
            %add3A_382 = arith.addi %mul3A_364, %add3A_381 : i32
            %get3A_383 = arith.index_cast %add3A_382 : i32 to index
            %get3A_384 = tpu.vector_load %arg6[%get3A_383] {strides = array<i32>} : memref<14336xf32, #tpu.memory_space<vmem>>, vector<16xf32>,
            %add3A_385 = arith.constant 80 : i32
            %add3A_386 = arith.addi %mul3A_364, %add3A_385 : i32
            %get3A_387 = arith.index_cast %add3A_386 : i32 to index
            %get3A_388 = tpu.vector_load %arg6[%get3A_387] {strides = array<i32>} : memref<14336xf32, #tpu.memory_space<vmem>>, vector<16xf32>,
            %add3A_389 = arith.constant 96 : i32
            %add3A_390 = arith.addi %mul3A_364, %add3A_389 : i32
            %get3A_391 = arith.index_cast %add3A_390 : i32 to index
            %get3A_392 = tpu.vector_load %arg6[%get3A_391] {strides = array<i32>} : memref<14336xf32, #tpu.memory_space<vmem>>, vector<16xf32>,
            %add3A_393 = arith.constant 112 : i32
            %add3A_394 = arith.addi %mul3A_364, %add3A_393 : i32
            %get3A_395 = arith.index_cast %add3A_394 : i32 to index
            %get3A_396 = tpu.vector_load %arg6[%get3A_395] {strides = array<i32>} : memref<14336xf32, #tpu.memory_space<vmem>>, vector<16xf32>,
            %ge3A_397 = arith.cmpf oge, %get3A_368, %get3A_189 : vector<16xf32>
            %ge3A_398 = arith.cmpf oge, %get3A_372, %get3A_189 : vector<16xf32>
            %ge3A_399 = arith.cmpf oge, %get3A_376, %get3A_189 : vector<16xf32>
            %ge3A_400 = arith.cmpf oge, %get3A_380, %get3A_189 : vector<16xf32>
            %ge3A_401 = arith.cmpf oge, %get3A_384, %get3A_189 : vector<16xf32>
            %ge3A_402 = arith.cmpf oge, %get3A_388, %get3A_189 : vector<16xf32>
            %ge3A_403 = arith.cmpf oge, %get3A_392, %get3A_189 : vector<16xf32>
            %ge3A_404 = arith.cmpf oge, %get3A_396, %get3A_189 : vector<16xf32>
            %all_reduce_population_count3A_405 = tpu.all_reduce %ge3A_397 {dim = 0 : i64, kind = #tpu.reduction_kind<sum>} : vector<16xi1> -> vector<16xi32>
            %slice3A_406 = vector.extract_strided_slice %all_reduce_population_count3A_405 {offsets = [0], sizes = [1], strides = [1]} : vector<16xi32> to vector<1xi32>
            %squeeze3A_407 = vector.extract %slice3A_406[0] : i32 from vector<1xi32>
            %all_reduce_population_count3A_408 = tpu.all_reduce %ge3A_398 {dim = 0 : i64, kind = #tpu.reduction_kind<sum>} : vector<16xi1> -> vector<16xi32>
            %slice3A_409 = vector.extract_strided_slice %all_reduce_population_count3A_408 {offsets = [0], sizes = [1], strides = [1]} : vector<16xi32> to vector<1xi32>
            %squeeze3A_410 = vector.extract %slice3A_409[0] : i32 from vector<1xi32>
            %all_reduce_population_count3A_411 = tpu.all_reduce %ge3A_399 {dim = 0 : i64, kind = #tpu.reduction_kind<sum>} : vector<16xi1> -> vector<16xi32>
            %slice3A_412 = vector.extract_strided_slice %all_reduce_population_count3A_411 {offsets = [0], sizes = [1], strides = [1]} : vector<16xi32> to vector<1xi32>
            %squeeze3A_413 = vector.extract %slice3A_412[0] : i32 from vector<1xi32>
            %all_reduce_population_count3A_414 = tpu.all_reduce %ge3A_400 {dim = 0 : i64, kind = #tpu.reduction_kind<sum>} : vector<16xi1> -> vector<16xi32>
            %slice3A_415 = vector.extract_strided_slice %all_reduce_population_count3A_414 {offsets = [0], sizes = [1], strides = [1]} : vector<16xi32> to vector<1xi32>
            %squeeze3A_416 = vector.extract %slice3A_415[0] : i32 from vector<1xi32>
            %all_reduce_population_count3A_417 = tpu.all_reduce %ge3A_401 {dim = 0 : i64, kind = #tpu.reduction_kind<sum>} : vector<16xi1> -> vector<16xi32>
            %slice3A_418 = vector.extract_strided_slice %all_reduce_population_count3A_417 {offsets = [0], sizes = [1], strides = [1]} : vector<16xi32> to vector<1xi32>
            %squeeze3A_419 = vector.extract %slice3A_418[0] : i32 from vector<1xi32>
            %all_reduce_population_count3A_420 = tpu.all_reduce %ge3A_402 {dim = 0 : i64, kind = #tpu.reduction_kind<sum>} : vector<16xi1> -> vector<16xi32>
            %slice3A_421 = vector.extract_strided_slice %all_reduce_population_count3A_420 {offsets = [0], sizes = [1], strides = [1]} : vector<16xi32> to vector<1xi32>
            %squeeze3A_422 = vector.extract %slice3A_421[0] : i32 from vector<1xi32>
            %all_reduce_population_count3A_423 = tpu.all_reduce %ge3A_403 {dim = 0 : i64, kind = #tpu.reduction_kind<sum>} : vector<16xi1> -> vector<16xi32>
            %slice3A_424 = vector.extract_strided_slice %all_reduce_population_count3A_423 {offsets = [0], sizes = [1], strides = [1]} : vector<16xi32> to vector<1xi32>
            %squeeze3A_425 = vector.extract %slice3A_424[0] : i32 from vector<1xi32>
            %all_reduce_population_count3A_426 = tpu.all_reduce %ge3A_404 {dim = 0 : i64, kind = #tpu.reduction_kind<sum>} : vector<16xi1> -> vector<16xi32>
            %slice3A_427 = vector.extract_strided_slice %all_reduce_population_count3A_426 {offsets = [0], sizes = [1], strides = [1]} : vector<16xi32> to vector<1xi32>
            %squeeze3A_428 = vector.extract %slice3A_427[0] : i32 from vector<1xi32>
            %add3A_429 = arith.addi %squeeze3A_407, %squeeze3A_410 : i32
            %add3A_430 = arith.addi %add3A_429, %squeeze3A_413 : i32
            %add3A_431 = arith.addi %add3A_430, %squeeze3A_416 : i32
            %add3A_432 = arith.addi %add3A_431, %squeeze3A_419 : i32
            %add3A_433 = arith.addi %add3A_432, %squeeze3A_422 : i32
            %add3A_434 = arith.addi %add3A_433, %squeeze3A_425 : i32
            %add3A_435 = arith.addi %add3A_434, %squeeze3A_428 : i32
            %sc_fetch_and_add3A_436 = arith.constant 0 : i32
            %sc_fetch_and_add3A_437 = tpu.fetch_and_add_sync %arg11[%sc_fetch_and_add3A_436], %add3A_435, %arg1 : memref<1xi32, #tpu.memory_space<smem>>, i32 -> i32
            %convert_element_type3A_438 = arith.extui %ge3A_397 : vector<16xi1> to vector<16xi32>
            %broadcast_in_dim3A = arith.constant true
            %broadcast_in_dim3A_439 = vector.broadcast %broadcast_in_dim3A : i1 to vector<16xi1>
            %masked_cumsum3A = tpu.scan <sum>, %convert_element_type3A_438 masked %broadcast_in_dim3A_439 : vector<16xi32>, vector<16xi1> -> vector<16xi32>
            %add3A_440 = vector.broadcast %sc_fetch_and_add3A_437 : i32 to vector<16xi32>
            %add3A_441 = arith.addi %add3A_440, %masked_cumsum3A : vector<16xi32>
            %sub3A_442 = arith.constant 1 : i32
            %sub3A_443 = vector.broadcast %sub3A_442 : i32 to vector<16xi32>
            %sub3A_444 = arith.subi %add3A_441, %sub3A_443 : vector<16xi32>
            %min3A_445 = arith.constant 191 : i32
            %min3A_446 = vector.broadcast %min3A_445 : i32 to vector<16xi32>
            %min3A_447 = arith.minsi %sub3A_444, %min3A_446 : vector<16xi32>
            tpu.vector_store_idx %arg10[%min3A_447], %get3A_368 masked %ge3A_397 : memref<192xf32, #tpu.memory_space<vmem>>[vector<16xi32>], vector<16xf32>, vector<16xi1>
            %add3A_448 = arith.addi %sc_fetch_and_add3A_437, %squeeze3A_407 : i32
            %convert_element_type3A_449 = arith.extui %ge3A_398 : vector<16xi1> to vector<16xi32>
            %broadcast_in_dim3A_450 = arith.constant true
            %broadcast_in_dim3A_451 = vector.broadcast %broadcast_in_dim3A_450 : i1 to vector<16xi1>
            %masked_cumsum3A_452 = tpu.scan <sum>, %convert_element_type3A_449 masked %broadcast_in_dim3A_451 : vector<16xi32>, vector<16xi1> -> vector<16xi32>
            %add3A_453 = vector.broadcast %add3A_448 : i32 to vector<16xi32>
            %add3A_454 = arith.addi %add3A_453, %masked_cumsum3A_452 : vector<16xi32>
            %sub3A_455 = arith.constant 1 : i32
            %sub3A_456 = vector.broadcast %sub3A_455 : i32 to vector<16xi32>
            %sub3A_457 = arith.subi %add3A_454, %sub3A_456 : vector<16xi32>
            %min3A_458 = arith.constant 191 : i32
            %min3A_459 = vector.broadcast %min3A_458 : i32 to vector<16xi32>
            %min3A_460 = arith.minsi %sub3A_457, %min3A_459 : vector<16xi32>
            tpu.vector_store_idx %arg10[%min3A_460], %get3A_372 masked %ge3A_398 : memref<192xf32, #tpu.memory_space<vmem>>[vector<16xi32>], vector<16xf32>, vector<16xi1>
            %add3A_461 = arith.addi %add3A_448, %squeeze3A_410 : i32
            %convert_element_type3A_462 = arith.extui %ge3A_399 : vector<16xi1> to vector<16xi32>
            %broadcast_in_dim3A_463 = arith.constant true
            %broadcast_in_dim3A_464 = vector.broadcast %broadcast_in_dim3A_463 : i1 to vector<16xi1>
            %masked_cumsum3A_465 = tpu.scan <sum>, %convert_element_type3A_462 masked %broadcast_in_dim3A_464 : vector<16xi32>, vector<16xi1> -> vector<16xi32>
            %add3A_466 = vector.broadcast %add3A_461 : i32 to vector<16xi32>
            %add3A_467 = arith.addi %add3A_466, %masked_cumsum3A_465 : vector<16xi32>
            %sub3A_468 = arith.constant 1 : i32
            %sub3A_469 = vector.broadcast %sub3A_468 : i32 to vector<16xi32>
            %sub3A_470 = arith.subi %add3A_467, %sub3A_469 : vector<16xi32>
            %min3A_471 = arith.constant 191 : i32
            %min3A_472 = vector.broadcast %min3A_471 : i32 to vector<16xi32>
            %min3A_473 = arith.minsi %sub3A_470, %min3A_472 : vector<16xi32>
            tpu.vector_store_idx %arg10[%min3A_473], %get3A_376 masked %ge3A_399 : memref<192xf32, #tpu.memory_space<vmem>>[vector<16xi32>], vector<16xf32>, vector<16xi1>
            %add3A_474 = arith.addi %add3A_461, %squeeze3A_413 : i32
            %convert_element_type3A_475 = arith.extui %ge3A_400 : vector<16xi1> to vector<16xi32>
            %broadcast_in_dim3A_476 = arith.constant true
            %broadcast_in_dim3A_477 = vector.broadcast %broadcast_in_dim3A_476 : i1 to vector<16xi1>
            %masked_cumsum3A_478 = tpu.scan <sum>, %convert_element_type3A_475 masked %broadcast_in_dim3A_477 : vector<16xi32>, vector<16xi1> -> vector<16xi32>
            %add3A_479 = vector.broadcast %add3A_474 : i32 to vector<16xi32>
            %add3A_480 = arith.addi %add3A_479, %masked_cumsum3A_478 : vector<16xi32>
            %sub3A_481 = arith.constant 1 : i32
            %sub3A_482 = vector.broadcast %sub3A_481 : i32 to vector<16xi32>
            %sub3A_483 = arith.subi %add3A_480, %sub3A_482 : vector<16xi32>
            %min3A_484 = arith.constant 191 : i32
            %min3A_485 = vector.broadcast %min3A_484 : i32 to vector<16xi32>
            %min3A_486 = arith.minsi %sub3A_483, %min3A_485 : vector<16xi32>
            tpu.vector_store_idx %arg10[%min3A_486], %get3A_380 masked %ge3A_400 : memref<192xf32, #tpu.memory_space<vmem>>[vector<16xi32>], vector<16xf32>, vector<16xi1>
            %add3A_487 = arith.addi %add3A_474, %squeeze3A_416 : i32
            %convert_element_type3A_488 = arith.extui %ge3A_401 : vector<16xi1> to vector<16xi32>
            %broadcast_in_dim3A_489 = arith.constant true
            %broadcast_in_dim3A_490 = vector.broadcast %broadcast_in_dim3A_489 : i1 to vector<16xi1>
            %masked_cumsum3A_491 = tpu.scan <sum>, %convert_element_type3A_488 masked %broadcast_in_dim3A_490 : vector<16xi32>, vector<16xi1> -> vector<16xi32>
            %add3A_492 = vector.broadcast %add3A_487 : i32 to vector<16xi32>
            %add3A_493 = arith.addi %add3A_492, %masked_cumsum3A_491 : vector<16xi32>
            %sub3A_494 = arith.constant 1 : i32
            %sub3A_495 = vector.broadcast %sub3A_494 : i32 to vector<16xi32>
            %sub3A_496 = arith.subi %add3A_493, %sub3A_495 : vector<16xi32>
            %min3A_497 = arith.constant 191 : i32
            %min3A_498 = vector.broadcast %min3A_497 : i32 to vector<16xi32>
            %min3A_499 = arith.minsi %sub3A_496, %min3A_498 : vector<16xi32>
            tpu.vector_store_idx %arg10[%min3A_499], %get3A_384 masked %ge3A_401 : memref<192xf32, #tpu.memory_space<vmem>>[vector<16xi32>], vector<16xf32>, vector<16xi1>
            %add3A_500 = arith.addi %add3A_487, %squeeze3A_419 : i32
            %convert_element_type3A_501 = arith.extui %ge3A_402 : vector<16xi1> to vector<16xi32>
            %broadcast_in_dim3A_502 = arith.constant true
            %broadcast_in_dim3A_503 = vector.broadcast %broadcast_in_dim3A_502 : i1 to vector<16xi1>
            %masked_cumsum3A_504 = tpu.scan <sum>, %convert_element_type3A_501 masked %broadcast_in_dim3A_503 : vector<16xi32>, vector<16xi1> -> vector<16xi32>
            %add3A_505 = vector.broadcast %add3A_500 : i32 to vector<16xi32>
            %add3A_506 = arith.addi %add3A_505, %masked_cumsum3A_504 : vector<16xi32>
            %sub3A_507 = arith.constant 1 : i32
            %sub3A_508 = vector.broadcast %sub3A_507 : i32 to vector<16xi32>
            %sub3A_509 = arith.subi %add3A_506, %sub3A_508 : vector<16xi32>
            %min3A_510 = arith.constant 191 : i32
            %min3A_511 = vector.broadcast %min3A_510 : i32 to vector<16xi32>
            %min3A_512 = arith.minsi %sub3A_509, %min3A_511 : vector<16xi32>
            tpu.vector_store_idx %arg10[%min3A_512], %get3A_388 masked %ge3A_402 : memref<192xf32, #tpu.memory_space<vmem>>[vector<16xi32>], vector<16xf32>, vector<16xi1>
            %add3A_513 = arith.addi %add3A_500, %squeeze3A_422 : i32
            %convert_element_type3A_514 = arith.extui %ge3A_403 : vector<16xi1> to vector<16xi32>
            %broadcast_in_dim3A_515 = arith.constant true
            %broadcast_in_dim3A_516 = vector.broadcast %broadcast_in_dim3A_515 : i1 to vector<16xi1>
            %masked_cumsum3A_517 = tpu.scan <sum>, %convert_element_type3A_514 masked %broadcast_in_dim3A_516 : vector<16xi32>, vector<16xi1> -> vector<16xi32>
            %add3A_518 = vector.broadcast %add3A_513 : i32 to vector<16xi32>
            %add3A_519 = arith.addi %add3A_518, %masked_cumsum3A_517 : vector<16xi32>
            %sub3A_520 = arith.constant 1 : i32
            %sub3A_521 = vector.broadcast %sub3A_520 : i32 to vector<16xi32>
            %sub3A_522 = arith.subi %add3A_519, %sub3A_521 : vector<16xi32>
            %min3A_523 = arith.constant 191 : i32
            %min3A_524 = vector.broadcast %min3A_523 : i32 to vector<16xi32>
            %min3A_525 = arith.minsi %sub3A_522, %min3A_524 : vector<16xi32>
            tpu.vector_store_idx %arg10[%min3A_525], %get3A_392 masked %ge3A_403 : memref<192xf32, #tpu.memory_space<vmem>>[vector<16xi32>], vector<16xf32>, vector<16xi1>
            %add3A_526 = arith.addi %add3A_513, %squeeze3A_425 : i32
            %convert_element_type3A_527 = arith.extui %ge3A_404 : vector<16xi1> to vector<16xi32>
            %broadcast_in_dim3A_528 = arith.constant true
            %broadcast_in_dim3A_529 = vector.broadcast %broadcast_in_dim3A_528 : i1 to vector<16xi1>
            %masked_cumsum3A_530 = tpu.scan <sum>, %convert_element_type3A_527 masked %broadcast_in_dim3A_529 : vector<16xi32>, vector<16xi1> -> vector<16xi32>
            %add3A_531 = vector.broadcast %add3A_526 : i32 to vector<16xi32>
            %add3A_532 = arith.addi %add3A_531, %masked_cumsum3A_530 : vector<16xi32>
            %sub3A_533 = arith.constant 1 : i32
            %sub3A_534 = vector.broadcast %sub3A_533 : i32 to vector<16xi32>
            %sub3A_535 = arith.subi %add3A_532, %sub3A_534 : vector<16xi32>
            %min3A_536 = arith.constant 191 : i32
            %min3A_537 = vector.broadcast %min3A_536 : i32 to vector<16xi32>
            %min3A_538 = arith.minsi %sub3A_535, %min3A_537 : vector<16xi32>
            tpu.vector_store_idx %arg10[%min3A_538], %get3A_396 masked %ge3A_404 : memref<192xf32, #tpu.memory_space<vmem>>[vector<16xi32>], vector<16xf32>, vector<16xi1>
            %add3A_539 = arith.addi %add3A_526, %squeeze3A_428 : i32
            %ne3A = vector.broadcast %squeeze3A_359 : i32 to vector<16xi32>
            %ne3A_540 = arith.cmpi ne, %iota3A, %ne3A : vector<16xi32>
            %and3A = arith.andi %while3A_357, %ne3A_540 : vector<16xi1>
            scf.yield %and3A : vector<16xi1>
          }
        } else {
        }
      }
      %scan3A_282 = arith.constant 7 : i32
      %dma_wait3A_283 = arith.constant 57344 : i32
      %dma_wait3A_284 = tpu.memref_slice %arg2[%add3A_182, %dma_wait3A_283] : memref<1024x100352xf32, #tpu.memory_space<hbm>> -> memref<1x14336xf32, #tpu.memory_space<hbm>>
      %dma_wait3A_285 = tpu.memref_squeeze %dma_wait3A_284 : memref<1x14336xf32, #tpu.memory_space<hbm>> -> memref<14336xf32, #tpu.memory_space<hbm>>
      %dma_wait3A_286 = arith.constant 57344 : i32
      %dma_wait3A_287 = tpu.memref_slice %arg2[%add3A_182, %dma_wait3A_286] : memref<1024x100352xf32, #tpu.memory_space<hbm>> -> memref<1x14336xf32, #tpu.memory_space<hbm>>
      %dma_wait3A_288 = tpu.memref_squeeze %dma_wait3A_287 : memref<1x14336xf32, #tpu.memory_space<hbm>> -> memref<14336xf32, #tpu.memory_space<hbm>>
      tpu.wait_dma2 semaphore(%arg13 : memref<!tpu.dma_semaphore, #tpu.memory_space<semaphore_mem>>) src(%dma_wait3A_288 : memref<14336xf32, #tpu.memory_space<hbm>>) dst(%arg7 : memref<14336xf32, #tpu.memory_space<vmem>>)
      %add3A_289 = arith.constant 1 : i32
      %add3A_290 = arith.addi %add3A_21, %add3A_289 : i32
      %dma_start3A_291 = arith.constant 71680 : i32
      %dma_start3A_292 = tpu.memref_slice %arg2[%add3A_290, %dma_start3A_291] : memref<1024x100352xf32, #tpu.memory_space<hbm>> -> memref<1x14336xf32, #tpu.memory_space<hbm>>
      %dma_start3A_293 = tpu.memref_squeeze %dma_start3A_292 : memref<1x14336xf32, #tpu.memory_space<hbm>> -> memref<14336xf32, #tpu.memory_space<hbm>>
      %dma_start3A_294 = arith.constant 71680 : i32
      %dma_start3A_295 = tpu.memref_slice %arg2[%add3A_290, %dma_start3A_294] : memref<1024x100352xf32, #tpu.memory_space<hbm>> -> memref<1x14336xf32, #tpu.memory_space<hbm>>
      %dma_start3A_296 = tpu.memref_squeeze %dma_start3A_295 : memref<1x14336xf32, #tpu.memory_space<hbm>> -> memref<14336xf32, #tpu.memory_space<hbm>>
      tpu.enqueue_dma source(%dma_start3A_296 : memref<14336xf32, #tpu.memory_space<hbm>>) target(%arg6 : memref<14336xf32, #tpu.memory_space<vmem>>) target_semaphore(%arg12 : memref<!tpu.dma_semaphore, #tpu.memory_space<semaphore_mem>>)
      %scan3A_297 = arith.constant 0 : i32
      %scan3A_298 = arith.constant 0 : i32
      %scan3A_299 = arith.constant 7 : i32
      %scan3A_300 = arith.addi %scan3A_298, %scan3A_299 : i32
      %scan3A_301 = arith.constant 1 : i32
      scf.for %scan3A_346 = %scan3A_298 to %scan3A_300 step %scan3A_301  : i32 {
        %mul3A_347 = arith.constant 16 : i32
        %mul3A_348 = arith.muli %scan3A_346, %mul3A_347 : i32
        %add3A_349 = arith.constant 448 : i32
        %add3A_350 = arith.addi %add3A_349, %mul3A_348 : i32
        %get3A_351 = arith.constant 1 : i32
        %get3A_352 = arith.index_cast %get3A_351 : i32 to index
        %get3A_353 = arith.index_cast %add3A_350 : i32 to index
        %get3A_354 = tpu.vector_load %arg8[%get3A_352, %get3A_353] {strides = array<i32>} : memref<2x784xf32, #tpu.memory_space<vmem>>, vector<16xf32>,
        %ge3A = arith.cmpf oge, %get3A_354, %get3A_189 : vector<16xf32>
        %all_reduce_population_count3A = tpu.all_reduce %ge3A {dim = 0 : i64, kind = #tpu.reduction_kind<sum>} : vector<16xi1> -> vector<16xi32>
        %slice3A = vector.extract_strided_slice %all_reduce_population_count3A {offsets = [0], sizes = [1], strides = [1]} : vector<16xi32> to vector<1xi32>
        %squeeze3A = vector.extract %slice3A[0] : i32 from vector<1xi32>
        %gt3A = arith.constant 0 : i32
        %gt3A_355 = arith.cmpi sgt, %squeeze3A, %gt3A : i32
        %convert_element_type3A = arith.extui %gt3A_355 : i1 to i32
        %cond3A = arith.constant 0 : i32
        %cond3A_356 = arith.cmpi ne, %convert_element_type3A, %cond3A : i32
        scf.if %cond3A_356 {
          %while3A = scf.while (%while3A_357 = %ge3A) : (vector<16xi1>) -> vector<16xi1> {
            %all_reduce_population_count3A_358 = tpu.all_reduce %while3A_357 {dim = 0 : i64, kind = #tpu.reduction_kind<sum>} : vector<16xi1> -> vector<16xi32>
            %slice3A_359 = vector.extract_strided_slice %all_reduce_population_count3A_358 {offsets = [0], sizes = [1], strides = [1]} : vector<16xi32> to vector<1xi32>
            %squeeze3A_360 = vector.extract %slice3A_359[0] : i32 from vector<1xi32>
            %gt3A_361 = arith.constant 0 : i32
            %gt3A_362 = arith.cmpi sgt, %squeeze3A_360, %gt3A_361 : i32
            scf.condition(%gt3A_362) %while3A_357 : vector<16xi1>
          } do {
          ^bb0(%while3A_357: vector<16xi1>):
            %all_reduce_ffs3A = tpu.all_reduce %while3A_357 {dim = 0 : i64, kind = #tpu.reduction_kind<find_first_set>} : vector<16xi1> -> vector<16xi32>
            %slice3A_358 = vector.extract_strided_slice %all_reduce_ffs3A {offsets = [0], sizes = [1], strides = [1]} : vector<16xi32> to vector<1xi32>
            %squeeze3A_359 = vector.extract %slice3A_358[0] : i32 from vector<1xi32>
            %mul3A_360 = arith.constant 16 : i32
            %mul3A_361 = arith.muli %scan3A_346, %mul3A_360 : i32
            %add3A_362 = arith.addi %mul3A_361, %squeeze3A_359 : i32
            %mul3A_363 = arith.constant 128 : i32
            %mul3A_364 = arith.muli %add3A_362, %mul3A_363 : i32
            %add3A_365 = arith.constant 0 : i32
            %add3A_366 = arith.addi %mul3A_364, %add3A_365 : i32
            %get3A_367 = arith.index_cast %add3A_366 : i32 to index
            %get3A_368 = tpu.vector_load %arg7[%get3A_367] {strides = array<i32>} : memref<14336xf32, #tpu.memory_space<vmem>>, vector<16xf32>,
            %add3A_369 = arith.constant 16 : i32
            %add3A_370 = arith.addi %mul3A_364, %add3A_369 : i32
            %get3A_371 = arith.index_cast %add3A_370 : i32 to index
            %get3A_372 = tpu.vector_load %arg7[%get3A_371] {strides = array<i32>} : memref<14336xf32, #tpu.memory_space<vmem>>, vector<16xf32>,
            %add3A_373 = arith.constant 32 : i32
            %add3A_374 = arith.addi %mul3A_364, %add3A_373 : i32
            %get3A_375 = arith.index_cast %add3A_374 : i32 to index
            %get3A_376 = tpu.vector_load %arg7[%get3A_375] {strides = array<i32>} : memref<14336xf32, #tpu.memory_space<vmem>>, vector<16xf32>,
            %add3A_377 = arith.constant 48 : i32
            %add3A_378 = arith.addi %mul3A_364, %add3A_377 : i32
            %get3A_379 = arith.index_cast %add3A_378 : i32 to index
            %get3A_380 = tpu.vector_load %arg7[%get3A_379] {strides = array<i32>} : memref<14336xf32, #tpu.memory_space<vmem>>, vector<16xf32>,
            %add3A_381 = arith.constant 64 : i32
            %add3A_382 = arith.addi %mul3A_364, %add3A_381 : i32
            %get3A_383 = arith.index_cast %add3A_382 : i32 to index
            %get3A_384 = tpu.vector_load %arg7[%get3A_383] {strides = array<i32>} : memref<14336xf32, #tpu.memory_space<vmem>>, vector<16xf32>,
            %add3A_385 = arith.constant 80 : i32
            %add3A_386 = arith.addi %mul3A_364, %add3A_385 : i32
            %get3A_387 = arith.index_cast %add3A_386 : i32 to index
            %get3A_388 = tpu.vector_load %arg7[%get3A_387] {strides = array<i32>} : memref<14336xf32, #tpu.memory_space<vmem>>, vector<16xf32>,
            %add3A_389 = arith.constant 96 : i32
            %add3A_390 = arith.addi %mul3A_364, %add3A_389 : i32
            %get3A_391 = arith.index_cast %add3A_390 : i32 to index
            %get3A_392 = tpu.vector_load %arg7[%get3A_391] {strides = array<i32>} : memref<14336xf32, #tpu.memory_space<vmem>>, vector<16xf32>,
            %add3A_393 = arith.constant 112 : i32
            %add3A_394 = arith.addi %mul3A_364, %add3A_393 : i32
            %get3A_395 = arith.index_cast %add3A_394 : i32 to index
            %get3A_396 = tpu.vector_load %arg7[%get3A_395] {strides = array<i32>} : memref<14336xf32, #tpu.memory_space<vmem>>, vector<16xf32>,
            %ge3A_397 = arith.cmpf oge, %get3A_368, %get3A_189 : vector<16xf32>
            %ge3A_398 = arith.cmpf oge, %get3A_372, %get3A_189 : vector<16xf32>
            %ge3A_399 = arith.cmpf oge, %get3A_376, %get3A_189 : vector<16xf32>
            %ge3A_400 = arith.cmpf oge, %get3A_380, %get3A_189 : vector<16xf32>
            %ge3A_401 = arith.cmpf oge, %get3A_384, %get3A_189 : vector<16xf32>
            %ge3A_402 = arith.cmpf oge, %get3A_388, %get3A_189 : vector<16xf32>
            %ge3A_403 = arith.cmpf oge, %get3A_392, %get3A_189 : vector<16xf32>
            %ge3A_404 = arith.cmpf oge, %get3A_396, %get3A_189 : vector<16xf32>
            %all_reduce_population_count3A_405 = tpu.all_reduce %ge3A_397 {dim = 0 : i64, kind = #tpu.reduction_kind<sum>} : vector<16xi1> -> vector<16xi32>
            %slice3A_406 = vector.extract_strided_slice %all_reduce_population_count3A_405 {offsets = [0], sizes = [1], strides = [1]} : vector<16xi32> to vector<1xi32>
            %squeeze3A_407 = vector.extract %slice3A_406[0] : i32 from vector<1xi32>
            %all_reduce_population_count3A_408 = tpu.all_reduce %ge3A_398 {dim = 0 : i64, kind = #tpu.reduction_kind<sum>} : vector<16xi1> -> vector<16xi32>
            %slice3A_409 = vector.extract_strided_slice %all_reduce_population_count3A_408 {offsets = [0], sizes = [1], strides = [1]} : vector<16xi32> to vector<1xi32>
            %squeeze3A_410 = vector.extract %slice3A_409[0] : i32 from vector<1xi32>
            %all_reduce_population_count3A_411 = tpu.all_reduce %ge3A_399 {dim = 0 : i64, kind = #tpu.reduction_kind<sum>} : vector<16xi1> -> vector<16xi32>
            %slice3A_412 = vector.extract_strided_slice %all_reduce_population_count3A_411 {offsets = [0], sizes = [1], strides = [1]} : vector<16xi32> to vector<1xi32>
            %squeeze3A_413 = vector.extract %slice3A_412[0] : i32 from vector<1xi32>
            %all_reduce_population_count3A_414 = tpu.all_reduce %ge3A_400 {dim = 0 : i64, kind = #tpu.reduction_kind<sum>} : vector<16xi1> -> vector<16xi32>
            %slice3A_415 = vector.extract_strided_slice %all_reduce_population_count3A_414 {offsets = [0], sizes = [1], strides = [1]} : vector<16xi32> to vector<1xi32>
            %squeeze3A_416 = vector.extract %slice3A_415[0] : i32 from vector<1xi32>
            %all_reduce_population_count3A_417 = tpu.all_reduce %ge3A_401 {dim = 0 : i64, kind = #tpu.reduction_kind<sum>} : vector<16xi1> -> vector<16xi32>
            %slice3A_418 = vector.extract_strided_slice %all_reduce_population_count3A_417 {offsets = [0], sizes = [1], strides = [1]} : vector<16xi32> to vector<1xi32>
            %squeeze3A_419 = vector.extract %slice3A_418[0] : i32 from vector<1xi32>
            %all_reduce_population_count3A_420 = tpu.all_reduce %ge3A_402 {dim = 0 : i64, kind = #tpu.reduction_kind<sum>} : vector<16xi1> -> vector<16xi32>
            %slice3A_421 = vector.extract_strided_slice %all_reduce_population_count3A_420 {offsets = [0], sizes = [1], strides = [1]} : vector<16xi32> to vector<1xi32>
            %squeeze3A_422 = vector.extract %slice3A_421[0] : i32 from vector<1xi32>
            %all_reduce_population_count3A_423 = tpu.all_reduce %ge3A_403 {dim = 0 : i64, kind = #tpu.reduction_kind<sum>} : vector<16xi1> -> vector<16xi32>
            %slice3A_424 = vector.extract_strided_slice %all_reduce_population_count3A_423 {offsets = [0], sizes = [1], strides = [1]} : vector<16xi32> to vector<1xi32>
            %squeeze3A_425 = vector.extract %slice3A_424[0] : i32 from vector<1xi32>
            %all_reduce_population_count3A_426 = tpu.all_reduce %ge3A_404 {dim = 0 : i64, kind = #tpu.reduction_kind<sum>} : vector<16xi1> -> vector<16xi32>
            %slice3A_427 = vector.extract_strided_slice %all_reduce_population_count3A_426 {offsets = [0], sizes = [1], strides = [1]} : vector<16xi32> to vector<1xi32>
            %squeeze3A_428 = vector.extract %slice3A_427[0] : i32 from vector<1xi32>
            %add3A_429 = arith.addi %squeeze3A_407, %squeeze3A_410 : i32
            %add3A_430 = arith.addi %add3A_429, %squeeze3A_413 : i32
            %add3A_431 = arith.addi %add3A_430, %squeeze3A_416 : i32
            %add3A_432 = arith.addi %add3A_431, %squeeze3A_419 : i32
            %add3A_433 = arith.addi %add3A_432, %squeeze3A_422 : i32
            %add3A_434 = arith.addi %add3A_433, %squeeze3A_425 : i32
            %add3A_435 = arith.addi %add3A_434, %squeeze3A_428 : i32
            %sc_fetch_and_add3A_436 = arith.constant 0 : i32
            %sc_fetch_and_add3A_437 = tpu.fetch_and_add_sync %arg11[%sc_fetch_and_add3A_436], %add3A_435, %arg1 : memref<1xi32, #tpu.memory_space<smem>>, i32 -> i32
            %convert_element_type3A_438 = arith.extui %ge3A_397 : vector<16xi1> to vector<16xi32>
            %broadcast_in_dim3A = arith.constant true
            %broadcast_in_dim3A_439 = vector.broadcast %broadcast_in_dim3A : i1 to vector<16xi1>
            %masked_cumsum3A = tpu.scan <sum>, %convert_element_type3A_438 masked %broadcast_in_dim3A_439 : vector<16xi32>, vector<16xi1> -> vector<16xi32>
            %add3A_440 = vector.broadcast %sc_fetch_and_add3A_437 : i32 to vector<16xi32>
            %add3A_441 = arith.addi %add3A_440, %masked_cumsum3A : vector<16xi32>
            %sub3A_442 = arith.constant 1 : i32
            %sub3A_443 = vector.broadcast %sub3A_442 : i32 to vector<16xi32>
            %sub3A_444 = arith.subi %add3A_441, %sub3A_443 : vector<16xi32>
            %min3A_445 = arith.constant 191 : i32
            %min3A_446 = vector.broadcast %min3A_445 : i32 to vector<16xi32>
            %min3A_447 = arith.minsi %sub3A_444, %min3A_446 : vector<16xi32>
            tpu.vector_store_idx %arg10[%min3A_447], %get3A_368 masked %ge3A_397 : memref<192xf32, #tpu.memory_space<vmem>>[vector<16xi32>], vector<16xf32>, vector<16xi1>
            %add3A_448 = arith.addi %sc_fetch_and_add3A_437, %squeeze3A_407 : i32
            %convert_element_type3A_449 = arith.extui %ge3A_398 : vector<16xi1> to vector<16xi32>
            %broadcast_in_dim3A_450 = arith.constant true
            %broadcast_in_dim3A_451 = vector.broadcast %broadcast_in_dim3A_450 : i1 to vector<16xi1>
            %masked_cumsum3A_452 = tpu.scan <sum>, %convert_element_type3A_449 masked %broadcast_in_dim3A_451 : vector<16xi32>, vector<16xi1> -> vector<16xi32>
            %add3A_453 = vector.broadcast %add3A_448 : i32 to vector<16xi32>
            %add3A_454 = arith.addi %add3A_453, %masked_cumsum3A_452 : vector<16xi32>
            %sub3A_455 = arith.constant 1 : i32
            %sub3A_456 = vector.broadcast %sub3A_455 : i32 to vector<16xi32>
            %sub3A_457 = arith.subi %add3A_454, %sub3A_456 : vector<16xi32>
            %min3A_458 = arith.constant 191 : i32
            %min3A_459 = vector.broadcast %min3A_458 : i32 to vector<16xi32>
            %min3A_460 = arith.minsi %sub3A_457, %min3A_459 : vector<16xi32>
            tpu.vector_store_idx %arg10[%min3A_460], %get3A_372 masked %ge3A_398 : memref<192xf32, #tpu.memory_space<vmem>>[vector<16xi32>], vector<16xf32>, vector<16xi1>
            %add3A_461 = arith.addi %add3A_448, %squeeze3A_410 : i32
            %convert_element_type3A_462 = arith.extui %ge3A_399 : vector<16xi1> to vector<16xi32>
            %broadcast_in_dim3A_463 = arith.constant true
            %broadcast_in_dim3A_464 = vector.broadcast %broadcast_in_dim3A_463 : i1 to vector<16xi1>
            %masked_cumsum3A_465 = tpu.scan <sum>, %convert_element_type3A_462 masked %broadcast_in_dim3A_464 : vector<16xi32>, vector<16xi1> -> vector<16xi32>
            %add3A_466 = vector.broadcast %add3A_461 : i32 to vector<16xi32>
            %add3A_467 = arith.addi %add3A_466, %masked_cumsum3A_465 : vector<16xi32>
            %sub3A_468 = arith.constant 1 : i32
            %sub3A_469 = vector.broadcast %sub3A_468 : i32 to vector<16xi32>
            %sub3A_470 = arith.subi %add3A_467, %sub3A_469 : vector<16xi32>
            %min3A_471 = arith.constant 191 : i32
            %min3A_472 = vector.broadcast %min3A_471 : i32 to vector<16xi32>
            %min3A_473 = arith.minsi %sub3A_470, %min3A_472 : vector<16xi32>
            tpu.vector_store_idx %arg10[%min3A_473], %get3A_376 masked %ge3A_399 : memref<192xf32, #tpu.memory_space<vmem>>[vector<16xi32>], vector<16xf32>, vector<16xi1>
            %add3A_474 = arith.addi %add3A_461, %squeeze3A_413 : i32
            %convert_element_type3A_475 = arith.extui %ge3A_400 : vector<16xi1> to vector<16xi32>
            %broadcast_in_dim3A_476 = arith.constant true
            %broadcast_in_dim3A_477 = vector.broadcast %broadcast_in_dim3A_476 : i1 to vector<16xi1>
            %masked_cumsum3A_478 = tpu.scan <sum>, %convert_element_type3A_475 masked %broadcast_in_dim3A_477 : vector<16xi32>, vector<16xi1> -> vector<16xi32>
            %add3A_479 = vector.broadcast %add3A_474 : i32 to vector<16xi32>
            %add3A_480 = arith.addi %add3A_479, %masked_cumsum3A_478 : vector<16xi32>
            %sub3A_481 = arith.constant 1 : i32
            %sub3A_482 = vector.broadcast %sub3A_481 : i32 to vector<16xi32>
            %sub3A_483 = arith.subi %add3A_480, %sub3A_482 : vector<16xi32>
            %min3A_484 = arith.constant 191 : i32
            %min3A_485 = vector.broadcast %min3A_484 : i32 to vector<16xi32>
            %min3A_486 = arith.minsi %sub3A_483, %min3A_485 : vector<16xi32>
            tpu.vector_store_idx %arg10[%min3A_486], %get3A_380 masked %ge3A_400 : memref<192xf32, #tpu.memory_space<vmem>>[vector<16xi32>], vector<16xf32>, vector<16xi1>
            %add3A_487 = arith.addi %add3A_474, %squeeze3A_416 : i32
            %convert_element_type3A_488 = arith.extui %ge3A_401 : vector<16xi1> to vector<16xi32>
            %broadcast_in_dim3A_489 = arith.constant true
            %broadcast_in_dim3A_490 = vector.broadcast %broadcast_in_dim3A_489 : i1 to vector<16xi1>
            %masked_cumsum3A_491 = tpu.scan <sum>, %convert_element_type3A_488 masked %broadcast_in_dim3A_490 : vector<16xi32>, vector<16xi1> -> vector<16xi32>
            %add3A_492 = vector.broadcast %add3A_487 : i32 to vector<16xi32>
            %add3A_493 = arith.addi %add3A_492, %masked_cumsum3A_491 : vector<16xi32>
            %sub3A_494 = arith.constant 1 : i32
            %sub3A_495 = vector.broadcast %sub3A_494 : i32 to vector<16xi32>
            %sub3A_496 = arith.subi %add3A_493, %sub3A_495 : vector<16xi32>
            %min3A_497 = arith.constant 191 : i32
            %min3A_498 = vector.broadcast %min3A_497 : i32 to vector<16xi32>
            %min3A_499 = arith.minsi %sub3A_496, %min3A_498 : vector<16xi32>
            tpu.vector_store_idx %arg10[%min3A_499], %get3A_384 masked %ge3A_401 : memref<192xf32, #tpu.memory_space<vmem>>[vector<16xi32>], vector<16xf32>, vector<16xi1>
            %add3A_500 = arith.addi %add3A_487, %squeeze3A_419 : i32
            %convert_element_type3A_501 = arith.extui %ge3A_402 : vector<16xi1> to vector<16xi32>
            %broadcast_in_dim3A_502 = arith.constant true
            %broadcast_in_dim3A_503 = vector.broadcast %broadcast_in_dim3A_502 : i1 to vector<16xi1>
            %masked_cumsum3A_504 = tpu.scan <sum>, %convert_element_type3A_501 masked %broadcast_in_dim3A_503 : vector<16xi32>, vector<16xi1> -> vector<16xi32>
            %add3A_505 = vector.broadcast %add3A_500 : i32 to vector<16xi32>
            %add3A_506 = arith.addi %add3A_505, %masked_cumsum3A_504 : vector<16xi32>
            %sub3A_507 = arith.constant 1 : i32
            %sub3A_508 = vector.broadcast %sub3A_507 : i32 to vector<16xi32>
            %sub3A_509 = arith.subi %add3A_506, %sub3A_508 : vector<16xi32>
            %min3A_510 = arith.constant 191 : i32
            %min3A_511 = vector.broadcast %min3A_510 : i32 to vector<16xi32>
            %min3A_512 = arith.minsi %sub3A_509, %min3A_511 : vector<16xi32>
            tpu.vector_store_idx %arg10[%min3A_512], %get3A_388 masked %ge3A_402 : memref<192xf32, #tpu.memory_space<vmem>>[vector<16xi32>], vector<16xf32>, vector<16xi1>
            %add3A_513 = arith.addi %add3A_500, %squeeze3A_422 : i32
            %convert_element_type3A_514 = arith.extui %ge3A_403 : vector<16xi1> to vector<16xi32>
            %broadcast_in_dim3A_515 = arith.constant true
            %broadcast_in_dim3A_516 = vector.broadcast %broadcast_in_dim3A_515 : i1 to vector<16xi1>
            %masked_cumsum3A_517 = tpu.scan <sum>, %convert_element_type3A_514 masked %broadcast_in_dim3A_516 : vector<16xi32>, vector<16xi1> -> vector<16xi32>
            %add3A_518 = vector.broadcast %add3A_513 : i32 to vector<16xi32>
            %add3A_519 = arith.addi %add3A_518, %masked_cumsum3A_517 : vector<16xi32>
            %sub3A_520 = arith.constant 1 : i32
            %sub3A_521 = vector.broadcast %sub3A_520 : i32 to vector<16xi32>
            %sub3A_522 = arith.subi %add3A_519, %sub3A_521 : vector<16xi32>
            %min3A_523 = arith.constant 191 : i32
            %min3A_524 = vector.broadcast %min3A_523 : i32 to vector<16xi32>
            %min3A_525 = arith.minsi %sub3A_522, %min3A_524 : vector<16xi32>
            tpu.vector_store_idx %arg10[%min3A_525], %get3A_392 masked %ge3A_403 : memref<192xf32, #tpu.memory_space<vmem>>[vector<16xi32>], vector<16xf32>, vector<16xi1>
            %add3A_526 = arith.addi %add3A_513, %squeeze3A_425 : i32
            %convert_element_type3A_527 = arith.extui %ge3A_404 : vector<16xi1> to vector<16xi32>
            %broadcast_in_dim3A_528 = arith.constant true
            %broadcast_in_dim3A_529 = vector.broadcast %broadcast_in_dim3A_528 : i1 to vector<16xi1>
            %masked_cumsum3A_530 = tpu.scan <sum>, %convert_element_type3A_527 masked %broadcast_in_dim3A_529 : vector<16xi32>, vector<16xi1> -> vector<16xi32>
            %add3A_531 = vector.broadcast %add3A_526 : i32 to vector<16xi32>
            %add3A_532 = arith.addi %add3A_531, %masked_cumsum3A_530 : vector<16xi32>
            %sub3A_533 = arith.constant 1 : i32
            %sub3A_534 = vector.broadcast %sub3A_533 : i32 to vector<16xi32>
            %sub3A_535 = arith.subi %add3A_532, %sub3A_534 : vector<16xi32>
            %min3A_536 = arith.constant 191 : i32
            %min3A_537 = vector.broadcast %min3A_536 : i32 to vector<16xi32>
            %min3A_538 = arith.minsi %sub3A_535, %min3A_537 : vector<16xi32>
            tpu.vector_store_idx %arg10[%min3A_538], %get3A_396 masked %ge3A_404 : memref<192xf32, #tpu.memory_space<vmem>>[vector<16xi32>], vector<16xf32>, vector<16xi1>
            %add3A_539 = arith.addi %add3A_526, %squeeze3A_428 : i32
            %ne3A = vector.broadcast %squeeze3A_359 : i32 to vector<16xi32>
            %ne3A_540 = arith.cmpi ne, %iota3A, %ne3A : vector<16xi32>
            %and3A = arith.andi %while3A_357, %ne3A_540 : vector<16xi1>
            scf.yield %and3A : vector<16xi1>
          }
        } else {
        }
      }
      %scan3A_302 = arith.constant 7 : i32
      %dma_wait3A_303 = arith.constant 71680 : i32
      %dma_wait3A_304 = tpu.memref_slice %arg2[%add3A_182, %dma_wait3A_303] : memref<1024x100352xf32, #tpu.memory_space<hbm>> -> memref<1x14336xf32, #tpu.memory_space<hbm>>
      %dma_wait3A_305 = tpu.memref_squeeze %dma_wait3A_304 : memref<1x14336xf32, #tpu.memory_space<hbm>> -> memref<14336xf32, #tpu.memory_space<hbm>>
      %dma_wait3A_306 = arith.constant 71680 : i32
      %dma_wait3A_307 = tpu.memref_slice %arg2[%add3A_182, %dma_wait3A_306] : memref<1024x100352xf32, #tpu.memory_space<hbm>> -> memref<1x14336xf32, #tpu.memory_space<hbm>>
      %dma_wait3A_308 = tpu.memref_squeeze %dma_wait3A_307 : memref<1x14336xf32, #tpu.memory_space<hbm>> -> memref<14336xf32, #tpu.memory_space<hbm>>
      tpu.wait_dma2 semaphore(%arg12 : memref<!tpu.dma_semaphore, #tpu.memory_space<semaphore_mem>>) src(%dma_wait3A_308 : memref<14336xf32, #tpu.memory_space<hbm>>) dst(%arg6 : memref<14336xf32, #tpu.memory_space<vmem>>)
      %add3A_309 = arith.constant 1 : i32
      %add3A_310 = arith.addi %add3A_21, %add3A_309 : i32
      %dma_start3A_311 = arith.constant 86016 : i32
      %dma_start3A_312 = tpu.memref_slice %arg2[%add3A_310, %dma_start3A_311] : memref<1024x100352xf32, #tpu.memory_space<hbm>> -> memref<1x14336xf32, #tpu.memory_space<hbm>>
      %dma_start3A_313 = tpu.memref_squeeze %dma_start3A_312 : memref<1x14336xf32, #tpu.memory_space<hbm>> -> memref<14336xf32, #tpu.memory_space<hbm>>
      %dma_start3A_314 = arith.constant 86016 : i32
      %dma_start3A_315 = tpu.memref_slice %arg2[%add3A_310, %dma_start3A_314] : memref<1024x100352xf32, #tpu.memory_space<hbm>> -> memref<1x14336xf32, #tpu.memory_space<hbm>>
      %dma_start3A_316 = tpu.memref_squeeze %dma_start3A_315 : memref<1x14336xf32, #tpu.memory_space<hbm>> -> memref<14336xf32, #tpu.memory_space<hbm>>
      tpu.enqueue_dma source(%dma_start3A_316 : memref<14336xf32, #tpu.memory_space<hbm>>) target(%arg7 : memref<14336xf32, #tpu.memory_space<vmem>>) target_semaphore(%arg13 : memref<!tpu.dma_semaphore, #tpu.memory_space<semaphore_mem>>)
      %scan3A_317 = arith.constant 0 : i32
      %scan3A_318 = arith.constant 0 : i32
      %scan3A_319 = arith.constant 7 : i32
      %scan3A_320 = arith.addi %scan3A_318, %scan3A_319 : i32
      %scan3A_321 = arith.constant 1 : i32
      scf.for %scan3A_346 = %scan3A_318 to %scan3A_320 step %scan3A_321  : i32 {
        %mul3A_347 = arith.constant 16 : i32
        %mul3A_348 = arith.muli %scan3A_346, %mul3A_347 : i32
        %add3A_349 = arith.constant 560 : i32
        %add3A_350 = arith.addi %add3A_349, %mul3A_348 : i32
        %get3A_351 = arith.constant 1 : i32
        %get3A_352 = arith.index_cast %get3A_351 : i32 to index
        %get3A_353 = arith.index_cast %add3A_350 : i32 to index
        %get3A_354 = tpu.vector_load %arg8[%get3A_352, %get3A_353] {strides = array<i32>} : memref<2x784xf32, #tpu.memory_space<vmem>>, vector<16xf32>,
        %ge3A = arith.cmpf oge, %get3A_354, %get3A_189 : vector<16xf32>
        %all_reduce_population_count3A = tpu.all_reduce %ge3A {dim = 0 : i64, kind = #tpu.reduction_kind<sum>} : vector<16xi1> -> vector<16xi32>
        %slice3A = vector.extract_strided_slice %all_reduce_population_count3A {offsets = [0], sizes = [1], strides = [1]} : vector<16xi32> to vector<1xi32>
        %squeeze3A = vector.extract %slice3A[0] : i32 from vector<1xi32>
        %gt3A = arith.constant 0 : i32
        %gt3A_355 = arith.cmpi sgt, %squeeze3A, %gt3A : i32
        %convert_element_type3A = arith.extui %gt3A_355 : i1 to i32
        %cond3A = arith.constant 0 : i32
        %cond3A_356 = arith.cmpi ne, %convert_element_type3A, %cond3A : i32
        scf.if %cond3A_356 {
          %while3A = scf.while (%while3A_357 = %ge3A) : (vector<16xi1>) -> vector<16xi1> {
            %all_reduce_population_count3A_358 = tpu.all_reduce %while3A_357 {dim = 0 : i64, kind = #tpu.reduction_kind<sum>} : vector<16xi1> -> vector<16xi32>
            %slice3A_359 = vector.extract_strided_slice %all_reduce_population_count3A_358 {offsets = [0], sizes = [1], strides = [1]} : vector<16xi32> to vector<1xi32>
            %squeeze3A_360 = vector.extract %slice3A_359[0] : i32 from vector<1xi32>
            %gt3A_361 = arith.constant 0 : i32
            %gt3A_362 = arith.cmpi sgt, %squeeze3A_360, %gt3A_361 : i32
            scf.condition(%gt3A_362) %while3A_357 : vector<16xi1>
          } do {
          ^bb0(%while3A_357: vector<16xi1>):
            %all_reduce_ffs3A = tpu.all_reduce %while3A_357 {dim = 0 : i64, kind = #tpu.reduction_kind<find_first_set>} : vector<16xi1> -> vector<16xi32>
            %slice3A_358 = vector.extract_strided_slice %all_reduce_ffs3A {offsets = [0], sizes = [1], strides = [1]} : vector<16xi32> to vector<1xi32>
            %squeeze3A_359 = vector.extract %slice3A_358[0] : i32 from vector<1xi32>
            %mul3A_360 = arith.constant 16 : i32
            %mul3A_361 = arith.muli %scan3A_346, %mul3A_360 : i32
            %add3A_362 = arith.addi %mul3A_361, %squeeze3A_359 : i32
            %mul3A_363 = arith.constant 128 : i32
            %mul3A_364 = arith.muli %add3A_362, %mul3A_363 : i32
            %add3A_365 = arith.constant 0 : i32
            %add3A_366 = arith.addi %mul3A_364, %add3A_365 : i32
            %get3A_367 = arith.index_cast %add3A_366 : i32 to index
            %get3A_368 = tpu.vector_load %arg6[%get3A_367] {strides = array<i32>} : memref<14336xf32, #tpu.memory_space<vmem>>, vector<16xf32>,
            %add3A_369 = arith.constant 16 : i32
            %add3A_370 = arith.addi %mul3A_364, %add3A_369 : i32
            %get3A_371 = arith.index_cast %add3A_370 : i32 to index
            %get3A_372 = tpu.vector_load %arg6[%get3A_371] {strides = array<i32>} : memref<14336xf32, #tpu.memory_space<vmem>>, vector<16xf32>,
            %add3A_373 = arith.constant 32 : i32
            %add3A_374 = arith.addi %mul3A_364, %add3A_373 : i32
            %get3A_375 = arith.index_cast %add3A_374 : i32 to index
            %get3A_376 = tpu.vector_load %arg6[%get3A_375] {strides = array<i32>} : memref<14336xf32, #tpu.memory_space<vmem>>, vector<16xf32>,
            %add3A_377 = arith.constant 48 : i32
            %add3A_378 = arith.addi %mul3A_364, %add3A_377 : i32
            %get3A_379 = arith.index_cast %add3A_378 : i32 to index
            %get3A_380 = tpu.vector_load %arg6[%get3A_379] {strides = array<i32>} : memref<14336xf32, #tpu.memory_space<vmem>>, vector<16xf32>,
            %add3A_381 = arith.constant 64 : i32
            %add3A_382 = arith.addi %mul3A_364, %add3A_381 : i32
            %get3A_383 = arith.index_cast %add3A_382 : i32 to index
            %get3A_384 = tpu.vector_load %arg6[%get3A_383] {strides = array<i32>} : memref<14336xf32, #tpu.memory_space<vmem>>, vector<16xf32>,
            %add3A_385 = arith.constant 80 : i32
            %add3A_386 = arith.addi %mul3A_364, %add3A_385 : i32
            %get3A_387 = arith.index_cast %add3A_386 : i32 to index
            %get3A_388 = tpu.vector_load %arg6[%get3A_387] {strides = array<i32>} : memref<14336xf32, #tpu.memory_space<vmem>>, vector<16xf32>,
            %add3A_389 = arith.constant 96 : i32
            %add3A_390 = arith.addi %mul3A_364, %add3A_389 : i32
            %get3A_391 = arith.index_cast %add3A_390 : i32 to index
            %get3A_392 = tpu.vector_load %arg6[%get3A_391] {strides = array<i32>} : memref<14336xf32, #tpu.memory_space<vmem>>, vector<16xf32>,
            %add3A_393 = arith.constant 112 : i32
            %add3A_394 = arith.addi %mul3A_364, %add3A_393 : i32
            %get3A_395 = arith.index_cast %add3A_394 : i32 to index
            %get3A_396 = tpu.vector_load %arg6[%get3A_395] {strides = array<i32>} : memref<14336xf32, #tpu.memory_space<vmem>>, vector<16xf32>,
            %ge3A_397 = arith.cmpf oge, %get3A_368, %get3A_189 : vector<16xf32>
            %ge3A_398 = arith.cmpf oge, %get3A_372, %get3A_189 : vector<16xf32>
            %ge3A_399 = arith.cmpf oge, %get3A_376, %get3A_189 : vector<16xf32>
            %ge3A_400 = arith.cmpf oge, %get3A_380, %get3A_189 : vector<16xf32>
            %ge3A_401 = arith.cmpf oge, %get3A_384, %get3A_189 : vector<16xf32>
            %ge3A_402 = arith.cmpf oge, %get3A_388, %get3A_189 : vector<16xf32>
            %ge3A_403 = arith.cmpf oge, %get3A_392, %get3A_189 : vector<16xf32>
            %ge3A_404 = arith.cmpf oge, %get3A_396, %get3A_189 : vector<16xf32>
            %all_reduce_population_count3A_405 = tpu.all_reduce %ge3A_397 {dim = 0 : i64, kind = #tpu.reduction_kind<sum>} : vector<16xi1> -> vector<16xi32>
            %slice3A_406 = vector.extract_strided_slice %all_reduce_population_count3A_405 {offsets = [0], sizes = [1], strides = [1]} : vector<16xi32> to vector<1xi32>
            %squeeze3A_407 = vector.extract %slice3A_406[0] : i32 from vector<1xi32>
            %all_reduce_population_count3A_408 = tpu.all_reduce %ge3A_398 {dim = 0 : i64, kind = #tpu.reduction_kind<sum>} : vector<16xi1> -> vector<16xi32>
            %slice3A_409 = vector.extract_strided_slice %all_reduce_population_count3A_408 {offsets = [0], sizes = [1], strides = [1]} : vector<16xi32> to vector<1xi32>
            %squeeze3A_410 = vector.extract %slice3A_409[0] : i32 from vector<1xi32>
            %all_reduce_population_count3A_411 = tpu.all_reduce %ge3A_399 {dim = 0 : i64, kind = #tpu.reduction_kind<sum>} : vector<16xi1> -> vector<16xi32>
            %slice3A_412 = vector.extract_strided_slice %all_reduce_population_count3A_411 {offsets = [0], sizes = [1], strides = [1]} : vector<16xi32> to vector<1xi32>
            %squeeze3A_413 = vector.extract %slice3A_412[0] : i32 from vector<1xi32>
            %all_reduce_population_count3A_414 = tpu.all_reduce %ge3A_400 {dim = 0 : i64, kind = #tpu.reduction_kind<sum>} : vector<16xi1> -> vector<16xi32>
            %slice3A_415 = vector.extract_strided_slice %all_reduce_population_count3A_414 {offsets = [0], sizes = [1], strides = [1]} : vector<16xi32> to vector<1xi32>
            %squeeze3A_416 = vector.extract %slice3A_415[0] : i32 from vector<1xi32>
            %all_reduce_population_count3A_417 = tpu.all_reduce %ge3A_401 {dim = 0 : i64, kind = #tpu.reduction_kind<sum>} : vector<16xi1> -> vector<16xi32>
            %slice3A_418 = vector.extract_strided_slice %all_reduce_population_count3A_417 {offsets = [0], sizes = [1], strides = [1]} : vector<16xi32> to vector<1xi32>
            %squeeze3A_419 = vector.extract %slice3A_418[0] : i32 from vector<1xi32>
            %all_reduce_population_count3A_420 = tpu.all_reduce %ge3A_402 {dim = 0 : i64, kind = #tpu.reduction_kind<sum>} : vector<16xi1> -> vector<16xi32>
            %slice3A_421 = vector.extract_strided_slice %all_reduce_population_count3A_420 {offsets = [0], sizes = [1], strides = [1]} : vector<16xi32> to vector<1xi32>
            %squeeze3A_422 = vector.extract %slice3A_421[0] : i32 from vector<1xi32>
            %all_reduce_population_count3A_423 = tpu.all_reduce %ge3A_403 {dim = 0 : i64, kind = #tpu.reduction_kind<sum>} : vector<16xi1> -> vector<16xi32>
            %slice3A_424 = vector.extract_strided_slice %all_reduce_population_count3A_423 {offsets = [0], sizes = [1], strides = [1]} : vector<16xi32> to vector<1xi32>
            %squeeze3A_425 = vector.extract %slice3A_424[0] : i32 from vector<1xi32>
            %all_reduce_population_count3A_426 = tpu.all_reduce %ge3A_404 {dim = 0 : i64, kind = #tpu.reduction_kind<sum>} : vector<16xi1> -> vector<16xi32>
            %slice3A_427 = vector.extract_strided_slice %all_reduce_population_count3A_426 {offsets = [0], sizes = [1], strides = [1]} : vector<16xi32> to vector<1xi32>
            %squeeze3A_428 = vector.extract %slice3A_427[0] : i32 from vector<1xi32>
            %add3A_429 = arith.addi %squeeze3A_407, %squeeze3A_410 : i32
            %add3A_430 = arith.addi %add3A_429, %squeeze3A_413 : i32
            %add3A_431 = arith.addi %add3A_430, %squeeze3A_416 : i32
            %add3A_432 = arith.addi %add3A_431, %squeeze3A_419 : i32
            %add3A_433 = arith.addi %add3A_432, %squeeze3A_422 : i32
            %add3A_434 = arith.addi %add3A_433, %squeeze3A_425 : i32
            %add3A_435 = arith.addi %add3A_434, %squeeze3A_428 : i32
            %sc_fetch_and_add3A_436 = arith.constant 0 : i32
            %sc_fetch_and_add3A_437 = tpu.fetch_and_add_sync %arg11[%sc_fetch_and_add3A_436], %add3A_435, %arg1 : memref<1xi32, #tpu.memory_space<smem>>, i32 -> i32
            %convert_element_type3A_438 = arith.extui %ge3A_397 : vector<16xi1> to vector<16xi32>
            %broadcast_in_dim3A = arith.constant true
            %broadcast_in_dim3A_439 = vector.broadcast %broadcast_in_dim3A : i1 to vector<16xi1>
            %masked_cumsum3A = tpu.scan <sum>, %convert_element_type3A_438 masked %broadcast_in_dim3A_439 : vector<16xi32>, vector<16xi1> -> vector<16xi32>
            %add3A_440 = vector.broadcast %sc_fetch_and_add3A_437 : i32 to vector<16xi32>
            %add3A_441 = arith.addi %add3A_440, %masked_cumsum3A : vector<16xi32>
            %sub3A_442 = arith.constant 1 : i32
            %sub3A_443 = vector.broadcast %sub3A_442 : i32 to vector<16xi32>
            %sub3A_444 = arith.subi %add3A_441, %sub3A_443 : vector<16xi32>
            %min3A_445 = arith.constant 191 : i32
            %min3A_446 = vector.broadcast %min3A_445 : i32 to vector<16xi32>
            %min3A_447 = arith.minsi %sub3A_444, %min3A_446 : vector<16xi32>
            tpu.vector_store_idx %arg10[%min3A_447], %get3A_368 masked %ge3A_397 : memref<192xf32, #tpu.memory_space<vmem>>[vector<16xi32>], vector<16xf32>, vector<16xi1>
            %add3A_448 = arith.addi %sc_fetch_and_add3A_437, %squeeze3A_407 : i32
            %convert_element_type3A_449 = arith.extui %ge3A_398 : vector<16xi1> to vector<16xi32>
            %broadcast_in_dim3A_450 = arith.constant true
            %broadcast_in_dim3A_451 = vector.broadcast %broadcast_in_dim3A_450 : i1 to vector<16xi1>
            %masked_cumsum3A_452 = tpu.scan <sum>, %convert_element_type3A_449 masked %broadcast_in_dim3A_451 : vector<16xi32>, vector<16xi1> -> vector<16xi32>
            %add3A_453 = vector.broadcast %add3A_448 : i32 to vector<16xi32>
            %add3A_454 = arith.addi %add3A_453, %masked_cumsum3A_452 : vector<16xi32>
            %sub3A_455 = arith.constant 1 : i32
            %sub3A_456 = vector.broadcast %sub3A_455 : i32 to vector<16xi32>
            %sub3A_457 = arith.subi %add3A_454, %sub3A_456 : vector<16xi32>
            %min3A_458 = arith.constant 191 : i32
            %min3A_459 = vector.broadcast %min3A_458 : i32 to vector<16xi32>
            %min3A_460 = arith.minsi %sub3A_457, %min3A_459 : vector<16xi32>
            tpu.vector_store_idx %arg10[%min3A_460], %get3A_372 masked %ge3A_398 : memref<192xf32, #tpu.memory_space<vmem>>[vector<16xi32>], vector<16xf32>, vector<16xi1>
            %add3A_461 = arith.addi %add3A_448, %squeeze3A_410 : i32
            %convert_element_type3A_462 = arith.extui %ge3A_399 : vector<16xi1> to vector<16xi32>
            %broadcast_in_dim3A_463 = arith.constant true
            %broadcast_in_dim3A_464 = vector.broadcast %broadcast_in_dim3A_463 : i1 to vector<16xi1>
            %masked_cumsum3A_465 = tpu.scan <sum>, %convert_element_type3A_462 masked %broadcast_in_dim3A_464 : vector<16xi32>, vector<16xi1> -> vector<16xi32>
            %add3A_466 = vector.broadcast %add3A_461 : i32 to vector<16xi32>
            %add3A_467 = arith.addi %add3A_466, %masked_cumsum3A_465 : vector<16xi32>
            %sub3A_468 = arith.constant 1 : i32
            %sub3A_469 = vector.broadcast %sub3A_468 : i32 to vector<16xi32>
            %sub3A_470 = arith.subi %add3A_467, %sub3A_469 : vector<16xi32>
            %min3A_471 = arith.constant 191 : i32
            %min3A_472 = vector.broadcast %min3A_471 : i32 to vector<16xi32>
            %min3A_473 = arith.minsi %sub3A_470, %min3A_472 : vector<16xi32>
            tpu.vector_store_idx %arg10[%min3A_473], %get3A_376 masked %ge3A_399 : memref<192xf32, #tpu.memory_space<vmem>>[vector<16xi32>], vector<16xf32>, vector<16xi1>
            %add3A_474 = arith.addi %add3A_461, %squeeze3A_413 : i32
            %convert_element_type3A_475 = arith.extui %ge3A_400 : vector<16xi1> to vector<16xi32>
            %broadcast_in_dim3A_476 = arith.constant true
            %broadcast_in_dim3A_477 = vector.broadcast %broadcast_in_dim3A_476 : i1 to vector<16xi1>
            %masked_cumsum3A_478 = tpu.scan <sum>, %convert_element_type3A_475 masked %broadcast_in_dim3A_477 : vector<16xi32>, vector<16xi1> -> vector<16xi32>
            %add3A_479 = vector.broadcast %add3A_474 : i32 to vector<16xi32>
            %add3A_480 = arith.addi %add3A_479, %masked_cumsum3A_478 : vector<16xi32>
            %sub3A_481 = arith.constant 1 : i32
            %sub3A_482 = vector.broadcast %sub3A_481 : i32 to vector<16xi32>
            %sub3A_483 = arith.subi %add3A_480, %sub3A_482 : vector<16xi32>
            %min3A_484 = arith.constant 191 : i32
            %min3A_485 = vector.broadcast %min3A_484 : i32 to vector<16xi32>
            %min3A_486 = arith.minsi %sub3A_483, %min3A_485 : vector<16xi32>
            tpu.vector_store_idx %arg10[%min3A_486], %get3A_380 masked %ge3A_400 : memref<192xf32, #tpu.memory_space<vmem>>[vector<16xi32>], vector<16xf32>, vector<16xi1>
            %add3A_487 = arith.addi %add3A_474, %squeeze3A_416 : i32
            %convert_element_type3A_488 = arith.extui %ge3A_401 : vector<16xi1> to vector<16xi32>
            %broadcast_in_dim3A_489 = arith.constant true
            %broadcast_in_dim3A_490 = vector.broadcast %broadcast_in_dim3A_489 : i1 to vector<16xi1>
            %masked_cumsum3A_491 = tpu.scan <sum>, %convert_element_type3A_488 masked %broadcast_in_dim3A_490 : vector<16xi32>, vector<16xi1> -> vector<16xi32>
            %add3A_492 = vector.broadcast %add3A_487 : i32 to vector<16xi32>
            %add3A_493 = arith.addi %add3A_492, %masked_cumsum3A_491 : vector<16xi32>
            %sub3A_494 = arith.constant 1 : i32
            %sub3A_495 = vector.broadcast %sub3A_494 : i32 to vector<16xi32>
            %sub3A_496 = arith.subi %add3A_493, %sub3A_495 : vector<16xi32>
            %min3A_497 = arith.constant 191 : i32
            %min3A_498 = vector.broadcast %min3A_497 : i32 to vector<16xi32>
            %min3A_499 = arith.minsi %sub3A_496, %min3A_498 : vector<16xi32>
            tpu.vector_store_idx %arg10[%min3A_499], %get3A_384 masked %ge3A_401 : memref<192xf32, #tpu.memory_space<vmem>>[vector<16xi32>], vector<16xf32>, vector<16xi1>
            %add3A_500 = arith.addi %add3A_487, %squeeze3A_419 : i32
            %convert_element_type3A_501 = arith.extui %ge3A_402 : vector<16xi1> to vector<16xi32>
            %broadcast_in_dim3A_502 = arith.constant true
            %broadcast_in_dim3A_503 = vector.broadcast %broadcast_in_dim3A_502 : i1 to vector<16xi1>
            %masked_cumsum3A_504 = tpu.scan <sum>, %convert_element_type3A_501 masked %broadcast_in_dim3A_503 : vector<16xi32>, vector<16xi1> -> vector<16xi32>
            %add3A_505 = vector.broadcast %add3A_500 : i32 to vector<16xi32>
            %add3A_506 = arith.addi %add3A_505, %masked_cumsum3A_504 : vector<16xi32>
            %sub3A_507 = arith.constant 1 : i32
            %sub3A_508 = vector.broadcast %sub3A_507 : i32 to vector<16xi32>
            %sub3A_509 = arith.subi %add3A_506, %sub3A_508 : vector<16xi32>
            %min3A_510 = arith.constant 191 : i32
            %min3A_511 = vector.broadcast %min3A_510 : i32 to vector<16xi32>
            %min3A_512 = arith.minsi %sub3A_509, %min3A_511 : vector<16xi32>
            tpu.vector_store_idx %arg10[%min3A_512], %get3A_388 masked %ge3A_402 : memref<192xf32, #tpu.memory_space<vmem>>[vector<16xi32>], vector<16xf32>, vector<16xi1>
            %add3A_513 = arith.addi %add3A_500, %squeeze3A_422 : i32
            %convert_element_type3A_514 = arith.extui %ge3A_403 : vector<16xi1> to vector<16xi32>
            %broadcast_in_dim3A_515 = arith.constant true
            %broadcast_in_dim3A_516 = vector.broadcast %broadcast_in_dim3A_515 : i1 to vector<16xi1>
            %masked_cumsum3A_517 = tpu.scan <sum>, %convert_element_type3A_514 masked %broadcast_in_dim3A_516 : vector<16xi32>, vector<16xi1> -> vector<16xi32>
            %add3A_518 = vector.broadcast %add3A_513 : i32 to vector<16xi32>
            %add3A_519 = arith.addi %add3A_518, %masked_cumsum3A_517 : vector<16xi32>
            %sub3A_520 = arith.constant 1 : i32
            %sub3A_521 = vector.broadcast %sub3A_520 : i32 to vector<16xi32>
            %sub3A_522 = arith.subi %add3A_519, %sub3A_521 : vector<16xi32>
            %min3A_523 = arith.constant 191 : i32
            %min3A_524 = vector.broadcast %min3A_523 : i32 to vector<16xi32>
            %min3A_525 = arith.minsi %sub3A_522, %min3A_524 : vector<16xi32>
            tpu.vector_store_idx %arg10[%min3A_525], %get3A_392 masked %ge3A_403 : memref<192xf32, #tpu.memory_space<vmem>>[vector<16xi32>], vector<16xf32>, vector<16xi1>
            %add3A_526 = arith.addi %add3A_513, %squeeze3A_425 : i32
            %convert_element_type3A_527 = arith.extui %ge3A_404 : vector<16xi1> to vector<16xi32>
            %broadcast_in_dim3A_528 = arith.constant true
            %broadcast_in_dim3A_529 = vector.broadcast %broadcast_in_dim3A_528 : i1 to vector<16xi1>
            %masked_cumsum3A_530 = tpu.scan <sum>, %convert_element_type3A_527 masked %broadcast_in_dim3A_529 : vector<16xi32>, vector<16xi1> -> vector<16xi32>
            %add3A_531 = vector.broadcast %add3A_526 : i32 to vector<16xi32>
            %add3A_532 = arith.addi %add3A_531, %masked_cumsum3A_530 : vector<16xi32>
            %sub3A_533 = arith.constant 1 : i32
            %sub3A_534 = vector.broadcast %sub3A_533 : i32 to vector<16xi32>
            %sub3A_535 = arith.subi %add3A_532, %sub3A_534 : vector<16xi32>
            %min3A_536 = arith.constant 191 : i32
            %min3A_537 = vector.broadcast %min3A_536 : i32 to vector<16xi32>
            %min3A_538 = arith.minsi %sub3A_535, %min3A_537 : vector<16xi32>
            tpu.vector_store_idx %arg10[%min3A_538], %get3A_396 masked %ge3A_404 : memref<192xf32, #tpu.memory_space<vmem>>[vector<16xi32>], vector<16xf32>, vector<16xi1>
            %add3A_539 = arith.addi %add3A_526, %squeeze3A_428 : i32
            %ne3A = vector.broadcast %squeeze3A_359 : i32 to vector<16xi32>
            %ne3A_540 = arith.cmpi ne, %iota3A, %ne3A : vector<16xi32>
            %and3A = arith.andi %while3A_357, %ne3A_540 : vector<16xi1>
            scf.yield %and3A : vector<16xi1>
          }
        } else {
        }
      }
      %scan3A_322 = arith.constant 7 : i32
      %dma_wait3A_323 = arith.constant 86016 : i32
      %dma_wait3A_324 = tpu.memref_slice %arg2[%add3A_182, %dma_wait3A_323] : memref<1024x100352xf32, #tpu.memory_space<hbm>> -> memref<1x14336xf32, #tpu.memory_space<hbm>>
      %dma_wait3A_325 = tpu.memref_squeeze %dma_wait3A_324 : memref<1x14336xf32, #tpu.memory_space<hbm>> -> memref<14336xf32, #tpu.memory_space<hbm>>
      %dma_wait3A_326 = arith.constant 86016 : i32
      %dma_wait3A_327 = tpu.memref_slice %arg2[%add3A_182, %dma_wait3A_326] : memref<1024x100352xf32, #tpu.memory_space<hbm>> -> memref<1x14336xf32, #tpu.memory_space<hbm>>
      %dma_wait3A_328 = tpu.memref_squeeze %dma_wait3A_327 : memref<1x14336xf32, #tpu.memory_space<hbm>> -> memref<14336xf32, #tpu.memory_space<hbm>>
      tpu.wait_dma2 semaphore(%arg13 : memref<!tpu.dma_semaphore, #tpu.memory_space<semaphore_mem>>) src(%dma_wait3A_328 : memref<14336xf32, #tpu.memory_space<hbm>>) dst(%arg7 : memref<14336xf32, #tpu.memory_space<vmem>>)
      %add3A_329 = arith.constant 2 : i32
      %add3A_330 = arith.addi %add3A_21, %add3A_329 : i32
      %add3A_331 = arith.constant 32 : i32
      %add3A_332 = arith.addi %mul3A_2, %add3A_331 : i32
      %sub3A = arith.constant 2 : i32
      %sub3A_333 = arith.subi %add3A_332, %sub3A : i32
      %min3A = arith.minsi %add3A_330, %sub3A_333 : i32
      %dma_start3A_334 = arith.constant 0 : i32
      %dma_start3A_335 = tpu.memref_slice %arg2[%min3A, %dma_start3A_334] : memref<1024x100352xf32, #tpu.memory_space<hbm>> -> memref<1x14336xf32, #tpu.memory_space<hbm>>
      %dma_start3A_336 = tpu.memref_squeeze %dma_start3A_335 : memref<1x14336xf32, #tpu.memory_space<hbm>> -> memref<14336xf32, #tpu.memory_space<hbm>>
      %dma_start3A_337 = arith.constant 0 : i32
      %dma_start3A_338 = tpu.memref_slice %arg2[%min3A, %dma_start3A_337] : memref<1024x100352xf32, #tpu.memory_space<hbm>> -> memref<1x14336xf32, #tpu.memory_space<hbm>>
      %dma_start3A_339 = tpu.memref_squeeze %dma_start3A_338 : memref<1x14336xf32, #tpu.memory_space<hbm>> -> memref<14336xf32, #tpu.memory_space<hbm>>
      tpu.enqueue_dma source(%dma_start3A_339 : memref<14336xf32, #tpu.memory_space<hbm>>) target(%arg6 : memref<14336xf32, #tpu.memory_space<vmem>>) target_semaphore(%arg12 : memref<!tpu.dma_semaphore, #tpu.memory_space<semaphore_mem>>)
      %scan3A_340 = arith.constant 0 : i32
      %scan3A_341 = arith.constant 0 : i32
      %scan3A_342 = arith.constant 7 : i32
      %scan3A_343 = arith.addi %scan3A_341, %scan3A_342 : i32
      %scan3A_344 = arith.constant 1 : i32
      scf.for %scan3A_346 = %scan3A_341 to %scan3A_343 step %scan3A_344  : i32 {
        %mul3A_347 = arith.constant 16 : i32
        %mul3A_348 = arith.muli %scan3A_346, %mul3A_347 : i32
        %add3A_349 = arith.constant 672 : i32
        %add3A_350 = arith.addi %add3A_349, %mul3A_348 : i32
        %get3A_351 = arith.constant 1 : i32
        %get3A_352 = arith.index_cast %get3A_351 : i32 to index
        %get3A_353 = arith.index_cast %add3A_350 : i32 to index
        %get3A_354 = tpu.vector_load %arg8[%get3A_352, %get3A_353] {strides = array<i32>} : memref<2x784xf32, #tpu.memory_space<vmem>>, vector<16xf32>,
        %ge3A = arith.cmpf oge, %get3A_354, %get3A_189 : vector<16xf32>
        %all_reduce_population_count3A = tpu.all_reduce %ge3A {dim = 0 : i64, kind = #tpu.reduction_kind<sum>} : vector<16xi1> -> vector<16xi32>
        %slice3A = vector.extract_strided_slice %all_reduce_population_count3A {offsets = [0], sizes = [1], strides = [1]} : vector<16xi32> to vector<1xi32>
        %squeeze3A = vector.extract %slice3A[0] : i32 from vector<1xi32>
        %gt3A = arith.constant 0 : i32
        %gt3A_355 = arith.cmpi sgt, %squeeze3A, %gt3A : i32
        %convert_element_type3A = arith.extui %gt3A_355 : i1 to i32
        %cond3A = arith.constant 0 : i32
        %cond3A_356 = arith.cmpi ne, %convert_element_type3A, %cond3A : i32
        scf.if %cond3A_356 {
          %while3A = scf.while (%while3A_357 = %ge3A) : (vector<16xi1>) -> vector<16xi1> {
            %all_reduce_population_count3A_358 = tpu.all_reduce %while3A_357 {dim = 0 : i64, kind = #tpu.reduction_kind<sum>} : vector<16xi1> -> vector<16xi32>
            %slice3A_359 = vector.extract_strided_slice %all_reduce_population_count3A_358 {offsets = [0], sizes = [1], strides = [1]} : vector<16xi32> to vector<1xi32>
            %squeeze3A_360 = vector.extract %slice3A_359[0] : i32 from vector<1xi32>
            %gt3A_361 = arith.constant 0 : i32
            %gt3A_362 = arith.cmpi sgt, %squeeze3A_360, %gt3A_361 : i32
            scf.condition(%gt3A_362) %while3A_357 : vector<16xi1>
          } do {
          ^bb0(%while3A_357: vector<16xi1>):
            %all_reduce_ffs3A = tpu.all_reduce %while3A_357 {dim = 0 : i64, kind = #tpu.reduction_kind<find_first_set>} : vector<16xi1> -> vector<16xi32>
            %slice3A_358 = vector.extract_strided_slice %all_reduce_ffs3A {offsets = [0], sizes = [1], strides = [1]} : vector<16xi32> to vector<1xi32>
            %squeeze3A_359 = vector.extract %slice3A_358[0] : i32 from vector<1xi32>
            %mul3A_360 = arith.constant 16 : i32
            %mul3A_361 = arith.muli %scan3A_346, %mul3A_360 : i32
            %add3A_362 = arith.addi %mul3A_361, %squeeze3A_359 : i32
            %mul3A_363 = arith.constant 128 : i32
            %mul3A_364 = arith.muli %add3A_362, %mul3A_363 : i32
            %add3A_365 = arith.constant 0 : i32
            %add3A_366 = arith.addi %mul3A_364, %add3A_365 : i32
            %get3A_367 = arith.index_cast %add3A_366 : i32 to index
            %get3A_368 = tpu.vector_load %arg7[%get3A_367] {strides = array<i32>} : memref<14336xf32, #tpu.memory_space<vmem>>, vector<16xf32>,
            %add3A_369 = arith.constant 16 : i32
            %add3A_370 = arith.addi %mul3A_364, %add3A_369 : i32
            %get3A_371 = arith.index_cast %add3A_370 : i32 to index
            %get3A_372 = tpu.vector_load %arg7[%get3A_371] {strides = array<i32>} : memref<14336xf32, #tpu.memory_space<vmem>>, vector<16xf32>,
            %add3A_373 = arith.constant 32 : i32
            %add3A_374 = arith.addi %mul3A_364, %add3A_373 : i32
            %get3A_375 = arith.index_cast %add3A_374 : i32 to index
            %get3A_376 = tpu.vector_load %arg7[%get3A_375] {strides = array<i32>} : memref<14336xf32, #tpu.memory_space<vmem>>, vector<16xf32>,
            %add3A_377 = arith.constant 48 : i32
            %add3A_378 = arith.addi %mul3A_364, %add3A_377 : i32
            %get3A_379 = arith.index_cast %add3A_378 : i32 to index
            %get3A_380 = tpu.vector_load %arg7[%get3A_379] {strides = array<i32>} : memref<14336xf32, #tpu.memory_space<vmem>>, vector<16xf32>,
            %add3A_381 = arith.constant 64 : i32
            %add3A_382 = arith.addi %mul3A_364, %add3A_381 : i32
            %get3A_383 = arith.index_cast %add3A_382 : i32 to index
            %get3A_384 = tpu.vector_load %arg7[%get3A_383] {strides = array<i32>} : memref<14336xf32, #tpu.memory_space<vmem>>, vector<16xf32>,
            %add3A_385 = arith.constant 80 : i32
            %add3A_386 = arith.addi %mul3A_364, %add3A_385 : i32
            %get3A_387 = arith.index_cast %add3A_386 : i32 to index
            %get3A_388 = tpu.vector_load %arg7[%get3A_387] {strides = array<i32>} : memref<14336xf32, #tpu.memory_space<vmem>>, vector<16xf32>,
            %add3A_389 = arith.constant 96 : i32
            %add3A_390 = arith.addi %mul3A_364, %add3A_389 : i32
            %get3A_391 = arith.index_cast %add3A_390 : i32 to index
            %get3A_392 = tpu.vector_load %arg7[%get3A_391] {strides = array<i32>} : memref<14336xf32, #tpu.memory_space<vmem>>, vector<16xf32>,
            %add3A_393 = arith.constant 112 : i32
            %add3A_394 = arith.addi %mul3A_364, %add3A_393 : i32
            %get3A_395 = arith.index_cast %add3A_394 : i32 to index
            %get3A_396 = tpu.vector_load %arg7[%get3A_395] {strides = array<i32>} : memref<14336xf32, #tpu.memory_space<vmem>>, vector<16xf32>,
            %ge3A_397 = arith.cmpf oge, %get3A_368, %get3A_189 : vector<16xf32>
            %ge3A_398 = arith.cmpf oge, %get3A_372, %get3A_189 : vector<16xf32>
            %ge3A_399 = arith.cmpf oge, %get3A_376, %get3A_189 : vector<16xf32>
            %ge3A_400 = arith.cmpf oge, %get3A_380, %get3A_189 : vector<16xf32>
            %ge3A_401 = arith.cmpf oge, %get3A_384, %get3A_189 : vector<16xf32>
            %ge3A_402 = arith.cmpf oge, %get3A_388, %get3A_189 : vector<16xf32>
            %ge3A_403 = arith.cmpf oge, %get3A_392, %get3A_189 : vector<16xf32>
            %ge3A_404 = arith.cmpf oge, %get3A_396, %get3A_189 : vector<16xf32>
            %all_reduce_population_count3A_405 = tpu.all_reduce %ge3A_397 {dim = 0 : i64, kind = #tpu.reduction_kind<sum>} : vector<16xi1> -> vector<16xi32>
            %slice3A_406 = vector.extract_strided_slice %all_reduce_population_count3A_405 {offsets = [0], sizes = [1], strides = [1]} : vector<16xi32> to vector<1xi32>
            %squeeze3A_407 = vector.extract %slice3A_406[0] : i32 from vector<1xi32>
            %all_reduce_population_count3A_408 = tpu.all_reduce %ge3A_398 {dim = 0 : i64, kind = #tpu.reduction_kind<sum>} : vector<16xi1> -> vector<16xi32>
            %slice3A_409 = vector.extract_strided_slice %all_reduce_population_count3A_408 {offsets = [0], sizes = [1], strides = [1]} : vector<16xi32> to vector<1xi32>
            %squeeze3A_410 = vector.extract %slice3A_409[0] : i32 from vector<1xi32>
            %all_reduce_population_count3A_411 = tpu.all_reduce %ge3A_399 {dim = 0 : i64, kind = #tpu.reduction_kind<sum>} : vector<16xi1> -> vector<16xi32>
            %slice3A_412 = vector.extract_strided_slice %all_reduce_population_count3A_411 {offsets = [0], sizes = [1], strides = [1]} : vector<16xi32> to vector<1xi32>
            %squeeze3A_413 = vector.extract %slice3A_412[0] : i32 from vector<1xi32>
            %all_reduce_population_count3A_414 = tpu.all_reduce %ge3A_400 {dim = 0 : i64, kind = #tpu.reduction_kind<sum>} : vector<16xi1> -> vector<16xi32>
            %slice3A_415 = vector.extract_strided_slice %all_reduce_population_count3A_414 {offsets = [0], sizes = [1], strides = [1]} : vector<16xi32> to vector<1xi32>
            %squeeze3A_416 = vector.extract %slice3A_415[0] : i32 from vector<1xi32>
            %all_reduce_population_count3A_417 = tpu.all_reduce %ge3A_401 {dim = 0 : i64, kind = #tpu.reduction_kind<sum>} : vector<16xi1> -> vector<16xi32>
            %slice3A_418 = vector.extract_strided_slice %all_reduce_population_count3A_417 {offsets = [0], sizes = [1], strides = [1]} : vector<16xi32> to vector<1xi32>
            %squeeze3A_419 = vector.extract %slice3A_418[0] : i32 from vector<1xi32>
            %all_reduce_population_count3A_420 = tpu.all_reduce %ge3A_402 {dim = 0 : i64, kind = #tpu.reduction_kind<sum>} : vector<16xi1> -> vector<16xi32>
            %slice3A_421 = vector.extract_strided_slice %all_reduce_population_count3A_420 {offsets = [0], sizes = [1], strides = [1]} : vector<16xi32> to vector<1xi32>
            %squeeze3A_422 = vector.extract %slice3A_421[0] : i32 from vector<1xi32>
            %all_reduce_population_count3A_423 = tpu.all_reduce %ge3A_403 {dim = 0 : i64, kind = #tpu.reduction_kind<sum>} : vector<16xi1> -> vector<16xi32>
            %slice3A_424 = vector.extract_strided_slice %all_reduce_population_count3A_423 {offsets = [0], sizes = [1], strides = [1]} : vector<16xi32> to vector<1xi32>
            %squeeze3A_425 = vector.extract %slice3A_424[0] : i32 from vector<1xi32>
            %all_reduce_population_count3A_426 = tpu.all_reduce %ge3A_404 {dim = 0 : i64, kind = #tpu.reduction_kind<sum>} : vector<16xi1> -> vector<16xi32>
            %slice3A_427 = vector.extract_strided_slice %all_reduce_population_count3A_426 {offsets = [0], sizes = [1], strides = [1]} : vector<16xi32> to vector<1xi32>
            %squeeze3A_428 = vector.extract %slice3A_427[0] : i32 from vector<1xi32>
            %add3A_429 = arith.addi %squeeze3A_407, %squeeze3A_410 : i32
            %add3A_430 = arith.addi %add3A_429, %squeeze3A_413 : i32
            %add3A_431 = arith.addi %add3A_430, %squeeze3A_416 : i32
            %add3A_432 = arith.addi %add3A_431, %squeeze3A_419 : i32
            %add3A_433 = arith.addi %add3A_432, %squeeze3A_422 : i32
            %add3A_434 = arith.addi %add3A_433, %squeeze3A_425 : i32
            %add3A_435 = arith.addi %add3A_434, %squeeze3A_428 : i32
            %sc_fetch_and_add3A_436 = arith.constant 0 : i32
            %sc_fetch_and_add3A_437 = tpu.fetch_and_add_sync %arg11[%sc_fetch_and_add3A_436], %add3A_435, %arg1 : memref<1xi32, #tpu.memory_space<smem>>, i32 -> i32
            %convert_element_type3A_438 = arith.extui %ge3A_397 : vector<16xi1> to vector<16xi32>
            %broadcast_in_dim3A = arith.constant true
            %broadcast_in_dim3A_439 = vector.broadcast %broadcast_in_dim3A : i1 to vector<16xi1>
            %masked_cumsum3A = tpu.scan <sum>, %convert_element_type3A_438 masked %broadcast_in_dim3A_439 : vector<16xi32>, vector<16xi1> -> vector<16xi32>
            %add3A_440 = vector.broadcast %sc_fetch_and_add3A_437 : i32 to vector<16xi32>
            %add3A_441 = arith.addi %add3A_440, %masked_cumsum3A : vector<16xi32>
            %sub3A_442 = arith.constant 1 : i32
            %sub3A_443 = vector.broadcast %sub3A_442 : i32 to vector<16xi32>
            %sub3A_444 = arith.subi %add3A_441, %sub3A_443 : vector<16xi32>
            %min3A_445 = arith.constant 191 : i32
            %min3A_446 = vector.broadcast %min3A_445 : i32 to vector<16xi32>
            %min3A_447 = arith.minsi %sub3A_444, %min3A_446 : vector<16xi32>
            tpu.vector_store_idx %arg10[%min3A_447], %get3A_368 masked %ge3A_397 : memref<192xf32, #tpu.memory_space<vmem>>[vector<16xi32>], vector<16xf32>, vector<16xi1>
            %add3A_448 = arith.addi %sc_fetch_and_add3A_437, %squeeze3A_407 : i32
            %convert_element_type3A_449 = arith.extui %ge3A_398 : vector<16xi1> to vector<16xi32>
            %broadcast_in_dim3A_450 = arith.constant true
            %broadcast_in_dim3A_451 = vector.broadcast %broadcast_in_dim3A_450 : i1 to vector<16xi1>
            %masked_cumsum3A_452 = tpu.scan <sum>, %convert_element_type3A_449 masked %broadcast_in_dim3A_451 : vector<16xi32>, vector<16xi1> -> vector<16xi32>
            %add3A_453 = vector.broadcast %add3A_448 : i32 to vector<16xi32>
            %add3A_454 = arith.addi %add3A_453, %masked_cumsum3A_452 : vector<16xi32>
            %sub3A_455 = arith.constant 1 : i32
            %sub3A_456 = vector.broadcast %sub3A_455 : i32 to vector<16xi32>
            %sub3A_457 = arith.subi %add3A_454, %sub3A_456 : vector<16xi32>
            %min3A_458 = arith.constant 191 : i32
            %min3A_459 = vector.broadcast %min3A_458 : i32 to vector<16xi32>
            %min3A_460 = arith.minsi %sub3A_457, %min3A_459 : vector<16xi32>
            tpu.vector_store_idx %arg10[%min3A_460], %get3A_372 masked %ge3A_398 : memref<192xf32, #tpu.memory_space<vmem>>[vector<16xi32>], vector<16xf32>, vector<16xi1>
            %add3A_461 = arith.addi %add3A_448, %squeeze3A_410 : i32
            %convert_element_type3A_462 = arith.extui %ge3A_399 : vector<16xi1> to vector<16xi32>
            %broadcast_in_dim3A_463 = arith.constant true
            %broadcast_in_dim3A_464 = vector.broadcast %broadcast_in_dim3A_463 : i1 to vector<16xi1>
            %masked_cumsum3A_465 = tpu.scan <sum>, %convert_element_type3A_462 masked %broadcast_in_dim3A_464 : vector<16xi32>, vector<16xi1> -> vector<16xi32>
            %add3A_466 = vector.broadcast %add3A_461 : i32 to vector<16xi32>
            %add3A_467 = arith.addi %add3A_466, %masked_cumsum3A_465 : vector<16xi32>
            %sub3A_468 = arith.constant 1 : i32
            %sub3A_469 = vector.broadcast %sub3A_468 : i32 to vector<16xi32>
            %sub3A_470 = arith.subi %add3A_467, %sub3A_469 : vector<16xi32>
            %min3A_471 = arith.constant 191 : i32
            %min3A_472 = vector.broadcast %min3A_471 : i32 to vector<16xi32>
            %min3A_473 = arith.minsi %sub3A_470, %min3A_472 : vector<16xi32>
            tpu.vector_store_idx %arg10[%min3A_473], %get3A_376 masked %ge3A_399 : memref<192xf32, #tpu.memory_space<vmem>>[vector<16xi32>], vector<16xf32>, vector<16xi1>
            %add3A_474 = arith.addi %add3A_461, %squeeze3A_413 : i32
            %convert_element_type3A_475 = arith.extui %ge3A_400 : vector<16xi1> to vector<16xi32>
            %broadcast_in_dim3A_476 = arith.constant true
            %broadcast_in_dim3A_477 = vector.broadcast %broadcast_in_dim3A_476 : i1 to vector<16xi1>
            %masked_cumsum3A_478 = tpu.scan <sum>, %convert_element_type3A_475 masked %broadcast_in_dim3A_477 : vector<16xi32>, vector<16xi1> -> vector<16xi32>
            %add3A_479 = vector.broadcast %add3A_474 : i32 to vector<16xi32>
            %add3A_480 = arith.addi %add3A_479, %masked_cumsum3A_478 : vector<16xi32>
            %sub3A_481 = arith.constant 1 : i32
            %sub3A_482 = vector.broadcast %sub3A_481 : i32 to vector<16xi32>
            %sub3A_483 = arith.subi %add3A_480, %sub3A_482 : vector<16xi32>
            %min3A_484 = arith.constant 191 : i32
            %min3A_485 = vector.broadcast %min3A_484 : i32 to vector<16xi32>
            %min3A_486 = arith.minsi %sub3A_483, %min3A_485 : vector<16xi32>
            tpu.vector_store_idx %arg10[%min3A_486], %get3A_380 masked %ge3A_400 : memref<192xf32, #tpu.memory_space<vmem>>[vector<16xi32>], vector<16xf32>, vector<16xi1>
            %add3A_487 = arith.addi %add3A_474, %squeeze3A_416 : i32
            %convert_element_type3A_488 = arith.extui %ge3A_401 : vector<16xi1> to vector<16xi32>
            %broadcast_in_dim3A_489 = arith.constant true
            %broadcast_in_dim3A_490 = vector.broadcast %broadcast_in_dim3A_489 : i1 to vector<16xi1>
            %masked_cumsum3A_491 = tpu.scan <sum>, %convert_element_type3A_488 masked %broadcast_in_dim3A_490 : vector<16xi32>, vector<16xi1> -> vector<16xi32>
            %add3A_492 = vector.broadcast %add3A_487 : i32 to vector<16xi32>
            %add3A_493 = arith.addi %add3A_492, %masked_cumsum3A_491 : vector<16xi32>
            %sub3A_494 = arith.constant 1 : i32
            %sub3A_495 = vector.broadcast %sub3A_494 : i32 to vector<16xi32>
            %sub3A_496 = arith.subi %add3A_493, %sub3A_495 : vector<16xi32>
            %min3A_497 = arith.constant 191 : i32
            %min3A_498 = vector.broadcast %min3A_497 : i32 to vector<16xi32>
            %min3A_499 = arith.minsi %sub3A_496, %min3A_498 : vector<16xi32>
            tpu.vector_store_idx %arg10[%min3A_499], %get3A_384 masked %ge3A_401 : memref<192xf32, #tpu.memory_space<vmem>>[vector<16xi32>], vector<16xf32>, vector<16xi1>
            %add3A_500 = arith.addi %add3A_487, %squeeze3A_419 : i32
            %convert_element_type3A_501 = arith.extui %ge3A_402 : vector<16xi1> to vector<16xi32>
            %broadcast_in_dim3A_502 = arith.constant true
            %broadcast_in_dim3A_503 = vector.broadcast %broadcast_in_dim3A_502 : i1 to vector<16xi1>
            %masked_cumsum3A_504 = tpu.scan <sum>, %convert_element_type3A_501 masked %broadcast_in_dim3A_503 : vector<16xi32>, vector<16xi1> -> vector<16xi32>
            %add3A_505 = vector.broadcast %add3A_500 : i32 to vector<16xi32>
            %add3A_506 = arith.addi %add3A_505, %masked_cumsum3A_504 : vector<16xi32>
            %sub3A_507 = arith.constant 1 : i32
            %sub3A_508 = vector.broadcast %sub3A_507 : i32 to vector<16xi32>
            %sub3A_509 = arith.subi %add3A_506, %sub3A_508 : vector<16xi32>
            %min3A_510 = arith.constant 191 : i32
            %min3A_511 = vector.broadcast %min3A_510 : i32 to vector<16xi32>
            %min3A_512 = arith.minsi %sub3A_509, %min3A_511 : vector<16xi32>
            tpu.vector_store_idx %arg10[%min3A_512], %get3A_388 masked %ge3A_402 : memref<192xf32, #tpu.memory_space<vmem>>[vector<16xi32>], vector<16xf32>, vector<16xi1>
            %add3A_513 = arith.addi %add3A_500, %squeeze3A_422 : i32
            %convert_element_type3A_514 = arith.extui %ge3A_403 : vector<16xi1> to vector<16xi32>
            %broadcast_in_dim3A_515 = arith.constant true
            %broadcast_in_dim3A_516 = vector.broadcast %broadcast_in_dim3A_515 : i1 to vector<16xi1>
            %masked_cumsum3A_517 = tpu.scan <sum>, %convert_element_type3A_514 masked %broadcast_in_dim3A_516 : vector<16xi32>, vector<16xi1> -> vector<16xi32>
            %add3A_518 = vector.broadcast %add3A_513 : i32 to vector<16xi32>
            %add3A_519 = arith.addi %add3A_518, %masked_cumsum3A_517 : vector<16xi32>
            %sub3A_520 = arith.constant 1 : i32
            %sub3A_521 = vector.broadcast %sub3A_520 : i32 to vector<16xi32>
            %sub3A_522 = arith.subi %add3A_519, %sub3A_521 : vector<16xi32>
            %min3A_523 = arith.constant 191 : i32
            %min3A_524 = vector.broadcast %min3A_523 : i32 to vector<16xi32>
            %min3A_525 = arith.minsi %sub3A_522, %min3A_524 : vector<16xi32>
            tpu.vector_store_idx %arg10[%min3A_525], %get3A_392 masked %ge3A_403 : memref<192xf32, #tpu.memory_space<vmem>>[vector<16xi32>], vector<16xf32>, vector<16xi1>
            %add3A_526 = arith.addi %add3A_513, %squeeze3A_425 : i32
            %convert_element_type3A_527 = arith.extui %ge3A_404 : vector<16xi1> to vector<16xi32>
            %broadcast_in_dim3A_528 = arith.constant true
            %broadcast_in_dim3A_529 = vector.broadcast %broadcast_in_dim3A_528 : i1 to vector<16xi1>
            %masked_cumsum3A_530 = tpu.scan <sum>, %convert_element_type3A_527 masked %broadcast_in_dim3A_529 : vector<16xi32>, vector<16xi1> -> vector<16xi32>
            %add3A_531 = vector.broadcast %add3A_526 : i32 to vector<16xi32>
            %add3A_532 = arith.addi %add3A_531, %masked_cumsum3A_530 : vector<16xi32>
            %sub3A_533 = arith.constant 1 : i32
            %sub3A_534 = vector.broadcast %sub3A_533 : i32 to vector<16xi32>
            %sub3A_535 = arith.subi %add3A_532, %sub3A_534 : vector<16xi32>
            %min3A_536 = arith.constant 191 : i32
            %min3A_537 = vector.broadcast %min3A_536 : i32 to vector<16xi32>
            %min3A_538 = arith.minsi %sub3A_535, %min3A_537 : vector<16xi32>
            tpu.vector_store_idx %arg10[%min3A_538], %get3A_396 masked %ge3A_404 : memref<192xf32, #tpu.memory_space<vmem>>[vector<16xi32>], vector<16xf32>, vector<16xi1>
            %add3A_539 = arith.addi %add3A_526, %squeeze3A_428 : i32
            %ne3A = vector.broadcast %squeeze3A_359 : i32 to vector<16xi32>
            %ne3A_540 = arith.cmpi ne, %iota3A, %ne3A : vector<16xi32>
            %and3A = arith.andi %while3A_357, %ne3A_540 : vector<16xi1>
            scf.yield %and3A : vector<16xi1>
          }
        } else {
        }
      }
      %scan3A_345 = arith.constant 7 : i32
      "tpu.region"() ({
        %run_scoped3A = tpu.sem_alloc : memref<!tpu.dma_semaphore, #tpu.memory_space<semaphore_mem>>
        %dma_start3A_346 = arith.constant 0 : i32
        %dma_start3A_347 = tpu.memref_slice %arg5[%add3A_182, %dma_start3A_346] : memref<1024x192xf32, #tpu.memory_space<hbm>> -> memref<1x192xf32, #tpu.memory_space<hbm>>
        %dma_start3A_348 = tpu.memref_squeeze %dma_start3A_347 : memref<1x192xf32, #tpu.memory_space<hbm>> -> memref<192xf32, #tpu.memory_space<hbm>>
        %dma_start3A_349 = arith.constant 0 : i32
        %dma_start3A_350 = tpu.memref_slice %arg5[%add3A_182, %dma_start3A_349] : memref<1024x192xf32, #tpu.memory_space<hbm>> -> memref<1x192xf32, #tpu.memory_space<hbm>>
        %dma_start3A_351 = tpu.memref_squeeze %dma_start3A_350 : memref<1x192xf32, #tpu.memory_space<hbm>> -> memref<192xf32, #tpu.memory_space<hbm>>
        tpu.enqueue_dma source(%arg10 : memref<192xf32, #tpu.memory_space<vmem>>) target(%dma_start3A_351 : memref<192xf32, #tpu.memory_space<hbm>>) target_semaphore(%run_scoped3A : memref<!tpu.dma_semaphore, #tpu.memory_space<semaphore_mem>>)
        %dma_wait3A_352 = arith.constant 0 : i32
        %dma_wait3A_353 = tpu.memref_slice %arg5[%add3A_182, %dma_wait3A_352] : memref<1024x192xf32, #tpu.memory_space<hbm>> -> memref<1x192xf32, #tpu.memory_space<hbm>>
        %dma_wait3A_354 = tpu.memref_squeeze %dma_wait3A_353 : memref<1x192xf32, #tpu.memory_space<hbm>> -> memref<192xf32, #tpu.memory_space<hbm>>
        %dma_wait3A_355 = arith.constant 0 : i32
        %dma_wait3A_356 = tpu.memref_slice %arg5[%add3A_182, %dma_wait3A_355] : memref<1024x192xf32, #tpu.memory_space<hbm>> -> memref<1x192xf32, #tpu.memory_space<hbm>>
        %dma_wait3A_357 = tpu.memref_squeeze %dma_wait3A_356 : memref<1x192xf32, #tpu.memory_space<hbm>> -> memref<192xf32, #tpu.memory_space<hbm>>
        tpu.wait_dma2 semaphore(%run_scoped3A : memref<!tpu.dma_semaphore, #tpu.memory_space<semaphore_mem>>) src(%arg10 : memref<192xf32, #tpu.memory_space<vmem>>) dst(%dma_wait3A_357 : memref<192xf32, #tpu.memory_space<hbm>>)
        tpu.yield
      }) : () -> ()
    }
    %scan3A_12 = arith.constant 16 : i32
    %dma_wait3A = arith.constant 0 : i32
    %dma_wait3A_13 = tpu.memref_slice %arg2[%mul3A_2, %dma_wait3A] : memref<1024x100352xf32, #tpu.memory_space<hbm>> -> memref<1x14336xf32, #tpu.memory_space<hbm>>
    %dma_wait3A_14 = tpu.memref_squeeze %dma_wait3A_13 : memref<1x14336xf32, #tpu.memory_space<hbm>> -> memref<14336xf32, #tpu.memory_space<hbm>>
    %dma_wait3A_15 = arith.constant 0 : i32
    %dma_wait3A_16 = tpu.memref_slice %arg2[%mul3A_2, %dma_wait3A_15] : memref<1024x100352xf32, #tpu.memory_space<hbm>> -> memref<1x14336xf32, #tpu.memory_space<hbm>>
    %dma_wait3A_17 = tpu.memref_squeeze %dma_wait3A_16 : memref<1x14336xf32, #tpu.memory_space<hbm>> -> memref<14336xf32, #tpu.memory_space<hbm>>
    tpu.wait_dma2 semaphore(%arg12 : memref<!tpu.dma_semaphore, #tpu.memory_space<semaphore_mem>>) src(%dma_wait3A_17 : memref<14336xf32, #tpu.memory_space<hbm>>) dst(%arg6 : memref<14336xf32, #tpu.memory_space<vmem>>)
    return
  }
}

module attributes {stable_mosaic.version = 14 : i64} {
  func.func @_scores_body(%arg0: i32, %arg1: memref<1024x128xf32, #tpu.memory_space<vmem>>, %arg2: memref<2048x128xf32, #tpu.memory_space<vmem>>, %arg3: memref<1024x2048xf32, #tpu.memory_space<vmem>>, %arg4: memref<16x1024xf32, #tpu.memory_space<vmem>>) attributes {dimension_semantics = [#tpu.dimension_semantics<arbitrary>], iteration_bounds = array<i64: 49>, scalar_prefetch = 0 : i64, scratch_operands = 0 : i64, tpu.core_type = #tpu.core_type<tc>, window_params = [{pipeline_mode = #tpu.pipeline_mode<synchronous>, transform_indices = @transform_0, window_bounds = array<i64: 1024, 128>}, {transform_indices = @transform_1, window_bounds = array<i64: 2048, 128>}, {transform_indices = @transform_2, window_bounds = array<i64: 1024, 2048>}, {transform_indices = @transform_3, window_bounds = array<i64: 16, 1024>}]} {
    %get3A = arith.constant 0 : index
    %get3A_0 = arith.constant 0 : index
    %get3A_1 = vector.load %arg1[%get3A, %get3A_0] : memref<1024x128xf32, #tpu.memory_space<vmem>>, vector<1024x128xf32>
    %get3A_2 = arith.constant 0 : index
    %get3A_3 = arith.constant 0 : index
    %get3A_4 = vector.load %arg2[%get3A_2, %get3A_3] : memref<2048x128xf32, #tpu.memory_space<vmem>>, vector<2048x128xf32>
    %dot_general3A = arith.constant dense<0.000000e+00> : vector<1024x2048xf32>
    %dot_general3A_5 = tpu.matmul %get3A_1, %get3A_4, %dot_general3A {dimension_numbers = #tpu.dot_dimension_numbers<[1], [1], [0], [0], [0, 0, 1, 0], [], []>, transpose_lhs_hint = false} : vector<1024x128xf32>, vector<2048x128xf32>, vector<1024x2048xf32> -> vector<1024x2048xf32>
    %mul3A = arith.constant 2048 : i32
    %mul3A_6 = arith.muli %arg0, %mul3A : i32
    %iota3A = tpu.iota {dimensions = array<i32: 1>} : vector<1024x2048xi32>
    %add3A = vector.broadcast %mul3A_6 : i32 to vector<1024x2048xi32>
    %add3A_7 = arith.addi %add3A, %iota3A : vector<1024x2048xi32>
    %lt3A = arith.constant 100000 : i32
    %lt3A_8 = vector.broadcast %lt3A : i32 to vector<1024x2048xi32>
    %lt3A_9 = arith.cmpi slt, %add3A_7, %lt3A_8 : vector<1024x2048xi32>
    %jit3A = arith.constant -3.000000e+38 : f32
    %broadcast_in_dim3A = vector.broadcast %jit3A : f32 to vector<1024x2048xf32>
    %select_n3A = arith.select %lt3A_9, %dot_general3A_5, %broadcast_in_dim3A : vector<1024x2048xi1>, vector<1024x2048xf32>
    %swap3A = arith.constant 0 : index
    %swap3A_10 = arith.constant 0 : index
    %swap3A_11 = vector.load %arg3[%swap3A, %swap3A_10] : memref<1024x2048xf32, #tpu.memory_space<vmem>>, vector<1024x2048xf32>
    tpu.vector_store %arg3[%swap3A, %swap3A_10], %select_n3A {strides = array<i32>} : memref<1024x2048xf32, #tpu.memory_space<vmem>>, vector<1024x2048xf32>,
    %reshape3A = vector.shape_cast %select_n3A : vector<1024x2048xf32> to vector<1024x16x128xf32>
    %reduce_max3A = arith.constant dense<0xFF800000> : vector<1024x16xf32>
    %reduce_max3A_12 = vector.multi_reduction <maximumf>, %reshape3A, %reduce_max3A [2] : vector<1024x16x128xf32> to vector<1024x16xf32>
    %transpose3A = tpu.transpose %reduce_max3A_12, [1, 0] : vector<1024x16xf32> -> vector<16x1024xf32>
    %swap3A_13 = arith.constant 0 : index
    %swap3A_14 = arith.constant 0 : index
    %swap3A_15 = vector.load %arg4[%swap3A_13, %swap3A_14] : memref<16x1024xf32, #tpu.memory_space<vmem>>, vector<16x1024xf32>
    tpu.vector_store %arg4[%swap3A_13, %swap3A_14], %transpose3A {strides = array<i32>} : memref<16x1024xf32, #tpu.memory_space<vmem>>, vector<16x1024xf32>,
    return
  }
  func.func @transform_0(%arg0: i32) -> (i32, i32) {
    %c0_i32 = arith.constant 0 : i32
    %c0_i32_0 = arith.constant 0 : i32
    %c0_i32_1 = arith.constant 0 : i32
    return %c0_i32, %c0_i32_0 : i32, i32
  }
  func.func @transform_1(%arg0: i32) -> (i32, i32) {
    %c0_i32 = arith.constant 0 : i32
    %c0_i32_0 = arith.constant 0 : i32
    return %arg0, %c0_i32 : i32, i32
  }
  func.func @transform_2(%arg0: i32) -> (i32, i32) {
    %c0_i32 = arith.constant 0 : i32
    %c0_i32_0 = arith.constant 0 : i32
    return %c0_i32, %arg0 : i32, i32
  }
  func.func @transform_3(%arg0: i32) -> (i32, i32) {
    %c0_i32 = arith.constant 0 : i32
    %c0_i32_0 = arith.constant 0 : i32
    return %arg0, %c0_i32 : i32, i32
  }
}

module attributes {stable_mosaic.version = 14 : i64} {
  func.func @_thresh_body(%arg0: memref<784x1024xf32, #tpu.memory_space<vmem>>, %arg1: memref<1x1024xf32, #tpu.memory_space<vmem>>) attributes {dimension_semantics = [], scalar_prefetch = 0 : i64, scratch_operands = 0 : i64, tpu.core_type = #tpu.core_type<tc>} {
    %get3A = arith.constant 0 : index
    %get3A_0 = arith.constant 0 : index
    %get3A_1 = vector.load %arg0[%get3A, %get3A_0] : memref<784x1024xf32, #tpu.memory_space<vmem>>, vector<784x1024xf32>
    %slice3A = vector.extract_strided_slice %get3A_1 {offsets = [0, 0], sizes = [782, 1024], strides = [1, 1]} : vector<784x1024xf32> to vector<782x1024xf32>
    %reduce_max3A = arith.constant dense<0xFF800000> : vector<1024xf32>
    %reduce_max3A_2 = vector.multi_reduction <maximumf>, %slice3A, %reduce_max3A [0] : vector<782x1024xf32> to vector<1024xf32>
    %broadcast_in_dim3A = vector.shape_cast %reduce_max3A_2 : vector<1024xf32> to vector<1x1024xf32>
    %reduce_min3A = arith.constant dense<0x7F800000> : vector<1024xf32>
    %reduce_min3A_3 = vector.multi_reduction <minimumf>, %slice3A, %reduce_min3A [0] : vector<782x1024xf32> to vector<1024xf32>
    %broadcast_in_dim3A_4 = vector.shape_cast %reduce_min3A_3 : vector<1024xf32> to vector<1x1024xf32>
    %scan3A = arith.constant 0 : i32
    %scan3A_5 = arith.constant 40 : i32
    %scan3A_6 = arith.addi %scan3A, %scan3A_5 : i32
    %scan3A_7 = arith.constant 1 : i32
    %scan3A_8:2 = scf.for %scan3A_11 = %scan3A to %scan3A_6 step %scan3A_7 iter_args(%scan3A_12 = %broadcast_in_dim3A_4, %scan3A_13 = %broadcast_in_dim3A) -> (vector<1x1024xf32>, vector<1x1024xf32>)  : i32 {
      %mul3A = arith.constant 5.000000e-01 : f32
      %mul3A_14 = vector.broadcast %mul3A : f32 to vector<1x1024xf32>
      %mul3A_15 = arith.mulf %mul3A_14, %scan3A_12 : vector<1x1024xf32>
      %mul3A_16 = arith.constant 5.000000e-01 : f32
      %mul3A_17 = vector.broadcast %mul3A_16 : f32 to vector<1x1024xf32>
      %mul3A_18 = arith.mulf %mul3A_17, %scan3A_13 : vector<1x1024xf32>
      %add3A = arith.addf %mul3A_15, %mul3A_18 : vector<1x1024xf32>
      %ge3A = vector.broadcast %add3A : vector<1x1024xf32> to vector<782x1024xf32>
      %ge3A_19 = arith.cmpf oge, %slice3A, %ge3A : vector<782x1024xf32>
      %convert_element_type3A = arith.extui %ge3A_19 : vector<782x1024xi1> to vector<782x1024xi32>
      %reduce_sum3A = arith.constant dense<0> : vector<1024xi32>
      %reduce_sum3A_20 = vector.multi_reduction <add>, %convert_element_type3A, %reduce_sum3A [0] : vector<782x1024xi32> to vector<1024xi32>
      %broadcast_in_dim3A_21 = vector.shape_cast %reduce_sum3A_20 : vector<1024xi32> to vector<1x1024xi32>
      %ge3A_22 = arith.constant 100 : i32
      %ge3A_23 = vector.broadcast %ge3A_22 : i32 to vector<1x1024xi32>
      %ge3A_24 = arith.cmpi sge, %broadcast_in_dim3A_21, %ge3A_23 : vector<1x1024xi32>
      %select_n3A = arith.select %ge3A_24, %add3A, %scan3A_12 : vector<1x1024xi1>, vector<1x1024xf32>
      %select_n3A_25 = arith.select %ge3A_24, %scan3A_13, %add3A : vector<1x1024xi1>, vector<1x1024xf32>
      scf.yield %select_n3A, %select_n3A_25 : vector<1x1024xf32>, vector<1x1024xf32>
    }
    %swap3A = arith.constant 0 : index
    %swap3A_9 = arith.constant 0 : index
    %swap3A_10 = vector.load %arg1[%swap3A, %swap3A_9] : memref<1x1024xf32, #tpu.memory_space<vmem>>, vector<1x1024xf32>
    tpu.vector_store %arg1[%swap3A, %swap3A_9], %scan3A_8#0 {strides = array<i32>} : memref<1x1024xf32, #tpu.memory_space<vmem>>, vector<1x1024xf32>,
    return
  }
}

module attributes {stable_mosaic.version = 14 : i64} {
  func.func @_final_body(%arg0: memref<1024x192xf32, #tpu.memory_space<vmem>>, %arg1: memref<1024x128xf32, #tpu.memory_space<vmem>>, %arg2: memref<1024x128xf32, #tpu.memory_space<vmem>>, %arg3: memref<1024x101xf32, #tpu.memory_space<vmem>>, %arg4: memref<8x128xf32, #tpu.memory_space<vmem>>) attributes {dimension_semantics = [], scalar_prefetch = 0 : i64, scratch_operands = 0 : i64, tpu.core_type = #tpu.core_type<tc>} {
    %get3A = arith.constant 0 : index
    %get3A_0 = arith.constant 0 : index
    %get3A_1 = vector.load %arg0[%get3A, %get3A_0] : memref<1024x192xf32, #tpu.memory_space<vmem>>, vector<1024x192xf32>
    %iota3A = tpu.iota {dimensions = array<i32: 1>} : vector<1024x192xi32>
    %iota3A_2 = tpu.iota {dimensions = array<i32: 1>} : vector<1024x100xi32>
    %broadcast_in_dim3A = arith.constant -3.000000e+38 : f32
    %broadcast_in_dim3A_3 = vector.broadcast %broadcast_in_dim3A : f32 to vector<1024x100xf32>
    %scan3A = arith.constant 0 : i32
    %scan3A_4 = arith.constant 100 : i32
    %scan3A_5 = arith.addi %scan3A, %scan3A_4 : i32
    %scan3A_6 = arith.constant 1 : i32
    %scan3A_7:2 = scf.for %scan3A_130 = %scan3A to %scan3A_5 step %scan3A_6 iter_args(%scan3A_131 = %get3A_1, %scan3A_132 = %broadcast_in_dim3A_3) -> (vector<1024x192xf32>, vector<1024x100xf32>)  : i32 {
      %reduce_max3A = arith.constant dense<0xFF800000> : vector<1024xf32>
      %reduce_max3A_133 = vector.multi_reduction <maximumf>, %scan3A_131, %reduce_max3A [1] : vector<1024x192xf32> to vector<1024xf32>
      %broadcast_in_dim3A_134 = vector.shape_cast %reduce_max3A_133 : vector<1024xf32> to vector<1024x1xf32>
      %eq3A_135 = vector.broadcast %broadcast_in_dim3A_134 : vector<1024x1xf32> to vector<1024x192xf32>
      %eq3A_136 = arith.cmpf oeq, %scan3A_131, %eq3A_135 : vector<1024x192xf32>
      %jit3A = arith.constant 1073741824 : i32
      %broadcast_in_dim3A_137 = vector.broadcast %jit3A : i32 to vector<1024x192xi32>
      %select_n3A_138 = arith.select %eq3A_136, %iota3A, %broadcast_in_dim3A_137 : vector<1024x192xi1>, vector<1024x192xi32>
      %reduce_min3A = arith.constant dense<2147483647> : vector<1024xi32>
      %reduce_min3A_139 = vector.multi_reduction <minsi>, %select_n3A_138, %reduce_min3A [1] : vector<1024x192xi32> to vector<1024xi32>
      %broadcast_in_dim3A_140 = vector.shape_cast %reduce_min3A_139 : vector<1024xi32> to vector<1024x1xi32>
      %eq3A_141 = vector.broadcast %broadcast_in_dim3A_140 : vector<1024x1xi32> to vector<1024x192xi32>
      %eq3A_142 = arith.cmpi eq, %iota3A, %eq3A_141 : vector<1024x192xi32>
      %jit3A_143 = arith.constant -3.000000e+38 : f32
      %broadcast_in_dim3A_144 = vector.broadcast %jit3A_143 : f32 to vector<1024x192xf32>
      %select_n3A_145 = arith.select %eq3A_142, %broadcast_in_dim3A_144, %scan3A_131 : vector<1024x192xi1>, vector<1024x192xf32>
      %eq3A_146 = vector.broadcast %scan3A_130 : i32 to vector<1024x100xi32>
      %eq3A_147 = arith.cmpi eq, %iota3A_2, %eq3A_146 : vector<1024x100xi32>
      %broadcast_in_dim3A_148 = vector.shape_cast %broadcast_in_dim3A_134 : vector<1024x1xf32> to vector<1024x1xf32>
      %broadcast_in_dim3A_149 = vector.broadcast %broadcast_in_dim3A_148 : vector<1024x1xf32> to vector<1024x100xf32>
      %select_n3A_150 = arith.select %eq3A_147, %broadcast_in_dim3A_149, %scan3A_132 : vector<1024x100xi1>, vector<1024x100xf32>
      scf.yield %select_n3A_145, %select_n3A_150 : vector<1024x192xf32>, vector<1024x100xf32>
    }
    %scan3A_8 = arith.constant 100 : i32
    %get3A_9 = arith.constant 0 : index
    %get3A_10 = arith.constant 0 : index
    %get3A_11 = vector.load %arg1[%get3A_9, %get3A_10] : memref<1024x128xf32, #tpu.memory_space<vmem>>, vector<1024x128xf32>
    %get3A_12 = arith.constant 0 : index
    %get3A_13 = arith.constant 0 : index
    %get3A_14 = vector.load %arg2[%get3A_12, %get3A_13] : memref<1024x128xf32, #tpu.memory_space<vmem>>, vector<1024x128xf32>
    %mul3A = arith.mulf %get3A_11, %get3A_14 : vector<1024x128xf32>
    %reduce_sum3A = arith.constant dense<0.000000e+00> : vector<1024xf32>
    %reduce_sum3A_15 = vector.multi_reduction <add>, %mul3A, %reduce_sum3A [1] : vector<1024x128xf32> to vector<1024xf32>
    %broadcast_in_dim3A_16 = vector.shape_cast %reduce_sum3A_15 : vector<1024xf32> to vector<1024x1xf32>
    %concatenate3A = tpu.concatenate %broadcast_in_dim3A_16, %scan3A_7#1 in 1 : vector<1024x1xf32>, vector<1024x100xf32> -> vector<1024x101xf32>
    %swap3A = arith.constant 0 : index
    %swap3A_17 = arith.constant 0 : index
    %swap3A_18 = vector.load %arg3[%swap3A, %swap3A_17] : memref<1024x101xf32, #tpu.memory_space<vmem>>, vector<1024x101xf32>
    tpu.vector_store %arg3[%swap3A, %swap3A_17], %concatenate3A {strides = array<i32>} : memref<1024x101xf32, #tpu.memory_space<vmem>>, vector<1024x101xf32>,
    %gt3A = vector.broadcast %broadcast_in_dim3A_16 : vector<1024x1xf32> to vector<1024x100xf32>
    %gt3A_19 = arith.cmpf ogt, %scan3A_7#1, %gt3A : vector<1024x100xf32>
    %convert_element_type3A = arith.extui %gt3A_19 : vector<1024x100xi1> to vector<1024x100xi32>
    %convert_element_type3A_20 = arith.sitofp %convert_element_type3A : vector<1024x100xi32> to vector<1024x100xf32>
    %reduce_sum3A_21 = arith.constant dense<0.000000e+00> : vector<1024xf32>
    %reduce_sum3A_22 = vector.multi_reduction <add>, %convert_element_type3A_20, %reduce_sum3A_21 [1] : vector<1024x100xf32> to vector<1024xf32>
    %broadcast_in_dim3A_23 = arith.constant 0.000000e+00 : f32
    %broadcast_in_dim3A_24 = vector.broadcast %broadcast_in_dim3A_23 : f32 to vector<8x128xf32>
    %iota3A_25 = tpu.iota {dimensions = array<i32: 1>} : vector<8x128xi32>
    %iota3A_26 = tpu.iota {dimensions = array<i32: 0>} : vector<8x128xi32>
    %lt3A = arith.constant 1.000000e+00 : f32
    %lt3A_27 = vector.broadcast %lt3A : f32 to vector<1024xf32>
    %lt3A_28 = arith.cmpf olt, %reduce_sum3A_22, %lt3A_27 : vector<1024xf32>
    %convert_element_type3A_29 = arith.extui %lt3A_28 : vector<1024xi1> to vector<1024xi32>
    %convert_element_type3A_30 = arith.sitofp %convert_element_type3A_29 : vector<1024xi32> to vector<1024xf32>
    %reduce_sum3A_31 = vector.shape_cast %convert_element_type3A_30 : vector<1024xf32> to vector<1x1024xf32>
    %reduce_sum3A_32 = arith.constant dense<0.000000e+00> : vector<1xf32>
    %reduce_sum3A_33 = vector.multi_reduction <add>, %reduce_sum3A_31, %reduce_sum3A_32 [1] : vector<1x1024xf32> to vector<1xf32>
    %reduce_sum3A_34 = vector.shape_cast %reduce_sum3A_33 : vector<1xf32> to vector<1x1xf32>
    %reduce_sum3A_35 = vector.extract %reduce_sum3A_34[0, 0] : f32 from vector<1x1xf32>
    %div3A = arith.constant 1.024000e+03 : f32
    %div3A_36 = arith.divf %reduce_sum3A_35, %div3A : f32
    %eq3A = arith.constant 0 : i32
    %eq3A_37 = vector.broadcast %eq3A : i32 to vector<8x128xi32>
    %eq3A_38 = arith.cmpi eq, %iota3A_25, %eq3A_37 : vector<8x128xi32>
    %eq3A_39 = arith.constant 0 : i32
    %eq3A_40 = vector.broadcast %eq3A_39 : i32 to vector<8x128xi32>
    %eq3A_41 = arith.cmpi eq, %iota3A_26, %eq3A_40 : vector<8x128xi32>
    %and3A = arith.andi %eq3A_38, %eq3A_41 : vector<8x128xi1>
    %broadcast_in_dim3A_42 = vector.broadcast %div3A_36 : f32 to vector<8x128xf32>
    %select_n3A = arith.select %and3A, %broadcast_in_dim3A_42, %broadcast_in_dim3A_24 : vector<8x128xi1>, vector<8x128xf32>
    %lt3A_43 = arith.constant 5.000000e+00 : f32
    %lt3A_44 = vector.broadcast %lt3A_43 : f32 to vector<1024xf32>
    %lt3A_45 = arith.cmpf olt, %reduce_sum3A_22, %lt3A_44 : vector<1024xf32>
    %convert_element_type3A_46 = arith.extui %lt3A_45 : vector<1024xi1> to vector<1024xi32>
    %convert_element_type3A_47 = arith.sitofp %convert_element_type3A_46 : vector<1024xi32> to vector<1024xf32>
    %reduce_sum3A_48 = vector.shape_cast %convert_element_type3A_47 : vector<1024xf32> to vector<1x1024xf32>
    %reduce_sum3A_49 = arith.constant dense<0.000000e+00> : vector<1xf32>
    %reduce_sum3A_50 = vector.multi_reduction <add>, %reduce_sum3A_48, %reduce_sum3A_49 [1] : vector<1x1024xf32> to vector<1xf32>
    %reduce_sum3A_51 = vector.shape_cast %reduce_sum3A_50 : vector<1xf32> to vector<1x1xf32>
    %reduce_sum3A_52 = vector.extract %reduce_sum3A_51[0, 0] : f32 from vector<1x1xf32>
    %div3A_53 = arith.constant 1.024000e+03 : f32
    %div3A_54 = arith.divf %reduce_sum3A_52, %div3A_53 : f32
    %eq3A_55 = arith.constant 1 : i32
    %eq3A_56 = vector.broadcast %eq3A_55 : i32 to vector<8x128xi32>
    %eq3A_57 = arith.cmpi eq, %iota3A_25, %eq3A_56 : vector<8x128xi32>
    %eq3A_58 = arith.constant 0 : i32
    %eq3A_59 = vector.broadcast %eq3A_58 : i32 to vector<8x128xi32>
    %eq3A_60 = arith.cmpi eq, %iota3A_26, %eq3A_59 : vector<8x128xi32>
    %and3A_61 = arith.andi %eq3A_57, %eq3A_60 : vector<8x128xi1>
    %broadcast_in_dim3A_62 = vector.broadcast %div3A_54 : f32 to vector<8x128xf32>
    %select_n3A_63 = arith.select %and3A_61, %broadcast_in_dim3A_62, %select_n3A : vector<8x128xi1>, vector<8x128xf32>
    %lt3A_64 = arith.constant 1.000000e+01 : f32
    %lt3A_65 = vector.broadcast %lt3A_64 : f32 to vector<1024xf32>
    %lt3A_66 = arith.cmpf olt, %reduce_sum3A_22, %lt3A_65 : vector<1024xf32>
    %convert_element_type3A_67 = arith.extui %lt3A_66 : vector<1024xi1> to vector<1024xi32>
    %convert_element_type3A_68 = arith.sitofp %convert_element_type3A_67 : vector<1024xi32> to vector<1024xf32>
    %reduce_sum3A_69 = vector.shape_cast %convert_element_type3A_68 : vector<1024xf32> to vector<1x1024xf32>
    %reduce_sum3A_70 = arith.constant dense<0.000000e+00> : vector<1xf32>
    %reduce_sum3A_71 = vector.multi_reduction <add>, %reduce_sum3A_69, %reduce_sum3A_70 [1] : vector<1x1024xf32> to vector<1xf32>
    %reduce_sum3A_72 = vector.shape_cast %reduce_sum3A_71 : vector<1xf32> to vector<1x1xf32>
    %reduce_sum3A_73 = vector.extract %reduce_sum3A_72[0, 0] : f32 from vector<1x1xf32>
    %div3A_74 = arith.constant 1.024000e+03 : f32
    %div3A_75 = arith.divf %reduce_sum3A_73, %div3A_74 : f32
    %eq3A_76 = arith.constant 2 : i32
    %eq3A_77 = vector.broadcast %eq3A_76 : i32 to vector<8x128xi32>
    %eq3A_78 = arith.cmpi eq, %iota3A_25, %eq3A_77 : vector<8x128xi32>
    %eq3A_79 = arith.constant 0 : i32
    %eq3A_80 = vector.broadcast %eq3A_79 : i32 to vector<8x128xi32>
    %eq3A_81 = arith.cmpi eq, %iota3A_26, %eq3A_80 : vector<8x128xi32>
    %and3A_82 = arith.andi %eq3A_78, %eq3A_81 : vector<8x128xi1>
    %broadcast_in_dim3A_83 = vector.broadcast %div3A_75 : f32 to vector<8x128xf32>
    %select_n3A_84 = arith.select %and3A_82, %broadcast_in_dim3A_83, %select_n3A_63 : vector<8x128xi1>, vector<8x128xf32>
    %lt3A_85 = arith.constant 5.000000e+01 : f32
    %lt3A_86 = vector.broadcast %lt3A_85 : f32 to vector<1024xf32>
    %lt3A_87 = arith.cmpf olt, %reduce_sum3A_22, %lt3A_86 : vector<1024xf32>
    %convert_element_type3A_88 = arith.extui %lt3A_87 : vector<1024xi1> to vector<1024xi32>
    %convert_element_type3A_89 = arith.sitofp %convert_element_type3A_88 : vector<1024xi32> to vector<1024xf32>
    %reduce_sum3A_90 = vector.shape_cast %convert_element_type3A_89 : vector<1024xf32> to vector<1x1024xf32>
    %reduce_sum3A_91 = arith.constant dense<0.000000e+00> : vector<1xf32>
    %reduce_sum3A_92 = vector.multi_reduction <add>, %reduce_sum3A_90, %reduce_sum3A_91 [1] : vector<1x1024xf32> to vector<1xf32>
    %reduce_sum3A_93 = vector.shape_cast %reduce_sum3A_92 : vector<1xf32> to vector<1x1xf32>
    %reduce_sum3A_94 = vector.extract %reduce_sum3A_93[0, 0] : f32 from vector<1x1xf32>
    %div3A_95 = arith.constant 1.024000e+03 : f32
    %div3A_96 = arith.divf %reduce_sum3A_94, %div3A_95 : f32
    %eq3A_97 = arith.constant 3 : i32
    %eq3A_98 = vector.broadcast %eq3A_97 : i32 to vector<8x128xi32>
    %eq3A_99 = arith.cmpi eq, %iota3A_25, %eq3A_98 : vector<8x128xi32>
    %eq3A_100 = arith.constant 0 : i32
    %eq3A_101 = vector.broadcast %eq3A_100 : i32 to vector<8x128xi32>
    %eq3A_102 = arith.cmpi eq, %iota3A_26, %eq3A_101 : vector<8x128xi32>
    %and3A_103 = arith.andi %eq3A_99, %eq3A_102 : vector<8x128xi1>
    %broadcast_in_dim3A_104 = vector.broadcast %div3A_96 : f32 to vector<8x128xf32>
    %select_n3A_105 = arith.select %and3A_103, %broadcast_in_dim3A_104, %select_n3A_84 : vector<8x128xi1>, vector<8x128xf32>
    %lt3A_106 = arith.constant 1.000000e+02 : f32
    %lt3A_107 = vector.broadcast %lt3A_106 : f32 to vector<1024xf32>
    %lt3A_108 = arith.cmpf olt, %reduce_sum3A_22, %lt3A_107 : vector<1024xf32>
    %convert_element_type3A_109 = arith.extui %lt3A_108 : vector<1024xi1> to vector<1024xi32>
    %convert_element_type3A_110 = arith.sitofp %convert_element_type3A_109 : vector<1024xi32> to vector<1024xf32>
    %reduce_sum3A_111 = vector.shape_cast %convert_element_type3A_110 : vector<1024xf32> to vector<1x1024xf32>
    %reduce_sum3A_112 = arith.constant dense<0.000000e+00> : vector<1xf32>
    %reduce_sum3A_113 = vector.multi_reduction <add>, %reduce_sum3A_111, %reduce_sum3A_112 [1] : vector<1x1024xf32> to vector<1xf32>
    %reduce_sum3A_114 = vector.shape_cast %reduce_sum3A_113 : vector<1xf32> to vector<1x1xf32>
    %reduce_sum3A_115 = vector.extract %reduce_sum3A_114[0, 0] : f32 from vector<1x1xf32>
    %div3A_116 = arith.constant 1.024000e+03 : f32
    %div3A_117 = arith.divf %reduce_sum3A_115, %div3A_116 : f32
    %eq3A_118 = arith.constant 4 : i32
    %eq3A_119 = vector.broadcast %eq3A_118 : i32 to vector<8x128xi32>
    %eq3A_120 = arith.cmpi eq, %iota3A_25, %eq3A_119 : vector<8x128xi32>
    %eq3A_121 = arith.constant 0 : i32
    %eq3A_122 = vector.broadcast %eq3A_121 : i32 to vector<8x128xi32>
    %eq3A_123 = arith.cmpi eq, %iota3A_26, %eq3A_122 : vector<8x128xi32>
    %and3A_124 = arith.andi %eq3A_120, %eq3A_123 : vector<8x128xi1>
    %broadcast_in_dim3A_125 = vector.broadcast %div3A_117 : f32 to vector<8x128xf32>
    %select_n3A_126 = arith.select %and3A_124, %broadcast_in_dim3A_125, %select_n3A_105 : vector<8x128xi1>, vector<8x128xf32>
    %swap3A_127 = arith.constant 0 : index
    %swap3A_128 = arith.constant 0 : index
    %swap3A_129 = vector.load %arg4[%swap3A_127, %swap3A_128] : memref<8x128xf32, #tpu.memory_space<vmem>>, vector<8x128xf32>
    tpu.vector_store %arg4[%swap3A_127, %swap3A_128], %select_n3A_126 {strides = array<i32>} : memref<8x128xf32, #tpu.memory_space<vmem>>, vector<8x128xf32>,
    return
  }
}

</mosaic_0001>

<sc_bundles>
// kernel: kernel.6.cloned.1.call-start
scs
__scs_entry_jumppad:
0x0: {  	(pc) =	sbr.rel $0x88, $3  }
0x1: {  	(tag) =	ssettag $0x0;
	lr =	simm.s32 $0x1  }
0x2: {  	[smem:$0x3F9E] =	sst lr;
	_ =	strace $0xD0000000  }
0x3: {  	_ = 	snop  }
0x4: {  	_ = 	snop  }
0x5: {  	_ = 	snop  }
0x6: {  	_ = 	snop  }
0x7: {  	_ = 	snop  }
__scs_overlays_trampoline_lowered:
0x8: {  	[smem:$0x3FAD] =	sst s0  }
0x9: {  	[smem:$0x3FAE] =	sst s1  }
0xa: {  	[smem:$0x3FAF] =	sst s2  }
0xb: {  	[smem:$0x3FB0] =	sst s3  }
0xc: {  	[smem:$0x3FB1] =	sst s4  }
0xd: {  	[smem:$0x3FB2] =	sst s5  }
0xe: {  	[smem:$0x3FB3] =	sst s6  }
0xf: {  	[smem:$0x3FB4] =	sst s7  }
0x10: {  	[smem:$0x3FB5] =	sst s8  }
0x11: {  	[smem:$0x3FB6] =	sst s9;
	s0 =	simm.s32 @!p0 $0x0  }
0x12: {  	s1 =	sld [smem:$0x3F9C];
	s0 =	simm.s32 @p0 $0x1  }
0x13: {  	[smem:$0x3FB7] =	sst s0;
	s0 =	simm.s32 @!p1 $0x0  }
0x14: {  	s2 =	sld [smem:$0x3F9B];
	s0 =	simm.s32 @p1 $0x1  }
0x15: {  	[smem:$0x3FB8] =	sst s0;
	s0 =	simm.s32 @!p2 $0x0  }
0x16: {  	s3 =	sld [smem:$0x3FDB];
	s0 =	simm.s32 @p2 $0x1  }
0x17: {  	s4 =	simm.s32 $0x1BF5;
	[smem:$0x3FBA] =	sst s0  }
0x18: {  	s0 =	sld [smem:$0x3F9D];
	_ =	swait.ge [sflag:s4], $0x0  }
0x19: {  	s7 =	sld [smem:$0x3F9E]  }
0x1a: {  	s8 =	sadd.s32 $0xFFFFE003, lr  }
0x1b: {  	s9 =	sadd.s32 $0xFFFFFEF7, lr;
	s5 =	simm.s32 $0xFFFFFFFF;
	p2 =	slt.u32 s8, $0xFFFFF086  }
0x1c: {  	p1 =	slt.u32 s9, $0xF7A;
	s5 =	simm.s32 @!p2 $0x0  }
0x1d: {  	s5 =	simm.s32 @p1 $0x1;
	p0 =	seq.s32 s7, s2  }
0x1e: {  	s7 =	smul.u32 @!p0 $0xF7A, s2;
	p2 =	seq.s32 @!p0 s5, $0x0  }
0x1f: {  	s9 =	smul.u32 $0xF7A, s1;
	s8 =	simm.s32 @!p0 $0x1BF5;
	p2 =	por !p2, p0  }
0x20: {  	[sflag:s8] =	ssyncset.s32 @!p0 $0xFFFFF086;
	s6 =	sadd.s32 @!p0 s3, s7;
	s7 =	simm.s32 @!p0 $0x108  }
0x21: {  	s3 =	sadd.s32 s3, s9;
	s6 =	sadd.s32 @!p0 $0x88, s6;
	s7 =	simm.s32 @p2 $0x1082  }
0x22: {  	[simem:s7], [sflag:s8] =	dma.local @!p0 [hbm:s6], $0xF7A  }
0x23: {  	s9 =	sor.u32 $0xD0000000, s2;
	s6 =	simm.s32 $0x108;
	_ =	swait.ge @!p0 [sflag:s8], $0x0  }
0x24: {  	s3 =	sadd.s32 $0x88, s3;
	s6 =	simm.s32 @!p1 $0x1082;
	[sflag:s4] =	ssyncset.s32 $0xFFFFF086  }
0x25: {  	[simem:s6], [sflag:s4] =	dma.local [hbm:s3], $0xF7A  }
0x26: {  	[smem:$0x3F9E] =	sst s1;
	(tag) =	ssettag s2;
	_ =	strace s9  }
0x27: {  	s1 =	sld [smem:$0x3FAE]  }
0x28: {  	s2 =	sld [smem:$0x3FAF]  }
0x29: {  	s4 =	sld [smem:$0x3FB1]  }
0x2a: {  	p0 =	seq.s32 s5, $0x0;
	s5 =	sld [smem:$0x3FB2]  }
0x2b: {  	s6 =	sld [smem:$0x3FB3]  }
0x2c: {  	s7 =	sld [smem:$0x3FB4]  }
0x2d: {  	s3 =	simm.s32 $0x108;
	s8 =	sld [smem:$0x3FB5]  }
0x2e: {  	s3 =	simm.s32 @!p0 $0x1082;
	s9 =	sld [smem:$0x3FB6]  }
0x2f: {  	lr =	sadd.s32 s0, s3;
	s0 =	sld [smem:$0x3FAD]  }
0x30: {  	s3 =	sld [smem:$0x3FB0]  }
0x31: {  	[smem:$0x3FB9] =	sst s10  }
0x32: {  	s10 =	sld [smem:$0x3FB7];
	_ =	sdelay $0x3  }
0x33: {  	p0 =	seq.s32 s10, $0x1;
	s10 =	sld [smem:$0x3FB9];
	_ =	sdelay $0x3  }
0x34: {  	[smem:$0x3FB9] =	sst s10  }
0x35: {  	s10 =	sld [smem:$0x3FB8];
	_ =	sdelay $0x3  }
0x36: {  	p1 =	seq.s32 s10, $0x1;
	s10 =	sld [smem:$0x3FB9];
	_ =	sdelay $0x3  }
0x37: {  	[smem:$0x3FB9] =	sst s10  }
0x38: {  	s10 =	sld [smem:$0x3FBA]  }
0x39: {  	_ = 	snop;
	(pc) =	sbr.ind lr, $3  }
0x3a: {  	_ = 	snop  }
0x3b: {  	_ = 	snop  }
0x3c: {  	p2 =	seq.s32 s10, $0x1;
	s10 =	sld [smem:$0x3FB9]  }
0x3d: {  	_ =	shalt  }
0x3e: {  	_ =	shalt  }
0x3f: {  	_ =	shalt  }
0x40: {  	_ =	shalt  }
0x41: {  	_ =	shalt  }
0x42: {  	_ =	shalt  }
0x43: {  	_ =	shalt  }
0x44: {  	_ =	shalt  }
0x45: {  	_ =	shalt  }
0x46: {  	_ =	shalt  }
0x47: {  	_ =	shalt  }
0x48: {  	_ =	shalt  }
0x49: {  	_ =	shalt  }
0x4a: {  	_ =	shalt  }
0x4b: {  	_ =	shalt  }
0x4c: {  	_ =	shalt  }
0x4d: {  	_ =	shalt  }
0x4e: {  	_ =	shalt  }
0x4f: {  	_ =	shalt  }
0x50: {  	_ =	shalt  }
0x51: {  	_ =	shalt  }
0x52: {  	_ =	shalt  }
0x53: {  	_ =	shalt  }
0x54: {  	_ =	shalt  }
0x55: {  	_ =	shalt  }
0x56: {  	_ =	shalt  }
0x57: {  	_ =	shalt  }
0x58: {  	_ =	shalt  }
0x59: {  	_ =	shalt  }
0x5a: {  	_ =	shalt  }
0x5b: {  	_ =	shalt  }
0x5c: {  	_ =	shalt  }
0x5d: {  	_ =	shalt  }
0x5e: {  	_ =	shalt  }
0x5f: {  	_ =	shalt  }
0x60: {  	_ =	shalt  }
0x61: {  	_ =	shalt  }
0x62: {  	_ =	shalt  }
0x63: {  	_ =	shalt  }
0x64: {  	_ =	shalt  }
0x65: {  	_ =	shalt  }
0x66: {  	_ =	shalt  }
0x67: {  	_ =	shalt  }
0x68: {  	_ =	shalt  }
0x69: {  	_ =	shalt  }
0x6a: {  	_ =	shalt  }
0x6b: {  	_ =	shalt  }
0x6c: {  	_ =	shalt  }
0x6d: {  	_ =	shalt  }
0x6e: {  	_ =	shalt  }
0x6f: {  	_ =	shalt  }
0x70: {  	_ =	shalt  }
0x71: {  	_ =	shalt  }
0x72: {  	_ =	shalt  }
0x73: {  	_ =	shalt  }
0x74: {  	_ =	shalt  }
0x75: {  	_ =	shalt  }
0x76: {  	_ =	shalt  }
0x77: {  	_ =	shalt  }
0x78: {  	_ =	shalt  }
0x79: {  	_ =	shalt  }
0x7a: {  	_ =	shalt  }
0x7b: {  	_ =	shalt  }
0x7c: {  	_ =	shalt  }
0x7d: {  	_ =	shalt  }
0x7e: {  	_ =	shalt  }
0x7f: {  	_ =	shalt  }
0x80: {  	_ =	shalt  }
0x81: {  	_ =	shalt  }
0x82: {  	_ =	shalt  }
0x83: {  	_ =	shalt  }
0x84: {  	_ =	shalt  }
0x85: {  	_ =	shalt  }
0x86: {  	_ =	shalt  }
0x87: {  	_ =	shalt  }
.Lfunc_end0:
.L_simem_size_0:
called_computation_lowered:
.L_overlay_start_0:
0x88: {  	s2 =	sld [smem:$0x3FD9]  }
0x89: {  	s3 =	sld [smem:$0x3FFE];
	_ =	sdelay $0x1  }
0x8a: {  	s1 =	srdreg.scid  }
0x8b: {  	s0 =	sand.u32 $0x1, s1  }
0x8c: {  	s16 =	sshll.u32 s0, $0xA;
	s2 =	sadd.s32 s3, s2  }
0x8d: {  	s2 =	sadd.s32 s2, s16  }
0x8e: {  	[smem:$0x3FC5] =	sst s2  }
0x8f: {  	_ = 	snop  }
0x90: {  	(tm) =	ssettm $0x1  }
0x91: {  	s17 =	sld [smem:$0x3FFB];
	_ =	sdelay $0x3  }
0x92: {  	_ =	strace s17  }
0x93: {  	s2 =	sld [smem:$0x3FFC];
	_ =	sdelay $0x3  }
0x94: {  	_ =	strace s2  }
0x95: {  	s2 =	sld [smem:$0x3FFD];
	_ =	sdelay $0x3  }
0x96: {  	_ =	strace s2  }
0x97: {  	_ =	strace $0x8FFFFFFF  }
0x98: {  	s18 =	sld [smem:$0x3FDB];
	_ =	sdelay $0x1  }
0x99: {  	s19 =	simm.s32 $_scs_section_size  }
0x9a: {  	s4 =	simm.s32 $_size__tile_overlayer_lowered;
	s5 =	simm.s32 $_tile_overlayer_lowered  }
0x9b: {  	s22 =	simm.s32 $0x1BFF;
	s21 =	sshll.u32 s5, $0x1;
	s2 =	sadd.s32 s19, s18  }
0x9c: {  	s6 =	simm.s32 $0x0;
	s20 =	sshll.u32 s4, $0x1;
	s4 =	sadd.s32 s21, s2  }
0x9d: {  	[timem:s6], [sflag:s22] =	dma.local [hbm:s4], s20  }
0x9e: {  	_ =	swait.ge [sflag:s22], s20  }
0x9f: {  	s3 =	ssub.s32 $0x0, s20;
	[sflag:s22] =	ssyncset.done $0x0  }
0xa0: {  	[sflag:s22] =	ssyncadd.s32 s3;
	_ =	sdelay $0x1  }
0xa1: {  	s23 =	simm.s32 $0x1B8B  }
0xa2: {  	_ =	swait.ge [sflag:s23], $0x1  }
0xa3: {  	[sflag:s23] =	ssyncset.done $0x0  }
0xa4: {  	s25 =	simm.s32 $0x1B8E;
	s24 =	sld [smem:$0x3FFE];
	[sflag:s23] =	ssyncadd.s32 $0xFFFFFFFF  }
0xa5: {  	s26 =	simm.s32 $execute0_lowered;
	[smem:$0x3FD2] =	sst s25  }
0xa6: {  	s4 =	sshll.u32 s26, $0x1;
	_ =	strace $0x80000046;
	[dreg:$0x1] =	wrdreg $0xFFFFFFFF  }
0xa7: {  	s28 =	simm.s32 $_size_execute0_lowered;
	s2 =	sadd.s32 s2, s4;
	[dreg:$0x0] =	wrdreg $0x0  }
0xa8: {  	s4 =	sshll.u32 s28, $0x1;
	[dreg:$0x2] =	wrdreg s2  }
0xa9: {  	[dreg:$0x3] =	wrdreg s4  }
0xaa: {  	[dreg:$0x4] =	wrdreg $0xC0  }
0xab: {  	_ =	task [dreg:s6], $0x5FFFF  }
0xac: {  	[dreg:$0x1] =	wrdreg $0xFFFFFFFF  }
0xad: {  	[dreg:$0x0] =	wrdreg $0x60  }
0xae: {  	[dreg:$0x2] =	wrdreg s24  }
0xaf: {  	[dreg:$0x3] =	wrdreg $0x9  }
0xb0: {  	_ =	task.clear_ibuf [dreg:s6], $0x4FFFF;
	_ =	strace $0x90000046  }
0xb1: {  	s29 =	simm.s32 $0x9;
	_ =	strace $0x80000048  }
0xb2: {  	_ =	swait.ge [sflag:s29], $0x1  }
0xb3: {  	[sflag:s29] =	ssyncadd.s32 $0xFFFFFFFF  }
0xb4: {  	_ =	strace $0x90000048  }
0xb5: {  	_ =	sfence  }
0xb6: {  	s30 =	sld [smem:$0x0];
	_ =	sdelay $0x2  }
0xb7: {  	s31 =	sshll.u32 s1, $0xD;
	s1 =	sshrl.u32 s1, $0x2  }
0xb8: {  	s3 =	sand.u32 $0x4000, s31;
	s1 =	sadd.s32 s1, s30  }
0xb9: {  	s0 =	sor.u32 s3, s0;
	s1 =	sshll.u32 s1, $0x11  }
0xba: {  	s0 =	sor.u32 s1, s0  }
0xbb: {  	s0 =	sadd.s32 $0x8F2B, s0  }
0xbc: {  	[sflag:s0] =	ssyncadd.remote.s32 $0x1  }
0xbd: {  	_ =	sfence.sel $0xFFFF  }
0xbe: {  	[dreg:$0x0] =	wrdreg $0xFFFFFFFF;
	(pc) =	sbr.abs _section_cstart, $3  }
0xbf: {  	[dreg:$0x1] =	wrdreg $0xFFFFFFFF  }
0xc0: {  	_ =	task.clear_ibuf [dreg:s6], $0x2FFFF;
	_ =	strace $0x9FFFFFFF  }
0xc1: {  	(tm) =	ssettm $0x7FFFFFFF  }
tec
execute0_lowered:
.L_overlay_start_1:
0x0: {  	(tag) =	ssettag $0x1  }
0x1: {  	s0 =	rddreg [dreg:$0x0];
	s1 =	srdreg.scid;
	s2 =	simm.s32 $0x0  }
0x2: {  	s5 =	stileid.u32;
	s13 =	simm.s32 $0x80;
	s14 =	simm.s32 $0x400  }
0x3: {  	s17 =	simm.s32 $0x7;
	s20 =	simm.s32 $0x1;
	s29 =	simm.s32 $0x3800  }
0x4: {  	s22 =	simm.s32 $0x8700;
	s1 =	sand.u32 $0x1, s1;
	[smem:$0x7FF] =	sst s2  }
0x5: {  	s23 =	sshll.u32 s5, $0x6;
	s4 =	sadd.s32 $0x1000, s0;
	s24 =	sadd.s32 $0xC41000, s0  }
0x6: {  	s3 =	sshll.u32 s1, $0x5;
	_ =	strace $0x80000047;
	[dreg:$0x3] =	wrdreg s24  }
0x7: {  	s1 =	ssub.s32 $0x2, s1;
	s24 =	sadd.s32 $0xC61000, s0;
	s6 =	sor.u32 s3, s23  }
0x8: {  	s26 =	sshrl.u32 s1, $0x1;
	[dreg:$0x8] =	wrdreg s24;
	s25 =	sshrl.u32 s6, $0x3  }
0x9: {  	s3 =	sshll.u32 s6, $0x4;
	[dreg:$0x2] =	wrdreg s6;
	s2 =	smul.u32 $0x18800, s25  }
.Ltmp0:
0xa: {  	s31 =	sor.u32 $0x1E, s6;
	s3 =	sadd.s32 s3, s0;
	(pc) =	sbr.rel .LBB2_1-.Ltmp0, $4  }
0xb: {  	s0 =	ssub.s32 s1, s26;
	[dreg:$0x6] =	wrdreg s31;
	s28 =	sadd.s32 $0xC5D000, s3  }
0xc: {  	s21 =	simm.s32 $0x3800;
	s0 =	smax.u32 s0, $0x1;
	[dreg:$0x4] =	wrdreg s28  }
0xd: {  	s18 =	sshll.u32 s5, $0x10;
	s30 =	sadd.s32 s4, s2;
	[dreg:$0x7] =	wrdreg s0  }
0xe: {  	v0 =	vimm.f32 $-3.000000010e+38;
	v1 =	vimm.s32 $0x0;
	v2 =	vlaneseq.u32;
	s23 =	simm.s32 $0x2;
	s1 =	simm.s32 $0x0;
	[dreg:$0x5] =	wrdreg s30  }
.LBB2_59:
0xf: {  	_ =	swait.ge [sflag:s20], $0x3800  }
0x10: {  	s1 =	rddreg [dreg:$0x9]  }
0x11: {  	s0 =	rddreg [dreg:$0x7];
	s1 =	sadd.s32 $0x1, s1  }
0x12: {  	p0 =	sne.s32 s1, s0  }
.Ltmp1:
0x13: {  	_ = 	snop;
	(pc) =	sbr.rel @!p0 .LBB2_60-.Ltmp1, $3  }
0x14: {  	_ =	sdelay $0x1  }
0x15: {  	[sflag:s20] =	ssyncset.done $0x0  }
0x16: {  	[sflag:s20] =	ssyncadd.s32 $0xFFFFC800  }
.LBB2_1:
0x17: {  	s0 =	simm.s32 $0x0;
	s26 =	rddreg [dreg:$0x4];
	s2 =	simm.s32 $0x7700  }
0x18: {  	[tilespmem:s2], [sflag:$0x3] =	stream.linear.gather [hbm4b:s26+s0], $0x1000, $0x38;
	[tilespmem:$0x8800] =	vst v63  }
.Ltmp2:
0x19: {  	[dreg:$0x9] =	wrdreg s1;
	s30 =	simm.s32 $0x3;
	(pc) =	sbr.rel .LBB2_2-.Ltmp2, $4  }
0x1a: {  	_ =	swait.ge [sflag:s30], $0x1000  }
0x1b: {  	[sflag:s30] =	ssyncset.done $0x0  }
0x1c: {  	s28 =	simm.s32 $0x0;
	s31 =	rddreg [dreg:$0x5];
	[sflag:s30] =	ssyncadd.s32 $0xFFFFF000  }
0x1d: {  	[tilespmem:s0], [sflag:$0x1] =	stream.strided.gather [hbm4b:s31+s13], $0x3800, s14, s13, $0x38;
	[tilespmem:$0x8800] =	vst v63  }
.LBB2_58:
0x1e: {  	s0 =	sor.u32 s30, s31;
	s28 =	sadd.s32 $0x1, s28  }
0x1f: {  	s0 =	sshrl.u32 s0, $0x3;
	p0 =	sne.s32 s28, $0x10  }
.Ltmp3:
0x20: {  	s0 =	sadd.s32 s24, s0;
	(pc) =	sbr.rel @!p0 .LBB2_59-.Ltmp3, $4  }
0x21: {  	[hbm4b:s0+s13] =	stream.strided.scatter [tilespmem:s22], [sflag:$0x7], $0x100, s14, s13, $0x38;
	[tilespmem:$0x8800] =	vst v63  }
0x22: {  	_ =	swait.ge [sflag:s17], $0x100  }
0x23: {  	[sflag:s17] =	ssyncset.done $0x0  }
0x24: {  	[sflag:s17] =	ssyncadd.s32 $0xFFFFFF00  }
.LBB2_2:
0x25: {  	s0 =	sshll.u32 s28, $0x1;
	s1 =	rddreg [dreg:$0x2]  }
0x26: {  	s0 =	sadd.s32 s1, s0  }
0x27: {  	s31 =	sshrl.u32 s0, $0x3  }
0x28: {  	s16 =	sshll.u32 s28, $0x8;
	s2 =	smul.u32 $0x1C00, s31  }
0x29: {  	[dreg:$0xa] =	wrdreg s0;
	s0 =	sand.u32 $0x300, s16  }
0x2a: {  	s2 =	sor.u32 s0, s2  }
0x2b: {  	s3 =	rddreg [dreg:$0x3];
	s2 =	sshrl.u32 s2, $0x3  }
0x2c: {  	s19 =	simm.s32 $0x100;
	s5 =	simm.s32 $0x7000;
	s2 =	sadd.s32 s3, s2  }
0x2d: {  	[tilespmem:s5], [sflag:$0x7] =	stream.strided.gather [hbm4b:s2+s19], $0x700, s14, s19, $0x38;
	[tilespmem:$0x8800] =	vst v63  }
0x2e: {  	_ =	swait.ge [sflag:s17], $0x700  }
0x2f: {  	[sflag:s17] =	ssyncset.done $0x0  }
0x30: {  	s24 =	simm.s32 $0x3;
	s1 =	sand.u32 $0x3FFFFF00, s16;
	[sflag:s17] =	ssyncadd.s32 $0xFFFFF900  }
0x31: {  	v3 =	vld [tilespmem:s1+$0x7700];
	[sflag:s24] =	ssyncset.done $0x0  }
0x32: {  	[smem:s18], [sflag:$0x3] =	smem.add.s32 $0x0  }
0x33: {  	_ =	swait.done [sflag:s24]  }
0x34: {  	s25 =	ssyncread [sflag:$0x3]  }
0x35: {  	[sflag:s24] =	ssyncset.s32 $0x0  }
0x36: {  	s26 =	simm.s32 $0x4;
	[sflag:s24] =	ssyncset.done $0x0  }
0x37: {  	[sflag:s26] =	ssyncset.done $0x0;
	s2 =	ssub.s32 $0x0, s25  }
0x38: {  	[smem:s18], [sflag:$0x4] =	smem.add.s32 s2  }
0x39: {  	_ =	swait.done [sflag:s26]  }
0x3a: {  	[sflag:s26] =	ssyncset.s32 $0x0  }
0x3b: {  	[sflag:s26] =	ssyncset.done $0x0  }
0x3c: {  	[tilespmem:$0x8700] =	vst v0  }
0x3d: {  	[tilespmem:$0x8710] =	vst v0  }
0x3e: {  	[tilespmem:$0x8720] =	vst v0  }
0x3f: {  	[tilespmem:$0x8730] =	vst v0  }
0x40: {  	[tilespmem:$0x8740] =	vst v0  }
0x41: {  	[tilespmem:$0x8750] =	vst v0  }
0x42: {  	[tilespmem:$0x8760] =	vst v0  }
0x43: {  	[tilespmem:$0x8770] =	vst v0  }
0x44: {  	[tilespmem:$0x8780] =	vst v0  }
0x45: {  	s15 =	smul.u32 $0xC4000, s31;
	[tilespmem:$0x8790] =	vst v0  }
0x46: {  	[tilespmem:$0x87A0] =	vst v0  }
0x47: {  	s11 =	sadd.s32 $0x1C000, s15;
	[tilespmem:$0x87B0] =	vst v0  }
.Ltmp4:
0x48: {  	s30 =	sor.u32 s0, s11;
	_ =	swait.ge [sflag:s20], $0x3800;
	(pc) =	sbr.rel .LBB2_3-.Ltmp4, $4  }
0x49: {  	s2 =	sshrl.u32 s30, $0x3;
	[sflag:s20] =	ssyncset.done $0x0  }
0x4a: {  	s2 =	sadd.s32 s4, s2;
	[sflag:s20] =	ssyncadd.s32 $0xFFFFC800  }
0x4b: {  	[tilespmem:s29], [sflag:$0x2] =	stream.strided.gather [hbm4b:s2+s13], $0x3800, s14, s13, $0x38;
	[tilespmem:$0x8800] =	vst v63  }
0x4c: {  	s2 =	simm.s32 $0x0  }
.LBB2_5:
0x4d: {  	s2 =	sadd.s32 $0x1, s2  }
0x4e: {  	p0 =	sne.s32 s2, $0x7  }
.Ltmp5:
0x4f: {  	_ = 	snop;
	(pc) =	sbr.rel @!p0 .LBB2_6-.Ltmp5, $1  }
0x50: {  	_ =	sdelay $0x3  }
.LBB2_3:
0x51: {  	s7 =	sshll.u32 s2, $0x4  }
0x52: {  	v4 =	vld [tilespmem:s7+$0x7000];
	_ =	sdelay $0x4  }
0x53: {  	vm0 =	vge.f32 v4, v3  }
0x54: {  	v4 =	vmpcnt.ones.xlane vm0;
	_ =	sdelay $0x1  }
0x55: {  	(v2sf) =	vpush v4, $0x0;
	_ =	sdelay $0xe  }
0x56: {  	s3 =	spop (v2sf)  }
0x57: {  	p0 =	slt.s32 s3, $0x1  }
.Ltmp6:
0x58: {  	_ = 	snop;
	(pc) =	sbr.rel @p0 .LBB2_5-.Ltmp6, $1  }
0x59: {  	_ =	sdelay $0x3  }
.LBB2_4:
0x5a: {  	v12 =	vmctz.xlane vm0;
	_ =	sdelay $0x1  }
0x5b: {  	(v2sf) =	vpush v12, $0x0;
	_ =	sdelay $0xe  }
0x5c: {  	s3 =	spop (v2sf)  }
0x5d: {  	s3 =	sadd.s32 s7, s3  }
0x5e: {  	s3 =	sshll.u32 s3, $0x9  }
0x5f: {  	s3 =	sshra.s32 s3, $0x2  }
0x60: {  	v11 =	vld [tilespmem:s3+$0x0]  }
0x61: {  	v10 =	vld [tilespmem:s3+$0x10]  }
0x62: {  	v8 =	vld [tilespmem:s3+$0x20]  }
0x63: {  	v4 =	vld [tilespmem:s3+$0x30]  }
0x64: {  	v5 =	vld [tilespmem:s3+$0x40]  }
0x65: {  	v6 =	vld [tilespmem:s3+$0x50];
	vm4 =	vge.f32 v11, v3  }
0x66: {  	v7 =	vld [tilespmem:s3+$0x60];
	vm1 =	vge.f32 v10, v3;
	v13 =	vmpcnt.ones.xlane vm4  }
0x67: {  	v9 =	vld [tilespmem:s3+$0x70];
	vm2 =	vge.f32 v8, v3;
	v14 =	vmpcnt.ones.xlane vm1  }
0x68: {  	vm3 =	vge.f32 v4, v3;
	v30 =	vmpcnt.ones.xlane vm2;
	(v2sf) =	vpush v13, $0x0  }
0x69: {  	vm5 =	vge.f32 v5, v3;
	v31 =	vmpcnt.ones.xlane vm3;
	(v2sf) =	vpush v14, $0x0  }
0x6a: {  	vm6 =	vge.f32 v6, v3;
	v32 =	vmpcnt.ones.xlane vm5;
	(v2sf) =	vpush v30, $0x0  }
0x6b: {  	vm7 =	vge.f32 v7, v3;
	v33 =	vmpcnt.ones.xlane vm6;
	(v2sf) =	vpush v31, $0x0  }
0x6c: {  	vm8 =	vge.f32 v9, v3;
	v34 =	vmpcnt.ones.xlane vm7;
	(v2sf) =	vpush v32, $0x0  }
0x6d: {  	v35 =	vmpcnt.ones.xlane vm8;
	(v2sf) =	vpush v33, $0x0  }
0x6e: {  	(v2sf) =	vpush v34, $0x0  }
0x6f: {  	(v2sf) =	vpush v35, $0x0;
	_ =	sdelay $0x7  }
0x70: {  	s12 =	spop (v2sf)  }
0x71: {  	s10 =	spop (v2sf)  }
0x72: {  	s16 =	spop (v2sf);
	s5 =	sadd.s32 s12, s10  }
0x73: {  	s26 =	spop (v2sf);
	s5 =	sadd.s32 s16, s5  }
0x74: {  	s30 =	spop (v2sf);
	s8 =	sadd.s32 s26, s5  }
0x75: {  	s19 =	spop (v2sf);
	s9 =	sadd.s32 s30, s8  }
0x76: {  	s24 =	spop (v2sf);
	s9 =	sadd.s32 s19, s9  }
0x77: {  	s6 =	spop (v2sf);
	s9 =	sadd.s32 s24, s9  }
0x78: {  	[sflag:s17] =	ssyncset.done $0x0;
	s6 =	sadd.s32 s6, s9  }
0x79: {  	[smem:s18], [sflag:$0x7] =	smem.add.s32 s6  }
0x7a: {  	v12 =	vbroadcast v12, $0x0;
	v36 =	vsel vm4, $0x1, v1;
	_ =	swait.done [sflag:s17]  }
0x7b: {  	v37 =	vsel vm1, $0x1, v1;
	(xrf0) =	vadd.scan.msk.s32 $0xffff, v36  }
0x7c: {  	vm10 =	vne.s32 v12, v2;
	(xrf0) =	vadd.scan.msk.s32 $0xffff, v37  }
0x7d: {  	vm0 =	vmand vm0, vm10;
	s25 =	ssyncread [sflag:$0x7]  }
0x7e: {  	v45 =	vmpcnt.ones.xlane vm0;
	v15 =	vsel vm2, $0x1, v1  }
0x7f: {  	v42 =	vsel vm3, $0x1, v1;
	v44 =	vsel vm5, $0x1, v1;
	v46 =	vsel vm6, $0x1, v1  }
0x80: {  	v49 =	vsel vm7, $0x1, v1;
	v51 =	vsel vm8, $0x1, v1;
	(xrf0) =	vadd.scan.msk.s32 $0xffff, v15;
	v38 =	vmov s25;
	s3 =	sadd.s32 s12, s25  }
0x81: {  	(v2sf) =	vpush v45, $0x0;
	v13 =	vadd.s32 $0xFFFFFFFF, v38;
	v39 =	vmov s3;
	s3 =	sadd.s32 s10, s3;
	v16, _, _ =	vpop (xrf0)  }
0x82: {  	v13 =	vbroadcast v13, $0x0;
	v14 =	vadd.s32 $0xFFFFFFFF, v39;
	v41 =	vmov s3;
	s3 =	sadd.s32 s16, s3;
	v40, _, _ =	vpop (xrf0);
	(xrf0) =	vadd.scan.msk.s32 $0xffff, v42  }
0x83: {  	v14 =	vbroadcast v14, $0x0;
	v43 =	vadd.s32 $0xFFFFFFFF, v41;
	v47 =	vmov s3  }
0x84: {  	s3 =	sadd.s32 s26, s3;
	v13 =	vadd.s32 v16, v13;
	v12 =	vbroadcast v43, $0x0;
	v48 =	vadd.s32 $0xFFFFFFFF, v47  }
0x85: {  	v50 =	vmov s3;
	s3 =	sadd.s32 s30, s3;
	vm9 =	vlt.s32 v13, $0xBF;
	v14 =	vadd.s32 v40, v14;
	(xrf0) =	vadd.scan.msk.s32 $0xffff, v44  }
0x86: {  	v17, _, _ =	vpop (xrf0);
	v15 =	vbroadcast v48, $0x0;
	v19 =	vmov s3;
	vm14 =	vlt.s32 v14, $0xBF;
	(xrf0) =	vadd.scan.msk.s32 $0xffff, v46  }
0x87: {  	s3 =	sadd.s32 s19, s3;
	v13 =	vnsel vm9, $0xBF, v13;
	v12 =	vadd.s32 v17, v12;
	v17 =	vadd.s32 $0xFFFFFFFF, v50;
	(xrf0) =	vadd.scan.msk.s32 $0xffff, v49  }
0x88: {  	v53 =	vadd.s32 $0xFFFFFFFF, v19;
	v55 =	vmov s3;
	s3 =	sadd.s32 s24, s3;
	v14 =	vnsel vm14, $0xBF, v14;
	v18, _, _ =	vpop (xrf0);
	(xrf0) =	vadd.scan.msk.s32 $0xffff, v51  }
0x89: {  	vm15 =	vlt.s32 v12, $0xBF;
	v52 =	vbroadcast v17, $0x0;
	v57 =	vmov s3  }
0x8a: {  	v17 =	vbroadcast v53, $0x0;
	v56 =	vadd.s32 $0xFFFFFFFF, v55;
	v19 =	vadd.s32 $0xFFFFFFFF, v57  }
0x8b: {  	v12 =	vnsel vm15, $0xBF, v12;
	v19 =	vbroadcast v19, $0x0;
	v15 =	vadd.s32 v18, v15;
	v54, _, _ =	vpop (xrf0)  }
0x8c: {  	v18 =	vbroadcast v56, $0x0;
	vm12 =	vlt.s32 v15, $0xBF;
	v20, _, _ =	vpop (xrf0);
	v16 =	vadd.s32 v54, v52  }
0x8d: {  	[sflag:s17] =	ssyncset.s32 $0x0;
	v17 =	vadd.s32 v20, v17;
	v58, _, _ =	vpop (xrf0);
	v15 =	vnsel vm12, $0xBF, v15;
	vm13 =	vlt.s32 v16, $0xBF  }
0x8e: {  	[sflag:s17] =	ssyncset.done $0x0;
	v16 =	vnsel vm13, $0xBF, v16;
	vm14 =	vlt.s32 v17, $0xBF;
	v18 =	vadd.s32 v58, v18;
	v59, _, _ =	vpop (xrf0)  }
0x8f: {  	[tilespmem:v13+s22+$0x0] =	vst.idx.msk vm4, v11;
	v61 =	vnsel vm14, $0xBF, v17;
	vm15 =	vlt.s32 v18, $0xBF;
	v60 =	vadd.s32 v59, v19  }
0x90: {  	[tilespmem:v14+s22+$0x0] =	vst.idx.msk vm1, v10;
	s30 =	spop (v2sf);
	v62 =	vnsel vm15, $0xBF, v18;
	vm1 =	vlt.s32 v60, $0xBF  }
0x91: {  	[tilespmem:v12+s22+$0x0] =	vst.idx.msk vm2, v8;
	p0 =	sgt.s32 s30, $0x0;
	v63 =	vnsel vm1, $0xBF, v60  }
.Ltmp7:
0x92: {  	[tilespmem:v15+s22+$0x0] =	vst.idx.msk vm3, v4;
	(pc) =	sbr.rel @p0 .LBB2_4-.Ltmp7, $4  }
0x93: {  	[tilespmem:v16+s22+$0x0] =	vst.idx.msk vm5, v5  }
0x94: {  	[tilespmem:v61+s22+$0x0] =	vst.idx.msk vm6, v6  }
0x95: {  	[tilespmem:v62+s22+$0x0] =	vst.idx.msk vm7, v7  }
0x96: {  	[tilespmem:v63+s22+$0x0] =	vst.idx.msk vm8, v9  }
.Ltmp8:
0x97: {  	_ = 	snop;
	(pc) =	sbr.rel .LBB2_5-.Ltmp8, $1  }
0x98: {  	_ =	sdelay $0x3  }
.LBB2_6:
.Ltmp9:
0x99: {  	s2 =	sadd.s32 $0x38000, s15;
	(pc) =	sbr.rel .LBB2_7-.Ltmp9, $4  }
0x9a: {  	_ =	swait.ge [sflag:s23], $0x3800;
	s3 =	sor.u32 s0, s2  }
0x9b: {  	[sflag:s23] =	ssyncset.done $0x0;
	s3 =	sshrl.u32 s3, $0x3  }
0x9c: {  	s7 =	simm.s32 $0x0;
	[sflag:s23] =	ssyncadd.s32 $0xFFFFC800;
	s3 =	sadd.s32 s4, s3  }
0x9d: {  	[tilespmem:s7], [sflag:$0x1] =	stream.strided.gather [hbm4b:s3+s13], $0x3800, s14, s13, $0x38;
	[tilespmem:$0x8800] =	vst v63  }
.LBB2_9:
0x9e: {  	s7 =	sadd.s32 $0x1, s7  }
0x9f: {  	p0 =	sne.s32 s7, $0x7  }
.Ltmp10:
0xa0: {  	_ = 	snop;
	(pc) =	sbr.rel @!p0 .LBB2_10-.Ltmp10, $1  }
0xa1: {  	_ =	sdelay $0x3  }
.LBB2_7:
0xa2: {  	s8 =	sshll.u32 s7, $0x4  }
0xa3: {  	s3 =	sadd.s32 $0x70, s8  }
0xa4: {  	s5 =	sshll.u32 s3, $0x1  }
0xa5: {  	s3 =	sand.u32 $0x70, s3;
	s5 =	sand.u32 $0x100, s5  }
0xa6: {  	s3 =	sor.u32 s3, s5  }
0xa7: {  	v4 =	vld [tilespmem:s3+$0x7000];
	_ =	sdelay $0x4  }
0xa8: {  	vm0 =	vge.f32 v4, v3  }
0xa9: {  	v4 =	vmpcnt.ones.xlane vm0;
	_ =	sdelay $0x1  }
0xaa: {  	(v2sf) =	vpush v4, $0x0;
	_ =	sdelay $0xe  }
0xab: {  	s30 =	spop (v2sf)  }
0xac: {  	p0 =	slt.s32 s30, $0x1  }
.Ltmp11:
0xad: {  	_ = 	snop;
	(pc) =	sbr.rel @p0 .LBB2_9-.Ltmp11, $1  }
0xae: {  	_ =	sdelay $0x3  }
.LBB2_8:
0xaf: {  	v12 =	vmctz.xlane vm0;
	_ =	sdelay $0x1  }
0xb0: {  	(v2sf) =	vpush v12, $0x0;
	_ =	sdelay $0xe  }
0xb1: {  	s3 =	spop (v2sf)  }
0xb2: {  	s3 =	sadd.s32 s8, s3  }
0xb3: {  	s3 =	sshll.u32 s3, $0x9  }
0xb4: {  	s3 =	sshra.s32 s3, $0x2  }
0xb5: {  	v11 =	vld [tilespmem:s3+$0x3800]  }
0xb6: {  	v10 =	vld [tilespmem:s3+$0x3810]  }
0xb7: {  	v8 =	vld [tilespmem:s3+$0x3820]  }
0xb8: {  	v4 =	vld [tilespmem:s3+$0x3830]  }
0xb9: {  	v5 =	vld [tilespmem:s3+$0x3840]  }
0xba: {  	v6 =	vld [tilespmem:s3+$0x3850];
	vm4 =	vge.f32 v11, v3  }
0xbb: {  	v7 =	vld [tilespmem:s3+$0x3860];
	vm1 =	vge.f32 v10, v3;
	v13 =	vmpcnt.ones.xlane vm4  }
0xbc: {  	v9 =	vld [tilespmem:s3+$0x3870];
	vm2 =	vge.f32 v8, v3;
	v14 =	vmpcnt.ones.xlane vm1  }
0xbd: {  	vm3 =	vge.f32 v4, v3;
	v30 =	vmpcnt.ones.xlane vm2;
	(v2sf) =	vpush v13, $0x0  }
0xbe: {  	vm5 =	vge.f32 v5, v3;
	v31 =	vmpcnt.ones.xlane vm3;
	(v2sf) =	vpush v14, $0x0  }
0xbf: {  	vm6 =	vge.f32 v6, v3;
	v32 =	vmpcnt.ones.xlane vm5;
	(v2sf) =	vpush v30, $0x0  }
0xc0: {  	vm7 =	vge.f32 v7, v3;
	v33 =	vmpcnt.ones.xlane vm6;
	(v2sf) =	vpush v31, $0x0  }
0xc1: {  	vm8 =	vge.f32 v9, v3;
	v34 =	vmpcnt.ones.xlane vm7;
	(v2sf) =	vpush v32, $0x0  }
0xc2: {  	v35 =	vmpcnt.ones.xlane vm8;
	(v2sf) =	vpush v33, $0x0  }
0xc3: {  	(v2sf) =	vpush v34, $0x0  }
0xc4: {  	(v2sf) =	vpush v35, $0x0;
	_ =	sdelay $0x7  }
0xc5: {  	s3 =	spop (v2sf)  }
0xc6: {  	s6 =	spop (v2sf)  }
0xc7: {  	s9 =	spop (v2sf);
	s5 =	sadd.s32 s3, s6  }
0xc8: {  	s16 =	spop (v2sf);
	s5 =	sadd.s32 s9, s5  }
0xc9: {  	s26 =	spop (v2sf);
	s10 =	sadd.s32 s16, s5  }
0xca: {  	s12 =	spop (v2sf);
	s30 =	sadd.s32 s26, s10  }
0xcb: {  	s24 =	spop (v2sf);
	s30 =	sadd.s32 s12, s30  }
0xcc: {  	s19 =	spop (v2sf);
	s30 =	sadd.s32 s24, s30  }
0xcd: {  	[sflag:s17] =	ssyncset.done $0x0;
	s19 =	sadd.s32 s19, s30  }
0xce: {  	[smem:s18], [sflag:$0x7] =	smem.add.s32 s19  }
0xcf: {  	v12 =	vbroadcast v12, $0x0;
	v36 =	vsel vm4, $0x1, v1;
	_ =	swait.done [sflag:s17]  }
0xd0: {  	v37 =	vsel vm1, $0x1, v1;
	(xrf0) =	vadd.scan.msk.s32 $0xffff, v36  }
0xd1: {  	vm10 =	vne.s32 v12, v2;
	(xrf0) =	vadd.scan.msk.s32 $0xffff, v37  }
0xd2: {  	vm0 =	vmand vm0, vm10;
	s25 =	ssyncread [sflag:$0x7]  }
0xd3: {  	v45 =	vmpcnt.ones.xlane vm0;
	v15 =	vsel vm2, $0x1, v1  }
0xd4: {  	v42 =	vsel vm3, $0x1, v1;
	v44 =	vsel vm5, $0x1, v1;
	v46 =	vsel vm6, $0x1, v1  }
0xd5: {  	v49 =	vsel vm7, $0x1, v1;
	v51 =	vsel vm8, $0x1, v1;
	(xrf0) =	vadd.scan.msk.s32 $0xffff, v15;
	v38 =	vmov s25;
	s3 =	sadd.s32 s3, s25  }
0xd6: {  	(v2sf) =	vpush v45, $0x0;
	v13 =	vadd.s32 $0xFFFFFFFF, v38;
	v39 =	vmov s3;
	s3 =	sadd.s32 s6, s3;
	v16, _, _ =	vpop (xrf0)  }
0xd7: {  	v13 =	vbroadcast v13, $0x0;
	v14 =	vadd.s32 $0xFFFFFFFF, v39;
	v41 =	vmov s3;
	s3 =	sadd.s32 s9, s3;
	v40, _, _ =	vpop (xrf0);
	(xrf0) =	vadd.scan.msk.s32 $0xffff, v42  }
0xd8: {  	v14 =	vbroadcast v14, $0x0;
	v43 =	vadd.s32 $0xFFFFFFFF, v41;
	v47 =	vmov s3  }
0xd9: {  	s3 =	sadd.s32 s16, s3;
	v13 =	vadd.s32 v16, v13;
	v12 =	vbroadcast v43, $0x0;
	v48 =	vadd.s32 $0xFFFFFFFF, v47  }
0xda: {  	v50 =	vmov s3;
	s3 =	sadd.s32 s26, s3;
	vm9 =	vlt.s32 v13, $0xBF;
	v14 =	vadd.s32 v40, v14;
	(xrf0) =	vadd.scan.msk.s32 $0xffff, v44  }
0xdb: {  	v17, _, _ =	vpop (xrf0);
	v15 =	vbroadcast v48, $0x0;
	v19 =	vmov s3;
	vm14 =	vlt.s32 v14, $0xBF;
	(xrf0) =	vadd.scan.msk.s32 $0xffff, v46  }
0xdc: {  	s3 =	sadd.s32 s12, s3;
	v13 =	vnsel vm9, $0xBF, v13;
	v12 =	vadd.s32 v17, v12;
	v17 =	vadd.s32 $0xFFFFFFFF, v50;
	(xrf0) =	vadd.scan.msk.s32 $0xffff, v49  }
0xdd: {  	v53 =	vadd.s32 $0xFFFFFFFF, v19;
	v55 =	vmov s3;
	s3 =	sadd.s32 s24, s3;
	v14 =	vnsel vm14, $0xBF, v14;
	v18, _, _ =	vpop (xrf0);
	(xrf0) =	vadd.scan.msk.s32 $0xffff, v51  }
0xde: {  	vm15 =	vlt.s32 v12, $0xBF;
	v52 =	vbroadcast v17, $0x0;
	v57 =	vmov s3  }
0xdf: {  	v17 =	vbroadcast v53, $0x0;
	v56 =	vadd.s32 $0xFFFFFFFF, v55;
	v19 =	vadd.s32 $0xFFFFFFFF, v57  }
0xe0: {  	v12 =	vnsel vm15, $0xBF, v12;
	v19 =	vbroadcast v19, $0x0;
	v15 =	vadd.s32 v18, v15;
	v54, _, _ =	vpop (xrf0)  }
0xe1: {  	v18 =	vbroadcast v56, $0x0;
	vm12 =	vlt.s32 v15, $0xBF;
	v20, _, _ =	vpop (xrf0);
	v16 =	vadd.s32 v54, v52  }
0xe2: {  	[sflag:s17] =	ssyncset.s32 $0x0;
	v17 =	vadd.s32 v20, v17;
	v58, _, _ =	vpop (xrf0);
	v15 =	vnsel vm12, $0xBF, v15;
	vm13 =	vlt.s32 v16, $0xBF  }
0xe3: {  	[sflag:s17] =	ssyncset.done $0x0;
	v16 =	vnsel vm13, $0xBF, v16;
	vm14 =	vlt.s32 v17, $0xBF;
	v18 =	vadd.s32 v58, v18;
	v59, _, _ =	vpop (xrf0)  }
0xe4: {  	[tilespmem:v13+s22+$0x0] =	vst.idx.msk vm4, v11;
	v61 =	vnsel vm14, $0xBF, v17;
	vm15 =	vlt.s32 v18, $0xBF;
	v60 =	vadd.s32 v59, v19  }
0xe5: {  	[tilespmem:v14+s22+$0x0] =	vst.idx.msk vm1, v10;
	s30 =	spop (v2sf);
	v62 =	vnsel vm15, $0xBF, v18;
	vm1 =	vlt.s32 v60, $0xBF  }
0xe6: {  	[tilespmem:v12+s22+$0x0] =	vst.idx.msk vm2, v8;
	p0 =	sgt.s32 s30, $0x0;
	v63 =	vnsel vm1, $0xBF, v60  }
.Ltmp12:
0xe7: {  	[tilespmem:v15+s22+$0x0] =	vst.idx.msk vm3, v4;
	(pc) =	sbr.rel @p0 .LBB2_8-.Ltmp12, $4  }
0xe8: {  	[tilespmem:v16+s22+$0x0] =	vst.idx.msk vm5, v5  }
0xe9: {  	[tilespmem:v61+s22+$0x0] =	vst.idx.msk vm6, v6  }
0xea: {  	[tilespmem:v62+s22+$0x0] =	vst.idx.msk vm7, v7  }
0xeb: {  	[tilespmem:v63+s22+$0x0] =	vst.idx.msk vm8, v9  }
.Ltmp13:
0xec: {  	_ = 	snop;
	(pc) =	sbr.rel .LBB2_9-.Ltmp13, $1  }
0xed: {  	_ =	sdelay $0x3  }
.LBB2_10:
.Ltmp14:
0xee: {  	s7 =	sadd.s32 $0x54000, s15;
	(pc) =	sbr.rel .LBB2_11-.Ltmp14, $4  }
0xef: {  	_ =	swait.ge [sflag:s20], $0x3800;
	s3 =	sor.u32 s0, s7  }
0xf0: {  	[sflag:s20] =	ssyncset.done $0x0;
	s3 =	sshrl.u32 s3, $0x3  }
0xf1: {  	s8 =	simm.s32 $0x0;
	[sflag:s20] =	ssyncadd.s32 $0xFFFFC800;
	s3 =	sadd.s32 s4, s3  }
0xf2: {  	[tilespmem:s29], [sflag:$0x2] =	stream.strided.gather [hbm4b:s3+s13], $0x3800, s14, s13, $0x38;
	[tilespmem:$0x8800] =	vst v63  }
.LBB2_13:
0xf3: {  	s8 =	sadd.s32 $0x1, s8  }
0xf4: {  	p0 =	sne.s32 s8, $0x7  }
.Ltmp15:
0xf5: {  	_ = 	snop;
	(pc) =	sbr.rel @!p0 .LBB2_14-.Ltmp15, $1  }
0xf6: {  	_ =	sdelay $0x3  }
.LBB2_11:
0xf7: {  	s10 =	sshll.u32 s8, $0x4  }
0xf8: {  	s3 =	sadd.s32 $0xE0, s10  }
0xf9: {  	s5 =	sshll.u32 s3, $0x1  }
0xfa: {  	s3 =	sand.u32 $0x70, s3;
	s5 =	sand.u32 $0x300, s5  }
0xfb: {  	s3 =	sor.u32 s3, s5  }
0xfc: {  	v4 =	vld [tilespmem:s3+$0x7000];
	_ =	sdelay $0x4  }
0xfd: {  	vm0 =	vge.f32 v4, v3  }
0xfe: {  	v4 =	vmpcnt.ones.xlane vm0;
	_ =	sdelay $0x1  }
0xff: {  	(v2sf) =	vpush v4, $0x0;
	_ =	sdelay $0xe  }
0x100: {  	s30 =	spop (v2sf)  }
0x101: {  	p0 =	slt.s32 s30, $0x1  }
.Ltmp16:
0x102: {  	_ = 	snop;
	(pc) =	sbr.rel @p0 .LBB2_13-.Ltmp16, $1  }
0x103: {  	_ =	sdelay $0x3  }
.LBB2_12:
0x104: {  	v12 =	vmctz.xlane vm0;
	_ =	sdelay $0x1  }
0x105: {  	(v2sf) =	vpush v12, $0x0;
	_ =	sdelay $0xe  }
0x106: {  	s3 =	spop (v2sf)  }
0x107: {  	s3 =	sadd.s32 s10, s3  }
0x108: {  	s3 =	sshll.u32 s3, $0x9  }
0x109: {  	s3 =	sshra.s32 s3, $0x2  }
0x10a: {  	v11 =	vld [tilespmem:s3+$0x0]  }
0x10b: {  	v10 =	vld [tilespmem:s3+$0x10]  }
0x10c: {  	v8 =	vld [tilespmem:s3+$0x20]  }
0x10d: {  	v4 =	vld [tilespmem:s3+$0x30]  }
0x10e: {  	v5 =	vld [tilespmem:s3+$0x40]  }
0x10f: {  	v6 =	vld [tilespmem:s3+$0x50];
	vm4 =	vge.f32 v11, v3  }
0x110: {  	v7 =	vld [tilespmem:s3+$0x60];
	vm1 =	vge.f32 v10, v3;
	v13 =	vmpcnt.ones.xlane vm4  }
0x111: {  	v9 =	vld [tilespmem:s3+$0x70];
	vm2 =	vge.f32 v8, v3;
	v14 =	vmpcnt.ones.xlane vm1  }
0x112: {  	vm3 =	vge.f32 v4, v3;
	v30 =	vmpcnt.ones.xlane vm2;
	(v2sf) =	vpush v13, $0x0  }
0x113: {  	vm5 =	vge.f32 v5, v3;
	v31 =	vmpcnt.ones.xlane vm3;
	(v2sf) =	vpush v14, $0x0  }
0x114: {  	vm6 =	vge.f32 v6, v3;
	v32 =	vmpcnt.ones.xlane vm5;
	(v2sf) =	vpush v30, $0x0  }
0x115: {  	vm7 =	vge.f32 v7, v3;
	v33 =	vmpcnt.ones.xlane vm6;
	(v2sf) =	vpush v31, $0x0  }
0x116: {  	vm8 =	vge.f32 v9, v3;
	v34 =	vmpcnt.ones.xlane vm7;
	(v2sf) =	vpush v32, $0x0  }
0x117: {  	v35 =	vmpcnt.ones.xlane vm8;
	(v2sf) =	vpush v33, $0x0  }
0x118: {  	(v2sf) =	vpush v34, $0x0  }
0x119: {  	(v2sf) =	vpush v35, $0x0;
	_ =	sdelay $0x7  }
0x11a: {  	s3 =	spop (v2sf)  }
0x11b: {  	s6 =	spop (v2sf)  }
0x11c: {  	s9 =	spop (v2sf);
	s5 =	sadd.s32 s3, s6  }
0x11d: {  	s19 =	spop (v2sf);
	s5 =	sadd.s32 s9, s5  }
0x11e: {  	s26 =	spop (v2sf);
	s16 =	sadd.s32 s19, s5  }
0x11f: {  	s5 =	spop (v2sf);
	s30 =	sadd.s32 s26, s16  }
0x120: {  	s12 =	spop (v2sf);
	s30 =	sadd.s32 s5, s30  }
0x121: {  	s24 =	spop (v2sf);
	s30 =	sadd.s32 s12, s30  }
0x122: {  	[sflag:s17] =	ssyncset.done $0x0;
	s24 =	sadd.s32 s24, s30  }
0x123: {  	[smem:s18], [sflag:$0x7] =	smem.add.s32 s24  }
0x124: {  	v12 =	vbroadcast v12, $0x0;
	v36 =	vsel vm4, $0x1, v1;
	_ =	swait.done [sflag:s17]  }
0x125: {  	v37 =	vsel vm1, $0x1, v1;
	(xrf0) =	vadd.scan.msk.s32 $0xffff, v36  }
0x126: {  	vm10 =	vne.s32 v12, v2;
	(xrf0) =	vadd.scan.msk.s32 $0xffff, v37  }
0x127: {  	vm0 =	vmand vm0, vm10;
	s25 =	ssyncread [sflag:$0x7]  }
0x128: {  	v45 =	vmpcnt.ones.xlane vm0;
	v15 =	vsel vm2, $0x1, v1  }
0x129: {  	v42 =	vsel vm3, $0x1, v1;
	v44 =	vsel vm5, $0x1, v1;
	v46 =	vsel vm6, $0x1, v1  }
0x12a: {  	v49 =	vsel vm7, $0x1, v1;
	v51 =	vsel vm8, $0x1, v1;
	(xrf0) =	vadd.scan.msk.s32 $0xffff, v15;
	v38 =	vmov s25;
	s3 =	sadd.s32 s3, s25  }
0x12b: {  	(v2sf) =	vpush v45, $0x0;
	v13 =	vadd.s32 $0xFFFFFFFF, v38;
	v39 =	vmov s3;
	s3 =	sadd.s32 s6, s3;
	v16, _, _ =	vpop (xrf0)  }
0x12c: {  	v13 =	vbroadcast v13, $0x0;
	v14 =	vadd.s32 $0xFFFFFFFF, v39;
	v41 =	vmov s3;
	s3 =	sadd.s32 s9, s3;
	v40, _, _ =	vpop (xrf0);
	(xrf0) =	vadd.scan.msk.s32 $0xffff, v42  }
0x12d: {  	v14 =	vbroadcast v14, $0x0;
	v43 =	vadd.s32 $0xFFFFFFFF, v41;
	v47 =	vmov s3  }
0x12e: {  	s3 =	sadd.s32 s19, s3;
	v13 =	vadd.s32 v16, v13;
	v12 =	vbroadcast v43, $0x0;
	v48 =	vadd.s32 $0xFFFFFFFF, v47  }
0x12f: {  	v50 =	vmov s3;
	s3 =	sadd.s32 s26, s3;
	vm9 =	vlt.s32 v13, $0xBF;
	v14 =	vadd.s32 v40, v14;
	(xrf0) =	vadd.scan.msk.s32 $0xffff, v44  }
0x130: {  	v17, _, _ =	vpop (xrf0);
	v15 =	vbroadcast v48, $0x0;
	v19 =	vmov s3;
	vm14 =	vlt.s32 v14, $0xBF;
	(xrf0) =	vadd.scan.msk.s32 $0xffff, v46  }
0x131: {  	s3 =	sadd.s32 s5, s3;
	v13 =	vnsel vm9, $0xBF, v13;
	v12 =	vadd.s32 v17, v12;
	v17 =	vadd.s32 $0xFFFFFFFF, v50;
	(xrf0) =	vadd.scan.msk.s32 $0xffff, v49  }
0x132: {  	v53 =	vadd.s32 $0xFFFFFFFF, v19;
	v55 =	vmov s3;
	s3 =	sadd.s32 s12, s3;
	v14 =	vnsel vm14, $0xBF, v14;
	v18, _, _ =	vpop (xrf0);
	(xrf0) =	vadd.scan.msk.s32 $0xffff, v51  }
0x133: {  	vm15 =	vlt.s32 v12, $0xBF;
	v52 =	vbroadcast v17, $0x0;
	v57 =	vmov s3  }
0x134: {  	v17 =	vbroadcast v53, $0x0;
	v56 =	vadd.s32 $0xFFFFFFFF, v55;
	v19 =	vadd.s32 $0xFFFFFFFF, v57  }
0x135: {  	v12 =	vnsel vm15, $0xBF, v12;
	v19 =	vbroadcast v19, $0x0;
	v15 =	vadd.s32 v18, v15;
	v54, _, _ =	vpop (xrf0)  }
0x136: {  	v18 =	vbroadcast v56, $0x0;
	vm12 =	vlt.s32 v15, $0xBF;
	v20, _, _ =	vpop (xrf0);
	v16 =	vadd.s32 v54, v52  }
0x137: {  	[sflag:s17] =	ssyncset.s32 $0x0;
	v17 =	vadd.s32 v20, v17;
	v58, _, _ =	vpop (xrf0);
	v15 =	vnsel vm12, $0xBF, v15;
	vm13 =	vlt.s32 v16, $0xBF  }
0x138: {  	[sflag:s17] =	ssyncset.done $0x0;
	v16 =	vnsel vm13, $0xBF, v16;
	vm14 =	vlt.s32 v17, $0xBF;
	v18 =	vadd.s32 v58, v18;
	v59, _, _ =	vpop (xrf0)  }
0x139: {  	[tilespmem:v13+s22+$0x0] =	vst.idx.msk vm4, v11;
	v61 =	vnsel vm14, $0xBF, v17;
	vm15 =	vlt.s32 v18, $0xBF;
	v60 =	vadd.s32 v59, v19  }
0x13a: {  	[tilespmem:v14+s22+$0x0] =	vst.idx.msk vm1, v10;
	s30 =	spop (v2sf);
	v62 =	vnsel vm15, $0xBF, v18;
	vm1 =	vlt.s32 v60, $0xBF  }
0x13b: {  	[tilespmem:v12+s22+$0x0] =	vst.idx.msk vm2, v8;
	p0 =	sgt.s32 s30, $0x0;
	v63 =	vnsel vm1, $0xBF, v60  }
.Ltmp17:
0x13c: {  	[tilespmem:v15+s22+$0x0] =	vst.idx.msk vm3, v4;
	(pc) =	sbr.rel @p0 .LBB2_12-.Ltmp17, $4  }
0x13d: {  	[tilespmem:v16+s22+$0x0] =	vst.idx.msk vm5, v5  }
0x13e: {  	[tilespmem:v61+s22+$0x0] =	vst.idx.msk vm6, v6  }
0x13f: {  	[tilespmem:v62+s22+$0x0] =	vst.idx.msk vm7, v7  }
0x140: {  	[tilespmem:v63+s22+$0x0] =	vst.idx.msk vm8, v9  }
.Ltmp18:
0x141: {  	_ = 	snop;
	(pc) =	sbr.rel .LBB2_13-.Ltmp18, $1  }
0x142: {  	_ =	sdelay $0x3  }
.LBB2_14:
.Ltmp19:
0x143: {  	s8 =	sadd.s32 $0x70000, s15;
	(pc) =	sbr.rel .LBB2_15-.Ltmp19, $4  }
0x144: {  	_ =	swait.ge [sflag:s23], $0x3800;
	s3 =	sor.u32 s0, s8  }
0x145: {  	[sflag:s23] =	ssyncset.done $0x0;
	s3 =	sshrl.u32 s3, $0x3  }
0x146: {  	s10 =	simm.s32 $0x0;
	[sflag:s23] =	ssyncadd.s32 $0xFFFFC800;
	s3 =	sadd.s32 s4, s3  }
0x147: {  	[tilespmem:s10], [sflag:$0x1] =	stream.strided.gather [hbm4b:s3+s13], $0x3800, s14, s13, $0x38;
	[tilespmem:$0x8800] =	vst v63  }
.LBB2_17:
0x148: {  	s10 =	sadd.s32 $0x1, s10  }
0x149: {  	p0 =	sne.s32 s10, $0x7  }
.Ltmp20:
0x14a: {  	_ = 	snop;
	(pc) =	sbr.rel @!p0 .LBB2_18-.Ltmp20, $1  }
0x14b: {  	_ =	sdelay $0x3  }
.LBB2_15:
0x14c: {  	s26 =	sshll.u32 s10, $0x4  }
0x14d: {  	s3 =	sadd.s32 $0x150, s26  }
0x14e: {  	s5 =	sshll.u32 s3, $0x1  }
0x14f: {  	s3 =	sand.u32 $0x70, s3;
	s5 =	sand.u32 $0x300, s5  }
0x150: {  	s3 =	sor.u32 s3, s5  }
0x151: {  	v4 =	vld [tilespmem:s3+$0x7000];
	_ =	sdelay $0x4  }
0x152: {  	vm0 =	vge.f32 v4, v3  }
0x153: {  	v4 =	vmpcnt.ones.xlane vm0;
	_ =	sdelay $0x1  }
0x154: {  	(v2sf) =	vpush v4, $0x0;
	_ =	sdelay $0xe  }
0x155: {  	s30 =	spop (v2sf)  }
0x156: {  	p0 =	slt.s32 s30, $0x1  }
.Ltmp21:
0x157: {  	_ = 	snop;
	(pc) =	sbr.rel @p0 .LBB2_17-.Ltmp21, $1  }
0x158: {  	_ =	sdelay $0x3  }
.LBB2_16:
0x159: {  	v12 =	vmctz.xlane vm0;
	_ =	sdelay $0x1  }
0x15a: {  	(v2sf) =	vpush v12, $0x0;
	_ =	sdelay $0xe  }
0x15b: {  	s3 =	spop (v2sf)  }
0x15c: {  	s3 =	sadd.s32 s26, s3  }
0x15d: {  	s3 =	sshll.u32 s3, $0x9  }
0x15e: {  	s3 =	sshra.s32 s3, $0x2  }
0x15f: {  	v11 =	vld [tilespmem:s3+$0x3800]  }
0x160: {  	v10 =	vld [tilespmem:s3+$0x3810]  }
0x161: {  	v8 =	vld [tilespmem:s3+$0x3820]  }
0x162: {  	v4 =	vld [tilespmem:s3+$0x3830]  }
0x163: {  	v5 =	vld [tilespmem:s3+$0x3840]  }
0x164: {  	v6 =	vld [tilespmem:s3+$0x3850];
	vm4 =	vge.f32 v11, v3  }
0x165: {  	v7 =	vld [tilespmem:s3+$0x3860];
	vm1 =	vge.f32 v10, v3;
	v13 =	vmpcnt.ones.xlane vm4  }
0x166: {  	v9 =	vld [tilespmem:s3+$0x3870];
	vm2 =	vge.f32 v8, v3;
	v14 =	vmpcnt.ones.xlane vm1  }
0x167: {  	vm3 =	vge.f32 v4, v3;
	v30 =	vmpcnt.ones.xlane vm2;
	(v2sf) =	vpush v13, $0x0  }
0x168: {  	vm5 =	vge.f32 v5, v3;
	v31 =	vmpcnt.ones.xlane vm3;
	(v2sf) =	vpush v14, $0x0  }
0x169: {  	vm6 =	vge.f32 v6, v3;
	v32 =	vmpcnt.ones.xlane vm5;
	(v2sf) =	vpush v30, $0x0  }
0x16a: {  	vm7 =	vge.f32 v7, v3;
	v33 =	vmpcnt.ones.xlane vm6;
	(v2sf) =	vpush v31, $0x0  }
0x16b: {  	vm8 =	vge.f32 v9, v3;
	v34 =	vmpcnt.ones.xlane vm7;
	(v2sf) =	vpush v32, $0x0  }
0x16c: {  	v35 =	vmpcnt.ones.xlane vm8;
	(v2sf) =	vpush v33, $0x0  }
0x16d: {  	(v2sf) =	vpush v34, $0x0  }
0x16e: {  	(v2sf) =	vpush v35, $0x0;
	_ =	sdelay $0x7  }
0x16f: {  	s3 =	spop (v2sf)  }
0x170: {  	s6 =	spop (v2sf)  }
0x171: {  	s9 =	spop (v2sf);
	s5 =	sadd.s32 s3, s6  }
0x172: {  	s19 =	spop (v2sf);
	s5 =	sadd.s32 s9, s5  }
0x173: {  	s24 =	spop (v2sf);
	s16 =	sadd.s32 s19, s5  }
0x174: {  	s5 =	spop (v2sf);
	s30 =	sadd.s32 s24, s16  }
0x175: {  	s16 =	spop (v2sf);
	s30 =	sadd.s32 s5, s30  }
0x176: {  	s25 =	spop (v2sf);
	s30 =	sadd.s32 s16, s30  }
0x177: {  	[sflag:s17] =	ssyncset.done $0x0;
	s25 =	sadd.s32 s25, s30  }
0x178: {  	[smem:s18], [sflag:$0x7] =	smem.add.s32 s25  }
0x179: {  	v12 =	vbroadcast v12, $0x0;
	v36 =	vsel vm4, $0x1, v1;
	_ =	swait.done [sflag:s17]  }
0x17a: {  	v37 =	vsel vm1, $0x1, v1;
	(xrf0) =	vadd.scan.msk.s32 $0xffff, v36  }
0x17b: {  	vm10 =	vne.s32 v12, v2;
	(xrf0) =	vadd.scan.msk.s32 $0xffff, v37  }
0x17c: {  	vm0 =	vmand vm0, vm10;
	s12 =	ssyncread [sflag:$0x7]  }
0x17d: {  	v45 =	vmpcnt.ones.xlane vm0;
	v15 =	vsel vm2, $0x1, v1  }
0x17e: {  	v42 =	vsel vm3, $0x1, v1;
	v44 =	vsel vm5, $0x1, v1;
	v46 =	vsel vm6, $0x1, v1  }
0x17f: {  	v49 =	vsel vm7, $0x1, v1;
	v51 =	vsel vm8, $0x1, v1;
	(xrf0) =	vadd.scan.msk.s32 $0xffff, v15;
	v38 =	vmov s12;
	s3 =	sadd.s32 s3, s12  }
0x180: {  	(v2sf) =	vpush v45, $0x0;
	v13 =	vadd.s32 $0xFFFFFFFF, v38;
	v39 =	vmov s3;
	s3 =	sadd.s32 s6, s3;
	v16, _, _ =	vpop (xrf0)  }
0x181: {  	v13 =	vbroadcast v13, $0x0;
	v14 =	vadd.s32 $0xFFFFFFFF, v39;
	v41 =	vmov s3;
	s3 =	sadd.s32 s9, s3;
	v40, _, _ =	vpop (xrf0);
	(xrf0) =	vadd.scan.msk.s32 $0xffff, v42  }
0x182: {  	v14 =	vbroadcast v14, $0x0;
	v43 =	vadd.s32 $0xFFFFFFFF, v41;
	v47 =	vmov s3  }
0x183: {  	s3 =	sadd.s32 s19, s3;
	v13 =	vadd.s32 v16, v13;
	v12 =	vbroadcast v43, $0x0;
	v48 =	vadd.s32 $0xFFFFFFFF, v47  }
0x184: {  	v50 =	vmov s3;
	s3 =	sadd.s32 s24, s3;
	vm9 =	vlt.s32 v13, $0xBF;
	v14 =	vadd.s32 v40, v14;
	(xrf0) =	vadd.scan.msk.s32 $0xffff, v44  }
0x185: {  	v17, _, _ =	vpop (xrf0);
	v15 =	vbroadcast v48, $0x0;
	v19 =	vmov s3;
	vm14 =	vlt.s32 v14, $0xBF;
	(xrf0) =	vadd.scan.msk.s32 $0xffff, v46  }
0x186: {  	s3 =	sadd.s32 s5, s3;
	v13 =	vnsel vm9, $0xBF, v13;
	v12 =	vadd.s32 v17, v12;
	v17 =	vadd.s32 $0xFFFFFFFF, v50;
	(xrf0) =	vadd.scan.msk.s32 $0xffff, v49  }
0x187: {  	v53 =	vadd.s32 $0xFFFFFFFF, v19;
	v55 =	vmov s3;
	s3 =	sadd.s32 s16, s3;
	v14 =	vnsel vm14, $0xBF, v14;
	v18, _, _ =	vpop (xrf0);
	(xrf0) =	vadd.scan.msk.s32 $0xffff, v51  }
0x188: {  	vm15 =	vlt.s32 v12, $0xBF;
	v52 =	vbroadcast v17, $0x0;
	v57 =	vmov s3  }
0x189: {  	v17 =	vbroadcast v53, $0x0;
	v56 =	vadd.s32 $0xFFFFFFFF, v55;
	v19 =	vadd.s32 $0xFFFFFFFF, v57  }
0x18a: {  	v12 =	vnsel vm15, $0xBF, v12;
	v19 =	vbroadcast v19, $0x0;
	v15 =	vadd.s32 v18, v15;
	v54, _, _ =	vpop (xrf0)  }
0x18b: {  	v18 =	vbroadcast v56, $0x0;
	vm12 =	vlt.s32 v15, $0xBF;
	v20, _, _ =	vpop (xrf0);
	v16 =	vadd.s32 v54, v52  }
0x18c: {  	[sflag:s17] =	ssyncset.s32 $0x0;
	v17 =	vadd.s32 v20, v17;
	v58, _, _ =	vpop (xrf0);
	v15 =	vnsel vm12, $0xBF, v15;
	vm13 =	vlt.s32 v16, $0xBF  }
0x18d: {  	[sflag:s17] =	ssyncset.done $0x0;
	v16 =	vnsel vm13, $0xBF, v16;
	vm14 =	vlt.s32 v17, $0xBF;
	v18 =	vadd.s32 v58, v18;
	v59, _, _ =	vpop (xrf0)  }
0x18e: {  	[tilespmem:v13+s22+$0x0] =	vst.idx.msk vm4, v11;
	v61 =	vnsel vm14, $0xBF, v17;
	vm15 =	vlt.s32 v18, $0xBF;
	v60 =	vadd.s32 v59, v19  }
0x18f: {  	[tilespmem:v14+s22+$0x0] =	vst.idx.msk vm1, v10;
	s30 =	spop (v2sf);
	v62 =	vnsel vm15, $0xBF, v18;
	vm1 =	vlt.s32 v60, $0xBF  }
0x190: {  	[tilespmem:v12+s22+$0x0] =	vst.idx.msk vm2, v8;
	p0 =	sgt.s32 s30, $0x0;
	v63 =	vnsel vm1, $0xBF, v60  }
.Ltmp22:
0x191: {  	[tilespmem:v15+s22+$0x0] =	vst.idx.msk vm3, v4;
	(pc) =	sbr.rel @p0 .LBB2_16-.Ltmp22, $4  }
0x192: {  	[tilespmem:v16+s22+$0x0] =	vst.idx.msk vm5, v5  }
0x193: {  	[tilespmem:v61+s22+$0x0] =	vst.idx.msk vm6, v6  }
0x194: {  	[tilespmem:v62+s22+$0x0] =	vst.idx.msk vm7, v7  }
0x195: {  	[tilespmem:v63+s22+$0x0] =	vst.idx.msk vm8, v9  }
.Ltmp23:
0x196: {  	_ = 	snop;
	(pc) =	sbr.rel .LBB2_17-.Ltmp23, $1  }
0x197: {  	_ =	sdelay $0x3  }
.LBB2_18:
.Ltmp24:
0x198: {  	s10 =	sadd.s32 $0x8C000, s15;
	(pc) =	sbr.rel .LBB2_19-.Ltmp24, $4  }
0x199: {  	_ =	swait.ge [sflag:s20], $0x3800;
	s3 =	sor.u32 s0, s10  }
0x19a: {  	[sflag:s20] =	ssyncset.done $0x0;
	s3 =	sshrl.u32 s3, $0x3  }
0x19b: {  	s26 =	simm.s32 $0x0;
	[sflag:s20] =	ssyncadd.s32 $0xFFFFC800;
	s3 =	sadd.s32 s4, s3  }
0x19c: {  	[tilespmem:s29], [sflag:$0x2] =	stream.strided.gather [hbm4b:s3+s13], $0x3800, s14, s13, $0x38;
	[tilespmem:$0x8800] =	vst v63  }
.LBB2_21:
0x19d: {  	s26 =	sadd.s32 $0x1, s26  }
0x19e: {  	p0 =	sne.s32 s26, $0x7  }
.Ltmp25:
0x19f: {  	_ = 	snop;
	(pc) =	sbr.rel @!p0 .LBB2_22-.Ltmp25, $1  }
0x1a0: {  	_ =	sdelay $0x3  }
.LBB2_19:
0x1a1: {  	s30 =	sshll.u32 s26, $0x4  }
0x1a2: {  	s3 =	sadd.s32 $0x1C0, s30  }
0x1a3: {  	s5 =	sshll.u32 s3, $0x1  }
0x1a4: {  	s3 =	sand.u32 $0x70, s3;
	s5 =	sand.u32 $0x700, s5  }
0x1a5: {  	s3 =	sor.u32 s3, s5  }
0x1a6: {  	v4 =	vld [tilespmem:s3+$0x7000];
	_ =	sdelay $0x4  }
0x1a7: {  	vm0 =	vge.f32 v4, v3  }
0x1a8: {  	v4 =	vmpcnt.ones.xlane vm0;
	_ =	sdelay $0x1  }
0x1a9: {  	(v2sf) =	vpush v4, $0x0;
	_ =	sdelay $0xe  }
0x1aa: {  	s29 =	spop (v2sf)  }
0x1ab: {  	p0 =	slt.s32 s29, $0x1  }
.Ltmp26:
0x1ac: {  	_ = 	snop;
	(pc) =	sbr.rel @p0 .LBB2_21-.Ltmp26, $1  }
0x1ad: {  	_ =	sdelay $0x3  }
.LBB2_20:
0x1ae: {  	v12 =	vmctz.xlane vm0;
	_ =	sdelay $0x1  }
0x1af: {  	(v2sf) =	vpush v12, $0x0;
	_ =	sdelay $0xe  }
0x1b0: {  	s3 =	spop (v2sf)  }
0x1b1: {  	s3 =	sadd.s32 s30, s3  }
0x1b2: {  	s3 =	sshll.u32 s3, $0x9  }
0x1b3: {  	s3 =	sshra.s32 s3, $0x2  }
0x1b4: {  	v11 =	vld [tilespmem:s3+$0x0]  }
0x1b5: {  	v10 =	vld [tilespmem:s3+$0x10]  }
0x1b6: {  	v8 =	vld [tilespmem:s3+$0x20]  }
0x1b7: {  	v4 =	vld [tilespmem:s3+$0x30]  }
0x1b8: {  	v5 =	vld [tilespmem:s3+$0x40]  }
0x1b9: {  	v6 =	vld [tilespmem:s3+$0x50];
	vm4 =	vge.f32 v11, v3  }
0x1ba: {  	v7 =	vld [tilespmem:s3+$0x60];
	vm1 =	vge.f32 v10, v3;
	v13 =	vmpcnt.ones.xlane vm4  }
0x1bb: {  	v9 =	vld [tilespmem:s3+$0x70];
	vm2 =	vge.f32 v8, v3;
	v14 =	vmpcnt.ones.xlane vm1  }
0x1bc: {  	vm3 =	vge.f32 v4, v3;
	v30 =	vmpcnt.ones.xlane vm2;
	(v2sf) =	vpush v13, $0x0  }
0x1bd: {  	vm5 =	vge.f32 v5, v3;
	v31 =	vmpcnt.ones.xlane vm3;
	(v2sf) =	vpush v14, $0x0  }
0x1be: {  	vm6 =	vge.f32 v6, v3;
	v32 =	vmpcnt.ones.xlane vm5;
	(v2sf) =	vpush v30, $0x0  }
0x1bf: {  	vm7 =	vge.f32 v7, v3;
	v33 =	vmpcnt.ones.xlane vm6;
	(v2sf) =	vpush v31, $0x0  }
0x1c0: {  	vm8 =	vge.f32 v9, v3;
	v34 =	vmpcnt.ones.xlane vm7;
	(v2sf) =	vpush v32, $0x0  }
0x1c1: {  	v35 =	vmpcnt.ones.xlane vm8;
	(v2sf) =	vpush v33, $0x0  }
0x1c2: {  	(v2sf) =	vpush v34, $0x0  }
0x1c3: {  	(v2sf) =	vpush v35, $0x0;
	_ =	sdelay $0x7  }
0x1c4: {  	s3 =	spop (v2sf)  }
0x1c5: {  	s6 =	spop (v2sf)  }
0x1c6: {  	s9 =	spop (v2sf);
	s5 =	sadd.s32 s3, s6  }
0x1c7: {  	s19 =	spop (v2sf);
	s5 =	sadd.s32 s9, s5  }
0x1c8: {  	s24 =	spop (v2sf);
	s16 =	sadd.s32 s19, s5  }
0x1c9: {  	s5 =	spop (v2sf);
	s25 =	sadd.s32 s24, s16  }
0x1ca: {  	s29 =	spop (v2sf);
	s25 =	sadd.s32 s5, s25  }
0x1cb: {  	s12 =	spop (v2sf);
	s25 =	sadd.s32 s29, s25  }
0x1cc: {  	[sflag:s17] =	ssyncset.done $0x0;
	s12 =	sadd.s32 s12, s25  }
0x1cd: {  	[smem:s18], [sflag:$0x7] =	smem.add.s32 s12  }
0x1ce: {  	v12 =	vbroadcast v12, $0x0;
	v36 =	vsel vm4, $0x1, v1;
	_ =	swait.done [sflag:s17]  }
0x1cf: {  	v37 =	vsel vm1, $0x1, v1;
	(xrf0) =	vadd.scan.msk.s32 $0xffff, v36  }
0x1d0: {  	vm10 =	vne.s32 v12, v2;
	(xrf0) =	vadd.scan.msk.s32 $0xffff, v37  }
0x1d1: {  	vm0 =	vmand vm0, vm10;
	s25 =	ssyncread [sflag:$0x7]  }
0x1d2: {  	v45 =	vmpcnt.ones.xlane vm0;
	v15 =	vsel vm2, $0x1, v1  }
0x1d3: {  	v42 =	vsel vm3, $0x1, v1;
	v44 =	vsel vm5, $0x1, v1;
	v46 =	vsel vm6, $0x1, v1  }
0x1d4: {  	v49 =	vsel vm7, $0x1, v1;
	v51 =	vsel vm8, $0x1, v1;
	(xrf0) =	vadd.scan.msk.s32 $0xffff, v15;
	v38 =	vmov s25;
	s3 =	sadd.s32 s3, s25  }
0x1d5: {  	(v2sf) =	vpush v45, $0x0;
	v13 =	vadd.s32 $0xFFFFFFFF, v38;
	v39 =	vmov s3;
	s3 =	sadd.s32 s6, s3;
	v16, _, _ =	vpop (xrf0)  }
0x1d6: {  	v13 =	vbroadcast v13, $0x0;
	v14 =	vadd.s32 $0xFFFFFFFF, v39;
	v41 =	vmov s3;
	s3 =	sadd.s32 s9, s3;
	v40, _, _ =	vpop (xrf0);
	(xrf0) =	vadd.scan.msk.s32 $0xffff, v42  }
0x1d7: {  	v14 =	vbroadcast v14, $0x0;
	v43 =	vadd.s32 $0xFFFFFFFF, v41;
	v47 =	vmov s3  }
0x1d8: {  	s3 =	sadd.s32 s19, s3;
	v13 =	vadd.s32 v16, v13;
	v12 =	vbroadcast v43, $0x0;
	v48 =	vadd.s32 $0xFFFFFFFF, v47  }
0x1d9: {  	v50 =	vmov s3;
	s3 =	sadd.s32 s24, s3;
	vm9 =	vlt.s32 v13, $0xBF;
	v14 =	vadd.s32 v40, v14;
	(xrf0) =	vadd.scan.msk.s32 $0xffff, v44  }
0x1da: {  	v17, _, _ =	vpop (xrf0);
	v15 =	vbroadcast v48, $0x0;
	v19 =	vmov s3;
	vm14 =	vlt.s32 v14, $0xBF;
	(xrf0) =	vadd.scan.msk.s32 $0xffff, v46  }
0x1db: {  	s3 =	sadd.s32 s5, s3;
	v13 =	vnsel vm9, $0xBF, v13;
	v12 =	vadd.s32 v17, v12;
	v17 =	vadd.s32 $0xFFFFFFFF, v50;
	(xrf0) =	vadd.scan.msk.s32 $0xffff, v49  }
0x1dc: {  	v53 =	vadd.s32 $0xFFFFFFFF, v19;
	v55 =	vmov s3;
	s3 =	sadd.s32 s29, s3;
	v14 =	vnsel vm14, $0xBF, v14;
	v18, _, _ =	vpop (xrf0);
	(xrf0) =	vadd.scan.msk.s32 $0xffff, v51  }
0x1dd: {  	vm15 =	vlt.s32 v12, $0xBF;
	v52 =	vbroadcast v17, $0x0;
	v57 =	vmov s3  }
0x1de: {  	v17 =	vbroadcast v53, $0x0;
	v56 =	vadd.s32 $0xFFFFFFFF, v55;
	v19 =	vadd.s32 $0xFFFFFFFF, v57  }
0x1df: {  	v12 =	vnsel vm15, $0xBF, v12;
	v19 =	vbroadcast v19, $0x0;
	v15 =	vadd.s32 v18, v15;
	v54, _, _ =	vpop (xrf0)  }
0x1e0: {  	v18 =	vbroadcast v56, $0x0;
	vm12 =	vlt.s32 v15, $0xBF;
	v20, _, _ =	vpop (xrf0);
	v16 =	vadd.s32 v54, v52  }
0x1e1: {  	[sflag:s17] =	ssyncset.s32 $0x0;
	v17 =	vadd.s32 v20, v17;
	v58, _, _ =	vpop (xrf0);
	v15 =	vnsel vm12, $0xBF, v15;
	vm13 =	vlt.s32 v16, $0xBF  }
0x1e2: {  	[sflag:s17] =	ssyncset.done $0x0;
	v16 =	vnsel vm13, $0xBF, v16;
	vm14 =	vlt.s32 v17, $0xBF;
	v18 =	vadd.s32 v58, v18;
	v59, _, _ =	vpop (xrf0)  }
0x1e3: {  	[tilespmem:v13+s22+$0x0] =	vst.idx.msk vm4, v11;
	v61 =	vnsel vm14, $0xBF, v17;
	vm15 =	vlt.s32 v18, $0xBF;
	v60 =	vadd.s32 v59, v19  }
0x1e4: {  	[tilespmem:v14+s22+$0x0] =	vst.idx.msk vm1, v10;
	s29 =	spop (v2sf);
	v62 =	vnsel vm15, $0xBF, v18;
	vm1 =	vlt.s32 v60, $0xBF  }
0x1e5: {  	[tilespmem:v12+s22+$0x0] =	vst.idx.msk vm2, v8;
	p0 =	sgt.s32 s29, $0x0;
	v63 =	vnsel vm1, $0xBF, v60  }
.Ltmp27:
0x1e6: {  	[tilespmem:v15+s22+$0x0] =	vst.idx.msk vm3, v4;
	(pc) =	sbr.rel @p0 .LBB2_20-.Ltmp27, $4  }
0x1e7: {  	[tilespmem:v16+s22+$0x0] =	vst.idx.msk vm5, v5  }
0x1e8: {  	[tilespmem:v61+s22+$0x0] =	vst.idx.msk vm6, v6  }
0x1e9: {  	[tilespmem:v62+s22+$0x0] =	vst.idx.msk vm7, v7  }
0x1ea: {  	[tilespmem:v63+s22+$0x0] =	vst.idx.msk vm8, v9  }
.Ltmp28:
0x1eb: {  	_ = 	snop;
	(pc) =	sbr.rel .LBB2_21-.Ltmp28, $1  }
0x1ec: {  	_ =	sdelay $0x3  }
.LBB2_22:
.Ltmp29:
0x1ed: {  	s26 =	sadd.s32 $0xA8000, s15;
	(pc) =	sbr.rel .LBB2_23-.Ltmp29, $4  }
0x1ee: {  	_ =	swait.ge [sflag:s23], $0x3800;
	s3 =	sor.u32 s0, s26  }
0x1ef: {  	[sflag:s23] =	ssyncset.done $0x0;
	s3 =	sshrl.u32 s3, $0x3  }
0x1f0: {  	s30 =	simm.s32 $0x0;
	[sflag:s23] =	ssyncadd.s32 $0xFFFFC800;
	s3 =	sadd.s32 s4, s3  }
0x1f1: {  	[tilespmem:s30], [sflag:$0x1] =	stream.strided.gather [hbm4b:s3+s13], $0x3800, s14, s13, $0x38;
	[tilespmem:$0x8800] =	vst v63  }
.LBB2_25:
0x1f2: {  	s30 =	sadd.s32 $0x1, s30  }
0x1f3: {  	p0 =	sne.s32 s30, $0x7  }
.Ltmp30:
0x1f4: {  	_ = 	snop;
	(pc) =	sbr.rel @!p0 .LBB2_26-.Ltmp30, $1  }
0x1f5: {  	_ =	sdelay $0x3  }
.LBB2_23:
0x1f6: {  	s16 =	sshll.u32 s30, $0x4  }
0x1f7: {  	s3 =	sadd.s32 $0x230, s16  }
0x1f8: {  	s5 =	sshll.u32 s3, $0x1  }
0x1f9: {  	s3 =	sand.u32 $0x70, s3;
	s5 =	sand.u32 $0x500, s5  }
0x1fa: {  	s3 =	sor.u32 s3, s5  }
0x1fb: {  	v4 =	vld [tilespmem:s3+$0x7000];
	_ =	sdelay $0x4  }
0x1fc: {  	vm0 =	vge.f32 v4, v3  }
0x1fd: {  	v4 =	vmpcnt.ones.xlane vm0;
	_ =	sdelay $0x1  }
0x1fe: {  	(v2sf) =	vpush v4, $0x0;
	_ =	sdelay $0xe  }
0x1ff: {  	s29 =	spop (v2sf)  }
0x200: {  	p0 =	slt.s32 s29, $0x1  }
.Ltmp31:
0x201: {  	_ = 	snop;
	(pc) =	sbr.rel @p0 .LBB2_25-.Ltmp31, $1  }
0x202: {  	_ =	sdelay $0x3  }
.LBB2_24:
0x203: {  	v12 =	vmctz.xlane vm0;
	_ =	sdelay $0x1  }
0x204: {  	(v2sf) =	vpush v12, $0x0;
	_ =	sdelay $0xe  }
0x205: {  	s3 =	spop (v2sf)  }
0x206: {  	s3 =	sadd.s32 s16, s3  }
0x207: {  	s3 =	sshll.u32 s3, $0x9  }
0x208: {  	s3 =	sshra.s32 s3, $0x2  }
0x209: {  	v11 =	vld [tilespmem:s3+$0x3800]  }
0x20a: {  	v10 =	vld [tilespmem:s3+$0x3810]  }
0x20b: {  	v8 =	vld [tilespmem:s3+$0x3820]  }
0x20c: {  	v4 =	vld [tilespmem:s3+$0x3830]  }
0x20d: {  	v5 =	vld [tilespmem:s3+$0x3840]  }
0x20e: {  	v6 =	vld [tilespmem:s3+$0x3850];
	vm4 =	vge.f32 v11, v3  }
0x20f: {  	v7 =	vld [tilespmem:s3+$0x3860];
	vm1 =	vge.f32 v10, v3;
	v13 =	vmpcnt.ones.xlane vm4  }
0x210: {  	v9 =	vld [tilespmem:s3+$0x3870];
	vm2 =	vge.f32 v8, v3;
	v14 =	vmpcnt.ones.xlane vm1  }
0x211: {  	vm3 =	vge.f32 v4, v3;
	v30 =	vmpcnt.ones.xlane vm2;
	(v2sf) =	vpush v13, $0x0  }
0x212: {  	vm5 =	vge.f32 v5, v3;
	v31 =	vmpcnt.ones.xlane vm3;
	(v2sf) =	vpush v14, $0x0  }
0x213: {  	vm6 =	vge.f32 v6, v3;
	v32 =	vmpcnt.ones.xlane vm5;
	(v2sf) =	vpush v30, $0x0  }
0x214: {  	vm7 =	vge.f32 v7, v3;
	v33 =	vmpcnt.ones.xlane vm6;
	(v2sf) =	vpush v31, $0x0  }
0x215: {  	vm8 =	vge.f32 v9, v3;
	v34 =	vmpcnt.ones.xlane vm7;
	(v2sf) =	vpush v32, $0x0  }
0x216: {  	v35 =	vmpcnt.ones.xlane vm8;
	(v2sf) =	vpush v33, $0x0  }
0x217: {  	(v2sf) =	vpush v34, $0x0  }
0x218: {  	(v2sf) =	vpush v35, $0x0;
	_ =	sdelay $0x7  }
0x219: {  	s6 =	spop (v2sf)  }
0x21a: {  	s9 =	spop (v2sf)  }
0x21b: {  	s12 =	spop (v2sf);
	s25 =	sadd.s32 s6, s9  }
0x21c: {  	s19 =	spop (v2sf);
	s3 =	sadd.s32 s12, s25  }
0x21d: {  	s24 =	spop (v2sf);
	s5 =	sadd.s32 s19, s3  }
0x21e: {  	s3 =	spop (v2sf);
	s25 =	sadd.s32 s24, s5  }
0x21f: {  	s5 =	spop (v2sf);
	s25 =	sadd.s32 s3, s25  }
0x220: {  	s29 =	spop (v2sf);
	s25 =	sadd.s32 s5, s25  }
0x221: {  	[sflag:s17] =	ssyncset.done $0x0;
	s25 =	sadd.s32 s29, s25  }
0x222: {  	[smem:s18], [sflag:$0x7] =	smem.add.s32 s25  }
0x223: {  	v12 =	vbroadcast v12, $0x0;
	v36 =	vsel vm4, $0x1, v1;
	_ =	swait.done [sflag:s17]  }
0x224: {  	v37 =	vsel vm1, $0x1, v1;
	(xrf0) =	vadd.scan.msk.s32 $0xffff, v36  }
0x225: {  	vm10 =	vne.s32 v12, v2;
	(xrf0) =	vadd.scan.msk.s32 $0xffff, v37  }
0x226: {  	vm0 =	vmand vm0, vm10;
	s29 =	ssyncread [sflag:$0x7]  }
0x227: {  	v45 =	vmpcnt.ones.xlane vm0;
	v15 =	vsel vm2, $0x1, v1  }
0x228: {  	v42 =	vsel vm3, $0x1, v1;
	v44 =	vsel vm5, $0x1, v1;
	v46 =	vsel vm6, $0x1, v1  }
0x229: {  	v49 =	vsel vm7, $0x1, v1;
	v51 =	vsel vm8, $0x1, v1;
	(xrf0) =	vadd.scan.msk.s32 $0xffff, v15;
	v38 =	vmov s29;
	s6 =	sadd.s32 s6, s29  }
0x22a: {  	(v2sf) =	vpush v45, $0x0;
	v13 =	vadd.s32 $0xFFFFFFFF, v38;
	v39 =	vmov s6;
	s6 =	sadd.s32 s9, s6;
	v16, _, _ =	vpop (xrf0)  }
0x22b: {  	v13 =	vbroadcast v13, $0x0;
	v14 =	vadd.s32 $0xFFFFFFFF, v39;
	v41 =	vmov s6;
	s6 =	sadd.s32 s12, s6;
	v40, _, _ =	vpop (xrf0);
	(xrf0) =	vadd.scan.msk.s32 $0xffff, v42  }
0x22c: {  	v14 =	vbroadcast v14, $0x0;
	v43 =	vadd.s32 $0xFFFFFFFF, v41;
	v47 =	vmov s6  }
0x22d: {  	s6 =	sadd.s32 s19, s6;
	v13 =	vadd.s32 v16, v13;
	v12 =	vbroadcast v43, $0x0;
	v48 =	vadd.s32 $0xFFFFFFFF, v47  }
0x22e: {  	v50 =	vmov s6;
	s6 =	sadd.s32 s24, s6;
	vm9 =	vlt.s32 v13, $0xBF;
	v14 =	vadd.s32 v40, v14;
	(xrf0) =	vadd.scan.msk.s32 $0xffff, v44  }
0x22f: {  	v17, _, _ =	vpop (xrf0);
	v15 =	vbroadcast v48, $0x0;
	v19 =	vmov s6;
	vm14 =	vlt.s32 v14, $0xBF;
	(xrf0) =	vadd.scan.msk.s32 $0xffff, v46  }
0x230: {  	s3 =	sadd.s32 s3, s6;
	v13 =	vnsel vm9, $0xBF, v13;
	v12 =	vadd.s32 v17, v12;
	v17 =	vadd.s32 $0xFFFFFFFF, v50;
	(xrf0) =	vadd.scan.msk.s32 $0xffff, v49  }
0x231: {  	v53 =	vadd.s32 $0xFFFFFFFF, v19;
	v55 =	vmov s3;
	s3 =	sadd.s32 s5, s3;
	v14 =	vnsel vm14, $0xBF, v14;
	v18, _, _ =	vpop (xrf0);
	(xrf0) =	vadd.scan.msk.s32 $0xffff, v51  }
0x232: {  	vm15 =	vlt.s32 v12, $0xBF;
	v52 =	vbroadcast v17, $0x0;
	v57 =	vmov s3  }
0x233: {  	v17 =	vbroadcast v53, $0x0;
	v56 =	vadd.s32 $0xFFFFFFFF, v55;
	v19 =	vadd.s32 $0xFFFFFFFF, v57  }
0x234: {  	v12 =	vnsel vm15, $0xBF, v12;
	v19 =	vbroadcast v19, $0x0;
	v15 =	vadd.s32 v18, v15;
	v54, _, _ =	vpop (xrf0)  }
0x235: {  	v18 =	vbroadcast v56, $0x0;
	vm12 =	vlt.s32 v15, $0xBF;
	v20, _, _ =	vpop (xrf0);
	v16 =	vadd.s32 v54, v52  }
0x236: {  	[sflag:s17] =	ssyncset.s32 $0x0;
	v17 =	vadd.s32 v20, v17;
	v58, _, _ =	vpop (xrf0);
	v15 =	vnsel vm12, $0xBF, v15;
	vm13 =	vlt.s32 v16, $0xBF  }
0x237: {  	[sflag:s17] =	ssyncset.done $0x0;
	v16 =	vnsel vm13, $0xBF, v16;
	vm14 =	vlt.s32 v17, $0xBF;
	v18 =	vadd.s32 v58, v18;
	v59, _, _ =	vpop (xrf0)  }
0x238: {  	[tilespmem:v13+s22+$0x0] =	vst.idx.msk vm4, v11;
	v61 =	vnsel vm14, $0xBF, v17;
	vm15 =	vlt.s32 v18, $0xBF;
	v60 =	vadd.s32 v59, v19  }
0x239: {  	[tilespmem:v14+s22+$0x0] =	vst.idx.msk vm1, v10;
	s29 =	spop (v2sf);
	v62 =	vnsel vm15, $0xBF, v18;
	vm1 =	vlt.s32 v60, $0xBF  }
0x23a: {  	[tilespmem:v12+s22+$0x0] =	vst.idx.msk vm2, v8;
	p0 =	sgt.s32 s29, $0x0;
	v63 =	vnsel vm1, $0xBF, v60  }
.Ltmp32:
0x23b: {  	[tilespmem:v15+s22+$0x0] =	vst.idx.msk vm3, v4;
	(pc) =	sbr.rel @p0 .LBB2_24-.Ltmp32, $4  }
0x23c: {  	[tilespmem:v16+s22+$0x0] =	vst.idx.msk vm5, v5  }
0x23d: {  	[tilespmem:v61+s22+$0x0] =	vst.idx.msk vm6, v6  }
0x23e: {  	[tilespmem:v62+s22+$0x0] =	vst.idx.msk vm7, v7  }
0x23f: {  	[tilespmem:v63+s22+$0x0] =	vst.idx.msk vm8, v9  }
.Ltmp33:
0x240: {  	_ = 	snop;
	(pc) =	sbr.rel .LBB2_25-.Ltmp33, $1  }
0x241: {  	_ =	sdelay $0x3  }
.LBB2_26:
.Ltmp34:
0x242: {  	s30 =	sor.u32 $0x80, s0;
	(pc) =	sbr.rel .LBB2_27-.Ltmp34, $4  }
0x243: {  	_ =	swait.ge [sflag:s20], $0x3800;
	s3 =	sor.u32 s30, s15  }
0x244: {  	[sflag:s20] =	ssyncset.done $0x0;
	s3 =	sshrl.u32 s3, $0x3  }
0x245: {  	s15 =	simm.s32 $0x0;
	[sflag:s20] =	ssyncadd.s32 $0xFFFFC800;
	s3 =	sadd.s32 s4, s3  }
0x246: {  	[tilespmem:s21], [sflag:$0x2] =	stream.strided.gather [hbm4b:s3+s13], $0x3800, s14, s13, $0x38;
	[tilespmem:$0x8800] =	vst v63  }
.LBB2_29:
0x247: {  	s15 =	sadd.s32 $0x1, s15  }
0x248: {  	p0 =	sne.s32 s15, $0x7  }
.Ltmp35:
0x249: {  	_ = 	snop;
	(pc) =	sbr.rel @!p0 .LBB2_30-.Ltmp35, $1  }
0x24a: {  	_ =	sdelay $0x3  }
.LBB2_27:
0x24b: {  	s16 =	sshll.u32 s15, $0x4  }
0x24c: {  	s3 =	sadd.s32 $0x2A0, s16  }
0x24d: {  	s5 =	sshll.u32 s3, $0x1  }
0x24e: {  	s3 =	sand.u32 $0x70, s3;
	s5 =	sand.u32 $0x700, s5  }
0x24f: {  	s3 =	sor.u32 s3, s5  }
0x250: {  	v4 =	vld [tilespmem:s3+$0x7000];
	_ =	sdelay $0x4  }
0x251: {  	vm0 =	vge.f32 v4, v3  }
0x252: {  	v4 =	vmpcnt.ones.xlane vm0;
	_ =	sdelay $0x1  }
0x253: {  	(v2sf) =	vpush v4, $0x0;
	_ =	sdelay $0xe  }
0x254: {  	s29 =	spop (v2sf)  }
0x255: {  	p0 =	slt.s32 s29, $0x1  }
.Ltmp36:
0x256: {  	_ = 	snop;
	(pc) =	sbr.rel @p0 .LBB2_29-.Ltmp36, $1  }
0x257: {  	_ =	sdelay $0x3  }
.LBB2_28:
0x258: {  	v12 =	vmctz.xlane vm0;
	_ =	sdelay $0x1  }
0x259: {  	(v2sf) =	vpush v12, $0x0;
	_ =	sdelay $0xe  }
0x25a: {  	s3 =	spop (v2sf)  }
0x25b: {  	s3 =	sadd.s32 s16, s3  }
0x25c: {  	s3 =	sshll.u32 s3, $0x9  }
0x25d: {  	s3 =	sshra.s32 s3, $0x2  }
0x25e: {  	v11 =	vld [tilespmem:s3+$0x0]  }
0x25f: {  	v10 =	vld [tilespmem:s3+$0x10]  }
0x260: {  	v8 =	vld [tilespmem:s3+$0x20]  }
0x261: {  	v4 =	vld [tilespmem:s3+$0x30]  }
0x262: {  	v5 =	vld [tilespmem:s3+$0x40]  }
0x263: {  	v6 =	vld [tilespmem:s3+$0x50];
	vm4 =	vge.f32 v11, v3  }
0x264: {  	v7 =	vld [tilespmem:s3+$0x60];
	vm1 =	vge.f32 v10, v3;
	v13 =	vmpcnt.ones.xlane vm4  }
0x265: {  	v9 =	vld [tilespmem:s3+$0x70];
	vm2 =	vge.f32 v8, v3;
	v14 =	vmpcnt.ones.xlane vm1  }
0x266: {  	vm3 =	vge.f32 v4, v3;
	v30 =	vmpcnt.ones.xlane vm2;
	(v2sf) =	vpush v13, $0x0  }
0x267: {  	vm5 =	vge.f32 v5, v3;
	v31 =	vmpcnt.ones.xlane vm3;
	(v2sf) =	vpush v14, $0x0  }
0x268: {  	vm6 =	vge.f32 v6, v3;
	v32 =	vmpcnt.ones.xlane vm5;
	(v2sf) =	vpush v30, $0x0  }
0x269: {  	vm7 =	vge.f32 v7, v3;
	v33 =	vmpcnt.ones.xlane vm6;
	(v2sf) =	vpush v31, $0x0  }
0x26a: {  	vm8 =	vge.f32 v9, v3;
	v34 =	vmpcnt.ones.xlane vm7;
	(v2sf) =	vpush v32, $0x0  }
0x26b: {  	v35 =	vmpcnt.ones.xlane vm8;
	(v2sf) =	vpush v33, $0x0  }
0x26c: {  	(v2sf) =	vpush v34, $0x0  }
0x26d: {  	(v2sf) =	vpush v35, $0x0;
	_ =	sdelay $0x7  }
0x26e: {  	s6 =	spop (v2sf)  }
0x26f: {  	s9 =	spop (v2sf)  }
0x270: {  	s12 =	spop (v2sf);
	s25 =	sadd.s32 s6, s9  }
0x271: {  	s19 =	spop (v2sf);
	s3 =	sadd.s32 s12, s25  }
0x272: {  	s24 =	spop (v2sf);
	s5 =	sadd.s32 s19, s3  }
0x273: {  	s3 =	spop (v2sf);
	s25 =	sadd.s32 s24, s5  }
0x274: {  	s5 =	spop (v2sf);
	s25 =	sadd.s32 s3, s25  }
0x275: {  	s29 =	spop (v2sf);
	s25 =	sadd.s32 s5, s25  }
0x276: {  	[sflag:s17] =	ssyncset.done $0x0;
	s25 =	sadd.s32 s29, s25  }
0x277: {  	[smem:s18], [sflag:$0x7] =	smem.add.s32 s25  }
0x278: {  	v12 =	vbroadcast v12, $0x0;
	v36 =	vsel vm4, $0x1, v1;
	_ =	swait.done [sflag:s17]  }
0x279: {  	v37 =	vsel vm1, $0x1, v1;
	(xrf0) =	vadd.scan.msk.s32 $0xffff, v36  }
0x27a: {  	vm10 =	vne.s32 v12, v2;
	(xrf0) =	vadd.scan.msk.s32 $0xffff, v37  }
0x27b: {  	vm0 =	vmand vm0, vm10;
	s29 =	ssyncread [sflag:$0x7]  }
0x27c: {  	v45 =	vmpcnt.ones.xlane vm0;
	v15 =	vsel vm2, $0x1, v1  }
0x27d: {  	v42 =	vsel vm3, $0x1, v1;
	v44 =	vsel vm5, $0x1, v1;
	v46 =	vsel vm6, $0x1, v1  }
0x27e: {  	v49 =	vsel vm7, $0x1, v1;
	v51 =	vsel vm8, $0x1, v1;
	(xrf0) =	vadd.scan.msk.s32 $0xffff, v15;
	v38 =	vmov s29;
	s6 =	sadd.s32 s6, s29  }
0x27f: {  	(v2sf) =	vpush v45, $0x0;
	v13 =	vadd.s32 $0xFFFFFFFF, v38;
	v39 =	vmov s6;
	s6 =	sadd.s32 s9, s6;
	v16, _, _ =	vpop (xrf0)  }
0x280: {  	v13 =	vbroadcast v13, $0x0;
	v14 =	vadd.s32 $0xFFFFFFFF, v39;
	v41 =	vmov s6;
	s6 =	sadd.s32 s12, s6;
	v40, _, _ =	vpop (xrf0);
	(xrf0) =	vadd.scan.msk.s32 $0xffff, v42  }
0x281: {  	v14 =	vbroadcast v14, $0x0;
	v43 =	vadd.s32 $0xFFFFFFFF, v41;
	v47 =	vmov s6  }
0x282: {  	s6 =	sadd.s32 s19, s6;
	v13 =	vadd.s32 v16, v13;
	v12 =	vbroadcast v43, $0x0;
	v48 =	vadd.s32 $0xFFFFFFFF, v47  }
0x283: {  	v50 =	vmov s6;
	s6 =	sadd.s32 s24, s6;
	vm9 =	vlt.s32 v13, $0xBF;
	v14 =	vadd.s32 v40, v14;
	(xrf0) =	vadd.scan.msk.s32 $0xffff, v44  }
0x284: {  	v17, _, _ =	vpop (xrf0);
	v15 =	vbroadcast v48, $0x0;
	v19 =	vmov s6;
	vm14 =	vlt.s32 v14, $0xBF;
	(xrf0) =	vadd.scan.msk.s32 $0xffff, v46  }
0x285: {  	s3 =	sadd.s32 s3, s6;
	v13 =	vnsel vm9, $0xBF, v13;
	v12 =	vadd.s32 v17, v12;
	v17 =	vadd.s32 $0xFFFFFFFF, v50;
	(xrf0) =	vadd.scan.msk.s32 $0xffff, v49  }
0x286: {  	v53 =	vadd.s32 $0xFFFFFFFF, v19;
	v55 =	vmov s3;
	s3 =	sadd.s32 s5, s3;
	v14 =	vnsel vm14, $0xBF, v14;
	v18, _, _ =	vpop (xrf0);
	(xrf0) =	vadd.scan.msk.s32 $0xffff, v51  }
0x287: {  	vm15 =	vlt.s32 v12, $0xBF;
	v52 =	vbroadcast v17, $0x0;
	v57 =	vmov s3  }
0x288: {  	v17 =	vbroadcast v53, $0x0;
	v56 =	vadd.s32 $0xFFFFFFFF, v55;
	v19 =	vadd.s32 $0xFFFFFFFF, v57  }
0x289: {  	v12 =	vnsel vm15, $0xBF, v12;
	v19 =	vbroadcast v19, $0x0;
	v15 =	vadd.s32 v18, v15;
	v54, _, _ =	vpop (xrf0)  }
0x28a: {  	v18 =	vbroadcast v56, $0x0;
	vm12 =	vlt.s32 v15, $0xBF;
	v20, _, _ =	vpop (xrf0);
	v16 =	vadd.s32 v54, v52  }
0x28b: {  	[sflag:s17] =	ssyncset.s32 $0x0;
	v17 =	vadd.s32 v20, v17;
	v58, _, _ =	vpop (xrf0);
	v15 =	vnsel vm12, $0xBF, v15;
	vm13 =	vlt.s32 v16, $0xBF  }
0x28c: {  	[sflag:s17] =	ssyncset.done $0x0;
	v16 =	vnsel vm13, $0xBF, v16;
	vm14 =	vlt.s32 v17, $0xBF;
	v18 =	vadd.s32 v58, v18;
	v59, _, _ =	vpop (xrf0)  }
0x28d: {  	[tilespmem:v13+s22+$0x0] =	vst.idx.msk vm4, v11;
	v61 =	vnsel vm14, $0xBF, v17;
	vm15 =	vlt.s32 v18, $0xBF;
	v60 =	vadd.s32 v59, v19  }
0x28e: {  	[tilespmem:v14+s22+$0x0] =	vst.idx.msk vm1, v10;
	s29 =	spop (v2sf);
	v62 =	vnsel vm15, $0xBF, v18;
	vm1 =	vlt.s32 v60, $0xBF  }
0x28f: {  	[tilespmem:v12+s22+$0x0] =	vst.idx.msk vm2, v8;
	p0 =	sgt.s32 s29, $0x0;
	v63 =	vnsel vm1, $0xBF, v60  }
.Ltmp37:
0x290: {  	[tilespmem:v15+s22+$0x0] =	vst.idx.msk vm3, v4;
	(pc) =	sbr.rel @p0 .LBB2_28-.Ltmp37, $4  }
0x291: {  	[tilespmem:v16+s22+$0x0] =	vst.idx.msk vm5, v5  }
0x292: {  	[tilespmem:v61+s22+$0x0] =	vst.idx.msk vm6, v6  }
0x293: {  	[tilespmem:v62+s22+$0x0] =	vst.idx.msk vm7, v7  }
0x294: {  	[tilespmem:v63+s22+$0x0] =	vst.idx.msk vm8, v9  }
.Ltmp38:
0x295: {  	_ = 	snop;
	(pc) =	sbr.rel .LBB2_29-.Ltmp38, $1  }
0x296: {  	_ =	sdelay $0x3  }
.LBB2_30:
0x297: {  	s31 =	sshll.u32 s31, $0xB  }
0x298: {  	s0 =	sor.u32 s0, s31  }
0x299: {  	s24 =	rddreg [dreg:$0x8];
	s0 =	sshrl.u32 s0, $0x3  }
0x29a: {  	s0 =	sadd.s32 s24, s0  }
0x29b: {  	[hbm4b:s0+s13] =	stream.strided.scatter [tilespmem:s22], [sflag:$0x7], $0x100, s14, s13, $0x38;
	[tilespmem:$0x8800] =	vst v63  }
0x29c: {  	_ =	swait.ge [sflag:s17], $0x100  }
0x29d: {  	[sflag:s17] =	ssyncset.done $0x0  }
0x29e: {  	s12 =	simm.s32 $0x5;
	[sflag:s17] =	ssyncadd.s32 $0xFFFFFF00  }
0x29f: {  	v3 =	vld [tilespmem:s1+$0x7780];
	[sflag:s12] =	ssyncset.done $0x0  }
0x2a0: {  	[smem:s18], [sflag:$0x5] =	smem.add.s32 $0x0  }
0x2a1: {  	_ =	swait.done [sflag:s12]  }
0x2a2: {  	s15 =	ssyncread [sflag:$0x5]  }
0x2a3: {  	[sflag:s12] =	ssyncset.s32 $0x0  }
0x2a4: {  	s16 =	simm.s32 $0x6;
	[sflag:s12] =	ssyncset.done $0x0  }
0x2a5: {  	[sflag:s16] =	ssyncset.done $0x0;
	s0 =	ssub.s32 $0x0, s15  }
0x2a6: {  	[smem:s18], [sflag:$0x6] =	smem.add.s32 s0  }
0x2a7: {  	_ =	swait.done [sflag:s16]  }
0x2a8: {  	[sflag:s16] =	ssyncset.s32 $0x0  }
0x2a9: {  	[sflag:s16] =	ssyncset.done $0x0  }
0x2aa: {  	[tilespmem:$0x8700] =	vst v0  }
0x2ab: {  	[tilespmem:$0x8710] =	vst v0  }
0x2ac: {  	[tilespmem:$0x8720] =	vst v0  }
0x2ad: {  	[tilespmem:$0x8730] =	vst v0  }
0x2ae: {  	[tilespmem:$0x8740] =	vst v0  }
0x2af: {  	[tilespmem:$0x8750] =	vst v0  }
0x2b0: {  	[tilespmem:$0x8760] =	vst v0  }
0x2b1: {  	[tilespmem:$0x8770] =	vst v0  }
0x2b2: {  	[tilespmem:$0x8780] =	vst v0  }
0x2b3: {  	[tilespmem:$0x8790] =	vst v0  }
0x2b4: {  	[tilespmem:$0x87A0] =	vst v0  }
.Ltmp39:
0x2b5: {  	[tilespmem:$0x87B0] =	vst v0;
	(pc) =	sbr.rel .LBB2_31-.Ltmp39, $4  }
0x2b6: {  	s19 =	sor.u32 s30, s11;
	_ =	swait.ge [sflag:s23], $0x3800  }
0x2b7: {  	s29 =	simm.s32 $0x3800;
	s0 =	sshrl.u32 s19, $0x3;
	[sflag:s23] =	ssyncset.done $0x0  }
0x2b8: {  	s25 =	sadd.s32 s4, s0;
	s0 =	simm.s32 $0x0;
	[sflag:s23] =	ssyncadd.s32 $0xFFFFC800  }
0x2b9: {  	[tilespmem:s0], [sflag:$0x1] =	stream.strided.gather [hbm4b:s25+s13], $0x3800, s14, s13, $0x38;
	[tilespmem:$0x8800] =	vst v63  }
.LBB2_33:
0x2ba: {  	s0 =	sadd.s32 $0x1, s0  }
0x2bb: {  	p0 =	sne.s32 s0, $0x7  }
.Ltmp40:
0x2bc: {  	_ = 	snop;
	(pc) =	sbr.rel @!p0 .LBB2_34-.Ltmp40, $1  }
0x2bd: {  	_ =	sdelay $0x3  }
.LBB2_31:
0x2be: {  	s1 =	sshll.u32 s0, $0x4  }
0x2bf: {  	v4 =	vld [tilespmem:s1+$0x7080];
	_ =	sdelay $0x4  }
0x2c0: {  	vm0 =	vge.f32 v4, v3  }
0x2c1: {  	v4 =	vmpcnt.ones.xlane vm0;
	_ =	sdelay $0x1  }
0x2c2: {  	(v2sf) =	vpush v4, $0x0;
	_ =	sdelay $0xe  }
0x2c3: {  	s3 =	spop (v2sf)  }
0x2c4: {  	p0 =	slt.s32 s3, $0x1  }
.Ltmp41:
0x2c5: {  	_ = 	snop;
	(pc) =	sbr.rel @p0 .LBB2_33-.Ltmp41, $1  }
0x2c6: {  	_ =	sdelay $0x3  }
.LBB2_32:
0x2c7: {  	v12 =	vmctz.xlane vm0;
	_ =	sdelay $0x1  }
0x2c8: {  	(v2sf) =	vpush v12, $0x0;
	_ =	sdelay $0xe  }
0x2c9: {  	s3 =	spop (v2sf)  }
0x2ca: {  	s3 =	sadd.s32 s1, s3  }
0x2cb: {  	s3 =	sshll.u32 s3, $0x9  }
0x2cc: {  	s3 =	sshra.s32 s3, $0x2  }
0x2cd: {  	v11 =	vld [tilespmem:s3+$0x3800]  }
0x2ce: {  	v10 =	vld [tilespmem:s3+$0x3810]  }
0x2cf: {  	v8 =	vld [tilespmem:s3+$0x3820]  }
0x2d0: {  	v4 =	vld [tilespmem:s3+$0x3830]  }
0x2d1: {  	v5 =	vld [tilespmem:s3+$0x3840]  }
0x2d2: {  	v6 =	vld [tilespmem:s3+$0x3850];
	vm4 =	vge.f32 v11, v3  }
0x2d3: {  	v7 =	vld [tilespmem:s3+$0x3860];
	vm1 =	vge.f32 v10, v3;
	v13 =	vmpcnt.ones.xlane vm4  }
0x2d4: {  	v9 =	vld [tilespmem:s3+$0x3870];
	vm2 =	vge.f32 v8, v3;
	v14 =	vmpcnt.ones.xlane vm1  }
0x2d5: {  	vm3 =	vge.f32 v4, v3;
	v30 =	vmpcnt.ones.xlane vm2;
	(v2sf) =	vpush v13, $0x0  }
0x2d6: {  	vm5 =	vge.f32 v5, v3;
	v31 =	vmpcnt.ones.xlane vm3;
	(v2sf) =	vpush v14, $0x0  }
0x2d7: {  	vm6 =	vge.f32 v6, v3;
	v32 =	vmpcnt.ones.xlane vm5;
	(v2sf) =	vpush v30, $0x0  }
0x2d8: {  	vm7 =	vge.f32 v7, v3;
	v33 =	vmpcnt.ones.xlane vm6;
	(v2sf) =	vpush v31, $0x0  }
0x2d9: {  	vm8 =	vge.f32 v9, v3;
	v34 =	vmpcnt.ones.xlane vm7;
	(v2sf) =	vpush v32, $0x0  }
0x2da: {  	v35 =	vmpcnt.ones.xlane vm8;
	(v2sf) =	vpush v33, $0x0  }
0x2db: {  	(v2sf) =	vpush v34, $0x0  }
0x2dc: {  	(v2sf) =	vpush v35, $0x0;
	_ =	sdelay $0x7  }
0x2dd: {  	s6 =	spop (v2sf)  }
0x2de: {  	s9 =	spop (v2sf)  }
0x2df: {  	s11 =	spop (v2sf);
	s19 =	sadd.s32 s6, s9  }
0x2e0: {  	s12 =	spop (v2sf);
	s3 =	sadd.s32 s11, s19  }
0x2e1: {  	s15 =	spop (v2sf);
	s5 =	sadd.s32 s12, s3  }
0x2e2: {  	s3 =	spop (v2sf);
	s16 =	sadd.s32 s15, s5  }
0x2e3: {  	s25 =	spop (v2sf);
	s16 =	sadd.s32 s3, s16  }
0x2e4: {  	s19 =	spop (v2sf);
	s16 =	sadd.s32 s25, s16  }
0x2e5: {  	[sflag:s17] =	ssyncset.done $0x0;
	s16 =	sadd.s32 s19, s16  }
0x2e6: {  	[smem:s18], [sflag:$0x7] =	smem.add.s32 s16  }
0x2e7: {  	v12 =	vbroadcast v12, $0x0;
	v36 =	vsel vm4, $0x1, v1;
	_ =	swait.done [sflag:s17]  }
0x2e8: {  	v37 =	vsel vm1, $0x1, v1;
	(xrf0) =	vadd.scan.msk.s32 $0xffff, v36  }
0x2e9: {  	vm10 =	vne.s32 v12, v2;
	(xrf0) =	vadd.scan.msk.s32 $0xffff, v37  }
0x2ea: {  	vm0 =	vmand vm0, vm10;
	s19 =	ssyncread [sflag:$0x7]  }
0x2eb: {  	v45 =	vmpcnt.ones.xlane vm0;
	v15 =	vsel vm2, $0x1, v1  }
0x2ec: {  	v42 =	vsel vm3, $0x1, v1;
	v44 =	vsel vm5, $0x1, v1;
	v46 =	vsel vm6, $0x1, v1  }
0x2ed: {  	v49 =	vsel vm7, $0x1, v1;
	v51 =	vsel vm8, $0x1, v1;
	(xrf0) =	vadd.scan.msk.s32 $0xffff, v15;
	v38 =	vmov s19;
	s6 =	sadd.s32 s6, s19  }
0x2ee: {  	(v2sf) =	vpush v45, $0x0;
	v13 =	vadd.s32 $0xFFFFFFFF, v38;
	v39 =	vmov s6;
	s6 =	sadd.s32 s9, s6;
	v16, _, _ =	vpop (xrf0)  }
0x2ef: {  	v13 =	vbroadcast v13, $0x0;
	v14 =	vadd.s32 $0xFFFFFFFF, v39;
	v41 =	vmov s6;
	s6 =	sadd.s32 s11, s6;
	v40, _, _ =	vpop (xrf0);
	(xrf0) =	vadd.scan.msk.s32 $0xffff, v42  }
0x2f0: {  	v14 =	vbroadcast v14, $0x0;
	v43 =	vadd.s32 $0xFFFFFFFF, v41;
	v47 =	vmov s6  }
0x2f1: {  	s6 =	sadd.s32 s12, s6;
	v13 =	vadd.s32 v16, v13;
	v12 =	vbroadcast v43, $0x0;
	v48 =	vadd.s32 $0xFFFFFFFF, v47  }
0x2f2: {  	v50 =	vmov s6;
	s6 =	sadd.s32 s15, s6;
	vm9 =	vlt.s32 v13, $0xBF;
	v14 =	vadd.s32 v40, v14;
	(xrf0) =	vadd.scan.msk.s32 $0xffff, v44  }
0x2f3: {  	v17, _, _ =	vpop (xrf0);
	v15 =	vbroadcast v48, $0x0;
	v19 =	vmov s6;
	vm14 =	vlt.s32 v14, $0xBF;
	(xrf0) =	vadd.scan.msk.s32 $0xffff, v46  }
0x2f4: {  	s3 =	sadd.s32 s3, s6;
	v13 =	vnsel vm9, $0xBF, v13;
	v12 =	vadd.s32 v17, v12;
	v17 =	vadd.s32 $0xFFFFFFFF, v50;
	(xrf0) =	vadd.scan.msk.s32 $0xffff, v49  }
0x2f5: {  	v53 =	vadd.s32 $0xFFFFFFFF, v19;
	v55 =	vmov s3;
	s3 =	sadd.s32 s25, s3;
	v14 =	vnsel vm14, $0xBF, v14;
	v18, _, _ =	vpop (xrf0);
	(xrf0) =	vadd.scan.msk.s32 $0xffff, v51  }
0x2f6: {  	vm15 =	vlt.s32 v12, $0xBF;
	v52 =	vbroadcast v17, $0x0;
	v57 =	vmov s3  }
0x2f7: {  	v17 =	vbroadcast v53, $0x0;
	v56 =	vadd.s32 $0xFFFFFFFF, v55;
	v19 =	vadd.s32 $0xFFFFFFFF, v57  }
0x2f8: {  	v12 =	vnsel vm15, $0xBF, v12;
	v19 =	vbroadcast v19, $0x0;
	v15 =	vadd.s32 v18, v15;
	v54, _, _ =	vpop (xrf0)  }
0x2f9: {  	v18 =	vbroadcast v56, $0x0;
	vm12 =	vlt.s32 v15, $0xBF;
	v20, _, _ =	vpop (xrf0);
	v16 =	vadd.s32 v54, v52  }
0x2fa: {  	[sflag:s17] =	ssyncset.s32 $0x0;
	v17 =	vadd.s32 v20, v17;
	v58, _, _ =	vpop (xrf0);
	v15 =	vnsel vm12, $0xBF, v15;
	vm13 =	vlt.s32 v16, $0xBF  }
0x2fb: {  	[sflag:s17] =	ssyncset.done $0x0;
	v16 =	vnsel vm13, $0xBF, v16;
	vm14 =	vlt.s32 v17, $0xBF;
	v18 =	vadd.s32 v58, v18;
	v59, _, _ =	vpop (xrf0)  }
0x2fc: {  	[tilespmem:v13+s22+$0x0] =	vst.idx.msk vm4, v11;
	v61 =	vnsel vm14, $0xBF, v17;
	vm15 =	vlt.s32 v18, $0xBF;
	v60 =	vadd.s32 v59, v19  }
0x2fd: {  	[tilespmem:v14+s22+$0x0] =	vst.idx.msk vm1, v10;
	s25 =	spop (v2sf);
	v62 =	vnsel vm15, $0xBF, v18;
	vm1 =	vlt.s32 v60, $0xBF  }
0x2fe: {  	[tilespmem:v12+s22+$0x0] =	vst.idx.msk vm2, v8;
	p0 =	sgt.s32 s25, $0x0;
	v63 =	vnsel vm1, $0xBF, v60  }
.Ltmp42:
0x2ff: {  	[tilespmem:v15+s22+$0x0] =	vst.idx.msk vm3, v4;
	(pc) =	sbr.rel @p0 .LBB2_32-.Ltmp42, $4  }
0x300: {  	[tilespmem:v16+s22+$0x0] =	vst.idx.msk vm5, v5  }
0x301: {  	[tilespmem:v61+s22+$0x0] =	vst.idx.msk vm6, v6  }
0x302: {  	[tilespmem:v62+s22+$0x0] =	vst.idx.msk vm7, v7  }
0x303: {  	[tilespmem:v63+s22+$0x0] =	vst.idx.msk vm8, v9  }
.Ltmp43:
0x304: {  	_ = 	snop;
	(pc) =	sbr.rel .LBB2_33-.Ltmp43, $1  }
0x305: {  	_ =	sdelay $0x3  }
.LBB2_34:
.Ltmp44:
0x306: {  	_ =	swait.ge [sflag:s20], $0x3800;
	s0 =	sor.u32 s30, s2;
	(pc) =	sbr.rel .LBB2_35-.Ltmp44, $4  }
0x307: {  	[sflag:s20] =	ssyncset.done $0x0;
	s0 =	sshrl.u32 s0, $0x3  }
0x308: {  	[sflag:s20] =	ssyncadd.s32 $0xFFFFC800;
	s0 =	sadd.s32 s4, s0  }
0x309: {  	[tilespmem:s29], [sflag:$0x2] =	stream.strided.gather [hbm4b:s0+s13], $0x3800, s14, s13, $0x38;
	[tilespmem:$0x8800] =	vst v63  }
0x30a: {  	s0 =	simm.s32 $0x0  }
.LBB2_37:
0x30b: {  	s0 =	sadd.s32 $0x1, s0  }
0x30c: {  	p0 =	sne.s32 s0, $0x7  }
.Ltmp45:
0x30d: {  	_ = 	snop;
	(pc) =	sbr.rel @!p0 .LBB2_38-.Ltmp45, $1  }
0x30e: {  	_ =	sdelay $0x3  }
.LBB2_35:
0x30f: {  	s1 =	sshll.u32 s0, $0x4  }
0x310: {  	s2 =	sadd.s32 $0x70, s1  }
0x311: {  	s3 =	sshll.u32 s2, $0x1  }
0x312: {  	s2 =	sand.u32 $0x70, s2;
	s3 =	sand.u32 $0x100, s3  }
0x313: {  	s2 =	sor.u32 s2, s3  }
0x314: {  	v4 =	vld [tilespmem:s2+$0x7080];
	_ =	sdelay $0x4  }
0x315: {  	vm0 =	vge.f32 v4, v3  }
0x316: {  	v4 =	vmpcnt.ones.xlane vm0;
	_ =	sdelay $0x1  }
0x317: {  	(v2sf) =	vpush v4, $0x0;
	_ =	sdelay $0xe  }
0x318: {  	s25 =	spop (v2sf)  }
0x319: {  	p0 =	slt.s32 s25, $0x1  }
.Ltmp46:
0x31a: {  	_ = 	snop;
	(pc) =	sbr.rel @p0 .LBB2_37-.Ltmp46, $1  }
0x31b: {  	_ =	sdelay $0x3  }
.LBB2_36:
0x31c: {  	v12 =	vmctz.xlane vm0;
	_ =	sdelay $0x1  }
0x31d: {  	(v2sf) =	vpush v12, $0x0;
	_ =	sdelay $0xe  }
0x31e: {  	s2 =	spop (v2sf)  }
0x31f: {  	s2 =	sadd.s32 s1, s2  }
0x320: {  	s2 =	sshll.u32 s2, $0x9  }
0x321: {  	s2 =	sshra.s32 s2, $0x2  }
0x322: {  	v11 =	vld [tilespmem:s2+$0x0]  }
0x323: {  	v10 =	vld [tilespmem:s2+$0x10]  }
0x324: {  	v8 =	vld [tilespmem:s2+$0x20]  }
0x325: {  	v4 =	vld [tilespmem:s2+$0x30]  }
0x326: {  	v5 =	vld [tilespmem:s2+$0x40]  }
0x327: {  	v6 =	vld [tilespmem:s2+$0x50];
	vm4 =	vge.f32 v11, v3  }
0x328: {  	v7 =	vld [tilespmem:s2+$0x60];
	vm1 =	vge.f32 v10, v3;
	v13 =	vmpcnt.ones.xlane vm4  }
0x329: {  	v9 =	vld [tilespmem:s2+$0x70];
	vm2 =	vge.f32 v8, v3;
	v14 =	vmpcnt.ones.xlane vm1  }
0x32a: {  	vm3 =	vge.f32 v4, v3;
	v30 =	vmpcnt.ones.xlane vm2;
	(v2sf) =	vpush v13, $0x0  }
0x32b: {  	vm5 =	vge.f32 v5, v3;
	v31 =	vmpcnt.ones.xlane vm3;
	(v2sf) =	vpush v14, $0x0  }
0x32c: {  	vm6 =	vge.f32 v6, v3;
	v32 =	vmpcnt.ones.xlane vm5;
	(v2sf) =	vpush v30, $0x0  }
0x32d: {  	vm7 =	vge.f32 v7, v3;
	v33 =	vmpcnt.ones.xlane vm6;
	(v2sf) =	vpush v31, $0x0  }
0x32e: {  	vm8 =	vge.f32 v9, v3;
	v34 =	vmpcnt.ones.xlane vm7;
	(v2sf) =	vpush v32, $0x0  }
0x32f: {  	v35 =	vmpcnt.ones.xlane vm8;
	(v2sf) =	vpush v33, $0x0  }
0x330: {  	(v2sf) =	vpush v34, $0x0  }
0x331: {  	(v2sf) =	vpush v35, $0x0;
	_ =	sdelay $0x7  }
0x332: {  	s5 =	spop (v2sf)  }
0x333: {  	s6 =	spop (v2sf)  }
0x334: {  	s9 =	spop (v2sf);
	s19 =	sadd.s32 s5, s6  }
0x335: {  	s11 =	spop (v2sf);
	s2 =	sadd.s32 s9, s19  }
0x336: {  	s12 =	spop (v2sf);
	s2 =	sadd.s32 s11, s2  }
0x337: {  	s3 =	spop (v2sf);
	s15 =	sadd.s32 s12, s2  }
0x338: {  	s25 =	spop (v2sf);
	s15 =	sadd.s32 s3, s15  }
0x339: {  	s16 =	spop (v2sf);
	s15 =	sadd.s32 s25, s15  }
0x33a: {  	[sflag:s17] =	ssyncset.done $0x0;
	s15 =	sadd.s32 s16, s15  }
0x33b: {  	[smem:s18], [sflag:$0x7] =	smem.add.s32 s15  }
0x33c: {  	v12 =	vbroadcast v12, $0x0;
	v36 =	vsel vm4, $0x1, v1;
	_ =	swait.done [sflag:s17]  }
0x33d: {  	v37 =	vsel vm1, $0x1, v1;
	(xrf0) =	vadd.scan.msk.s32 $0xffff, v36  }
0x33e: {  	vm10 =	vne.s32 v12, v2;
	(xrf0) =	vadd.scan.msk.s32 $0xffff, v37  }
0x33f: {  	vm0 =	vmand vm0, vm10;
	s19 =	ssyncread [sflag:$0x7]  }
0x340: {  	v45 =	vmpcnt.ones.xlane vm0;
	v15 =	vsel vm2, $0x1, v1  }
0x341: {  	v42 =	vsel vm3, $0x1, v1;
	v44 =	vsel vm5, $0x1, v1;
	v46 =	vsel vm6, $0x1, v1  }
0x342: {  	v49 =	vsel vm7, $0x1, v1;
	v51 =	vsel vm8, $0x1, v1;
	(xrf0) =	vadd.scan.msk.s32 $0xffff, v15;
	v38 =	vmov s19;
	s5 =	sadd.s32 s5, s19  }
0x343: {  	(v2sf) =	vpush v45, $0x0;
	v13 =	vadd.s32 $0xFFFFFFFF, v38;
	v39 =	vmov s5;
	s5 =	sadd.s32 s6, s5;
	v16, _, _ =	vpop (xrf0)  }
0x344: {  	v13 =	vbroadcast v13, $0x0;
	v14 =	vadd.s32 $0xFFFFFFFF, v39;
	v41 =	vmov s5;
	s5 =	sadd.s32 s9, s5;
	v40, _, _ =	vpop (xrf0);
	(xrf0) =	vadd.scan.msk.s32 $0xffff, v42  }
0x345: {  	v14 =	vbroadcast v14, $0x0;
	v43 =	vadd.s32 $0xFFFFFFFF, v41;
	v47 =	vmov s5  }
0x346: {  	s5 =	sadd.s32 s11, s5;
	v13 =	vadd.s32 v16, v13;
	v12 =	vbroadcast v43, $0x0;
	v48 =	vadd.s32 $0xFFFFFFFF, v47  }
0x347: {  	v50 =	vmov s5;
	s5 =	sadd.s32 s12, s5;
	vm9 =	vlt.s32 v13, $0xBF;
	v14 =	vadd.s32 v40, v14;
	(xrf0) =	vadd.scan.msk.s32 $0xffff, v44  }
0x348: {  	v17, _, _ =	vpop (xrf0);
	v15 =	vbroadcast v48, $0x0;
	v19 =	vmov s5;
	vm14 =	vlt.s32 v14, $0xBF;
	(xrf0) =	vadd.scan.msk.s32 $0xffff, v46  }
0x349: {  	s3 =	sadd.s32 s3, s5;
	v13 =	vnsel vm9, $0xBF, v13;
	v12 =	vadd.s32 v17, v12;
	v17 =	vadd.s32 $0xFFFFFFFF, v50;
	(xrf0) =	vadd.scan.msk.s32 $0xffff, v49  }
0x34a: {  	v53 =	vadd.s32 $0xFFFFFFFF, v19;
	v55 =	vmov s3;
	s2 =	sadd.s32 s25, s3;
	v14 =	vnsel vm14, $0xBF, v14;
	v18, _, _ =	vpop (xrf0);
	(xrf0) =	vadd.scan.msk.s32 $0xffff, v51  }
0x34b: {  	vm15 =	vlt.s32 v12, $0xBF;
	v52 =	vbroadcast v17, $0x0;
	v57 =	vmov s2  }
0x34c: {  	v17 =	vbroadcast v53, $0x0;
	v56 =	vadd.s32 $0xFFFFFFFF, v55;
	v19 =	vadd.s32 $0xFFFFFFFF, v57  }
0x34d: {  	v12 =	vnsel vm15, $0xBF, v12;
	v19 =	vbroadcast v19, $0x0;
	v15 =	vadd.s32 v18, v15;
	v54, _, _ =	vpop (xrf0)  }
0x34e: {  	v18 =	vbroadcast v56, $0x0;
	vm12 =	vlt.s32 v15, $0xBF;
	v20, _, _ =	vpop (xrf0);
	v16 =	vadd.s32 v54, v52  }
0x34f: {  	[sflag:s17] =	ssyncset.s32 $0x0;
	v17 =	vadd.s32 v20, v17;
	v58, _, _ =	vpop (xrf0);
	v15 =	vnsel vm12, $0xBF, v15;
	vm13 =	vlt.s32 v16, $0xBF  }
0x350: {  	[sflag:s17] =	ssyncset.done $0x0;
	v16 =	vnsel vm13, $0xBF, v16;
	vm14 =	vlt.s32 v17, $0xBF;
	v18 =	vadd.s32 v58, v18;
	v59, _, _ =	vpop (xrf0)  }
0x351: {  	[tilespmem:v13+s22+$0x0] =	vst.idx.msk vm4, v11;
	v61 =	vnsel vm14, $0xBF, v17;
	vm15 =	vlt.s32 v18, $0xBF;
	v60 =	vadd.s32 v59, v19  }
0x352: {  	[tilespmem:v14+s22+$0x0] =	vst.idx.msk vm1, v10;
	s25 =	spop (v2sf);
	v62 =	vnsel vm15, $0xBF, v18;
	vm1 =	vlt.s32 v60, $0xBF  }
0x353: {  	[tilespmem:v12+s22+$0x0] =	vst.idx.msk vm2, v8;
	p0 =	sgt.s32 s25, $0x0;
	v63 =	vnsel vm1, $0xBF, v60  }
.Ltmp47:
0x354: {  	[tilespmem:v15+s22+$0x0] =	vst.idx.msk vm3, v4;
	(pc) =	sbr.rel @p0 .LBB2_36-.Ltmp47, $4  }
0x355: {  	[tilespmem:v16+s22+$0x0] =	vst.idx.msk vm5, v5  }
0x356: {  	[tilespmem:v61+s22+$0x0] =	vst.idx.msk vm6, v6  }
0x357: {  	[tilespmem:v62+s22+$0x0] =	vst.idx.msk vm7, v7  }
0x358: {  	[tilespmem:v63+s22+$0x0] =	vst.idx.msk vm8, v9  }
.Ltmp48:
0x359: {  	_ = 	snop;
	(pc) =	sbr.rel .LBB2_37-.Ltmp48, $1  }
0x35a: {  	_ =	sdelay $0x3  }
.LBB2_38:
.Ltmp49:
0x35b: {  	(pc) =	sbr.rel .LBB2_39-.Ltmp49, $4  }
0x35c: {  	_ =	swait.ge [sflag:s23], $0x3800;
	s0 =	sor.u32 s30, s7  }
0x35d: {  	[sflag:s23] =	ssyncset.done $0x0;
	s0 =	sshrl.u32 s0, $0x3  }
0x35e: {  	[sflag:s23] =	ssyncadd.s32 $0xFFFFC800;
	s1 =	sadd.s32 s4, s0;
	s0 =	simm.s32 $0x0  }
0x35f: {  	[tilespmem:s0], [sflag:$0x1] =	stream.strided.gather [hbm4b:s1+s13], $0x3800, s14, s13, $0x38;
	[tilespmem:$0x8800] =	vst v63  }
.LBB2_41:
0x360: {  	s0 =	sadd.s32 $0x1, s0  }
0x361: {  	p0 =	sne.s32 s0, $0x7  }
.Ltmp50:
0x362: {  	_ = 	snop;
	(pc) =	sbr.rel @!p0 .LBB2_42-.Ltmp50, $1  }
0x363: {  	_ =	sdelay $0x3  }
.LBB2_39:
0x364: {  	s1 =	sshll.u32 s0, $0x4  }
0x365: {  	s2 =	sadd.s32 $0xE0, s1  }
0x366: {  	s3 =	sshll.u32 s2, $0x1  }
0x367: {  	s2 =	sand.u32 $0x70, s2;
	s3 =	sand.u32 $0x300, s3  }
0x368: {  	s2 =	sor.u32 s2, s3  }
0x369: {  	v4 =	vld [tilespmem:s2+$0x7080];
	_ =	sdelay $0x4  }
0x36a: {  	vm0 =	vge.f32 v4, v3  }
0x36b: {  	v4 =	vmpcnt.ones.xlane vm0;
	_ =	sdelay $0x1  }
0x36c: {  	(v2sf) =	vpush v4, $0x0;
	_ =	sdelay $0xe  }
0x36d: {  	s25 =	spop (v2sf)  }
0x36e: {  	p0 =	slt.s32 s25, $0x1  }
.Ltmp51:
0x36f: {  	_ = 	snop;
	(pc) =	sbr.rel @p0 .LBB2_41-.Ltmp51, $1  }
0x370: {  	_ =	sdelay $0x3  }
.LBB2_40:
0x371: {  	v12 =	vmctz.xlane vm0;
	_ =	sdelay $0x1  }
0x372: {  	(v2sf) =	vpush v12, $0x0;
	_ =	sdelay $0xe  }
0x373: {  	s2 =	spop (v2sf)  }
0x374: {  	s2 =	sadd.s32 s1, s2  }
0x375: {  	s2 =	sshll.u32 s2, $0x9  }
0x376: {  	s2 =	sshra.s32 s2, $0x2  }
0x377: {  	v11 =	vld [tilespmem:s2+$0x3800]  }
0x378: {  	v10 =	vld [tilespmem:s2+$0x3810]  }
0x379: {  	v8 =	vld [tilespmem:s2+$0x3820]  }
0x37a: {  	v4 =	vld [tilespmem:s2+$0x3830]  }
0x37b: {  	v5 =	vld [tilespmem:s2+$0x3840]  }
0x37c: {  	v6 =	vld [tilespmem:s2+$0x3850];
	vm4 =	vge.f32 v11, v3  }
0x37d: {  	v7 =	vld [tilespmem:s2+$0x3860];
	vm1 =	vge.f32 v10, v3;
	v13 =	vmpcnt.ones.xlane vm4  }
0x37e: {  	v9 =	vld [tilespmem:s2+$0x3870];
	vm2 =	vge.f32 v8, v3;
	v14 =	vmpcnt.ones.xlane vm1  }
0x37f: {  	vm3 =	vge.f32 v4, v3;
	v30 =	vmpcnt.ones.xlane vm2;
	(v2sf) =	vpush v13, $0x0  }
0x380: {  	vm5 =	vge.f32 v5, v3;
	v31 =	vmpcnt.ones.xlane vm3;
	(v2sf) =	vpush v14, $0x0  }
0x381: {  	vm6 =	vge.f32 v6, v3;
	v32 =	vmpcnt.ones.xlane vm5;
	(v2sf) =	vpush v30, $0x0  }
0x382: {  	vm7 =	vge.f32 v7, v3;
	v33 =	vmpcnt.ones.xlane vm6;
	(v2sf) =	vpush v31, $0x0  }
0x383: {  	vm8 =	vge.f32 v9, v3;
	v34 =	vmpcnt.ones.xlane vm7;
	(v2sf) =	vpush v32, $0x0  }
0x384: {  	v35 =	vmpcnt.ones.xlane vm8;
	(v2sf) =	vpush v33, $0x0  }
0x385: {  	(v2sf) =	vpush v34, $0x0  }
0x386: {  	(v2sf) =	vpush v35, $0x0;
	_ =	sdelay $0x7  }
0x387: {  	s5 =	spop (v2sf)  }
0x388: {  	s6 =	spop (v2sf)  }
0x389: {  	s7 =	spop (v2sf);
	s15 =	sadd.s32 s5, s6  }
0x38a: {  	s9 =	spop (v2sf);
	s2 =	sadd.s32 s7, s15  }
0x38b: {  	s11 =	spop (v2sf);
	s2 =	sadd.s32 s9, s2  }
0x38c: {  	s3 =	spop (v2sf);
	s12 =	sadd.s32 s11, s2  }
0x38d: {  	s16 =	spop (v2sf);
	s12 =	sadd.s32 s3, s12  }
0x38e: {  	s15 =	spop (v2sf);
	s12 =	sadd.s32 s16, s12  }
0x38f: {  	[sflag:s17] =	ssyncset.done $0x0;
	s12 =	sadd.s32 s15, s12  }
0x390: {  	[smem:s18], [sflag:$0x7] =	smem.add.s32 s12  }
0x391: {  	v12 =	vbroadcast v12, $0x0;
	v36 =	vsel vm4, $0x1, v1;
	_ =	swait.done [sflag:s17]  }
0x392: {  	v37 =	vsel vm1, $0x1, v1;
	(xrf0) =	vadd.scan.msk.s32 $0xffff, v36  }
0x393: {  	vm10 =	vne.s32 v12, v2;
	(xrf0) =	vadd.scan.msk.s32 $0xffff, v37  }
0x394: {  	vm0 =	vmand vm0, vm10;
	s19 =	ssyncread [sflag:$0x7]  }
0x395: {  	v45 =	vmpcnt.ones.xlane vm0;
	v15 =	vsel vm2, $0x1, v1  }
0x396: {  	v42 =	vsel vm3, $0x1, v1;
	v44 =	vsel vm5, $0x1, v1;
	v46 =	vsel vm6, $0x1, v1  }
0x397: {  	v49 =	vsel vm7, $0x1, v1;
	v51 =	vsel vm8, $0x1, v1;
	(xrf0) =	vadd.scan.msk.s32 $0xffff, v15;
	v38 =	vmov s19;
	s5 =	sadd.s32 s5, s19  }
0x398: {  	(v2sf) =	vpush v45, $0x0;
	v13 =	vadd.s32 $0xFFFFFFFF, v38;
	v39 =	vmov s5;
	s5 =	sadd.s32 s6, s5;
	v16, _, _ =	vpop (xrf0)  }
0x399: {  	v13 =	vbroadcast v13, $0x0;
	v14 =	vadd.s32 $0xFFFFFFFF, v39;
	v41 =	vmov s5;
	s5 =	sadd.s32 s7, s5;
	v40, _, _ =	vpop (xrf0);
	(xrf0) =	vadd.scan.msk.s32 $0xffff, v42  }
0x39a: {  	v14 =	vbroadcast v14, $0x0;
	v43 =	vadd.s32 $0xFFFFFFFF, v41;
	v47 =	vmov s5  }
0x39b: {  	s5 =	sadd.s32 s9, s5;
	v13 =	vadd.s32 v16, v13;
	v12 =	vbroadcast v43, $0x0;
	v48 =	vadd.s32 $0xFFFFFFFF, v47  }
0x39c: {  	v50 =	vmov s5;
	s5 =	sadd.s32 s11, s5;
	vm9 =	vlt.s32 v13, $0xBF;
	v14 =	vadd.s32 v40, v14;
	(xrf0) =	vadd.scan.msk.s32 $0xffff, v44  }
0x39d: {  	v17, _, _ =	vpop (xrf0);
	v15 =	vbroadcast v48, $0x0;
	v19 =	vmov s5;
	vm14 =	vlt.s32 v14, $0xBF;
	(xrf0) =	vadd.scan.msk.s32 $0xffff, v46  }
0x39e: {  	s3 =	sadd.s32 s3, s5;
	v13 =	vnsel vm9, $0xBF, v13;
	v12 =	vadd.s32 v17, v12;
	v17 =	vadd.s32 $0xFFFFFFFF, v50;
	(xrf0) =	vadd.scan.msk.s32 $0xffff, v49  }
0x39f: {  	v53 =	vadd.s32 $0xFFFFFFFF, v19;
	v55 =	vmov s3;
	s2 =	sadd.s32 s16, s3;
	v14 =	vnsel vm14, $0xBF, v14;
	v18, _, _ =	vpop (xrf0);
	(xrf0) =	vadd.scan.msk.s32 $0xffff, v51  }
0x3a0: {  	vm15 =	vlt.s32 v12, $0xBF;
	v52 =	vbroadcast v17, $0x0;
	v57 =	vmov s2  }
0x3a1: {  	v17 =	vbroadcast v53, $0x0;
	v56 =	vadd.s32 $0xFFFFFFFF, v55;
	v19 =	vadd.s32 $0xFFFFFFFF, v57  }
0x3a2: {  	v12 =	vnsel vm15, $0xBF, v12;
	v19 =	vbroadcast v19, $0x0;
	v15 =	vadd.s32 v18, v15;
	v54, _, _ =	vpop (xrf0)  }
0x3a3: {  	v18 =	vbroadcast v56, $0x0;
	vm12 =	vlt.s32 v15, $0xBF;
	v20, _, _ =	vpop (xrf0);
	v16 =	vadd.s32 v54, v52  }
0x3a4: {  	[sflag:s17] =	ssyncset.s32 $0x0;
	v17 =	vadd.s32 v20, v17;
	v58, _, _ =	vpop (xrf0);
	v15 =	vnsel vm12, $0xBF, v15;
	vm13 =	vlt.s32 v16, $0xBF  }
0x3a5: {  	[sflag:s17] =	ssyncset.done $0x0;
	v16 =	vnsel vm13, $0xBF, v16;
	vm14 =	vlt.s32 v17, $0xBF;
	v18 =	vadd.s32 v58, v18;
	v59, _, _ =	vpop (xrf0)  }
0x3a6: {  	[tilespmem:v13+s22+$0x0] =	vst.idx.msk vm4, v11;
	v61 =	vnsel vm14, $0xBF, v17;
	vm15 =	vlt.s32 v18, $0xBF;
	v60 =	vadd.s32 v59, v19  }
0x3a7: {  	[tilespmem:v14+s22+$0x0] =	vst.idx.msk vm1, v10;
	s25 =	spop (v2sf);
	v62 =	vnsel vm15, $0xBF, v18;
	vm1 =	vlt.s32 v60, $0xBF  }
0x3a8: {  	[tilespmem:v12+s22+$0x0] =	vst.idx.msk vm2, v8;
	p0 =	sgt.s32 s25, $0x0;
	v63 =	vnsel vm1, $0xBF, v60  }
.Ltmp52:
0x3a9: {  	[tilespmem:v15+s22+$0x0] =	vst.idx.msk vm3, v4;
	(pc) =	sbr.rel @p0 .LBB2_40-.Ltmp52, $4  }
0x3aa: {  	[tilespmem:v16+s22+$0x0] =	vst.idx.msk vm5, v5  }
0x3ab: {  	[tilespmem:v61+s22+$0x0] =	vst.idx.msk vm6, v6  }
0x3ac: {  	[tilespmem:v62+s22+$0x0] =	vst.idx.msk vm7, v7  }
0x3ad: {  	[tilespmem:v63+s22+$0x0] =	vst.idx.msk vm8, v9  }
.Ltmp53:
0x3ae: {  	_ = 	snop;
	(pc) =	sbr.rel .LBB2_41-.Ltmp53, $1  }
0x3af: {  	_ =	sdelay $0x3  }
.LBB2_42:
.Ltmp54:
0x3b0: {  	_ =	swait.ge [sflag:s20], $0x3800;
	s0 =	sor.u32 s30, s8;
	(pc) =	sbr.rel .LBB2_43-.Ltmp54, $4  }
0x3b1: {  	[sflag:s20] =	ssyncset.done $0x0;
	s0 =	sshrl.u32 s0, $0x3  }
0x3b2: {  	[sflag:s20] =	ssyncadd.s32 $0xFFFFC800;
	s0 =	sadd.s32 s4, s0  }
0x3b3: {  	[tilespmem:s29], [sflag:$0x2] =	stream.strided.gather [hbm4b:s0+s13], $0x3800, s14, s13, $0x38;
	[tilespmem:$0x8800] =	vst v63  }
0x3b4: {  	s0 =	simm.s32 $0x0  }
.LBB2_45:
0x3b5: {  	s0 =	sadd.s32 $0x1, s0  }
0x3b6: {  	p0 =	sne.s32 s0, $0x7  }
.Ltmp55:
0x3b7: {  	_ = 	snop;
	(pc) =	sbr.rel @!p0 .LBB2_46-.Ltmp55, $1  }
0x3b8: {  	_ =	sdelay $0x3  }
.LBB2_43:
0x3b9: {  	s1 =	sshll.u32 s0, $0x4  }
0x3ba: {  	s2 =	sadd.s32 $0x150, s1  }
0x3bb: {  	s3 =	sshll.u32 s2, $0x1  }
0x3bc: {  	s2 =	sand.u32 $0x70, s2;
	s3 =	sand.u32 $0x300, s3  }
0x3bd: {  	s2 =	sor.u32 s2, s3  }
0x3be: {  	v4 =	vld [tilespmem:s2+$0x7080];
	_ =	sdelay $0x4  }
0x3bf: {  	vm0 =	vge.f32 v4, v3  }
0x3c0: {  	v4 =	vmpcnt.ones.xlane vm0;
	_ =	sdelay $0x1  }
0x3c1: {  	(v2sf) =	vpush v4, $0x0;
	_ =	sdelay $0xe  }
0x3c2: {  	s25 =	spop (v2sf)  }
0x3c3: {  	p0 =	slt.s32 s25, $0x1  }
.Ltmp56:
0x3c4: {  	_ = 	snop;
	(pc) =	sbr.rel @p0 .LBB2_45-.Ltmp56, $1  }
0x3c5: {  	_ =	sdelay $0x3  }
.LBB2_44:
0x3c6: {  	v12 =	vmctz.xlane vm0;
	_ =	sdelay $0x1  }
0x3c7: {  	(v2sf) =	vpush v12, $0x0;
	_ =	sdelay $0xe  }
0x3c8: {  	s2 =	spop (v2sf)  }
0x3c9: {  	s2 =	sadd.s32 s1, s2  }
0x3ca: {  	s2 =	sshll.u32 s2, $0x9  }
0x3cb: {  	s2 =	sshra.s32 s2, $0x2  }
0x3cc: {  	v11 =	vld [tilespmem:s2+$0x0]  }
0x3cd: {  	v10 =	vld [tilespmem:s2+$0x10]  }
0x3ce: {  	v8 =	vld [tilespmem:s2+$0x20]  }
0x3cf: {  	v4 =	vld [tilespmem:s2+$0x30]  }
0x3d0: {  	v5 =	vld [tilespmem:s2+$0x40]  }
0x3d1: {  	v6 =	vld [tilespmem:s2+$0x50];
	vm4 =	vge.f32 v11, v3  }
0x3d2: {  	v7 =	vld [tilespmem:s2+$0x60];
	vm1 =	vge.f32 v10, v3;
	v13 =	vmpcnt.ones.xlane vm4  }
0x3d3: {  	v9 =	vld [tilespmem:s2+$0x70];
	vm2 =	vge.f32 v8, v3;
	v14 =	vmpcnt.ones.xlane vm1  }
0x3d4: {  	vm3 =	vge.f32 v4, v3;
	v30 =	vmpcnt.ones.xlane vm2;
	(v2sf) =	vpush v13, $0x0  }
0x3d5: {  	vm5 =	vge.f32 v5, v3;
	v31 =	vmpcnt.ones.xlane vm3;
	(v2sf) =	vpush v14, $0x0  }
0x3d6: {  	vm6 =	vge.f32 v6, v3;
	v32 =	vmpcnt.ones.xlane vm5;
	(v2sf) =	vpush v30, $0x0  }
0x3d7: {  	vm7 =	vge.f32 v7, v3;
	v33 =	vmpcnt.ones.xlane vm6;
	(v2sf) =	vpush v31, $0x0  }
0x3d8: {  	vm8 =	vge.f32 v9, v3;
	v34 =	vmpcnt.ones.xlane vm7;
	(v2sf) =	vpush v32, $0x0  }
0x3d9: {  	v35 =	vmpcnt.ones.xlane vm8;
	(v2sf) =	vpush v33, $0x0  }
0x3da: {  	(v2sf) =	vpush v34, $0x0  }
0x3db: {  	(v2sf) =	vpush v35, $0x0;
	_ =	sdelay $0x7  }
0x3dc: {  	s5 =	spop (v2sf)  }
0x3dd: {  	s6 =	spop (v2sf)  }
0x3de: {  	s7 =	spop (v2sf);
	s15 =	sadd.s32 s5, s6  }
0x3df: {  	s8 =	spop (v2sf);
	s2 =	sadd.s32 s7, s15  }
0x3e0: {  	s9 =	spop (v2sf);
	s2 =	sadd.s32 s8, s2  }
0x3e1: {  	s3 =	spop (v2sf);
	s11 =	sadd.s32 s9, s2  }
0x3e2: {  	s16 =	spop (v2sf);
	s11 =	sadd.s32 s3, s11  }
0x3e3: {  	s12 =	spop (v2sf);
	s11 =	sadd.s32 s16, s11  }
0x3e4: {  	[sflag:s17] =	ssyncset.done $0x0;
	s11 =	sadd.s32 s12, s11  }
0x3e5: {  	[smem:s18], [sflag:$0x7] =	smem.add.s32 s11  }
0x3e6: {  	v12 =	vbroadcast v12, $0x0;
	v36 =	vsel vm4, $0x1, v1;
	_ =	swait.done [sflag:s17]  }
0x3e7: {  	v37 =	vsel vm1, $0x1, v1;
	(xrf0) =	vadd.scan.msk.s32 $0xffff, v36  }
0x3e8: {  	vm10 =	vne.s32 v12, v2;
	(xrf0) =	vadd.scan.msk.s32 $0xffff, v37  }
0x3e9: {  	vm0 =	vmand vm0, vm10;
	s19 =	ssyncread [sflag:$0x7]  }
0x3ea: {  	v45 =	vmpcnt.ones.xlane vm0;
	v15 =	vsel vm2, $0x1, v1  }
0x3eb: {  	v42 =	vsel vm3, $0x1, v1;
	v44 =	vsel vm5, $0x1, v1;
	v46 =	vsel vm6, $0x1, v1  }
0x3ec: {  	v49 =	vsel vm7, $0x1, v1;
	v51 =	vsel vm8, $0x1, v1;
	(xrf0) =	vadd.scan.msk.s32 $0xffff, v15;
	v38 =	vmov s19;
	s5 =	sadd.s32 s5, s19  }
0x3ed: {  	(v2sf) =	vpush v45, $0x0;
	v13 =	vadd.s32 $0xFFFFFFFF, v38;
	v39 =	vmov s5;
	s5 =	sadd.s32 s6, s5;
	v16, _, _ =	vpop (xrf0)  }
0x3ee: {  	v13 =	vbroadcast v13, $0x0;
	v14 =	vadd.s32 $0xFFFFFFFF, v39;
	v41 =	vmov s5;
	s5 =	sadd.s32 s7, s5;
	v40, _, _ =	vpop (xrf0);
	(xrf0) =	vadd.scan.msk.s32 $0xffff, v42  }
0x3ef: {  	v14 =	vbroadcast v14, $0x0;
	v43 =	vadd.s32 $0xFFFFFFFF, v41;
	v47 =	vmov s5  }
0x3f0: {  	s5 =	sadd.s32 s8, s5;
	v13 =	vadd.s32 v16, v13;
	v12 =	vbroadcast v43, $0x0;
	v48 =	vadd.s32 $0xFFFFFFFF, v47  }
0x3f1: {  	v50 =	vmov s5;
	s5 =	sadd.s32 s9, s5;
	vm9 =	vlt.s32 v13, $0xBF;
	v14 =	vadd.s32 v40, v14;
	(xrf0) =	vadd.scan.msk.s32 $0xffff, v44  }
0x3f2: {  	v17, _, _ =	vpop (xrf0);
	v15 =	vbroadcast v48, $0x0;
	v19 =	vmov s5;
	vm14 =	vlt.s32 v14, $0xBF;
	(xrf0) =	vadd.scan.msk.s32 $0xffff, v46  }
0x3f3: {  	s3 =	sadd.s32 s3, s5;
	v13 =	vnsel vm9, $0xBF, v13;
	v12 =	vadd.s32 v17, v12;
	v17 =	vadd.s32 $0xFFFFFFFF, v50;
	(xrf0) =	vadd.scan.msk.s32 $0xffff, v49  }
0x3f4: {  	v53 =	vadd.s32 $0xFFFFFFFF, v19;
	v55 =	vmov s3;
	s2 =	sadd.s32 s16, s3;
	v14 =	vnsel vm14, $0xBF, v14;
	v18, _, _ =	vpop (xrf0);
	(xrf0) =	vadd.scan.msk.s32 $0xffff, v51  }
0x3f5: {  	vm15 =	vlt.s32 v12, $0xBF;
	v52 =	vbroadcast v17, $0x0;
	v57 =	vmov s2  }
0x3f6: {  	v17 =	vbroadcast v53, $0x0;
	v56 =	vadd.s32 $0xFFFFFFFF, v55;
	v19 =	vadd.s32 $0xFFFFFFFF, v57  }
0x3f7: {  	v12 =	vnsel vm15, $0xBF, v12;
	v19 =	vbroadcast v19, $0x0;
	v15 =	vadd.s32 v18, v15;
	v54, _, _ =	vpop (xrf0)  }
0x3f8: {  	v18 =	vbroadcast v56, $0x0;
	vm12 =	vlt.s32 v15, $0xBF;
	v20, _, _ =	vpop (xrf0);
	v16 =	vadd.s32 v54, v52  }
0x3f9: {  	[sflag:s17] =	ssyncset.s32 $0x0;
	v17 =	vadd.s32 v20, v17;
	v58, _, _ =	vpop (xrf0);
	v15 =	vnsel vm12, $0xBF, v15;
	vm13 =	vlt.s32 v16, $0xBF  }
0x3fa: {  	[sflag:s17] =	ssyncset.done $0x0;
	v16 =	vnsel vm13, $0xBF, v16;
	vm14 =	vlt.s32 v17, $0xBF;
	v18 =	vadd.s32 v58, v18;
	v59, _, _ =	vpop (xrf0)  }
0x3fb: {  	[tilespmem:v13+s22+$0x0] =	vst.idx.msk vm4, v11;
	v61 =	vnsel vm14, $0xBF, v17;
	vm15 =	vlt.s32 v18, $0xBF;
	v60 =	vadd.s32 v59, v19  }
0x3fc: {  	[tilespmem:v14+s22+$0x0] =	vst.idx.msk vm1, v10;
	s25 =	spop (v2sf);
	v62 =	vnsel vm15, $0xBF, v18;
	vm1 =	vlt.s32 v60, $0xBF  }
0x3fd: {  	[tilespmem:v12+s22+$0x0] =	vst.idx.msk vm2, v8;
	p0 =	sgt.s32 s25, $0x0;
	v63 =	vnsel vm1, $0xBF, v60  }
.Ltmp57:
0x3fe: {  	[tilespmem:v15+s22+$0x0] =	vst.idx.msk vm3, v4;
	(pc) =	sbr.rel @p0 .LBB2_44-.Ltmp57, $4  }
0x3ff: {  	[tilespmem:v16+s22+$0x0] =	vst.idx.msk vm5, v5  }
0x400: {  	[tilespmem:v61+s22+$0x0] =	vst.idx.msk vm6, v6  }
0x401: {  	[tilespmem:v62+s22+$0x0] =	vst.idx.msk vm7, v7  }
0x402: {  	[tilespmem:v63+s22+$0x0] =	vst.idx.msk vm8, v9  }
.Ltmp58:
0x403: {  	_ = 	snop;
	(pc) =	sbr.rel .LBB2_45-.Ltmp58, $1  }
0x404: {  	_ =	sdelay $0x3  }
.LBB2_46:
.Ltmp59:
0x405: {  	(pc) =	sbr.rel .LBB2_47-.Ltmp59, $4  }
0x406: {  	_ =	swait.ge [sflag:s23], $0x3800;
	s0 =	sor.u32 s30, s10  }
0x407: {  	[sflag:s23] =	ssyncset.done $0x0;
	s0 =	sshrl.u32 s0, $0x3  }
0x408: {  	[sflag:s23] =	ssyncadd.s32 $0xFFFFC800;
	s1 =	sadd.s32 s4, s0;
	s0 =	simm.s32 $0x0  }
0x409: {  	[tilespmem:s0], [sflag:$0x1] =	stream.strided.gather [hbm4b:s1+s13], $0x3800, s14, s13, $0x38;
	[tilespmem:$0x8800] =	vst v63  }
.LBB2_49:
0x40a: {  	s0 =	sadd.s32 $0x1, s0  }
0x40b: {  	p0 =	sne.s32 s0, $0x7  }
.Ltmp60:
0x40c: {  	_ = 	snop;
	(pc) =	sbr.rel @!p0 .LBB2_50-.Ltmp60, $1  }
0x40d: {  	_ =	sdelay $0x3  }
.LBB2_47:
0x40e: {  	s1 =	sshll.u32 s0, $0x4  }
0x40f: {  	s2 =	sadd.s32 $0x1C0, s1  }
0x410: {  	s3 =	sshll.u32 s2, $0x1  }
0x411: {  	s2 =	sand.u32 $0x70, s2;
	s3 =	sand.u32 $0x700, s3  }
0x412: {  	s2 =	sor.u32 s2, s3  }
0x413: {  	v4 =	vld [tilespmem:s2+$0x7080];
	_ =	sdelay $0x4  }
0x414: {  	vm0 =	vge.f32 v4, v3  }
0x415: {  	v4 =	vmpcnt.ones.xlane vm0;
	_ =	sdelay $0x1  }
0x416: {  	(v2sf) =	vpush v4, $0x0;
	_ =	sdelay $0xe  }
0x417: {  	s25 =	spop (v2sf)  }
0x418: {  	p0 =	slt.s32 s25, $0x1  }
.Ltmp61:
0x419: {  	_ = 	snop;
	(pc) =	sbr.rel @p0 .LBB2_49-.Ltmp61, $1  }
0x41a: {  	_ =	sdelay $0x3  }
.LBB2_48:
0x41b: {  	v12 =	vmctz.xlane vm0;
	_ =	sdelay $0x1  }
0x41c: {  	(v2sf) =	vpush v12, $0x0;
	_ =	sdelay $0xe  }
0x41d: {  	s2 =	spop (v2sf)  }
0x41e: {  	s2 =	sadd.s32 s1, s2  }
0x41f: {  	s2 =	sshll.u32 s2, $0x9  }
0x420: {  	s2 =	sshra.s32 s2, $0x2  }
0x421: {  	v11 =	vld [tilespmem:s2+$0x3800]  }
0x422: {  	v10 =	vld [tilespmem:s2+$0x3810]  }
0x423: {  	v8 =	vld [tilespmem:s2+$0x3820]  }
0x424: {  	v4 =	vld [tilespmem:s2+$0x3830]  }
0x425: {  	v5 =	vld [tilespmem:s2+$0x3840]  }
0x426: {  	v6 =	vld [tilespmem:s2+$0x3850];
	vm4 =	vge.f32 v11, v3  }
0x427: {  	v7 =	vld [tilespmem:s2+$0x3860];
	vm1 =	vge.f32 v10, v3;
	v13 =	vmpcnt.ones.xlane vm4  }
0x428: {  	v9 =	vld [tilespmem:s2+$0x3870];
	vm2 =	vge.f32 v8, v3;
	v14 =	vmpcnt.ones.xlane vm1  }
0x429: {  	vm3 =	vge.f32 v4, v3;
	v30 =	vmpcnt.ones.xlane vm2;
	(v2sf) =	vpush v13, $0x0  }
0x42a: {  	vm5 =	vge.f32 v5, v3;
	v31 =	vmpcnt.ones.xlane vm3;
	(v2sf) =	vpush v14, $0x0  }
0x42b: {  	vm6 =	vge.f32 v6, v3;
	v32 =	vmpcnt.ones.xlane vm5;
	(v2sf) =	vpush v30, $0x0  }
0x42c: {  	vm7 =	vge.f32 v7, v3;
	v33 =	vmpcnt.ones.xlane vm6;
	(v2sf) =	vpush v31, $0x0  }
0x42d: {  	vm8 =	vge.f32 v9, v3;
	v34 =	vmpcnt.ones.xlane vm7;
	(v2sf) =	vpush v32, $0x0  }
0x42e: {  	v35 =	vmpcnt.ones.xlane vm8;
	(v2sf) =	vpush v33, $0x0  }
0x42f: {  	(v2sf) =	vpush v34, $0x0  }
0x430: {  	(v2sf) =	vpush v35, $0x0;
	_ =	sdelay $0x7  }
0x431: {  	s5 =	spop (v2sf)  }
0x432: {  	s6 =	spop (v2sf)  }
0x433: {  	s7 =	spop (v2sf);
	s15 =	sadd.s32 s5, s6  }
0x434: {  	s8 =	spop (v2sf);
	s2 =	sadd.s32 s7, s15  }
0x435: {  	s9 =	spop (v2sf);
	s2 =	sadd.s32 s8, s2  }
0x436: {  	s3 =	spop (v2sf);
	s10 =	sadd.s32 s9, s2  }
0x437: {  	s16 =	spop (v2sf);
	s10 =	sadd.s32 s3, s10  }
0x438: {  	s11 =	spop (v2sf);
	s10 =	sadd.s32 s16, s10  }
0x439: {  	[sflag:s17] =	ssyncset.done $0x0;
	s10 =	sadd.s32 s11, s10  }
0x43a: {  	[smem:s18], [sflag:$0x7] =	smem.add.s32 s10  }
0x43b: {  	v12 =	vbroadcast v12, $0x0;
	v36 =	vsel vm4, $0x1, v1;
	_ =	swait.done [sflag:s17]  }
0x43c: {  	v37 =	vsel vm1, $0x1, v1;
	(xrf0) =	vadd.scan.msk.s32 $0xffff, v36  }
0x43d: {  	vm10 =	vne.s32 v12, v2;
	(xrf0) =	vadd.scan.msk.s32 $0xffff, v37  }
0x43e: {  	vm0 =	vmand vm0, vm10;
	s19 =	ssyncread [sflag:$0x7]  }
0x43f: {  	v45 =	vmpcnt.ones.xlane vm0;
	v15 =	vsel vm2, $0x1, v1  }
0x440: {  	v42 =	vsel vm3, $0x1, v1;
	v44 =	vsel vm5, $0x1, v1;
	v46 =	vsel vm6, $0x1, v1  }
0x441: {  	v49 =	vsel vm7, $0x1, v1;
	v51 =	vsel vm8, $0x1, v1;
	(xrf0) =	vadd.scan.msk.s32 $0xffff, v15;
	v38 =	vmov s19;
	s5 =	sadd.s32 s5, s19  }
0x442: {  	(v2sf) =	vpush v45, $0x0;
	v13 =	vadd.s32 $0xFFFFFFFF, v38;
	v39 =	vmov s5;
	s5 =	sadd.s32 s6, s5;
	v16, _, _ =	vpop (xrf0)  }
0x443: {  	v13 =	vbroadcast v13, $0x0;
	v14 =	vadd.s32 $0xFFFFFFFF, v39;
	v41 =	vmov s5;
	s5 =	sadd.s32 s7, s5;
	v40, _, _ =	vpop (xrf0);
	(xrf0) =	vadd.scan.msk.s32 $0xffff, v42  }
0x444: {  	v14 =	vbroadcast v14, $0x0;
	v43 =	vadd.s32 $0xFFFFFFFF, v41;
	v47 =	vmov s5  }
0x445: {  	s5 =	sadd.s32 s8, s5;
	v13 =	vadd.s32 v16, v13;
	v12 =	vbroadcast v43, $0x0;
	v48 =	vadd.s32 $0xFFFFFFFF, v47  }
0x446: {  	v50 =	vmov s5;
	s5 =	sadd.s32 s9, s5;
	vm9 =	vlt.s32 v13, $0xBF;
	v14 =	vadd.s32 v40, v14;
	(xrf0) =	vadd.scan.msk.s32 $0xffff, v44  }
0x447: {  	v17, _, _ =	vpop (xrf0);
	v15 =	vbroadcast v48, $0x0;
	v19 =	vmov s5;
	vm14 =	vlt.s32 v14, $0xBF;
	(xrf0) =	vadd.scan.msk.s32 $0xffff, v46  }
0x448: {  	s3 =	sadd.s32 s3, s5;
	v13 =	vnsel vm9, $0xBF, v13;
	v12 =	vadd.s32 v17, v12;
	v17 =	vadd.s32 $0xFFFFFFFF, v50;
	(xrf0) =	vadd.scan.msk.s32 $0xffff, v49  }
0x449: {  	v53 =	vadd.s32 $0xFFFFFFFF, v19;
	v55 =	vmov s3;
	s2 =	sadd.s32 s16, s3;
	v14 =	vnsel vm14, $0xBF, v14;
	v18, _, _ =	vpop (xrf0);
	(xrf0) =	vadd.scan.msk.s32 $0xffff, v51  }
0x44a: {  	vm15 =	vlt.s32 v12, $0xBF;
	v52 =	vbroadcast v17, $0x0;
	v57 =	vmov s2  }
0x44b: {  	v17 =	vbroadcast v53, $0x0;
	v56 =	vadd.s32 $0xFFFFFFFF, v55;
	v19 =	vadd.s32 $0xFFFFFFFF, v57  }
0x44c: {  	v12 =	vnsel vm15, $0xBF, v12;
	v19 =	vbroadcast v19, $0x0;
	v15 =	vadd.s32 v18, v15;
	v54, _, _ =	vpop (xrf0)  }
0x44d: {  	v18 =	vbroadcast v56, $0x0;
	vm12 =	vlt.s32 v15, $0xBF;
	v20, _, _ =	vpop (xrf0);
	v16 =	vadd.s32 v54, v52  }
0x44e: {  	[sflag:s17] =	ssyncset.s32 $0x0;
	v17 =	vadd.s32 v20, v17;
	v58, _, _ =	vpop (xrf0);
	v15 =	vnsel vm12, $0xBF, v15;
	vm13 =	vlt.s32 v16, $0xBF  }
0x44f: {  	[sflag:s17] =	ssyncset.done $0x0;
	v16 =	vnsel vm13, $0xBF, v16;
	vm14 =	vlt.s32 v17, $0xBF;
	v18 =	vadd.s32 v58, v18;
	v59, _, _ =	vpop (xrf0)  }
0x450: {  	[tilespmem:v13+s22+$0x0] =	vst.idx.msk vm4, v11;
	v61 =	vnsel vm14, $0xBF, v17;
	vm15 =	vlt.s32 v18, $0xBF;
	v60 =	vadd.s32 v59, v19  }
0x451: {  	[tilespmem:v14+s22+$0x0] =	vst.idx.msk vm1, v10;
	s25 =	spop (v2sf);
	v62 =	vnsel vm15, $0xBF, v18;
	vm1 =	vlt.s32 v60, $0xBF  }
0x452: {  	[tilespmem:v12+s22+$0x0] =	vst.idx.msk vm2, v8;
	p0 =	sgt.s32 s25, $0x0;
	v63 =	vnsel vm1, $0xBF, v60  }
.Ltmp62:
0x453: {  	[tilespmem:v15+s22+$0x0] =	vst.idx.msk vm3, v4;
	(pc) =	sbr.rel @p0 .LBB2_48-.Ltmp62, $4  }
0x454: {  	[tilespmem:v16+s22+$0x0] =	vst.idx.msk vm5, v5  }
0x455: {  	[tilespmem:v61+s22+$0x0] =	vst.idx.msk vm6, v6  }
0x456: {  	[tilespmem:v62+s22+$0x0] =	vst.idx.msk vm7, v7  }
0x457: {  	[tilespmem:v63+s22+$0x0] =	vst.idx.msk vm8, v9  }
.Ltmp63:
0x458: {  	_ = 	snop;
	(pc) =	sbr.rel .LBB2_49-.Ltmp63, $1  }
0x459: {  	_ =	sdelay $0x3  }
.LBB2_50:
.Ltmp64:
0x45a: {  	_ =	swait.ge [sflag:s20], $0x3800;
	s0 =	sor.u32 s30, s26;
	(pc) =	sbr.rel .LBB2_51-.Ltmp64, $4  }
0x45b: {  	[sflag:s20] =	ssyncset.done $0x0;
	s0 =	sshrl.u32 s0, $0x3  }
0x45c: {  	[sflag:s20] =	ssyncadd.s32 $0xFFFFC800;
	s0 =	sadd.s32 s4, s0  }
0x45d: {  	[tilespmem:s29], [sflag:$0x2] =	stream.strided.gather [hbm4b:s0+s13], $0x3800, s14, s13, $0x38;
	[tilespmem:$0x8800] =	vst v63  }
0x45e: {  	s0 =	simm.s32 $0x0  }
.LBB2_53:
0x45f: {  	s0 =	sadd.s32 $0x1, s0  }
0x460: {  	p0 =	sne.s32 s0, $0x7  }
.Ltmp65:
0x461: {  	_ = 	snop;
	(pc) =	sbr.rel @!p0 .LBB2_54-.Ltmp65, $1  }
0x462: {  	_ =	sdelay $0x3  }
.LBB2_51:
0x463: {  	s1 =	sshll.u32 s0, $0x4  }
0x464: {  	s2 =	sadd.s32 $0x230, s1  }
0x465: {  	s3 =	sshll.u32 s2, $0x1  }
0x466: {  	s2 =	sand.u32 $0x70, s2;
	s3 =	sand.u32 $0x500, s3  }
0x467: {  	s2 =	sor.u32 s2, s3  }
0x468: {  	v4 =	vld [tilespmem:s2+$0x7080];
	_ =	sdelay $0x4  }
0x469: {  	vm0 =	vge.f32 v4, v3  }
0x46a: {  	v4 =	vmpcnt.ones.xlane vm0;
	_ =	sdelay $0x1  }
0x46b: {  	(v2sf) =	vpush v4, $0x0;
	_ =	sdelay $0xe  }
0x46c: {  	s26 =	spop (v2sf)  }
0x46d: {  	p0 =	slt.s32 s26, $0x1  }
.Ltmp66:
0x46e: {  	_ = 	snop;
	(pc) =	sbr.rel @p0 .LBB2_53-.Ltmp66, $1  }
0x46f: {  	_ =	sdelay $0x3  }
.LBB2_52:
0x470: {  	v12 =	vmctz.xlane vm0;
	_ =	sdelay $0x1  }
0x471: {  	(v2sf) =	vpush v12, $0x0;
	_ =	sdelay $0xe  }
0x472: {  	s2 =	spop (v2sf)  }
0x473: {  	s2 =	sadd.s32 s1, s2  }
0x474: {  	s2 =	sshll.u32 s2, $0x9  }
0x475: {  	s2 =	sshra.s32 s2, $0x2  }
0x476: {  	v11 =	vld [tilespmem:s2+$0x0]  }
0x477: {  	v10 =	vld [tilespmem:s2+$0x10]  }
0x478: {  	v8 =	vld [tilespmem:s2+$0x20]  }
0x479: {  	v4 =	vld [tilespmem:s2+$0x30]  }
0x47a: {  	v5 =	vld [tilespmem:s2+$0x40]  }
0x47b: {  	v6 =	vld [tilespmem:s2+$0x50];
	vm4 =	vge.f32 v11, v3  }
0x47c: {  	v7 =	vld [tilespmem:s2+$0x60];
	vm1 =	vge.f32 v10, v3;
	v13 =	vmpcnt.ones.xlane vm4  }
0x47d: {  	v9 =	vld [tilespmem:s2+$0x70];
	vm2 =	vge.f32 v8, v3;
	v14 =	vmpcnt.ones.xlane vm1  }
0x47e: {  	vm3 =	vge.f32 v4, v3;
	v30 =	vmpcnt.ones.xlane vm2;
	(v2sf) =	vpush v13, $0x0  }
0x47f: {  	vm5 =	vge.f32 v5, v3;
	v31 =	vmpcnt.ones.xlane vm3;
	(v2sf) =	vpush v14, $0x0  }
0x480: {  	vm6 =	vge.f32 v6, v3;
	v32 =	vmpcnt.ones.xlane vm5;
	(v2sf) =	vpush v30, $0x0  }
0x481: {  	vm7 =	vge.f32 v7, v3;
	v33 =	vmpcnt.ones.xlane vm6;
	(v2sf) =	vpush v31, $0x0  }
0x482: {  	vm8 =	vge.f32 v9, v3;
	v34 =	vmpcnt.ones.xlane vm7;
	(v2sf) =	vpush v32, $0x0  }
0x483: {  	v35 =	vmpcnt.ones.xlane vm8;
	(v2sf) =	vpush v33, $0x0  }
0x484: {  	(v2sf) =	vpush v34, $0x0  }
0x485: {  	(v2sf) =	vpush v35, $0x0;
	_ =	sdelay $0x7  }
0x486: {  	s5 =	spop (v2sf)  }
0x487: {  	s6 =	spop (v2sf)  }
0x488: {  	s7 =	spop (v2sf);
	s16 =	sadd.s32 s5, s6  }
0x489: {  	s8 =	spop (v2sf);
	s2 =	sadd.s32 s7, s16  }
0x48a: {  	s9 =	spop (v2sf);
	s2 =	sadd.s32 s8, s2  }
0x48b: {  	s3 =	spop (v2sf);
	s10 =	sadd.s32 s9, s2  }
0x48c: {  	s19 =	spop (v2sf);
	s10 =	sadd.s32 s3, s10  }
0x48d: {  	s11 =	spop (v2sf);
	s10 =	sadd.s32 s19, s10  }
0x48e: {  	[sflag:s17] =	ssyncset.done $0x0;
	s10 =	sadd.s32 s11, s10  }
0x48f: {  	[smem:s18], [sflag:$0x7] =	smem.add.s32 s10  }
0x490: {  	v12 =	vbroadcast v12, $0x0;
	v36 =	vsel vm4, $0x1, v1;
	_ =	swait.done [sflag:s17]  }
0x491: {  	v37 =	vsel vm1, $0x1, v1;
	(xrf0) =	vadd.scan.msk.s32 $0xffff, v36  }
0x492: {  	vm10 =	vne.s32 v12, v2;
	(xrf0) =	vadd.scan.msk.s32 $0xffff, v37  }
0x493: {  	vm0 =	vmand vm0, vm10;
	s25 =	ssyncread [sflag:$0x7]  }
0x494: {  	v45 =	vmpcnt.ones.xlane vm0;
	v15 =	vsel vm2, $0x1, v1  }
0x495: {  	v42 =	vsel vm3, $0x1, v1;
	v44 =	vsel vm5, $0x1, v1;
	v46 =	vsel vm6, $0x1, v1  }
0x496: {  	v49 =	vsel vm7, $0x1, v1;
	v51 =	vsel vm8, $0x1, v1;
	(xrf0) =	vadd.scan.msk.s32 $0xffff, v15;
	v38 =	vmov s25;
	s5 =	sadd.s32 s5, s25  }
0x497: {  	(v2sf) =	vpush v45, $0x0;
	v13 =	vadd.s32 $0xFFFFFFFF, v38;
	v39 =	vmov s5;
	s5 =	sadd.s32 s6, s5;
	v16, _, _ =	vpop (xrf0)  }
0x498: {  	v13 =	vbroadcast v13, $0x0;
	v14 =	vadd.s32 $0xFFFFFFFF, v39;
	v41 =	vmov s5;
	s5 =	sadd.s32 s7, s5;
	v40, _, _ =	vpop (xrf0);
	(xrf0) =	vadd.scan.msk.s32 $0xffff, v42  }
0x499: {  	v14 =	vbroadcast v14, $0x0;
	v43 =	vadd.s32 $0xFFFFFFFF, v41;
	v47 =	vmov s5  }
0x49a: {  	s5 =	sadd.s32 s8, s5;
	v13 =	vadd.s32 v16, v13;
	v12 =	vbroadcast v43, $0x0;
	v48 =	vadd.s32 $0xFFFFFFFF, v47  }
0x49b: {  	v50 =	vmov s5;
	s5 =	sadd.s32 s9, s5;
	vm9 =	vlt.s32 v13, $0xBF;
	v14 =	vadd.s32 v40, v14;
	(xrf0) =	vadd.scan.msk.s32 $0xffff, v44  }
0x49c: {  	v17, _, _ =	vpop (xrf0);
	v15 =	vbroadcast v48, $0x0;
	v19 =	vmov s5;
	vm14 =	vlt.s32 v14, $0xBF;
	(xrf0) =	vadd.scan.msk.s32 $0xffff, v46  }
0x49d: {  	s3 =	sadd.s32 s3, s5;
	v13 =	vnsel vm9, $0xBF, v13;
	v12 =	vadd.s32 v17, v12;
	v17 =	vadd.s32 $0xFFFFFFFF, v50;
	(xrf0) =	vadd.scan.msk.s32 $0xffff, v49  }
0x49e: {  	v53 =	vadd.s32 $0xFFFFFFFF, v19;
	v55 =	vmov s3;
	s2 =	sadd.s32 s19, s3;
	v14 =	vnsel vm14, $0xBF, v14;
	v18, _, _ =	vpop (xrf0);
	(xrf0) =	vadd.scan.msk.s32 $0xffff, v51  }
0x49f: {  	vm15 =	vlt.s32 v12, $0xBF;
	v52 =	vbroadcast v17, $0x0;
	v57 =	vmov s2  }
0x4a0: {  	v17 =	vbroadcast v53, $0x0;
	v56 =	vadd.s32 $0xFFFFFFFF, v55;
	v19 =	vadd.s32 $0xFFFFFFFF, v57  }
0x4a1: {  	v12 =	vnsel vm15, $0xBF, v12;
	v19 =	vbroadcast v19, $0x0;
	v15 =	vadd.s32 v18, v15;
	v54, _, _ =	vpop (xrf0)  }
0x4a2: {  	v18 =	vbroadcast v56, $0x0;
	vm12 =	vlt.s32 v15, $0xBF;
	v20, _, _ =	vpop (xrf0);
	v16 =	vadd.s32 v54, v52  }
0x4a3: {  	[sflag:s17] =	ssyncset.s32 $0x0;
	v17 =	vadd.s32 v20, v17;
	v58, _, _ =	vpop (xrf0);
	v15 =	vnsel vm12, $0xBF, v15;
	vm13 =	vlt.s32 v16, $0xBF  }
0x4a4: {  	[sflag:s17] =	ssyncset.done $0x0;
	v16 =	vnsel vm13, $0xBF, v16;
	vm14 =	vlt.s32 v17, $0xBF;
	v18 =	vadd.s32 v58, v18;
	v59, _, _ =	vpop (xrf0)  }
0x4a5: {  	[tilespmem:v13+s22+$0x0] =	vst.idx.msk vm4, v11;
	v61 =	vnsel vm14, $0xBF, v17;
	vm15 =	vlt.s32 v18, $0xBF;
	v60 =	vadd.s32 v59, v19  }
0x4a6: {  	[tilespmem:v14+s22+$0x0] =	vst.idx.msk vm1, v10;
	s26 =	spop (v2sf);
	v62 =	vnsel vm15, $0xBF, v18;
	vm1 =	vlt.s32 v60, $0xBF  }
0x4a7: {  	[tilespmem:v12+s22+$0x0] =	vst.idx.msk vm2, v8;
	p0 =	sgt.s32 s26, $0x0;
	v63 =	vnsel vm1, $0xBF, v60  }
.Ltmp67:
0x4a8: {  	[tilespmem:v15+s22+$0x0] =	vst.idx.msk vm3, v4;
	(pc) =	sbr.rel @p0 .LBB2_52-.Ltmp67, $4  }
0x4a9: {  	[tilespmem:v16+s22+$0x0] =	vst.idx.msk vm5, v5  }
0x4aa: {  	[tilespmem:v61+s22+$0x0] =	vst.idx.msk vm6, v6  }
0x4ab: {  	[tilespmem:v62+s22+$0x0] =	vst.idx.msk vm7, v7  }
0x4ac: {  	[tilespmem:v63+s22+$0x0] =	vst.idx.msk vm8, v9  }
.Ltmp68:
0x4ad: {  	_ = 	snop;
	(pc) =	sbr.rel .LBB2_53-.Ltmp68, $1  }
0x4ae: {  	_ =	sdelay $0x3  }
.LBB2_54:
0x4af: {  	s0 =	rddreg [dreg:$0xa]  }
0x4b0: {  	s1 =	rddreg [dreg:$0x6];
	s0 =	sadd.s32 $0x2, s0  }
0x4b1: {  	s0 =	smin.u32 s0, s1  }
0x4b2: {  	s1 =	sshrl.u32 s0, $0x3  }
0x4b3: {  	s0 =	sshll.u32 s0, $0x7;
	s1 =	smul.u32 $0xC4000, s1  }
.Ltmp69:
0x4b4: {  	s0 =	sand.u32 $0x300, s0;
	(pc) =	sbr.rel .LBB2_55-.Ltmp69, $4  }
0x4b5: {  	_ =	swait.ge [sflag:s23], $0x3800;
	s0 =	sor.u32 s0, s1  }
0x4b6: {  	[sflag:s23] =	ssyncset.done $0x0;
	s0 =	sshrl.u32 s0, $0x3  }
0x4b7: {  	[sflag:s23] =	ssyncadd.s32 $0xFFFFC800;
	s26 =	sadd.s32 s4, s0;
	s0 =	simm.s32 $0x0  }
0x4b8: {  	[tilespmem:s0], [sflag:$0x1] =	stream.strided.gather [hbm4b:s26+s13], $0x3800, s14, s13, $0x38;
	[tilespmem:$0x8800] =	vst v63  }
.LBB2_57:
0x4b9: {  	s0 =	sadd.s32 $0x1, s0  }
0x4ba: {  	p0 =	sne.s32 s0, $0x7  }
.Ltmp70:
0x4bb: {  	_ = 	snop;
	(pc) =	sbr.rel @!p0 .LBB2_58-.Ltmp70, $1  }
0x4bc: {  	_ =	sdelay $0x3  }
.LBB2_55:
0x4bd: {  	s1 =	sshll.u32 s0, $0x4  }
0x4be: {  	s2 =	sadd.s32 $0x2A0, s1  }
0x4bf: {  	s3 =	sshll.u32 s2, $0x1  }
0x4c0: {  	s2 =	sand.u32 $0x70, s2;
	s3 =	sand.u32 $0x700, s3  }
0x4c1: {  	s2 =	sor.u32 s2, s3  }
0x4c2: {  	v4 =	vld [tilespmem:s2+$0x7080];
	_ =	sdelay $0x4  }
0x4c3: {  	vm0 =	vge.f32 v4, v3  }
0x4c4: {  	v4 =	vmpcnt.ones.xlane vm0;
	_ =	sdelay $0x1  }
0x4c5: {  	(v2sf) =	vpush v4, $0x0;
	_ =	sdelay $0xe  }
0x4c6: {  	s26 =	spop (v2sf)  }
0x4c7: {  	p0 =	slt.s32 s26, $0x1  }
.Ltmp71:
0x4c8: {  	_ = 	snop;
	(pc) =	sbr.rel @p0 .LBB2_57-.Ltmp71, $1  }
0x4c9: {  	_ =	sdelay $0x3  }
.LBB2_56:
0x4ca: {  	v12 =	vmctz.xlane vm0;
	_ =	sdelay $0x1  }
0x4cb: {  	(v2sf) =	vpush v12, $0x0;
	_ =	sdelay $0xe  }
0x4cc: {  	s2 =	spop (v2sf)  }
0x4cd: {  	s2 =	sadd.s32 s1, s2  }
0x4ce: {  	s2 =	sshll.u32 s2, $0x9  }
0x4cf: {  	s2 =	sshra.s32 s2, $0x2  }
0x4d0: {  	v11 =	vld [tilespmem:s2+$0x3800]  }
0x4d1: {  	v10 =	vld [tilespmem:s2+$0x3810]  }
0x4d2: {  	v8 =	vld [tilespmem:s2+$0x3820]  }
0x4d3: {  	v4 =	vld [tilespmem:s2+$0x3830]  }
0x4d4: {  	v5 =	vld [tilespmem:s2+$0x3840]  }
0x4d5: {  	v6 =	vld [tilespmem:s2+$0x3850];
	vm4 =	vge.f32 v11, v3  }
0x4d6: {  	v7 =	vld [tilespmem:s2+$0x3860];
	vm1 =	vge.f32 v10, v3;
	v13 =	vmpcnt.ones.xlane vm4  }
0x4d7: {  	v9 =	vld [tilespmem:s2+$0x3870];
	vm2 =	vge.f32 v8, v3;
	v14 =	vmpcnt.ones.xlane vm1  }
0x4d8: {  	vm3 =	vge.f32 v4, v3;
	v30 =	vmpcnt.ones.xlane vm2;
	(v2sf) =	vpush v13, $0x0  }
0x4d9: {  	vm5 =	vge.f32 v5, v3;
	v31 =	vmpcnt.ones.xlane vm3;
	(v2sf) =	vpush v14, $0x0  }
0x4da: {  	vm6 =	vge.f32 v6, v3;
	v32 =	vmpcnt.ones.xlane vm5;
	(v2sf) =	vpush v30, $0x0  }
0x4db: {  	vm7 =	vge.f32 v7, v3;
	v33 =	vmpcnt.ones.xlane vm6;
	(v2sf) =	vpush v31, $0x0  }
0x4dc: {  	vm8 =	vge.f32 v9, v3;
	v34 =	vmpcnt.ones.xlane vm7;
	(v2sf) =	vpush v32, $0x0  }
0x4dd: {  	v35 =	vmpcnt.ones.xlane vm8;
	(v2sf) =	vpush v33, $0x0  }
0x4de: {  	(v2sf) =	vpush v34, $0x0  }
0x4df: {  	(v2sf) =	vpush v35, $0x0;
	_ =	sdelay $0x7  }
0x4e0: {  	s5 =	spop (v2sf)  }
0x4e1: {  	s6 =	spop (v2sf)  }
0x4e2: {  	s7 =	spop (v2sf);
	s16 =	sadd.s32 s5, s6  }
0x4e3: {  	s8 =	spop (v2sf);
	s2 =	sadd.s32 s7, s16  }
0x4e4: {  	s9 =	spop (v2sf);
	s2 =	sadd.s32 s8, s2  }
0x4e5: {  	s3 =	spop (v2sf);
	s10 =	sadd.s32 s9, s2  }
0x4e6: {  	s19 =	spop (v2sf);
	s10 =	sadd.s32 s3, s10  }
0x4e7: {  	s11 =	spop (v2sf);
	s10 =	sadd.s32 s19, s10  }
0x4e8: {  	[sflag:s17] =	ssyncset.done $0x0;
	s10 =	sadd.s32 s11, s10  }
0x4e9: {  	[smem:s18], [sflag:$0x7] =	smem.add.s32 s10  }
0x4ea: {  	v12 =	vbroadcast v12, $0x0;
	v36 =	vsel vm4, $0x1, v1;
	_ =	swait.done [sflag:s17]  }
0x4eb: {  	v37 =	vsel vm1, $0x1, v1;
	(xrf0) =	vadd.scan.msk.s32 $0xffff, v36  }
0x4ec: {  	vm10 =	vne.s32 v12, v2;
	(xrf0) =	vadd.scan.msk.s32 $0xffff, v37  }
0x4ed: {  	vm0 =	vmand vm0, vm10;
	s25 =	ssyncread [sflag:$0x7]  }
0x4ee: {  	v45 =	vmpcnt.ones.xlane vm0;
	v15 =	vsel vm2, $0x1, v1  }
0x4ef: {  	v42 =	vsel vm3, $0x1, v1;
	v44 =	vsel vm5, $0x1, v1;
	v46 =	vsel vm6, $0x1, v1  }
0x4f0: {  	v49 =	vsel vm7, $0x1, v1;
	v51 =	vsel vm8, $0x1, v1;
	(xrf0) =	vadd.scan.msk.s32 $0xffff, v15;
	v38 =	vmov s25;
	s5 =	sadd.s32 s5, s25  }
0x4f1: {  	(v2sf) =	vpush v45, $0x0;
	v13 =	vadd.s32 $0xFFFFFFFF, v38;
	v39 =	vmov s5;
	s5 =	sadd.s32 s6, s5;
	v16, _, _ =	vpop (xrf0)  }
0x4f2: {  	v13 =	vbroadcast v13, $0x0;
	v14 =	vadd.s32 $0xFFFFFFFF, v39;
	v41 =	vmov s5;
	s5 =	sadd.s32 s7, s5;
	v40, _, _ =	vpop (xrf0);
	(xrf0) =	vadd.scan.msk.s32 $0xffff, v42  }
0x4f3: {  	v14 =	vbroadcast v14, $0x0;
	v43 =	vadd.s32 $0xFFFFFFFF, v41;
	v47 =	vmov s5  }
0x4f4: {  	s5 =	sadd.s32 s8, s5;
	v13 =	vadd.s32 v16, v13;
	v12 =	vbroadcast v43, $0x0;
	v48 =	vadd.s32 $0xFFFFFFFF, v47  }
0x4f5: {  	v50 =	vmov s5;
	s5 =	sadd.s32 s9, s5;
	vm9 =	vlt.s32 v13, $0xBF;
	v14 =	vadd.s32 v40, v14;
	(xrf0) =	vadd.scan.msk.s32 $0xffff, v44  }
0x4f6: {  	v17, _, _ =	vpop (xrf0);
	v15 =	vbroadcast v48, $0x0;
	v19 =	vmov s5;
	vm14 =	vlt.s32 v14, $0xBF;
	(xrf0) =	vadd.scan.msk.s32 $0xffff, v46  }
0x4f7: {  	s3 =	sadd.s32 s3, s5;
	v13 =	vnsel vm9, $0xBF, v13;
	v12 =	vadd.s32 v17, v12;
	v17 =	vadd.s32 $0xFFFFFFFF, v50;
	(xrf0) =	vadd.scan.msk.s32 $0xffff, v49  }
0x4f8: {  	v53 =	vadd.s32 $0xFFFFFFFF, v19;
	v55 =	vmov s3;
	s2 =	sadd.s32 s19, s3;
	v14 =	vnsel vm14, $0xBF, v14;
	v18, _, _ =	vpop (xrf0);
	(xrf0) =	vadd.scan.msk.s32 $0xffff, v51  }
0x4f9: {  	vm15 =	vlt.s32 v12, $0xBF;
	v52 =	vbroadcast v17, $0x0;
	v57 =	vmov s2  }
0x4fa: {  	v17 =	vbroadcast v53, $0x0;
	v56 =	vadd.s32 $0xFFFFFFFF, v55;
	v19 =	vadd.s32 $0xFFFFFFFF, v57  }
0x4fb: {  	v12 =	vnsel vm15, $0xBF, v12;
	v19 =	vbroadcast v19, $0x0;
	v15 =	vadd.s32 v18, v15;
	v54, _, _ =	vpop (xrf0)  }
0x4fc: {  	v18 =	vbroadcast v56, $0x0;
	vm12 =	vlt.s32 v15, $0xBF;
	v20, _, _ =	vpop (xrf0);
	v16 =	vadd.s32 v54, v52  }
0x4fd: {  	[sflag:s17] =	ssyncset.s32 $0x0;
	v17 =	vadd.s32 v20, v17;
	v58, _, _ =	vpop (xrf0);
	v15 =	vnsel vm12, $0xBF, v15;
	vm13 =	vlt.s32 v16, $0xBF  }
0x4fe: {  	[sflag:s17] =	ssyncset.done $0x0;
	v16 =	vnsel vm13, $0xBF, v16;
	vm14 =	vlt.s32 v17, $0xBF;
	v18 =	vadd.s32 v58, v18;
	v59, _, _ =	vpop (xrf0)  }
0x4ff: {  	[tilespmem:v13+s22+$0x0] =	vst.idx.msk vm4, v11;
	v61 =	vnsel vm14, $0xBF, v17;
	vm15 =	vlt.s32 v18, $0xBF;
	v60 =	vadd.s32 v59, v19  }
0x500: {  	[tilespmem:v14+s22+$0x0] =	vst.idx.msk vm1, v10;
	s26 =	spop (v2sf);
	v62 =	vnsel vm15, $0xBF, v18;
	vm1 =	vlt.s32 v60, $0xBF  }
0x501: {  	[tilespmem:v12+s22+$0x0] =	vst.idx.msk vm2, v8;
	p0 =	sgt.s32 s26, $0x0;
	v63 =	vnsel vm1, $0xBF, v60  }
.Ltmp72:
0x502: {  	[tilespmem:v15+s22+$0x0] =	vst.idx.msk vm3, v4;
	(pc) =	sbr.rel @p0 .LBB2_56-.Ltmp72, $4  }
0x503: {  	[tilespmem:v16+s22+$0x0] =	vst.idx.msk vm5, v5  }
0x504: {  	[tilespmem:v61+s22+$0x0] =	vst.idx.msk vm6, v6  }
0x505: {  	[tilespmem:v62+s22+$0x0] =	vst.idx.msk vm7, v7  }
0x506: {  	[tilespmem:v63+s22+$0x0] =	vst.idx.msk vm8, v9  }
.Ltmp73:
0x507: {  	_ = 	snop;
	(pc) =	sbr.rel .LBB2_57-.Ltmp73, $1  }
0x508: {  	_ =	sdelay $0x3  }
.LBB2_60:
0x509: {  	_ =	sfence.sel $0x180000  }
0x50a: {  	[bflag:$0x0] =	sbarrier.arrive $0xFFFF  }
0x50b: {  	_ =	strace $0x90000047  }
0x50c: {  	s0 =	stileid.u32;
	[bflag:$0x2] =	sbarrier.arrive $0xFFFF  }
0x50d: {  	p0 =	sne.s32 s0, $0x0;
	s0 =	rddreg [dreg:$0x1]  }
0x50e: {  	s0 =	sadd.s32 @!p0 $0x100000, s0  }
0x50f: {  	[sflag:s0] =	ssyncadd.tile.s32 @!p0 $0x1;
	_ =	shalt  }
.Lfunc_end2:
_tile_overlayer_lowered:
.L_overlay_start_2:
0x510: {  	(tag) =	ssettag $0x2  }
0x511: {  	s0 =	rddreg [dreg:$0x0];
	s2 =	stileid.u32  }
0x512: {  	s1 =	rddreg [dreg:$0x1];
	p0 =	sne.s32 s2, $0x0  }
0x513: {  	s3 =	rddreg [dreg:$0x2];
	[bflag:$0x3] =	sbarrier.arrive $0xFFFF;
	s2 =	simm.s32 @!p0 $0x1C03  }
0x514: {  	[timem:s3], [sflag:s2] =	dma.local @!p0 [hbm:s0], s1  }
0x515: {  	s0 =	simm.s32 @!p0 $0x3  }
0x516: {  	_ =	swait.ge @!p0 [sflag:s0], s1  }
0x517: {  	s1 =	ssub.s32 @!p0 $0x0, s1;
	[sflag:s0] =	ssyncset.done @!p0 $0x0  }
0x518: {  	[sflag:s0] =	ssyncadd.s32 @!p0 s1  }
0x519: {  	[bflag:$0x3] =	sbarrier.arrive $0xFFFF  }
0x51a: {  	_ =	shalt  }

</sc_bundles>
